<compile_context>
chip_gen: v7x
topology: tpu7x:2x2x1
jax: 0.10.2.dev20260603
libtpu: 0.0.44.dev20260713+nightly
codegen_flags: <defaults>
</compile_context>

<pallas_src>
import functools

import jax
import jax.numpy as jnp
from jax import lax
from jax.experimental import pallas as pl
from jax.experimental.pallas import tpu as pltpu
from jax.experimental.pallas import tpu_sc as plsc

N = 10000
E = 160000
D = 256
H = 256
NG = 64
NCLS = 10

NCORES = 2
NSUB = 16
NW = NCORES * NSUB
L = 16

NPAD = 10240
RPT = NPAD // NW
CG = 80
EPT_A = E // NW
KD = 40
EPT_C = E // NSUB
EB = 2000
KE = 40
HALF = N // 2
SROWS = 5120
NGP = 72
DP = D + L
RB = 2048

F32 = jnp.float32
I32 = jnp.int32


def _leaky(v):
    return jnp.where(v >= 0, v, 0.01 * v)


def _bcast(vec16, k):
    return vec16.at[jnp.full((L,), k, I32)].get(mode="promise_in_bounds")


def _zero_rows(rows_v, nrows, ncols=D):
    z = jnp.zeros((L,), F32)
    def body(r, _):
        for c in range(ncols // L):
            rows_v[r, pl.ds(c * L, L)] = z
        return 0
    lax.fori_loop(0, nrows, body, 0)


@functools.cache
def _build():
    mesh = plsc.VectorSubcoreMesh(core_axis_name="c", subcore_axis_name="s")

    @functools.partial(
        pl.kernel,
        out_type=(jax.ShapeDtypeStruct((NPAD, D), F32),
                  jax.ShapeDtypeStruct((NCORES * NPAD,), F32)),
        mesh=mesh,
        scratch_types=[
            pltpu.VMEM((CG,), I32),
            pltpu.VMEM((128,), F32),
            pltpu.VMEM((CG, D), F32),
            pltpu.VMEM((KD,), I32),
            pltpu.VMEM((KD,), F32),
            pltpu.VMEM((NPAD // NSUB,), F32),
            pltpu.VMEM_SHARED((NPAD,), F32),
            pltpu.SemaphoreType.DMA,
        ],
    )
    def k_embdeg(emb_h, x_h, ab_h, dst_h, ew_h, h0_h, degp_h,
                 xid_v, abv, rows_v, dlv, ewv, zstage, shdeg, sem):
        cid = lax.axis_index("c")
        sid = lax.axis_index("s")
        wid = cid * NSUB + sid
        zslice = NPAD // NSUB

        zv = jnp.zeros((L,), F32)
        def zv_body(i, _):
            zstage[pl.ds(i * L, L)] = zv
            return 0
        lax.fori_loop(0, zslice // L, zv_body, 0)
        pltpu.sync_copy(zstage, shdeg.at[pl.ds(sid * zslice, zslice)])
        plsc.subcore_barrier()

        ebase = wid * EPT_A
        def dchunk(i, _):
            e0 = ebase + i * KD
            pltpu.sync_copy(dst_h.at[pl.ds(e0, KD)], dlv)
            pltpu.sync_copy(ew_h.at[pl.ds(e0, KD)], ewv)
            pltpu.sync_copy(ewv, shdeg.at[dlv], add=True)
            return 0
        lax.fori_loop(0, EPT_A // KD, dchunk, 0)

        base = wid * RPT
        nv = jnp.minimum(RPT, N - base)
        def chunk(c, _):
            off = base + c * CG
            pltpu.sync_copy(x_h.at[pl.ds(off, CG)], xid_v)
            pltpu.sync_copy(ab_h.at[pl.ds(off, CG)], abv.at[pl.ds(0, CG)])
            pltpu.async_copy(emb_h.at[xid_v], rows_v, sem).wait()
            def srow(r, _):
                v16 = abv[pl.ds((r // L) * L, L)]
                s = _bcast(v16, r % L) / 1000.0
                for cc in range(D // L):
                    sl = pl.ds(cc * L, L)
                    rows_v[r, sl] = rows_v[r, sl] * s
                return 0
            lax.fori_loop(0, CG, srow, 0)
            pltpu.sync_copy(rows_v, h0_h.at[pl.ds(off, CG)])
            return 0
        lax.fori_loop(0, nv // CG, chunk, 0)

        plsc.subcore_barrier()
        pltpu.sync_copy(shdeg.at[pl.ds(sid * zslice, zslice)], zstage)
        pltpu.sync_copy(zstage,
                        degp_h.at[pl.ds(cid * NPAD + sid * zslice, zslice)])

    @functools.partial(
        pl.kernel,
        out_type=jax.ShapeDtypeStruct((NPAD * D,), F32),
        mesh=mesh,
        scratch_types=[
            pltpu.VMEM((EB,), I32),
            pltpu.VMEM((EB,), I32),
            pltpu.VMEM((EB + 48,), F32),
            pltpu.VMEM((KE,), I32),
            pltpu.VMEM((KE, D), F32),
            pltpu.VMEM((KE * D,), F32),
            pltpu.VMEM((128,), F32),
            pltpu.VMEM((128,), I32),
            pltpu.VMEM_SHARED((SROWS * D,), F32),
            pltpu.SemaphoreType.DMA,
            pltpu.SemaphoreType.DMA,
        ],
    )
    def k_conv(hw_h, src_h, dst_h, ew_h, acc_h,
               srcv, dstv, ewv, dlv, rows_v, flatv, valw, iwv, shacc, sem, sem2):
        cid = lax.axis_index("c")
        sid = lax.axis_index("s")
        sc_base = cid * HALF
        iotac = [lax.iota(I32, L) + cc * L for cc in range(D // L)]

        zv = jnp.zeros((L,), F32)
        def zflat(i, _):
            flatv[pl.ds(i * L, L)] = zv
            return 0
        lax.fori_loop(0, (KE * D) // L, zflat, 0)
        zslice = (SROWS * D) // NSUB
        for k in range(zslice // (KE * D)):
            pltpu.sync_copy(flatv,
                            shacc.at[pl.ds(sid * zslice + k * KE * D, KE * D)])
        plsc.subcore_barrier()

        ebase = sid * EPT_C

        def blk_body(b, _):
            b0 = ebase + b * EB
            pltpu.sync_copy(src_h.at[pl.ds(b0, EB)], srcv)
            pltpu.sync_copy(dst_h.at[pl.ds(b0, EB)], dstv)
            pltpu.sync_copy(ew_h.at[pl.ds(b0, EB)], ewv.at[pl.ds(0, EB)])

            def it_body(it, _):
                e0 = it * KE
                pltpu.async_copy(hw_h.at[srcv.at[pl.ds(e0, KE)]], rows_v,
                                 sem).wait()
                for j in range(KE // L):
                    d = dstv[pl.ds(e0 + j * L, L)]
                    dl = d - sc_base
                    oob = (dl < 0) | (dl >= HALF)
                    dlv[pl.ds(j * L, L)] = jnp.where(oob, HALF, dl) * D
                def srow(r, _):
                    ev16 = ewv[pl.ds(e0 + (r // L) * L, L)]
                    s = _bcast(ev16, r % L)
                    dv16 = dlv[pl.ds((r // L) * L, L)]
                    ib = _bcast(dv16, r % L)
                    for half in range(2):
                        for cc in range(8):
                            c = half * 8 + cc
                            valw[pl.ds(cc * L, L)] = (
                                rows_v[r, pl.ds(c * L, L)] * s)
                            iwv[pl.ds(cc * L, L)] = ib + iotac[c]
                        pltpu.sync_copy(valw, shacc.at[iwv], add=True)
                    return 0
                lax.fori_loop(0, KE, srow, 0)
                return 0
            lax.fori_loop(0, EB // KE, it_body, 0)
            return 0
        lax.fori_loop(0, EPT_C // EB, blk_body, 0)
        plsc.subcore_barrier()

        lo = sid * RPT
        nvalid = jnp.minimum(RPT, HALF - lo)
        def out_chunk(k, _):
            r0 = (lo + k * KE) * D
            pltpu.sync_copy(shacc.at[pl.ds(r0, KE * D)], flatv)
            pltpu.sync_copy(flatv, acc_h.at[pl.ds(sc_base * D + r0, KE * D)])
            return 0
        lax.fori_loop(0, nvalid // KE, out_chunk, 0)

    @functools.partial(
        pl.kernel,
        out_type=jax.ShapeDtypeStruct((NCORES * NGP * DP,), F32),
        mesh=mesh,
        scratch_types=[
            pltpu.VMEM((CG, D), F32),
            pltpu.VMEM((CG, D), F32),
            pltpu.VMEM((CG * DP,), F32),
            pltpu.VMEM((CG * DP // 128, 128), I32),
            pltpu.VMEM((128,), F32),
            pltpu.VMEM((CG,), I32),
            pltpu.VMEM_SHARED((NGP * DP,), F32),
            pltpu.SemaphoreType.DMA,
        ],
    )
    def k_pool(acc_h, hw_h, dis_h, bat_h, sums_h,
               tmpv, hwv, scatv, idxv, disv, batv, shsum, sem2):
        cid = lax.axis_index("c")
        sid = lax.axis_index("s")
        wid = cid * NSUB + sid
        iotap = [lax.iota(I32, L) + cc * L for cc in range(DP // L)]
        zseg = (NGP * DP) // NSUB

        zv = jnp.zeros((L,), F32)
        def zflat(i, _):
            scatv[pl.ds(i * L, L)] = zv
            return 0
        lax.fori_loop(0, zseg // L + 1, zflat, 0)
        pltpu.sync_copy(scatv.at[pl.ds(0, zseg)],
                        shsum.at[pl.ds(sid * zseg, zseg)])
        plsc.subcore_barrier()

        base = wid * RPT
        nv = jnp.minimum(RPT, N - base)
        cnt_col = jnp.where(lax.iota(I32, L) == 0, 1.0, 0.0)
        def chunk(c, _):
            off = base + c * CG
            pltpu.sync_copy(acc_h.at[pl.ds(off, CG)], tmpv)
            pltpu.sync_copy(hw_h.at[pl.ds(off, CG)], hwv)
            pltpu.sync_copy(dis_h.at[pl.ds(off, CG)], disv.at[pl.ds(0, CG)])
            pltpu.sync_copy(bat_h.at[pl.ds(off, CG)], batv)
            def srow(r, _):
                v16 = disv[pl.ds((r // L) * L, L)]
                s = _bcast(v16, r % L)
                b16 = batv[pl.ds((r // L) * L, L)]
                ib = _bcast(b16, r % L) * DP
                for cc in range(DP // L):
                    o = r * DP + cc * L
                    if cc < D // L:
                        sl = pl.ds(cc * L, L)
                        scatv[pl.ds(o, L)] = (tmpv[r, sl] + hwv[r, sl]) * s
                    else:
                        scatv[pl.ds(o, L)] = cnt_col
                    idxv[o // 128, pl.ds(o % 128, L)] = ib + iotap[cc]
                return 0
            lax.fori_loop(0, CG, srow, 0)
            for w in range(CG * DP // 128):
                pltpu.sync_copy(scatv.at[pl.ds(w * 128, 128)],
                                shsum.at[idxv.at[w]], add=True)
            return 0
        lax.fori_loop(0, nv // CG, chunk, 0)
        plsc.subcore_barrier()

        @pl.when(sid == 0)
        def _():
            def rd(k, _):
                o = pl.ds(k * zseg, zseg)
                pltpu.sync_copy(shsum.at[o], scatv.at[pl.ds(0, zseg)])
                pltpu.sync_copy(
                    scatv.at[pl.ds(0, zseg)],
                    sums_h.at[pl.ds(cid * NGP * DP + k * zseg, zseg)])
                return 0
            lax.fori_loop(0, NSUB, rd, 0)

    def tb_body(degp_ref, h0_ref, w_ref, dis_ref, hw_ref):
        deg = degp_ref[0] + degp_ref[1] + 1.0
        dis = jnp.where(deg > 0, lax.rsqrt(deg), 0.0)
        hw = jnp.dot(h0_ref[...], w_ref[...], preferred_element_type=F32)
        dis_ref[...] = dis[:, None]
        hw_ref[...] = hw * dis[:, None]

    k_tb = pl.pallas_call(
        tb_body,
        grid=(NPAD // RB,),
        in_specs=[
            pl.BlockSpec((NCORES, RB), lambda i: (0, i)),
            pl.BlockSpec((RB, D), lambda i: (i, 0)),
            pl.BlockSpec((D, H), lambda i: (0, 0)),
        ],
        out_specs=[
            pl.BlockSpec((RB, 1), lambda i: (i, 0)),
            pl.BlockSpec((RB, H), lambda i: (i, 0)),
        ],
        out_shape=(jax.ShapeDtypeStruct((NPAD, 1), F32),
                   jax.ShapeDtypeStruct((NPAD, H), F32)),
    )

    def td_body(acc_ref, hw1_ref, dis_ref, w_ref, b_ref, out_ref):
        dis = dis_ref[...]
        h1 = _leaky(dis * (acc_ref[...] + hw1_ref[...]) + b_ref[...])
        out_ref[...] = dis * jnp.dot(h1, w_ref[...], preferred_element_type=F32)

    k_td = pl.pallas_call(
        td_body,
        grid=(NPAD // RB,),
        in_specs=[
            pl.BlockSpec((RB, D), lambda i: (i, 0)),
            pl.BlockSpec((RB, D), lambda i: (i, 0)),
            pl.BlockSpec((RB, 1), lambda i: (i, 0)),
            pl.BlockSpec((H, H), lambda i: (0, 0)),
            pl.BlockSpec((1, H), lambda i: (0, 0)),
        ],
        out_specs=pl.BlockSpec((RB, H), lambda i: (i, 0)),
        out_shape=jax.ShapeDtypeStruct((NPAD, H), F32),
    )

    def tf_body(sp_ref, b2_ref, wo1_ref, bo1_ref, wo2_ref, bo2_ref, out_ref):
        s = sp_ref[0] + sp_ref[1]
        cnt = s[:NG, D]
        s64 = s[:NG, :D]
        pooled = (s64 + cnt[:, None] * b2_ref[...]) / jnp.maximum(cnt, 1.0)[:, None]
        o = _leaky(jnp.dot(pooled, wo1_ref[...], preferred_element_type=F32)
                   + bo1_ref[...])
        out_ref[...] = (jnp.dot(o, wo2_ref[...], preferred_element_type=F32)
                        + bo2_ref[...])

    k_tf = pl.pallas_call(
        tf_body,
        out_shape=jax.ShapeDtypeStruct((NG, NCLS), F32),
    )

    return k_embdeg, k_conv, k_pool, k_tb, k_td, k_tf


@jax.jit
def kernel(x, edge_index, edge_attr, abundancies, batch, emb,
           W1, b1, W2, b2, Wo1, bo1, Wo2, bo2):
    k_embdeg, k_conv, k_pool, k_tb, k_td, k_tf = _build()
    src = edge_index[0]
    dst = edge_index[1]
    ew = edge_attr

    h0, degp = k_embdeg(emb, x.astype(I32), abundancies, dst, ew)
    dis2, hw1 = k_tb(degp.reshape(NCORES, NPAD), h0, W1)
    dis = dis2.reshape(NPAD)[:N]
    h = jax.nn.leaky_relu(dis[:, None] * (hw1[:N] + jnp.zeros((N, H), F32)
        .at[dst].add(hw1[src] * ew[:, None])) + b1, 0.01)
    hw = (h @ W2) * dis[:, None]
    acc = jnp.zeros((N, H), F32).at[dst].add(hw[src] * ew[:, None])
    h = dis[:, None] * (acc + hw) + b2
    sums = jnp.zeros((NG, H), F32).at[batch].add(h)
    counts = jnp.zeros((NG,), F32).at[batch].add(1.0)
    pooled = sums / jnp.maximum(counts, 1.0)[:, None]
    o = jax.nn.leaky_relu(pooled @ Wo1 + bo1, 0.01)
    return o @ Wo2 + bo2

# --- scband reference (transcript-rebuilt; emitter-appended) ---
"""Pipeline reference for scband-gcn-25958782337671 (READ-ONLY COPY).

The authoritative reference and input builder live on the scoring server;
editing this copy changes nothing except your own understanding.
"""

import jax, jax.numpy as jnp
import numpy as np

N = 10000
E = 160000
VOCAB = 100000
D = 256
H = 256
NG = 64
NC = 10


def setup_inputs(seed: int = 0) -> dict:
    key = jax.random.key(seed)
    ks = jax.random.split(key, 16)
    x = jax.random.randint(ks[0], (N,), 0, VOCAB, dtype=jnp.int64 if jax.config.jax_enable_x64 else jnp.int32)
    edge_index = jax.random.randint(ks[1], (2, E), 0, N, dtype=jnp.int64 if jax.config.jax_enable_x64 else jnp.int32)
    edge_attr = jax.random.uniform(ks[2], (E,), dtype=jnp.float32)
    abundancies = jax.random.uniform(ks[3], (N,), dtype=jnp.float32)
    batch = jnp.sort(jax.random.randint(ks[4], (N,), 0, NG, dtype=jnp.int64 if jax.config.jax_enable_x64 else jnp.int32))
    emb = jax.random.normal(ks[5], (VOCAB, D), dtype=jnp.float32) * 0.02
    W1 = jax.random.normal(ks[6], (D, H), dtype=jnp.float32) * (1.0 / np.sqrt(D))
    b1 = jnp.zeros((H,), dtype=jnp.float32)
    W2 = jax.random.normal(ks[7], (H, H), dtype=jnp.float32) * (1.0 / np.sqrt(H))
    b2 = jnp.zeros((H,), dtype=jnp.float32)
    Wo1 = jax.random.normal(ks[8], (H, H // 4), dtype=jnp.float32) * (1.0 / np.sqrt(H))
    bo1 = jnp.zeros((H // 4,), dtype=jnp.float32)
    Wo2 = jax.random.normal(ks[9], (H // 4, NC), dtype=jnp.float32) * (1.0 / np.sqrt(H // 4))
    bo2 = jnp.zeros((NC,), dtype=jnp.float32)
    return {"x": x, "edge_index": edge_index, "edge_attr": edge_attr,
            "abundancies": abundancies, "batch": batch, "emb": emb,
            "W1": W1, "b1": b1, "W2": W2, "b2": b2,
            "Wo1": Wo1, "bo1": bo1, "Wo2": Wo2, "bo2": bo2}


def gcn_conv(h, edge_index, edge_weight, W, b):
    # torch_geometric GCNConv with add_self_loops=True, normalize=True
    src = edge_index[0]
    dst = edge_index[1]
    loop = jnp.arange(N, dtype=edge_index.dtype)
    src_f = jnp.concatenate([src, loop])
    dst_f = jnp.concatenate([dst, loop])
    ew_f = jnp.concatenate([edge_weight, jnp.ones((N,), dtype=edge_weight.dtype)])
    deg = jnp.zeros((N,), dtype=h.dtype).at[dst_f].add(ew_f)
    dis = jnp.where(deg > 0, 1.0 / jnp.sqrt(deg), 0.0)
    norm = dis[src_f] * ew_f * dis[dst_f]
    hw = h @ W
    msg = hw[src_f] * norm[:, None]
    out = jnp.zeros((N, W.shape[1]), dtype=h.dtype).at[dst_f].add(msg)
    return out + b


def reference(x, edge_index, edge_attr, abundancies, batch, emb, W1, b1, W2, b2, Wo1, bo1, Wo2, bo2):
    h = emb[x] * abundancies.reshape(N, 1) / 1000.0
    h = gcn_conv(h, edge_index, edge_attr, W1, b1)
    h = jax.nn.leaky_relu(h, negative_slope=0.01)
    h = gcn_conv(h, edge_index, edge_attr, W2, b2)
    # global_mean_pool over batch segment ids
    sums = jnp.zeros((NG, H), dtype=h.dtype).at[batch].add(h)
    counts = jnp.zeros((NG,), dtype=h.dtype).at[batch].add(1.0)
    pooled = sums / jnp.maximum(counts, 1.0)[:, None]
    o = jax.nn.leaky_relu(pooled @ Wo1 + bo1, negative_slope=0.01)
    out = o @ Wo2 + bo2
    return out

if __name__ == "__main__":
    import jax
    _d = setup_inputs()
    print(jax.jit(kernel)(*tuple(_d.values())))

</pallas_src>

<mosaic_0001>
#map = affine_map<(d0, d1) -> (0, 0)>
#map1 = affine_map<(d0, d1) -> (0)>
module attributes {stable_mosaic.version = 14 : i64} {
  func.func @k_embdeg(%arg0: i32, %arg1: i32, %arg2: memref<100000x256xf32, #tpu.memory_space<hbm>>, %arg3: memref<10000xi32, #tpu.memory_space<hbm>>, %arg4: memref<10000xf32, #tpu.memory_space<hbm>>, %arg5: memref<160000xi32, #tpu.memory_space<hbm>>, %arg6: memref<160000xf32, #tpu.memory_space<hbm>>, %arg7: memref<10240x256xf32, #tpu.memory_space<hbm>>, %arg8: memref<20480xf32, #tpu.memory_space<hbm>>, %arg9: memref<80xi32, #tpu.memory_space<vmem>>, %arg10: memref<128xf32, #tpu.memory_space<vmem>>, %arg11: memref<80x256xf32, #tpu.memory_space<vmem>>, %arg12: memref<40xi32, #tpu.memory_space<vmem>>, %arg13: memref<40xf32, #tpu.memory_space<vmem>>, %arg14: memref<640xf32, #tpu.memory_space<vmem>>, %arg15: memref<10240xf32, #tpu.memory_space<vmem_shared>>, %arg16: memref<!tpu.dma_semaphore, #tpu.memory_space<semaphore_mem>>) attributes {dimension_semantics = [#tpu.dimension_semantics<core_parallel>, #tpu.dimension_semantics<subcore_parallel>], iteration_bounds = array<i64: 2, 16>, scalar_prefetch = 0 : i64, scratch_operands = 8 : i64, tpu.core_type = #tpu.core_type<sc_vector_subcore>, window_params = [{transform_indices = #map}, {transform_indices = #map1}, {transform_indices = #map1}, {transform_indices = #map1}, {transform_indices = #map1}, {transform_indices = #map}, {transform_indices = #map1}]} {
    %mul3A = arith.constant 16 : i32
    %mul3A_0 = arith.muli %arg0, %mul3A : i32
    %add3A = arith.addi %mul3A_0, %arg1 : i32
    %broadcast_in_dim3A = arith.constant 0.000000e+00 : f32
    %broadcast_in_dim3A_1 = vector.broadcast %broadcast_in_dim3A : f32 to vector<16xf32>
    %scan3A = arith.constant 0 : i32
    %scan3A_2 = arith.constant 0 : i32
    %scan3A_3 = arith.constant 40 : i32
    %scan3A_4 = arith.addi %scan3A_2, %scan3A_3 : i32
    %scan3A_5 = arith.constant 1 : i32
    %scan3A_6 = scf.for %scan3A_59 = %scan3A_2 to %scan3A_4 step %scan3A_5 iter_args(%scan3A_60 = %scan3A) -> (i32)  : i32 {
      %mul3A_61 = arith.constant 16 : i32
      %mul3A_62 = arith.muli %scan3A_59, %mul3A_61 : i32
      %swap3A = arith.index_cast %mul3A_62 : i32 to index
      %swap3A_63 = tpu.vector_load %arg14[%swap3A] {strides = array<i32>} : memref<640xf32, #tpu.memory_space<vmem>>, vector<16xf32>,
      %swap3A_64 = vector.shape_cast %swap3A_63 : vector<16xf32> to vector<16xf32>
      %swap3A_65 = vector.shape_cast %broadcast_in_dim3A_1 : vector<16xf32> to vector<16xf32>
      tpu.vector_store %arg14[%swap3A], %swap3A_65 {strides = array<i32>} : memref<640xf32, #tpu.memory_space<vmem>>, vector<16xf32>,
      %scan3A_66 = arith.constant 0 : i32
      scf.yield %scan3A_66 : i32
    }
    %scan3A_7 = arith.constant 40 : i32
    %mul3A_8 = arith.constant 640 : i32
    %mul3A_9 = arith.muli %arg1, %mul3A_8 : i32
    "tpu.region"() ({
      %run_scoped3A = tpu.sem_alloc : memref<!tpu.dma_semaphore, #tpu.memory_space<semaphore_mem>>
      %dma_start3A = tpu.memref_slice %arg15[%mul3A_9] : memref<10240xf32, #tpu.memory_space<vmem_shared>> -> memref<640xf32, #tpu.memory_space<vmem_shared>>
      %dma_start3A_59 = tpu.memref_slice %arg15[%mul3A_9] : memref<10240xf32, #tpu.memory_space<vmem_shared>> -> memref<640xf32, #tpu.memory_space<vmem_shared>>
      tpu.enqueue_dma source(%arg14 : memref<640xf32, #tpu.memory_space<vmem>>) target(%dma_start3A_59 : memref<640xf32, #tpu.memory_space<vmem_shared>>) target_semaphore(%run_scoped3A : memref<!tpu.dma_semaphore, #tpu.memory_space<semaphore_mem>>)
      %dma_wait3A = tpu.memref_slice %arg15[%mul3A_9] : memref<10240xf32, #tpu.memory_space<vmem_shared>> -> memref<640xf32, #tpu.memory_space<vmem_shared>>
      %dma_wait3A_60 = tpu.memref_slice %arg15[%mul3A_9] : memref<10240xf32, #tpu.memory_space<vmem_shared>> -> memref<640xf32, #tpu.memory_space<vmem_shared>>
      tpu.wait_dma2 semaphore(%run_scoped3A : memref<!tpu.dma_semaphore, #tpu.memory_space<semaphore_mem>>) src(%arg14 : memref<640xf32, #tpu.memory_space<vmem>>) dst(%dma_wait3A_60 : memref<640xf32, #tpu.memory_space<vmem_shared>>)
      tpu.yield
    }) : () -> ()
    %barrier3A = arith.constant 0 : index
    tpu.barrier barrier_id(%barrier3A)
    %mul3A_10 = arith.constant 5000 : i32
    %mul3A_11 = arith.muli %add3A, %mul3A_10 : i32
    %scan3A_12 = arith.constant 0 : i32
    %scan3A_13 = arith.constant 0 : i32
    %scan3A_14 = arith.constant 125 : i32
    %scan3A_15 = arith.addi %scan3A_13, %scan3A_14 : i32
    %scan3A_16 = arith.constant 1 : i32
    %scan3A_17 = scf.for %scan3A_59 = %scan3A_13 to %scan3A_15 step %scan3A_16 iter_args(%scan3A_60 = %scan3A_12) -> (i32)  : i32 {
      %mul3A_61 = arith.constant 40 : i32
      %mul3A_62 = arith.muli %scan3A_59, %mul3A_61 : i32
      %add3A_63 = arith.addi %mul3A_11, %mul3A_62 : i32
      "tpu.region"() ({
        %run_scoped3A = tpu.sem_alloc : memref<!tpu.dma_semaphore, #tpu.memory_space<semaphore_mem>>
        %dma_start3A = tpu.memref_slice %arg5[%add3A_63] : memref<160000xi32, #tpu.memory_space<hbm>> -> memref<40xi32, #tpu.memory_space<hbm>>
        %dma_start3A_65 = tpu.memref_slice %arg5[%add3A_63] : memref<160000xi32, #tpu.memory_space<hbm>> -> memref<40xi32, #tpu.memory_space<hbm>>
        tpu.enqueue_dma source(%dma_start3A_65 : memref<40xi32, #tpu.memory_space<hbm>>) target(%arg12 : memref<40xi32, #tpu.memory_space<vmem>>) target_semaphore(%run_scoped3A : memref<!tpu.dma_semaphore, #tpu.memory_space<semaphore_mem>>)
        %dma_wait3A = tpu.memref_slice %arg5[%add3A_63] : memref<160000xi32, #tpu.memory_space<hbm>> -> memref<40xi32, #tpu.memory_space<hbm>>
        %dma_wait3A_66 = tpu.memref_slice %arg5[%add3A_63] : memref<160000xi32, #tpu.memory_space<hbm>> -> memref<40xi32, #tpu.memory_space<hbm>>
        tpu.wait_dma2 semaphore(%run_scoped3A : memref<!tpu.dma_semaphore, #tpu.memory_space<semaphore_mem>>) src(%dma_wait3A_66 : memref<40xi32, #tpu.memory_space<hbm>>) dst(%arg12 : memref<40xi32, #tpu.memory_space<vmem>>)
        tpu.yield
      }) : () -> ()
      "tpu.region"() ({
        %run_scoped3A = tpu.sem_alloc : memref<!tpu.dma_semaphore, #tpu.memory_space<semaphore_mem>>
        %dma_start3A = tpu.memref_slice %arg6[%add3A_63] : memref<160000xf32, #tpu.memory_space<hbm>> -> memref<40xf32, #tpu.memory_space<hbm>>
        %dma_start3A_65 = tpu.memref_slice %arg6[%add3A_63] : memref<160000xf32, #tpu.memory_space<hbm>> -> memref<40xf32, #tpu.memory_space<hbm>>
        tpu.enqueue_dma source(%dma_start3A_65 : memref<40xf32, #tpu.memory_space<hbm>>) target(%arg13 : memref<40xf32, #tpu.memory_space<vmem>>) target_semaphore(%run_scoped3A : memref<!tpu.dma_semaphore, #tpu.memory_space<semaphore_mem>>)
        %dma_wait3A = tpu.memref_slice %arg6[%add3A_63] : memref<160000xf32, #tpu.memory_space<hbm>> -> memref<40xf32, #tpu.memory_space<hbm>>
        %dma_wait3A_66 = tpu.memref_slice %arg6[%add3A_63] : memref<160000xf32, #tpu.memory_space<hbm>> -> memref<40xf32, #tpu.memory_space<hbm>>
        tpu.wait_dma2 semaphore(%run_scoped3A : memref<!tpu.dma_semaphore, #tpu.memory_space<semaphore_mem>>) src(%dma_wait3A_66 : memref<40xf32, #tpu.memory_space<hbm>>) dst(%arg13 : memref<40xf32, #tpu.memory_space<vmem>>)
        tpu.yield
      }) : () -> ()
      "tpu.region"() ({
        %run_scoped3A = tpu.sem_alloc : memref<!tpu.dma_semaphore, #tpu.memory_space<semaphore_mem>>
        %dma_start3A = arith.constant 0 : i32
        %dma_start3A_65 = tpu.memref_slice %arg15[%dma_start3A] : memref<10240xf32, #tpu.memory_space<vmem_shared>> -> memref<10240xf32, #tpu.memory_space<vmem_shared>>
        tpu.enqueue_indirect_dma source(%arg13 : memref<40xf32, #tpu.memory_space<vmem>>) target(%dma_start3A_65 : memref<10240xf32, #tpu.memory_space<vmem_shared>>) offsets(%arg12 : memref<40xi32, #tpu.memory_space<vmem>>) semaphore(%run_scoped3A : memref<!tpu.dma_semaphore, #tpu.memory_space<semaphore_mem>>) {add = true}
        %dma_wait3A = arith.constant 0 : i32
        %dma_wait3A_66 = tpu.memref_slice %arg15[%dma_wait3A] : memref<10240xf32, #tpu.memory_space<vmem_shared>> -> memref<10240xf32, #tpu.memory_space<vmem_shared>>
        tpu.wait_indirect_dma semaphore(%run_scoped3A : memref<!tpu.dma_semaphore, #tpu.memory_space<semaphore_mem>>) src(%arg13 : memref<40xf32, #tpu.memory_space<vmem>>) dst(%dma_wait3A_66 : memref<10240xf32, #tpu.memory_space<vmem_shared>>)
        tpu.yield
      }) : () -> ()
      %scan3A_64 = arith.constant 0 : i32
      scf.yield %scan3A_64 : i32
    }
    %scan3A_18 = arith.constant 125 : i32
    %mul3A_19 = arith.constant 320 : i32
    %mul3A_20 = arith.muli %add3A, %mul3A_19 : i32
    %sub3A = arith.constant 10000 : i32
    %sub3A_21 = arith.subi %sub3A, %mul3A_20 : i32
    %min3A = arith.constant 320 : i32
    %min3A_22 = arith.minsi %min3A, %sub3A_21 : i32
    %jit3A = arith.constant 80 : i32
    %div3A = arith.divsi %min3A_22, %jit3A : i32
    %sign3A = arith.constant 0 : i32
    %sign3A_23 = arith.cmpi sgt, %min3A_22, %sign3A : i32
    %sign3A_24 = arith.extui %sign3A_23 : i1 to i32
    %sign3A_25 = arith.constant 0 : i32
    %sign3A_26 = arith.cmpi slt, %min3A_22, %sign3A_25 : i32
    %sign3A_27 = arith.extui %sign3A_26 : i1 to i32
    %sign3A_28 = arith.subi %sign3A_24, %sign3A_27 : i32
    %sign3A_29 = arith.constant 0 : i32
    %sign3A_30 = arith.cmpi sgt, %jit3A, %sign3A_29 : i32
    %sign3A_31 = arith.extui %sign3A_30 : i1 to i32
    %sign3A_32 = arith.constant 0 : i32
    %sign3A_33 = arith.cmpi slt, %jit3A, %sign3A_32 : i32
    %sign3A_34 = arith.extui %sign3A_33 : i1 to i32
    %sign3A_35 = arith.subi %sign3A_31, %sign3A_34 : i32
    %ne3A = arith.cmpi ne, %sign3A_28, %sign3A_35 : i32
    %rem3A = arith.remsi %min3A_22, %jit3A : i32
    %ne3A_36 = arith.constant 0 : i32
    %ne3A_37 = arith.cmpi ne, %rem3A, %ne3A_36 : i32
    %and3A = arith.andi %ne3A, %ne3A_37 : i1
    %sub3A_38 = arith.constant 1 : i32
    %sub3A_39 = arith.subi %div3A, %sub3A_38 : i32
    %select_n3A = arith.select %and3A, %sub3A_39, %div3A : i32
    %while3A = arith.constant 0 : i32
    %while3A_40 = arith.constant 0 : i32
    %while3A_41 = arith.subi %select_n3A, %while3A : i32
    %while3A_42 = arith.addi %while3A, %while3A_41 : i32
    %while3A_43 = arith.constant 1 : i32
    %while3A_44 = arith.divsi %while3A_41, %while3A_43 : i32
    %while3A_45 = arith.muli %while3A_44, %while3A_43 : i32
    %while3A_46 = arith.addi %while3A, %while3A_45 : i32
    %while3A_47 = arith.constant 1 : i32
    %while3A_48 = scf.for %while3A_59 = %while3A to %while3A_46 step %while3A_47 iter_args(%while3A_60 = %while3A_40) -> (i32)  : i32 {
      %mul3A_61 = arith.constant 80 : i32
      %mul3A_62 = arith.muli %while3A_59, %mul3A_61 : i32
      %add3A_63 = arith.addi %mul3A_20, %mul3A_62 : i32
      "tpu.region"() ({
        %run_scoped3A = tpu.sem_alloc : memref<!tpu.dma_semaphore, #tpu.memory_space<semaphore_mem>>
        %dma_start3A_76 = tpu.memref_slice %arg3[%add3A_63] : memref<10000xi32, #tpu.memory_space<hbm>> -> memref<80xi32, #tpu.memory_space<hbm>>
        %dma_start3A_77 = tpu.memref_slice %arg3[%add3A_63] : memref<10000xi32, #tpu.memory_space<hbm>> -> memref<80xi32, #tpu.memory_space<hbm>>
        tpu.enqueue_dma source(%dma_start3A_77 : memref<80xi32, #tpu.memory_space<hbm>>) target(%arg9 : memref<80xi32, #tpu.memory_space<vmem>>) target_semaphore(%run_scoped3A : memref<!tpu.dma_semaphore, #tpu.memory_space<semaphore_mem>>)
        %dma_wait3A_78 = tpu.memref_slice %arg3[%add3A_63] : memref<10000xi32, #tpu.memory_space<hbm>> -> memref<80xi32, #tpu.memory_space<hbm>>
        %dma_wait3A_79 = tpu.memref_slice %arg3[%add3A_63] : memref<10000xi32, #tpu.memory_space<hbm>> -> memref<80xi32, #tpu.memory_space<hbm>>
        tpu.wait_dma2 semaphore(%run_scoped3A : memref<!tpu.dma_semaphore, #tpu.memory_space<semaphore_mem>>) src(%dma_wait3A_79 : memref<80xi32, #tpu.memory_space<hbm>>) dst(%arg9 : memref<80xi32, #tpu.memory_space<vmem>>)
        tpu.yield
      }) : () -> ()
      "tpu.region"() ({
        %run_scoped3A = tpu.sem_alloc : memref<!tpu.dma_semaphore, #tpu.memory_space<semaphore_mem>>
        %dma_start3A_76 = arith.constant 0 : i32
        %dma_start3A_77 = tpu.memref_slice %arg10[%dma_start3A_76] : memref<128xf32, #tpu.memory_space<vmem>> -> memref<80xf32, #tpu.memory_space<vmem>>
        %dma_start3A_78 = tpu.memref_slice %arg4[%add3A_63] : memref<10000xf32, #tpu.memory_space<hbm>> -> memref<80xf32, #tpu.memory_space<hbm>>
        %dma_start3A_79 = arith.constant 0 : i32
        %dma_start3A_80 = tpu.memref_slice %arg10[%dma_start3A_79] : memref<128xf32, #tpu.memory_space<vmem>> -> memref<80xf32, #tpu.memory_space<vmem>>
        %dma_start3A_81 = tpu.memref_slice %arg4[%add3A_63] : memref<10000xf32, #tpu.memory_space<hbm>> -> memref<80xf32, #tpu.memory_space<hbm>>
        tpu.enqueue_dma source(%dma_start3A_81 : memref<80xf32, #tpu.memory_space<hbm>>) target(%dma_start3A_80 : memref<80xf32, #tpu.memory_space<vmem>>) target_semaphore(%run_scoped3A : memref<!tpu.dma_semaphore, #tpu.memory_space<semaphore_mem>>)
        %dma_wait3A_82 = arith.constant 0 : i32
        %dma_wait3A_83 = tpu.memref_slice %arg10[%dma_wait3A_82] : memref<128xf32, #tpu.memory_space<vmem>> -> memref<80xf32, #tpu.memory_space<vmem>>
        %dma_wait3A_84 = tpu.memref_slice %arg4[%add3A_63] : memref<10000xf32, #tpu.memory_space<hbm>> -> memref<80xf32, #tpu.memory_space<hbm>>
        %dma_wait3A_85 = arith.constant 0 : i32
        %dma_wait3A_86 = tpu.memref_slice %arg10[%dma_wait3A_85] : memref<128xf32, #tpu.memory_space<vmem>> -> memref<80xf32, #tpu.memory_space<vmem>>
        %dma_wait3A_87 = tpu.memref_slice %arg4[%add3A_63] : memref<10000xf32, #tpu.memory_space<hbm>> -> memref<80xf32, #tpu.memory_space<hbm>>
        tpu.wait_dma2 semaphore(%run_scoped3A : memref<!tpu.dma_semaphore, #tpu.memory_space<semaphore_mem>>) src(%dma_wait3A_87 : memref<80xf32, #tpu.memory_space<hbm>>) dst(%dma_wait3A_86 : memref<80xf32, #tpu.memory_space<vmem>>)
        tpu.yield
      }) : () -> ()
      %dma_start3A = arith.constant 0 : i32
      %dma_start3A_64 = arith.constant 0 : i32
      %dma_start3A_65 = tpu.memref_slice %arg2[%dma_start3A, %dma_start3A_64] : memref<100000x256xf32, #tpu.memory_space<hbm>> -> memref<100000x256xf32, #tpu.memory_space<hbm>>
      tpu.enqueue_indirect_dma source(%dma_start3A_65 : memref<100000x256xf32, #tpu.memory_space<hbm>>) target(%arg11 : memref<80x256xf32, #tpu.memory_space<vmem>>) offsets(%arg9 : memref<80xi32, #tpu.memory_space<vmem>>) semaphore(%arg16 : memref<!tpu.dma_semaphore, #tpu.memory_space<semaphore_mem>>)
      %dma_wait3A = arith.constant 0 : i32
      %dma_wait3A_66 = arith.constant 0 : i32
      %dma_wait3A_67 = tpu.memref_slice %arg2[%dma_wait3A, %dma_wait3A_66] : memref<100000x256xf32, #tpu.memory_space<hbm>> -> memref<100000x256xf32, #tpu.memory_space<hbm>>
      tpu.wait_indirect_dma semaphore(%arg16 : memref<!tpu.dma_semaphore, #tpu.memory_space<semaphore_mem>>) src(%dma_wait3A_67 : memref<100000x256xf32, #tpu.memory_space<hbm>>) dst(%arg11 : memref<80x256xf32, #tpu.memory_space<vmem>>)
      %scan3A_68 = arith.constant 0 : i32
      %scan3A_69 = arith.constant 0 : i32
      %scan3A_70 = arith.constant 80 : i32
      %scan3A_71 = arith.addi %scan3A_69, %scan3A_70 : i32
      %scan3A_72 = arith.constant 1 : i32
      %scan3A_73 = scf.for %scan3A_76 = %scan3A_69 to %scan3A_71 step %scan3A_72 iter_args(%scan3A_77 = %scan3A_68) -> (i32)  : i32 {
        %jit3A_78 = arith.constant 16 : i32
        %div3A_79 = arith.divsi %scan3A_76, %jit3A_78 : i32
        %sign3A_80 = arith.constant 0 : i32
        %sign3A_81 = arith.cmpi sgt, %scan3A_76, %sign3A_80 : i32
        %sign3A_82 = arith.extui %sign3A_81 : i1 to i32
        %sign3A_83 = arith.constant 0 : i32
        %sign3A_84 = arith.cmpi slt, %scan3A_76, %sign3A_83 : i32
        %sign3A_85 = arith.extui %sign3A_84 : i1 to i32
        %sign3A_86 = arith.subi %sign3A_82, %sign3A_85 : i32
        %sign3A_87 = arith.constant 0 : i32
        %sign3A_88 = arith.cmpi sgt, %jit3A_78, %sign3A_87 : i32
        %sign3A_89 = arith.extui %sign3A_88 : i1 to i32
        %sign3A_90 = arith.constant 0 : i32
        %sign3A_91 = arith.cmpi slt, %jit3A_78, %sign3A_90 : i32
        %sign3A_92 = arith.extui %sign3A_91 : i1 to i32
        %sign3A_93 = arith.subi %sign3A_89, %sign3A_92 : i32
        %ne3A_94 = arith.cmpi ne, %sign3A_86, %sign3A_93 : i32
        %rem3A_95 = arith.remsi %scan3A_76, %jit3A_78 : i32
        %ne3A_96 = arith.constant 0 : i32
        %ne3A_97 = arith.cmpi ne, %rem3A_95, %ne3A_96 : i32
        %and3A_98 = arith.andi %ne3A_94, %ne3A_97 : i1
        %sub3A_99 = arith.constant 1 : i32
        %sub3A_100 = arith.subi %div3A_79, %sub3A_99 : i32
        %select_n3A_101 = arith.select %and3A_98, %sub3A_100, %div3A_79 : i32
        %mul3A_102 = arith.constant 16 : i32
        %mul3A_103 = arith.muli %select_n3A_101, %mul3A_102 : i32
        %get3A = arith.index_cast %mul3A_103 : i32 to index
        %get3A_104 = tpu.vector_load %arg10[%get3A] {strides = array<i32>} : memref<128xf32, #tpu.memory_space<vmem>>, vector<16xf32>,
        %get3A_105 = vector.shape_cast %get3A_104 : vector<16xf32> to vector<16xf32>
        %jit3A_106 = arith.constant 16 : i32
        %eq3A = arith.constant 0 : i32
        %eq3A_107 = arith.cmpi eq, %jit3A_106, %eq3A : i32
        %jit3A_108 = arith.constant 1 : i32
        %select_n3A_109 = arith.select %eq3A_107, %jit3A_108, %jit3A_106 : i32
        %rem3A_110 = arith.remsi %scan3A_76, %select_n3A_109 : i32
        %ne3A_111 = arith.constant 0 : i32
        %ne3A_112 = arith.cmpi ne, %rem3A_110, %ne3A_111 : i32
        %lt3A = arith.constant 0 : i32
        %lt3A_113 = arith.cmpi slt, %rem3A_110, %lt3A : i32
        %lt3A_114 = arith.constant 0 : i32
        %lt3A_115 = arith.cmpi slt, %select_n3A_109, %lt3A_114 : i32
        %ne3A_116 = arith.xori %lt3A_113, %lt3A_115 : i1
        %and3A_117 = arith.andi %ne3A_116, %ne3A_112 : i1
        %add3A_118 = arith.addi %rem3A_110, %select_n3A_109 : i32
        %select_n3A_119 = arith.select %and3A_117, %add3A_118, %rem3A_110 : i32
        %broadcast_in_dim3A_120 = vector.broadcast %select_n3A_119 : i32 to vector<16xi32>
        %lt3A_121 = arith.constant 0 : i32
        %lt3A_122 = vector.broadcast %lt3A_121 : i32 to vector<16xi32>
        %lt3A_123 = arith.cmpi slt, %broadcast_in_dim3A_120, %lt3A_122 : vector<16xi32>
        %add3A_124 = arith.constant 16 : i32
        %add3A_125 = vector.broadcast %add3A_124 : i32 to vector<16xi32>
        %add3A_126 = arith.addi %broadcast_in_dim3A_120, %add3A_125 : vector<16xi32>
        %select_n3A_127 = arith.select %lt3A_123, %add3A_126, %broadcast_in_dim3A_120 : vector<16xi1>, vector<16xi32>
        %broadcast_in_dim3A_128 = vector.shape_cast %select_n3A_127 : vector<16xi32> to vector<16x1xi32>
        %gather3A = vector.shape_cast %broadcast_in_dim3A_128 : vector<16x1xi32> to vector<16xi32>
        %gather3A_129 = tpu.dynamic_gather %get3A_105[%gather3A] in [0] : vector<16xf32>, vector<16xi32> -> vector<16xf32>
        %div3A_130 = arith.constant 1.000000e+03 : f32
        %div3A_131 = vector.broadcast %div3A_130 : f32 to vector<16xf32>
        %div3A_132 = arith.divf %gather3A_129, %div3A_131 : vector<16xf32>
        %get3A_133 = arith.index_cast %scan3A_76 : i32 to index
        %get3A_134 = arith.constant 0 : index
        %get3A_135 = tpu.vector_load %arg11[%get3A_133, %get3A_134] {strides = array<i32>} : memref<80x256xf32, #tpu.memory_space<vmem>>, vector<1x16xf32>,
        %get3A_136 = vector.shape_cast %get3A_135 : vector<1x16xf32> to vector<16xf32>
        %mul3A_137 = arith.mulf %get3A_136, %div3A_132 : vector<16xf32>
        %swap3A = arith.index_cast %scan3A_76 : i32 to index
        %swap3A_138 = arith.constant 0 : index
        %swap3A_139 = tpu.vector_load %arg11[%swap3A, %swap3A_138] {strides = array<i32>} : memref<80x256xf32, #tpu.memory_space<vmem>>, vector<1x16xf32>,
        %swap3A_140 = vector.shape_cast %swap3A_139 : vector<1x16xf32> to vector<16xf32>
        %swap3A_141 = vector.shape_cast %mul3A_137 : vector<16xf32> to vector<1x16xf32>
        tpu.vector_store %arg11[%swap3A, %swap3A_138], %swap3A_141 {strides = array<i32>} : memref<80x256xf32, #tpu.memory_space<vmem>>, vector<1x16xf32>,
        %get3A_142 = arith.index_cast %scan3A_76 : i32 to index
        %get3A_143 = arith.constant 16 : index
        %get3A_144 = tpu.vector_load %arg11[%get3A_142, %get3A_143] {strides = array<i32>} : memref<80x256xf32, #tpu.memory_space<vmem>>, vector<1x16xf32>,
        %get3A_145 = vector.shape_cast %get3A_144 : vector<1x16xf32> to vector<16xf32>
        %mul3A_146 = arith.mulf %get3A_145, %div3A_132 : vector<16xf32>
        %swap3A_147 = arith.index_cast %scan3A_76 : i32 to index
        %swap3A_148 = arith.constant 16 : index
        %swap3A_149 = tpu.vector_load %arg11[%swap3A_147, %swap3A_148] {strides = array<i32>} : memref<80x256xf32, #tpu.memory_space<vmem>>, vector<1x16xf32>,
        %swap3A_150 = vector.shape_cast %swap3A_149 : vector<1x16xf32> to vector<16xf32>
        %swap3A_151 = vector.shape_cast %mul3A_146 : vector<16xf32> to vector<1x16xf32>
        tpu.vector_store %arg11[%swap3A_147, %swap3A_148], %swap3A_151 {strides = array<i32>} : memref<80x256xf32, #tpu.memory_space<vmem>>, vector<1x16xf32>,
        %get3A_152 = arith.index_cast %scan3A_76 : i32 to index
        %get3A_153 = arith.constant 32 : index
        %get3A_154 = tpu.vector_load %arg11[%get3A_152, %get3A_153] {strides = array<i32>} : memref<80x256xf32, #tpu.memory_space<vmem>>, vector<1x16xf32>,
        %get3A_155 = vector.shape_cast %get3A_154 : vector<1x16xf32> to vector<16xf32>
        %mul3A_156 = arith.mulf %get3A_155, %div3A_132 : vector<16xf32>
        %swap3A_157 = arith.index_cast %scan3A_76 : i32 to index
        %swap3A_158 = arith.constant 32 : index
        %swap3A_159 = tpu.vector_load %arg11[%swap3A_157, %swap3A_158] {strides = array<i32>} : memref<80x256xf32, #tpu.memory_space<vmem>>, vector<1x16xf32>,
        %swap3A_160 = vector.shape_cast %swap3A_159 : vector<1x16xf32> to vector<16xf32>
        %swap3A_161 = vector.shape_cast %mul3A_156 : vector<16xf32> to vector<1x16xf32>
        tpu.vector_store %arg11[%swap3A_157, %swap3A_158], %swap3A_161 {strides = array<i32>} : memref<80x256xf32, #tpu.memory_space<vmem>>, vector<1x16xf32>,
        %get3A_162 = arith.index_cast %scan3A_76 : i32 to index
        %get3A_163 = arith.constant 48 : index
        %get3A_164 = tpu.vector_load %arg11[%get3A_162, %get3A_163] {strides = array<i32>} : memref<80x256xf32, #tpu.memory_space<vmem>>, vector<1x16xf32>,
        %get3A_165 = vector.shape_cast %get3A_164 : vector<1x16xf32> to vector<16xf32>
        %mul3A_166 = arith.mulf %get3A_165, %div3A_132 : vector<16xf32>
        %swap3A_167 = arith.index_cast %scan3A_76 : i32 to index
        %swap3A_168 = arith.constant 48 : index
        %swap3A_169 = tpu.vector_load %arg11[%swap3A_167, %swap3A_168] {strides = array<i32>} : memref<80x256xf32, #tpu.memory_space<vmem>>, vector<1x16xf32>,
        %swap3A_170 = vector.shape_cast %swap3A_169 : vector<1x16xf32> to vector<16xf32>
        %swap3A_171 = vector.shape_cast %mul3A_166 : vector<16xf32> to vector<1x16xf32>
        tpu.vector_store %arg11[%swap3A_167, %swap3A_168], %swap3A_171 {strides = array<i32>} : memref<80x256xf32, #tpu.memory_space<vmem>>, vector<1x16xf32>,
        %get3A_172 = arith.index_cast %scan3A_76 : i32 to index
        %get3A_173 = arith.constant 64 : index
        %get3A_174 = tpu.vector_load %arg11[%get3A_172, %get3A_173] {strides = array<i32>} : memref<80x256xf32, #tpu.memory_space<vmem>>, vector<1x16xf32>,
        %get3A_175 = vector.shape_cast %get3A_174 : vector<1x16xf32> to vector<16xf32>
        %mul3A_176 = arith.mulf %get3A_175, %div3A_132 : vector<16xf32>
        %swap3A_177 = arith.index_cast %scan3A_76 : i32 to index
        %swap3A_178 = arith.constant 64 : index
        %swap3A_179 = tpu.vector_load %arg11[%swap3A_177, %swap3A_178] {strides = array<i32>} : memref<80x256xf32, #tpu.memory_space<vmem>>, vector<1x16xf32>,
        %swap3A_180 = vector.shape_cast %swap3A_179 : vector<1x16xf32> to vector<16xf32>
        %swap3A_181 = vector.shape_cast %mul3A_176 : vector<16xf32> to vector<1x16xf32>
        tpu.vector_store %arg11[%swap3A_177, %swap3A_178], %swap3A_181 {strides = array<i32>} : memref<80x256xf32, #tpu.memory_space<vmem>>, vector<1x16xf32>,
        %get3A_182 = arith.index_cast %scan3A_76 : i32 to index
        %get3A_183 = arith.constant 80 : index
        %get3A_184 = tpu.vector_load %arg11[%get3A_182, %get3A_183] {strides = array<i32>} : memref<80x256xf32, #tpu.memory_space<vmem>>, vector<1x16xf32>,
        %get3A_185 = vector.shape_cast %get3A_184 : vector<1x16xf32> to vector<16xf32>
        %mul3A_186 = arith.mulf %get3A_185, %div3A_132 : vector<16xf32>
        %swap3A_187 = arith.index_cast %scan3A_76 : i32 to index
        %swap3A_188 = arith.constant 80 : index
        %swap3A_189 = tpu.vector_load %arg11[%swap3A_187, %swap3A_188] {strides = array<i32>} : memref<80x256xf32, #tpu.memory_space<vmem>>, vector<1x16xf32>,
        %swap3A_190 = vector.shape_cast %swap3A_189 : vector<1x16xf32> to vector<16xf32>
        %swap3A_191 = vector.shape_cast %mul3A_186 : vector<16xf32> to vector<1x16xf32>
        tpu.vector_store %arg11[%swap3A_187, %swap3A_188], %swap3A_191 {strides = array<i32>} : memref<80x256xf32, #tpu.memory_space<vmem>>, vector<1x16xf32>,
        %get3A_192 = arith.index_cast %scan3A_76 : i32 to index
        %get3A_193 = arith.constant 96 : index
        %get3A_194 = tpu.vector_load %arg11[%get3A_192, %get3A_193] {strides = array<i32>} : memref<80x256xf32, #tpu.memory_space<vmem>>, vector<1x16xf32>,
        %get3A_195 = vector.shape_cast %get3A_194 : vector<1x16xf32> to vector<16xf32>
        %mul3A_196 = arith.mulf %get3A_195, %div3A_132 : vector<16xf32>
        %swap3A_197 = arith.index_cast %scan3A_76 : i32 to index
        %swap3A_198 = arith.constant 96 : index
        %swap3A_199 = tpu.vector_load %arg11[%swap3A_197, %swap3A_198] {strides = array<i32>} : memref<80x256xf32, #tpu.memory_space<vmem>>, vector<1x16xf32>,
        %swap3A_200 = vector.shape_cast %swap3A_199 : vector<1x16xf32> to vector<16xf32>
        %swap3A_201 = vector.shape_cast %mul3A_196 : vector<16xf32> to vector<1x16xf32>
        tpu.vector_store %arg11[%swap3A_197, %swap3A_198], %swap3A_201 {strides = array<i32>} : memref<80x256xf32, #tpu.memory_space<vmem>>, vector<1x16xf32>,
        %get3A_202 = arith.index_cast %scan3A_76 : i32 to index
        %get3A_203 = arith.constant 112 : index
        %get3A_204 = tpu.vector_load %arg11[%get3A_202, %get3A_203] {strides = array<i32>} : memref<80x256xf32, #tpu.memory_space<vmem>>, vector<1x16xf32>,
        %get3A_205 = vector.shape_cast %get3A_204 : vector<1x16xf32> to vector<16xf32>
        %mul3A_206 = arith.mulf %get3A_205, %div3A_132 : vector<16xf32>
        %swap3A_207 = arith.index_cast %scan3A_76 : i32 to index
        %swap3A_208 = arith.constant 112 : index
        %swap3A_209 = tpu.vector_load %arg11[%swap3A_207, %swap3A_208] {strides = array<i32>} : memref<80x256xf32, #tpu.memory_space<vmem>>, vector<1x16xf32>,
        %swap3A_210 = vector.shape_cast %swap3A_209 : vector<1x16xf32> to vector<16xf32>
        %swap3A_211 = vector.shape_cast %mul3A_206 : vector<16xf32> to vector<1x16xf32>
        tpu.vector_store %arg11[%swap3A_207, %swap3A_208], %swap3A_211 {strides = array<i32>} : memref<80x256xf32, #tpu.memory_space<vmem>>, vector<1x16xf32>,
        %get3A_212 = arith.index_cast %scan3A_76 : i32 to index
        %get3A_213 = arith.constant 128 : index
        %get3A_214 = tpu.vector_load %arg11[%get3A_212, %get3A_213] {strides = array<i32>} : memref<80x256xf32, #tpu.memory_space<vmem>>, vector<1x16xf32>,
        %get3A_215 = vector.shape_cast %get3A_214 : vector<1x16xf32> to vector<16xf32>
        %mul3A_216 = arith.mulf %get3A_215, %div3A_132 : vector<16xf32>
        %swap3A_217 = arith.index_cast %scan3A_76 : i32 to index
        %swap3A_218 = arith.constant 128 : index
        %swap3A_219 = tpu.vector_load %arg11[%swap3A_217, %swap3A_218] {strides = array<i32>} : memref<80x256xf32, #tpu.memory_space<vmem>>, vector<1x16xf32>,
        %swap3A_220 = vector.shape_cast %swap3A_219 : vector<1x16xf32> to vector<16xf32>
        %swap3A_221 = vector.shape_cast %mul3A_216 : vector<16xf32> to vector<1x16xf32>
        tpu.vector_store %arg11[%swap3A_217, %swap3A_218], %swap3A_221 {strides = array<i32>} : memref<80x256xf32, #tpu.memory_space<vmem>>, vector<1x16xf32>,
        %get3A_222 = arith.index_cast %scan3A_76 : i32 to index
        %get3A_223 = arith.constant 144 : index
        %get3A_224 = tpu.vector_load %arg11[%get3A_222, %get3A_223] {strides = array<i32>} : memref<80x256xf32, #tpu.memory_space<vmem>>, vector<1x16xf32>,
        %get3A_225 = vector.shape_cast %get3A_224 : vector<1x16xf32> to vector<16xf32>
        %mul3A_226 = arith.mulf %get3A_225, %div3A_132 : vector<16xf32>
        %swap3A_227 = arith.index_cast %scan3A_76 : i32 to index
        %swap3A_228 = arith.constant 144 : index
        %swap3A_229 = tpu.vector_load %arg11[%swap3A_227, %swap3A_228] {strides = array<i32>} : memref<80x256xf32, #tpu.memory_space<vmem>>, vector<1x16xf32>,
        %swap3A_230 = vector.shape_cast %swap3A_229 : vector<1x16xf32> to vector<16xf32>
        %swap3A_231 = vector.shape_cast %mul3A_226 : vector<16xf32> to vector<1x16xf32>
        tpu.vector_store %arg11[%swap3A_227, %swap3A_228], %swap3A_231 {strides = array<i32>} : memref<80x256xf32, #tpu.memory_space<vmem>>, vector<1x16xf32>,
        %get3A_232 = arith.index_cast %scan3A_76 : i32 to index
        %get3A_233 = arith.constant 160 : index
        %get3A_234 = tpu.vector_load %arg11[%get3A_232, %get3A_233] {strides = array<i32>} : memref<80x256xf32, #tpu.memory_space<vmem>>, vector<1x16xf32>,
        %get3A_235 = vector.shape_cast %get3A_234 : vector<1x16xf32> to vector<16xf32>
        %mul3A_236 = arith.mulf %get3A_235, %div3A_132 : vector<16xf32>
        %swap3A_237 = arith.index_cast %scan3A_76 : i32 to index
        %swap3A_238 = arith.constant 160 : index
        %swap3A_239 = tpu.vector_load %arg11[%swap3A_237, %swap3A_238] {strides = array<i32>} : memref<80x256xf32, #tpu.memory_space<vmem>>, vector<1x16xf32>,
        %swap3A_240 = vector.shape_cast %swap3A_239 : vector<1x16xf32> to vector<16xf32>
        %swap3A_241 = vector.shape_cast %mul3A_236 : vector<16xf32> to vector<1x16xf32>
        tpu.vector_store %arg11[%swap3A_237, %swap3A_238], %swap3A_241 {strides = array<i32>} : memref<80x256xf32, #tpu.memory_space<vmem>>, vector<1x16xf32>,
        %get3A_242 = arith.index_cast %scan3A_76 : i32 to index
        %get3A_243 = arith.constant 176 : index
        %get3A_244 = tpu.vector_load %arg11[%get3A_242, %get3A_243] {strides = array<i32>} : memref<80x256xf32, #tpu.memory_space<vmem>>, vector<1x16xf32>,
        %get3A_245 = vector.shape_cast %get3A_244 : vector<1x16xf32> to vector<16xf32>
        %mul3A_246 = arith.mulf %get3A_245, %div3A_132 : vector<16xf32>
        %swap3A_247 = arith.index_cast %scan3A_76 : i32 to index
        %swap3A_248 = arith.constant 176 : index
        %swap3A_249 = tpu.vector_load %arg11[%swap3A_247, %swap3A_248] {strides = array<i32>} : memref<80x256xf32, #tpu.memory_space<vmem>>, vector<1x16xf32>,
        %swap3A_250 = vector.shape_cast %swap3A_249 : vector<1x16xf32> to vector<16xf32>
        %swap3A_251 = vector.shape_cast %mul3A_246 : vector<16xf32> to vector<1x16xf32>
        tpu.vector_store %arg11[%swap3A_247, %swap3A_248], %swap3A_251 {strides = array<i32>} : memref<80x256xf32, #tpu.memory_space<vmem>>, vector<1x16xf32>,
        %get3A_252 = arith.index_cast %scan3A_76 : i32 to index
        %get3A_253 = arith.constant 192 : index
        %get3A_254 = tpu.vector_load %arg11[%get3A_252, %get3A_253] {strides = array<i32>} : memref<80x256xf32, #tpu.memory_space<vmem>>, vector<1x16xf32>,
        %get3A_255 = vector.shape_cast %get3A_254 : vector<1x16xf32> to vector<16xf32>
        %mul3A_256 = arith.mulf %get3A_255, %div3A_132 : vector<16xf32>
        %swap3A_257 = arith.index_cast %scan3A_76 : i32 to index
        %swap3A_258 = arith.constant 192 : index
        %swap3A_259 = tpu.vector_load %arg11[%swap3A_257, %swap3A_258] {strides = array<i32>} : memref<80x256xf32, #tpu.memory_space<vmem>>, vector<1x16xf32>,
        %swap3A_260 = vector.shape_cast %swap3A_259 : vector<1x16xf32> to vector<16xf32>
        %swap3A_261 = vector.shape_cast %mul3A_256 : vector<16xf32> to vector<1x16xf32>
        tpu.vector_store %arg11[%swap3A_257, %swap3A_258], %swap3A_261 {strides = array<i32>} : memref<80x256xf32, #tpu.memory_space<vmem>>, vector<1x16xf32>,
        %get3A_262 = arith.index_cast %scan3A_76 : i32 to index
        %get3A_263 = arith.constant 208 : index
        %get3A_264 = tpu.vector_load %arg11[%get3A_262, %get3A_263] {strides = array<i32>} : memref<80x256xf32, #tpu.memory_space<vmem>>, vector<1x16xf32>,
        %get3A_265 = vector.shape_cast %get3A_264 : vector<1x16xf32> to vector<16xf32>
        %mul3A_266 = arith.mulf %get3A_265, %div3A_132 : vector<16xf32>
        %swap3A_267 = arith.index_cast %scan3A_76 : i32 to index
        %swap3A_268 = arith.constant 208 : index
        %swap3A_269 = tpu.vector_load %arg11[%swap3A_267, %swap3A_268] {strides = array<i32>} : memref<80x256xf32, #tpu.memory_space<vmem>>, vector<1x16xf32>,
        %swap3A_270 = vector.shape_cast %swap3A_269 : vector<1x16xf32> to vector<16xf32>
        %swap3A_271 = vector.shape_cast %mul3A_266 : vector<16xf32> to vector<1x16xf32>
        tpu.vector_store %arg11[%swap3A_267, %swap3A_268], %swap3A_271 {strides = array<i32>} : memref<80x256xf32, #tpu.memory_space<vmem>>, vector<1x16xf32>,
        %get3A_272 = arith.index_cast %scan3A_76 : i32 to index
        %get3A_273 = arith.constant 224 : index
        %get3A_274 = tpu.vector_load %arg11[%get3A_272, %get3A_273] {strides = array<i32>} : memref<80x256xf32, #tpu.memory_space<vmem>>, vector<1x16xf32>,
        %get3A_275 = vector.shape_cast %get3A_274 : vector<1x16xf32> to vector<16xf32>
        %mul3A_276 = arith.mulf %get3A_275, %div3A_132 : vector<16xf32>
        %swap3A_277 = arith.index_cast %scan3A_76 : i32 to index
        %swap3A_278 = arith.constant 224 : index
        %swap3A_279 = tpu.vector_load %arg11[%swap3A_277, %swap3A_278] {strides = array<i32>} : memref<80x256xf32, #tpu.memory_space<vmem>>, vector<1x16xf32>,
        %swap3A_280 = vector.shape_cast %swap3A_279 : vector<1x16xf32> to vector<16xf32>
        %swap3A_281 = vector.shape_cast %mul3A_276 : vector<16xf32> to vector<1x16xf32>
        tpu.vector_store %arg11[%swap3A_277, %swap3A_278], %swap3A_281 {strides = array<i32>} : memref<80x256xf32, #tpu.memory_space<vmem>>, vector<1x16xf32>,
        %get3A_282 = arith.index_cast %scan3A_76 : i32 to index
        %get3A_283 = arith.constant 240 : index
        %get3A_284 = tpu.vector_load %arg11[%get3A_282, %get3A_283] {strides = array<i32>} : memref<80x256xf32, #tpu.memory_space<vmem>>, vector<1x16xf32>,
        %get3A_285 = vector.shape_cast %get3A_284 : vector<1x16xf32> to vector<16xf32>
        %mul3A_286 = arith.mulf %get3A_285, %div3A_132 : vector<16xf32>
        %swap3A_287 = arith.index_cast %scan3A_76 : i32 to index
        %swap3A_288 = arith.constant 240 : index
        %swap3A_289 = tpu.vector_load %arg11[%swap3A_287, %swap3A_288] {strides = array<i32>} : memref<80x256xf32, #tpu.memory_space<vmem>>, vector<1x16xf32>,
        %swap3A_290 = vector.shape_cast %swap3A_289 : vector<1x16xf32> to vector<16xf32>
        %swap3A_291 = vector.shape_cast %mul3A_286 : vector<16xf32> to vector<1x16xf32>
        tpu.vector_store %arg11[%swap3A_287, %swap3A_288], %swap3A_291 {strides = array<i32>} : memref<80x256xf32, #tpu.memory_space<vmem>>, vector<1x16xf32>,
        %scan3A_292 = arith.constant 0 : i32
        scf.yield %scan3A_292 : i32
      }
      %scan3A_74 = arith.constant 80 : i32
      "tpu.region"() ({
        %run_scoped3A = tpu.sem_alloc : memref<!tpu.dma_semaphore, #tpu.memory_space<semaphore_mem>>
        %dma_start3A_76 = arith.constant 0 : i32
        %dma_start3A_77 = tpu.memref_slice %arg7[%add3A_63, %dma_start3A_76] : memref<10240x256xf32, #tpu.memory_space<hbm>> -> memref<80x256xf32, #tpu.memory_space<hbm>>
        %dma_start3A_78 = arith.constant 0 : i32
        %dma_start3A_79 = tpu.memref_slice %arg7[%add3A_63, %dma_start3A_78] : memref<10240x256xf32, #tpu.memory_space<hbm>> -> memref<80x256xf32, #tpu.memory_space<hbm>>
        tpu.enqueue_dma source(%arg11 : memref<80x256xf32, #tpu.memory_space<vmem>>) target(%dma_start3A_79 : memref<80x256xf32, #tpu.memory_space<hbm>>) target_semaphore(%run_scoped3A : memref<!tpu.dma_semaphore, #tpu.memory_space<semaphore_mem>>)
        %dma_wait3A_80 = arith.constant 0 : i32
        %dma_wait3A_81 = tpu.memref_slice %arg7[%add3A_63, %dma_wait3A_80] : memref<10240x256xf32, #tpu.memory_space<hbm>> -> memref<80x256xf32, #tpu.memory_space<hbm>>
        %dma_wait3A_82 = arith.constant 0 : i32
        %dma_wait3A_83 = tpu.memref_slice %arg7[%add3A_63, %dma_wait3A_82] : memref<10240x256xf32, #tpu.memory_space<hbm>> -> memref<80x256xf32, #tpu.memory_space<hbm>>
        tpu.wait_dma2 semaphore(%run_scoped3A : memref<!tpu.dma_semaphore, #tpu.memory_space<semaphore_mem>>) src(%arg11 : memref<80x256xf32, #tpu.memory_space<vmem>>) dst(%dma_wait3A_83 : memref<80x256xf32, #tpu.memory_space<hbm>>)
        tpu.yield
      }) : () -> ()
      %while3A_75 = arith.constant 0 : i32
      scf.yield %while3A_75 : i32
    }
    %while3A_49 = arith.constant 1 : i32
    %while3A_50 = scf.for %while3A_59 = %while3A_46 to %while3A_42 step %while3A_49 iter_args(%while3A_60 = %while3A_48) -> (i32)  : i32 {
      %mul3A_61 = arith.constant 80 : i32
      %mul3A_62 = arith.muli %while3A_59, %mul3A_61 : i32
      %add3A_63 = arith.addi %mul3A_20, %mul3A_62 : i32
      "tpu.region"() ({
        %run_scoped3A = tpu.sem_alloc : memref<!tpu.dma_semaphore, #tpu.memory_space<semaphore_mem>>
        %dma_start3A_76 = tpu.memref_slice %arg3[%add3A_63] : memref<10000xi32, #tpu.memory_space<hbm>> -> memref<80xi32, #tpu.memory_space<hbm>>
        %dma_start3A_77 = tpu.memref_slice %arg3[%add3A_63] : memref<10000xi32, #tpu.memory_space<hbm>> -> memref<80xi32, #tpu.memory_space<hbm>>
        tpu.enqueue_dma source(%dma_start3A_77 : memref<80xi32, #tpu.memory_space<hbm>>) target(%arg9 : memref<80xi32, #tpu.memory_space<vmem>>) target_semaphore(%run_scoped3A : memref<!tpu.dma_semaphore, #tpu.memory_space<semaphore_mem>>)
        %dma_wait3A_78 = tpu.memref_slice %arg3[%add3A_63] : memref<10000xi32, #tpu.memory_space<hbm>> -> memref<80xi32, #tpu.memory_space<hbm>>
        %dma_wait3A_79 = tpu.memref_slice %arg3[%add3A_63] : memref<10000xi32, #tpu.memory_space<hbm>> -> memref<80xi32, #tpu.memory_space<hbm>>
        tpu.wait_dma2 semaphore(%run_scoped3A : memref<!tpu.dma_semaphore, #tpu.memory_space<semaphore_mem>>) src(%dma_wait3A_79 : memref<80xi32, #tpu.memory_space<hbm>>) dst(%arg9 : memref<80xi32, #tpu.memory_space<vmem>>)
        tpu.yield
      }) : () -> ()
      "tpu.region"() ({
        %run_scoped3A = tpu.sem_alloc : memref<!tpu.dma_semaphore, #tpu.memory_space<semaphore_mem>>
        %dma_start3A_76 = arith.constant 0 : i32
        %dma_start3A_77 = tpu.memref_slice %arg10[%dma_start3A_76] : memref<128xf32, #tpu.memory_space<vmem>> -> memref<80xf32, #tpu.memory_space<vmem>>
        %dma_start3A_78 = tpu.memref_slice %arg4[%add3A_63] : memref<10000xf32, #tpu.memory_space<hbm>> -> memref<80xf32, #tpu.memory_space<hbm>>
        %dma_start3A_79 = arith.constant 0 : i32
        %dma_start3A_80 = tpu.memref_slice %arg10[%dma_start3A_79] : memref<128xf32, #tpu.memory_space<vmem>> -> memref<80xf32, #tpu.memory_space<vmem>>
        %dma_start3A_81 = tpu.memref_slice %arg4[%add3A_63] : memref<10000xf32, #tpu.memory_space<hbm>> -> memref<80xf32, #tpu.memory_space<hbm>>
        tpu.enqueue_dma source(%dma_start3A_81 : memref<80xf32, #tpu.memory_space<hbm>>) target(%dma_start3A_80 : memref<80xf32, #tpu.memory_space<vmem>>) target_semaphore(%run_scoped3A : memref<!tpu.dma_semaphore, #tpu.memory_space<semaphore_mem>>)
        %dma_wait3A_82 = arith.constant 0 : i32
        %dma_wait3A_83 = tpu.memref_slice %arg10[%dma_wait3A_82] : memref<128xf32, #tpu.memory_space<vmem>> -> memref<80xf32, #tpu.memory_space<vmem>>
        %dma_wait3A_84 = tpu.memref_slice %arg4[%add3A_63] : memref<10000xf32, #tpu.memory_space<hbm>> -> memref<80xf32, #tpu.memory_space<hbm>>
        %dma_wait3A_85 = arith.constant 0 : i32
        %dma_wait3A_86 = tpu.memref_slice %arg10[%dma_wait3A_85] : memref<128xf32, #tpu.memory_space<vmem>> -> memref<80xf32, #tpu.memory_space<vmem>>
        %dma_wait3A_87 = tpu.memref_slice %arg4[%add3A_63] : memref<10000xf32, #tpu.memory_space<hbm>> -> memref<80xf32, #tpu.memory_space<hbm>>
        tpu.wait_dma2 semaphore(%run_scoped3A : memref<!tpu.dma_semaphore, #tpu.memory_space<semaphore_mem>>) src(%dma_wait3A_87 : memref<80xf32, #tpu.memory_space<hbm>>) dst(%dma_wait3A_86 : memref<80xf32, #tpu.memory_space<vmem>>)
        tpu.yield
      }) : () -> ()
      %dma_start3A = arith.constant 0 : i32
      %dma_start3A_64 = arith.constant 0 : i32
      %dma_start3A_65 = tpu.memref_slice %arg2[%dma_start3A, %dma_start3A_64] : memref<100000x256xf32, #tpu.memory_space<hbm>> -> memref<100000x256xf32, #tpu.memory_space<hbm>>
      tpu.enqueue_indirect_dma source(%dma_start3A_65 : memref<100000x256xf32, #tpu.memory_space<hbm>>) target(%arg11 : memref<80x256xf32, #tpu.memory_space<vmem>>) offsets(%arg9 : memref<80xi32, #tpu.memory_space<vmem>>) semaphore(%arg16 : memref<!tpu.dma_semaphore, #tpu.memory_space<semaphore_mem>>)
      %dma_wait3A = arith.constant 0 : i32
      %dma_wait3A_66 = arith.constant 0 : i32
      %dma_wait3A_67 = tpu.memref_slice %arg2[%dma_wait3A, %dma_wait3A_66] : memref<100000x256xf32, #tpu.memory_space<hbm>> -> memref<100000x256xf32, #tpu.memory_space<hbm>>
      tpu.wait_indirect_dma semaphore(%arg16 : memref<!tpu.dma_semaphore, #tpu.memory_space<semaphore_mem>>) src(%dma_wait3A_67 : memref<100000x256xf32, #tpu.memory_space<hbm>>) dst(%arg11 : memref<80x256xf32, #tpu.memory_space<vmem>>)
      %scan3A_68 = arith.constant 0 : i32
      %scan3A_69 = arith.constant 0 : i32
      %scan3A_70 = arith.constant 80 : i32
      %scan3A_71 = arith.addi %scan3A_69, %scan3A_70 : i32
      %scan3A_72 = arith.constant 1 : i32
      %scan3A_73 = scf.for %scan3A_76 = %scan3A_69 to %scan3A_71 step %scan3A_72 iter_args(%scan3A_77 = %scan3A_68) -> (i32)  : i32 {
        %jit3A_78 = arith.constant 16 : i32
        %div3A_79 = arith.divsi %scan3A_76, %jit3A_78 : i32
        %sign3A_80 = arith.constant 0 : i32
        %sign3A_81 = arith.cmpi sgt, %scan3A_76, %sign3A_80 : i32
        %sign3A_82 = arith.extui %sign3A_81 : i1 to i32
        %sign3A_83 = arith.constant 0 : i32
        %sign3A_84 = arith.cmpi slt, %scan3A_76, %sign3A_83 : i32
        %sign3A_85 = arith.extui %sign3A_84 : i1 to i32
        %sign3A_86 = arith.subi %sign3A_82, %sign3A_85 : i32
        %sign3A_87 = arith.constant 0 : i32
        %sign3A_88 = arith.cmpi sgt, %jit3A_78, %sign3A_87 : i32
        %sign3A_89 = arith.extui %sign3A_88 : i1 to i32
        %sign3A_90 = arith.constant 0 : i32
        %sign3A_91 = arith.cmpi slt, %jit3A_78, %sign3A_90 : i32
        %sign3A_92 = arith.extui %sign3A_91 : i1 to i32
        %sign3A_93 = arith.subi %sign3A_89, %sign3A_92 : i32
        %ne3A_94 = arith.cmpi ne, %sign3A_86, %sign3A_93 : i32
        %rem3A_95 = arith.remsi %scan3A_76, %jit3A_78 : i32
        %ne3A_96 = arith.constant 0 : i32
        %ne3A_97 = arith.cmpi ne, %rem3A_95, %ne3A_96 : i32
        %and3A_98 = arith.andi %ne3A_94, %ne3A_97 : i1
        %sub3A_99 = arith.constant 1 : i32
        %sub3A_100 = arith.subi %div3A_79, %sub3A_99 : i32
        %select_n3A_101 = arith.select %and3A_98, %sub3A_100, %div3A_79 : i32
        %mul3A_102 = arith.constant 16 : i32
        %mul3A_103 = arith.muli %select_n3A_101, %mul3A_102 : i32
        %get3A = arith.index_cast %mul3A_103 : i32 to index
        %get3A_104 = tpu.vector_load %arg10[%get3A] {strides = array<i32>} : memref<128xf32, #tpu.memory_space<vmem>>, vector<16xf32>,
        %get3A_105 = vector.shape_cast %get3A_104 : vector<16xf32> to vector<16xf32>
        %jit3A_106 = arith.constant 16 : i32
        %eq3A = arith.constant 0 : i32
        %eq3A_107 = arith.cmpi eq, %jit3A_106, %eq3A : i32
        %jit3A_108 = arith.constant 1 : i32
        %select_n3A_109 = arith.select %eq3A_107, %jit3A_108, %jit3A_106 : i32
        %rem3A_110 = arith.remsi %scan3A_76, %select_n3A_109 : i32
        %ne3A_111 = arith.constant 0 : i32
        %ne3A_112 = arith.cmpi ne, %rem3A_110, %ne3A_111 : i32
        %lt3A = arith.constant 0 : i32
        %lt3A_113 = arith.cmpi slt, %rem3A_110, %lt3A : i32
        %lt3A_114 = arith.constant 0 : i32
        %lt3A_115 = arith.cmpi slt, %select_n3A_109, %lt3A_114 : i32
        %ne3A_116 = arith.xori %lt3A_113, %lt3A_115 : i1
        %and3A_117 = arith.andi %ne3A_116, %ne3A_112 : i1
        %add3A_118 = arith.addi %rem3A_110, %select_n3A_109 : i32
        %select_n3A_119 = arith.select %and3A_117, %add3A_118, %rem3A_110 : i32
        %broadcast_in_dim3A_120 = vector.broadcast %select_n3A_119 : i32 to vector<16xi32>
        %lt3A_121 = arith.constant 0 : i32
        %lt3A_122 = vector.broadcast %lt3A_121 : i32 to vector<16xi32>
        %lt3A_123 = arith.cmpi slt, %broadcast_in_dim3A_120, %lt3A_122 : vector<16xi32>
        %add3A_124 = arith.constant 16 : i32
        %add3A_125 = vector.broadcast %add3A_124 : i32 to vector<16xi32>
        %add3A_126 = arith.addi %broadcast_in_dim3A_120, %add3A_125 : vector<16xi32>
        %select_n3A_127 = arith.select %lt3A_123, %add3A_126, %broadcast_in_dim3A_120 : vector<16xi1>, vector<16xi32>
        %broadcast_in_dim3A_128 = vector.shape_cast %select_n3A_127 : vector<16xi32> to vector<16x1xi32>
        %gather3A = vector.shape_cast %broadcast_in_dim3A_128 : vector<16x1xi32> to vector<16xi32>
        %gather3A_129 = tpu.dynamic_gather %get3A_105[%gather3A] in [0] : vector<16xf32>, vector<16xi32> -> vector<16xf32>
        %div3A_130 = arith.constant 1.000000e+03 : f32
        %div3A_131 = vector.broadcast %div3A_130 : f32 to vector<16xf32>
        %div3A_132 = arith.divf %gather3A_129, %div3A_131 : vector<16xf32>
        %get3A_133 = arith.index_cast %scan3A_76 : i32 to index
        %get3A_134 = arith.constant 0 : index
        %get3A_135 = tpu.vector_load %arg11[%get3A_133, %get3A_134] {strides = array<i32>} : memref<80x256xf32, #tpu.memory_space<vmem>>, vector<1x16xf32>,
        %get3A_136 = vector.shape_cast %get3A_135 : vector<1x16xf32> to vector<16xf32>
        %mul3A_137 = arith.mulf %get3A_136, %div3A_132 : vector<16xf32>
        %swap3A = arith.index_cast %scan3A_76 : i32 to index
        %swap3A_138 = arith.constant 0 : index
        %swap3A_139 = tpu.vector_load %arg11[%swap3A, %swap3A_138] {strides = array<i32>} : memref<80x256xf32, #tpu.memory_space<vmem>>, vector<1x16xf32>,
        %swap3A_140 = vector.shape_cast %swap3A_139 : vector<1x16xf32> to vector<16xf32>
        %swap3A_141 = vector.shape_cast %mul3A_137 : vector<16xf32> to vector<1x16xf32>
        tpu.vector_store %arg11[%swap3A, %swap3A_138], %swap3A_141 {strides = array<i32>} : memref<80x256xf32, #tpu.memory_space<vmem>>, vector<1x16xf32>,
        %get3A_142 = arith.index_cast %scan3A_76 : i32 to index
        %get3A_143 = arith.constant 16 : index
        %get3A_144 = tpu.vector_load %arg11[%get3A_142, %get3A_143] {strides = array<i32>} : memref<80x256xf32, #tpu.memory_space<vmem>>, vector<1x16xf32>,
        %get3A_145 = vector.shape_cast %get3A_144 : vector<1x16xf32> to vector<16xf32>
        %mul3A_146 = arith.mulf %get3A_145, %div3A_132 : vector<16xf32>
        %swap3A_147 = arith.index_cast %scan3A_76 : i32 to index
        %swap3A_148 = arith.constant 16 : index
        %swap3A_149 = tpu.vector_load %arg11[%swap3A_147, %swap3A_148] {strides = array<i32>} : memref<80x256xf32, #tpu.memory_space<vmem>>, vector<1x16xf32>,
        %swap3A_150 = vector.shape_cast %swap3A_149 : vector<1x16xf32> to vector<16xf32>
        %swap3A_151 = vector.shape_cast %mul3A_146 : vector<16xf32> to vector<1x16xf32>
        tpu.vector_store %arg11[%swap3A_147, %swap3A_148], %swap3A_151 {strides = array<i32>} : memref<80x256xf32, #tpu.memory_space<vmem>>, vector<1x16xf32>,
        %get3A_152 = arith.index_cast %scan3A_76 : i32 to index
        %get3A_153 = arith.constant 32 : index
        %get3A_154 = tpu.vector_load %arg11[%get3A_152, %get3A_153] {strides = array<i32>} : memref<80x256xf32, #tpu.memory_space<vmem>>, vector<1x16xf32>,
        %get3A_155 = vector.shape_cast %get3A_154 : vector<1x16xf32> to vector<16xf32>
        %mul3A_156 = arith.mulf %get3A_155, %div3A_132 : vector<16xf32>
        %swap3A_157 = arith.index_cast %scan3A_76 : i32 to index
        %swap3A_158 = arith.constant 32 : index
        %swap3A_159 = tpu.vector_load %arg11[%swap3A_157, %swap3A_158] {strides = array<i32>} : memref<80x256xf32, #tpu.memory_space<vmem>>, vector<1x16xf32>,
        %swap3A_160 = vector.shape_cast %swap3A_159 : vector<1x16xf32> to vector<16xf32>
        %swap3A_161 = vector.shape_cast %mul3A_156 : vector<16xf32> to vector<1x16xf32>
        tpu.vector_store %arg11[%swap3A_157, %swap3A_158], %swap3A_161 {strides = array<i32>} : memref<80x256xf32, #tpu.memory_space<vmem>>, vector<1x16xf32>,
        %get3A_162 = arith.index_cast %scan3A_76 : i32 to index
        %get3A_163 = arith.constant 48 : index
        %get3A_164 = tpu.vector_load %arg11[%get3A_162, %get3A_163] {strides = array<i32>} : memref<80x256xf32, #tpu.memory_space<vmem>>, vector<1x16xf32>,
        %get3A_165 = vector.shape_cast %get3A_164 : vector<1x16xf32> to vector<16xf32>
        %mul3A_166 = arith.mulf %get3A_165, %div3A_132 : vector<16xf32>
        %swap3A_167 = arith.index_cast %scan3A_76 : i32 to index
        %swap3A_168 = arith.constant 48 : index
        %swap3A_169 = tpu.vector_load %arg11[%swap3A_167, %swap3A_168] {strides = array<i32>} : memref<80x256xf32, #tpu.memory_space<vmem>>, vector<1x16xf32>,
        %swap3A_170 = vector.shape_cast %swap3A_169 : vector<1x16xf32> to vector<16xf32>
        %swap3A_171 = vector.shape_cast %mul3A_166 : vector<16xf32> to vector<1x16xf32>
        tpu.vector_store %arg11[%swap3A_167, %swap3A_168], %swap3A_171 {strides = array<i32>} : memref<80x256xf32, #tpu.memory_space<vmem>>, vector<1x16xf32>,
        %get3A_172 = arith.index_cast %scan3A_76 : i32 to index
        %get3A_173 = arith.constant 64 : index
        %get3A_174 = tpu.vector_load %arg11[%get3A_172, %get3A_173] {strides = array<i32>} : memref<80x256xf32, #tpu.memory_space<vmem>>, vector<1x16xf32>,
        %get3A_175 = vector.shape_cast %get3A_174 : vector<1x16xf32> to vector<16xf32>
        %mul3A_176 = arith.mulf %get3A_175, %div3A_132 : vector<16xf32>
        %swap3A_177 = arith.index_cast %scan3A_76 : i32 to index
        %swap3A_178 = arith.constant 64 : index
        %swap3A_179 = tpu.vector_load %arg11[%swap3A_177, %swap3A_178] {strides = array<i32>} : memref<80x256xf32, #tpu.memory_space<vmem>>, vector<1x16xf32>,
        %swap3A_180 = vector.shape_cast %swap3A_179 : vector<1x16xf32> to vector<16xf32>
        %swap3A_181 = vector.shape_cast %mul3A_176 : vector<16xf32> to vector<1x16xf32>
        tpu.vector_store %arg11[%swap3A_177, %swap3A_178], %swap3A_181 {strides = array<i32>} : memref<80x256xf32, #tpu.memory_space<vmem>>, vector<1x16xf32>,
        %get3A_182 = arith.index_cast %scan3A_76 : i32 to index
        %get3A_183 = arith.constant 80 : index
        %get3A_184 = tpu.vector_load %arg11[%get3A_182, %get3A_183] {strides = array<i32>} : memref<80x256xf32, #tpu.memory_space<vmem>>, vector<1x16xf32>,
        %get3A_185 = vector.shape_cast %get3A_184 : vector<1x16xf32> to vector<16xf32>
        %mul3A_186 = arith.mulf %get3A_185, %div3A_132 : vector<16xf32>
        %swap3A_187 = arith.index_cast %scan3A_76 : i32 to index
        %swap3A_188 = arith.constant 80 : index
        %swap3A_189 = tpu.vector_load %arg11[%swap3A_187, %swap3A_188] {strides = array<i32>} : memref<80x256xf32, #tpu.memory_space<vmem>>, vector<1x16xf32>,
        %swap3A_190 = vector.shape_cast %swap3A_189 : vector<1x16xf32> to vector<16xf32>
        %swap3A_191 = vector.shape_cast %mul3A_186 : vector<16xf32> to vector<1x16xf32>
        tpu.vector_store %arg11[%swap3A_187, %swap3A_188], %swap3A_191 {strides = array<i32>} : memref<80x256xf32, #tpu.memory_space<vmem>>, vector<1x16xf32>,
        %get3A_192 = arith.index_cast %scan3A_76 : i32 to index
        %get3A_193 = arith.constant 96 : index
        %get3A_194 = tpu.vector_load %arg11[%get3A_192, %get3A_193] {strides = array<i32>} : memref<80x256xf32, #tpu.memory_space<vmem>>, vector<1x16xf32>,
        %get3A_195 = vector.shape_cast %get3A_194 : vector<1x16xf32> to vector<16xf32>
        %mul3A_196 = arith.mulf %get3A_195, %div3A_132 : vector<16xf32>
        %swap3A_197 = arith.index_cast %scan3A_76 : i32 to index
        %swap3A_198 = arith.constant 96 : index
        %swap3A_199 = tpu.vector_load %arg11[%swap3A_197, %swap3A_198] {strides = array<i32>} : memref<80x256xf32, #tpu.memory_space<vmem>>, vector<1x16xf32>,
        %swap3A_200 = vector.shape_cast %swap3A_199 : vector<1x16xf32> to vector<16xf32>
        %swap3A_201 = vector.shape_cast %mul3A_196 : vector<16xf32> to vector<1x16xf32>
        tpu.vector_store %arg11[%swap3A_197, %swap3A_198], %swap3A_201 {strides = array<i32>} : memref<80x256xf32, #tpu.memory_space<vmem>>, vector<1x16xf32>,
        %get3A_202 = arith.index_cast %scan3A_76 : i32 to index
        %get3A_203 = arith.constant 112 : index
        %get3A_204 = tpu.vector_load %arg11[%get3A_202, %get3A_203] {strides = array<i32>} : memref<80x256xf32, #tpu.memory_space<vmem>>, vector<1x16xf32>,
        %get3A_205 = vector.shape_cast %get3A_204 : vector<1x16xf32> to vector<16xf32>
        %mul3A_206 = arith.mulf %get3A_205, %div3A_132 : vector<16xf32>
        %swap3A_207 = arith.index_cast %scan3A_76 : i32 to index
        %swap3A_208 = arith.constant 112 : index
        %swap3A_209 = tpu.vector_load %arg11[%swap3A_207, %swap3A_208] {strides = array<i32>} : memref<80x256xf32, #tpu.memory_space<vmem>>, vector<1x16xf32>,
        %swap3A_210 = vector.shape_cast %swap3A_209 : vector<1x16xf32> to vector<16xf32>
        %swap3A_211 = vector.shape_cast %mul3A_206 : vector<16xf32> to vector<1x16xf32>
        tpu.vector_store %arg11[%swap3A_207, %swap3A_208], %swap3A_211 {strides = array<i32>} : memref<80x256xf32, #tpu.memory_space<vmem>>, vector<1x16xf32>,
        %get3A_212 = arith.index_cast %scan3A_76 : i32 to index
        %get3A_213 = arith.constant 128 : index
        %get3A_214 = tpu.vector_load %arg11[%get3A_212, %get3A_213] {strides = array<i32>} : memref<80x256xf32, #tpu.memory_space<vmem>>, vector<1x16xf32>,
        %get3A_215 = vector.shape_cast %get3A_214 : vector<1x16xf32> to vector<16xf32>
        %mul3A_216 = arith.mulf %get3A_215, %div3A_132 : vector<16xf32>
        %swap3A_217 = arith.index_cast %scan3A_76 : i32 to index
        %swap3A_218 = arith.constant 128 : index
        %swap3A_219 = tpu.vector_load %arg11[%swap3A_217, %swap3A_218] {strides = array<i32>} : memref<80x256xf32, #tpu.memory_space<vmem>>, vector<1x16xf32>,
        %swap3A_220 = vector.shape_cast %swap3A_219 : vector<1x16xf32> to vector<16xf32>
        %swap3A_221 = vector.shape_cast %mul3A_216 : vector<16xf32> to vector<1x16xf32>
        tpu.vector_store %arg11[%swap3A_217, %swap3A_218], %swap3A_221 {strides = array<i32>} : memref<80x256xf32, #tpu.memory_space<vmem>>, vector<1x16xf32>,
        %get3A_222 = arith.index_cast %scan3A_76 : i32 to index
        %get3A_223 = arith.constant 144 : index
        %get3A_224 = tpu.vector_load %arg11[%get3A_222, %get3A_223] {strides = array<i32>} : memref<80x256xf32, #tpu.memory_space<vmem>>, vector<1x16xf32>,
        %get3A_225 = vector.shape_cast %get3A_224 : vector<1x16xf32> to vector<16xf32>
        %mul3A_226 = arith.mulf %get3A_225, %div3A_132 : vector<16xf32>
        %swap3A_227 = arith.index_cast %scan3A_76 : i32 to index
        %swap3A_228 = arith.constant 144 : index
        %swap3A_229 = tpu.vector_load %arg11[%swap3A_227, %swap3A_228] {strides = array<i32>} : memref<80x256xf32, #tpu.memory_space<vmem>>, vector<1x16xf32>,
        %swap3A_230 = vector.shape_cast %swap3A_229 : vector<1x16xf32> to vector<16xf32>
        %swap3A_231 = vector.shape_cast %mul3A_226 : vector<16xf32> to vector<1x16xf32>
        tpu.vector_store %arg11[%swap3A_227, %swap3A_228], %swap3A_231 {strides = array<i32>} : memref<80x256xf32, #tpu.memory_space<vmem>>, vector<1x16xf32>,
        %get3A_232 = arith.index_cast %scan3A_76 : i32 to index
        %get3A_233 = arith.constant 160 : index
        %get3A_234 = tpu.vector_load %arg11[%get3A_232, %get3A_233] {strides = array<i32>} : memref<80x256xf32, #tpu.memory_space<vmem>>, vector<1x16xf32>,
        %get3A_235 = vector.shape_cast %get3A_234 : vector<1x16xf32> to vector<16xf32>
        %mul3A_236 = arith.mulf %get3A_235, %div3A_132 : vector<16xf32>
        %swap3A_237 = arith.index_cast %scan3A_76 : i32 to index
        %swap3A_238 = arith.constant 160 : index
        %swap3A_239 = tpu.vector_load %arg11[%swap3A_237, %swap3A_238] {strides = array<i32>} : memref<80x256xf32, #tpu.memory_space<vmem>>, vector<1x16xf32>,
        %swap3A_240 = vector.shape_cast %swap3A_239 : vector<1x16xf32> to vector<16xf32>
        %swap3A_241 = vector.shape_cast %mul3A_236 : vector<16xf32> to vector<1x16xf32>
        tpu.vector_store %arg11[%swap3A_237, %swap3A_238], %swap3A_241 {strides = array<i32>} : memref<80x256xf32, #tpu.memory_space<vmem>>, vector<1x16xf32>,
        %get3A_242 = arith.index_cast %scan3A_76 : i32 to index
        %get3A_243 = arith.constant 176 : index
        %get3A_244 = tpu.vector_load %arg11[%get3A_242, %get3A_243] {strides = array<i32>} : memref<80x256xf32, #tpu.memory_space<vmem>>, vector<1x16xf32>,
        %get3A_245 = vector.shape_cast %get3A_244 : vector<1x16xf32> to vector<16xf32>
        %mul3A_246 = arith.mulf %get3A_245, %div3A_132 : vector<16xf32>
        %swap3A_247 = arith.index_cast %scan3A_76 : i32 to index
        %swap3A_248 = arith.constant 176 : index
        %swap3A_249 = tpu.vector_load %arg11[%swap3A_247, %swap3A_248] {strides = array<i32>} : memref<80x256xf32, #tpu.memory_space<vmem>>, vector<1x16xf32>,
        %swap3A_250 = vector.shape_cast %swap3A_249 : vector<1x16xf32> to vector<16xf32>
        %swap3A_251 = vector.shape_cast %mul3A_246 : vector<16xf32> to vector<1x16xf32>
        tpu.vector_store %arg11[%swap3A_247, %swap3A_248], %swap3A_251 {strides = array<i32>} : memref<80x256xf32, #tpu.memory_space<vmem>>, vector<1x16xf32>,
        %get3A_252 = arith.index_cast %scan3A_76 : i32 to index
        %get3A_253 = arith.constant 192 : index
        %get3A_254 = tpu.vector_load %arg11[%get3A_252, %get3A_253] {strides = array<i32>} : memref<80x256xf32, #tpu.memory_space<vmem>>, vector<1x16xf32>,
        %get3A_255 = vector.shape_cast %get3A_254 : vector<1x16xf32> to vector<16xf32>
        %mul3A_256 = arith.mulf %get3A_255, %div3A_132 : vector<16xf32>
        %swap3A_257 = arith.index_cast %scan3A_76 : i32 to index
        %swap3A_258 = arith.constant 192 : index
        %swap3A_259 = tpu.vector_load %arg11[%swap3A_257, %swap3A_258] {strides = array<i32>} : memref<80x256xf32, #tpu.memory_space<vmem>>, vector<1x16xf32>,
        %swap3A_260 = vector.shape_cast %swap3A_259 : vector<1x16xf32> to vector<16xf32>
        %swap3A_261 = vector.shape_cast %mul3A_256 : vector<16xf32> to vector<1x16xf32>
        tpu.vector_store %arg11[%swap3A_257, %swap3A_258], %swap3A_261 {strides = array<i32>} : memref<80x256xf32, #tpu.memory_space<vmem>>, vector<1x16xf32>,
        %get3A_262 = arith.index_cast %scan3A_76 : i32 to index
        %get3A_263 = arith.constant 208 : index
        %get3A_264 = tpu.vector_load %arg11[%get3A_262, %get3A_263] {strides = array<i32>} : memref<80x256xf32, #tpu.memory_space<vmem>>, vector<1x16xf32>,
        %get3A_265 = vector.shape_cast %get3A_264 : vector<1x16xf32> to vector<16xf32>
        %mul3A_266 = arith.mulf %get3A_265, %div3A_132 : vector<16xf32>
        %swap3A_267 = arith.index_cast %scan3A_76 : i32 to index
        %swap3A_268 = arith.constant 208 : index
        %swap3A_269 = tpu.vector_load %arg11[%swap3A_267, %swap3A_268] {strides = array<i32>} : memref<80x256xf32, #tpu.memory_space<vmem>>, vector<1x16xf32>,
        %swap3A_270 = vector.shape_cast %swap3A_269 : vector<1x16xf32> to vector<16xf32>
        %swap3A_271 = vector.shape_cast %mul3A_266 : vector<16xf32> to vector<1x16xf32>
        tpu.vector_store %arg11[%swap3A_267, %swap3A_268], %swap3A_271 {strides = array<i32>} : memref<80x256xf32, #tpu.memory_space<vmem>>, vector<1x16xf32>,
        %get3A_272 = arith.index_cast %scan3A_76 : i32 to index
        %get3A_273 = arith.constant 224 : index
        %get3A_274 = tpu.vector_load %arg11[%get3A_272, %get3A_273] {strides = array<i32>} : memref<80x256xf32, #tpu.memory_space<vmem>>, vector<1x16xf32>,
        %get3A_275 = vector.shape_cast %get3A_274 : vector<1x16xf32> to vector<16xf32>
        %mul3A_276 = arith.mulf %get3A_275, %div3A_132 : vector<16xf32>
        %swap3A_277 = arith.index_cast %scan3A_76 : i32 to index
        %swap3A_278 = arith.constant 224 : index
        %swap3A_279 = tpu.vector_load %arg11[%swap3A_277, %swap3A_278] {strides = array<i32>} : memref<80x256xf32, #tpu.memory_space<vmem>>, vector<1x16xf32>,
        %swap3A_280 = vector.shape_cast %swap3A_279 : vector<1x16xf32> to vector<16xf32>
        %swap3A_281 = vector.shape_cast %mul3A_276 : vector<16xf32> to vector<1x16xf32>
        tpu.vector_store %arg11[%swap3A_277, %swap3A_278], %swap3A_281 {strides = array<i32>} : memref<80x256xf32, #tpu.memory_space<vmem>>, vector<1x16xf32>,
        %get3A_282 = arith.index_cast %scan3A_76 : i32 to index
        %get3A_283 = arith.constant 240 : index
        %get3A_284 = tpu.vector_load %arg11[%get3A_282, %get3A_283] {strides = array<i32>} : memref<80x256xf32, #tpu.memory_space<vmem>>, vector<1x16xf32>,
        %get3A_285 = vector.shape_cast %get3A_284 : vector<1x16xf32> to vector<16xf32>
        %mul3A_286 = arith.mulf %get3A_285, %div3A_132 : vector<16xf32>
        %swap3A_287 = arith.index_cast %scan3A_76 : i32 to index
        %swap3A_288 = arith.constant 240 : index
        %swap3A_289 = tpu.vector_load %arg11[%swap3A_287, %swap3A_288] {strides = array<i32>} : memref<80x256xf32, #tpu.memory_space<vmem>>, vector<1x16xf32>,
        %swap3A_290 = vector.shape_cast %swap3A_289 : vector<1x16xf32> to vector<16xf32>
        %swap3A_291 = vector.shape_cast %mul3A_286 : vector<16xf32> to vector<1x16xf32>
        tpu.vector_store %arg11[%swap3A_287, %swap3A_288], %swap3A_291 {strides = array<i32>} : memref<80x256xf32, #tpu.memory_space<vmem>>, vector<1x16xf32>,
        %scan3A_292 = arith.constant 0 : i32
        scf.yield %scan3A_292 : i32
      }
      %scan3A_74 = arith.constant 80 : i32
      "tpu.region"() ({
        %run_scoped3A = tpu.sem_alloc : memref<!tpu.dma_semaphore, #tpu.memory_space<semaphore_mem>>
        %dma_start3A_76 = arith.constant 0 : i32
        %dma_start3A_77 = tpu.memref_slice %arg7[%add3A_63, %dma_start3A_76] : memref<10240x256xf32, #tpu.memory_space<hbm>> -> memref<80x256xf32, #tpu.memory_space<hbm>>
        %dma_start3A_78 = arith.constant 0 : i32
        %dma_start3A_79 = tpu.memref_slice %arg7[%add3A_63, %dma_start3A_78] : memref<10240x256xf32, #tpu.memory_space<hbm>> -> memref<80x256xf32, #tpu.memory_space<hbm>>
        tpu.enqueue_dma source(%arg11 : memref<80x256xf32, #tpu.memory_space<vmem>>) target(%dma_start3A_79 : memref<80x256xf32, #tpu.memory_space<hbm>>) target_semaphore(%run_scoped3A : memref<!tpu.dma_semaphore, #tpu.memory_space<semaphore_mem>>)
        %dma_wait3A_80 = arith.constant 0 : i32
        %dma_wait3A_81 = tpu.memref_slice %arg7[%add3A_63, %dma_wait3A_80] : memref<10240x256xf32, #tpu.memory_space<hbm>> -> memref<80x256xf32, #tpu.memory_space<hbm>>
        %dma_wait3A_82 = arith.constant 0 : i32
        %dma_wait3A_83 = tpu.memref_slice %arg7[%add3A_63, %dma_wait3A_82] : memref<10240x256xf32, #tpu.memory_space<hbm>> -> memref<80x256xf32, #tpu.memory_space<hbm>>
        tpu.wait_dma2 semaphore(%run_scoped3A : memref<!tpu.dma_semaphore, #tpu.memory_space<semaphore_mem>>) src(%arg11 : memref<80x256xf32, #tpu.memory_space<vmem>>) dst(%dma_wait3A_83 : memref<80x256xf32, #tpu.memory_space<hbm>>)
        tpu.yield
      }) : () -> ()
      %while3A_75 = arith.constant 0 : i32
      scf.yield %while3A_75 : i32
    }
    %barrier3A_51 = arith.constant 0 : index
    tpu.barrier barrier_id(%barrier3A_51)
    %mul3A_52 = arith.constant 640 : i32
    %mul3A_53 = arith.muli %arg1, %mul3A_52 : i32
    "tpu.region"() ({
      %run_scoped3A = tpu.sem_alloc : memref<!tpu.dma_semaphore, #tpu.memory_space<semaphore_mem>>
      %dma_start3A = tpu.memref_slice %arg15[%mul3A_53] : memref<10240xf32, #tpu.memory_space<vmem_shared>> -> memref<640xf32, #tpu.memory_space<vmem_shared>>
      %dma_start3A_59 = tpu.memref_slice %arg15[%mul3A_53] : memref<10240xf32, #tpu.memory_space<vmem_shared>> -> memref<640xf32, #tpu.memory_space<vmem_shared>>
      tpu.enqueue_dma source(%dma_start3A_59 : memref<640xf32, #tpu.memory_space<vmem_shared>>) target(%arg14 : memref<640xf32, #tpu.memory_space<vmem>>) target_semaphore(%run_scoped3A : memref<!tpu.dma_semaphore, #tpu.memory_space<semaphore_mem>>)
      %dma_wait3A = tpu.memref_slice %arg15[%mul3A_53] : memref<10240xf32, #tpu.memory_space<vmem_shared>> -> memref<640xf32, #tpu.memory_space<vmem_shared>>
      %dma_wait3A_60 = tpu.memref_slice %arg15[%mul3A_53] : memref<10240xf32, #tpu.memory_space<vmem_shared>> -> memref<640xf32, #tpu.memory_space<vmem_shared>>
      tpu.wait_dma2 semaphore(%run_scoped3A : memref<!tpu.dma_semaphore, #tpu.memory_space<semaphore_mem>>) src(%dma_wait3A_60 : memref<640xf32, #tpu.memory_space<vmem_shared>>) dst(%arg14 : memref<640xf32, #tpu.memory_space<vmem>>)
      tpu.yield
    }) : () -> ()
    %mul3A_54 = arith.constant 10240 : i32
    %mul3A_55 = arith.muli %arg0, %mul3A_54 : i32
    %mul3A_56 = arith.constant 640 : i32
    %mul3A_57 = arith.muli %arg1, %mul3A_56 : i32
    %add3A_58 = arith.addi %mul3A_55, %mul3A_57 : i32
    "tpu.region"() ({
      %run_scoped3A = tpu.sem_alloc : memref<!tpu.dma_semaphore, #tpu.memory_space<semaphore_mem>>
      %dma_start3A = tpu.memref_slice %arg8[%add3A_58] : memref<20480xf32, #tpu.memory_space<hbm>> -> memref<640xf32, #tpu.memory_space<hbm>>
      %dma_start3A_59 = tpu.memref_slice %arg8[%add3A_58] : memref<20480xf32, #tpu.memory_space<hbm>> -> memref<640xf32, #tpu.memory_space<hbm>>
      tpu.enqueue_dma source(%arg14 : memref<640xf32, #tpu.memory_space<vmem>>) target(%dma_start3A_59 : memref<640xf32, #tpu.memory_space<hbm>>) target_semaphore(%run_scoped3A : memref<!tpu.dma_semaphore, #tpu.memory_space<semaphore_mem>>)
      %dma_wait3A = tpu.memref_slice %arg8[%add3A_58] : memref<20480xf32, #tpu.memory_space<hbm>> -> memref<640xf32, #tpu.memory_space<hbm>>
      %dma_wait3A_60 = tpu.memref_slice %arg8[%add3A_58] : memref<20480xf32, #tpu.memory_space<hbm>> -> memref<640xf32, #tpu.memory_space<hbm>>
      tpu.wait_dma2 semaphore(%run_scoped3A : memref<!tpu.dma_semaphore, #tpu.memory_space<semaphore_mem>>) src(%arg14 : memref<640xf32, #tpu.memory_space<vmem>>) dst(%dma_wait3A_60 : memref<640xf32, #tpu.memory_space<hbm>>)
      tpu.yield
    }) : () -> ()
    return
  }
}

module attributes {stable_mosaic.version = 14 : i64} {
  func.func @tb_body(%arg0: i32, %arg1: memref<2x2048xf32, #tpu.memory_space<vmem>>, %arg2: memref<2048x256xf32, #tpu.memory_space<vmem>>, %arg3: memref<256x256xf32, #tpu.memory_space<vmem>>, %arg4: memref<2048x1xf32, #tpu.memory_space<vmem>>, %arg5: memref<2048x256xf32, #tpu.memory_space<vmem>>) attributes {dimension_semantics = [#tpu.dimension_semantics<arbitrary>], iteration_bounds = array<i64: 5>, scalar_prefetch = 0 : i64, scratch_operands = 0 : i64, tpu.core_type = #tpu.core_type<tc>, window_params = [{transform_indices = @transform_0, window_bounds = array<i64: 2, 2048>}, {transform_indices = @transform_1, window_bounds = array<i64: 2048, 256>}, {pipeline_mode = #tpu.pipeline_mode<synchronous>, transform_indices = @transform_2, window_bounds = array<i64: 256, 256>}, {transform_indices = @transform_3, window_bounds = array<i64: 2048, 1>}, {transform_indices = @transform_4, window_bounds = array<i64: 2048, 256>}]} {
    %get3A = arith.constant 0 : index
    %get3A_0 = arith.constant 0 : index
    %get3A_1 = vector.load %arg1[%get3A, %get3A_0] : memref<2x2048xf32, #tpu.memory_space<vmem>>, vector<1x2048xf32>
    %get3A_2 = vector.shape_cast %get3A_1 : vector<1x2048xf32> to vector<2048xf32>
    %get3A_3 = arith.constant 1 : index
    %get3A_4 = arith.constant 0 : index
    %get3A_5 = vector.load %arg1[%get3A_3, %get3A_4] : memref<2x2048xf32, #tpu.memory_space<vmem>>, vector<1x2048xf32>
    %get3A_6 = vector.shape_cast %get3A_5 : vector<1x2048xf32> to vector<2048xf32>
    %add3A = arith.addf %get3A_2, %get3A_6 : vector<2048xf32>
    %add3A_7 = arith.constant 1.000000e+00 : f32
    %add3A_8 = vector.broadcast %add3A_7 : f32 to vector<2048xf32>
    %add3A_9 = arith.addf %add3A, %add3A_8 : vector<2048xf32>
    %gt3A = arith.constant 0.000000e+00 : f32
    %gt3A_10 = vector.broadcast %gt3A : f32 to vector<2048xf32>
    %gt3A_11 = arith.cmpf ogt, %add3A_9, %gt3A_10 : vector<2048xf32>
    %rsqrt3A = math.rsqrt %add3A_9 : vector<2048xf32>
    %jit3A = arith.constant 0.000000e+00 : f32
    %broadcast_in_dim3A = vector.broadcast %jit3A : f32 to vector<2048xf32>
    %select_n3A = arith.select %gt3A_11, %rsqrt3A, %broadcast_in_dim3A : vector<2048xi1>, vector<2048xf32>
    %get3A_12 = arith.constant 0 : index
    %get3A_13 = arith.constant 0 : index
    %get3A_14 = vector.load %arg2[%get3A_12, %get3A_13] : memref<2048x256xf32, #tpu.memory_space<vmem>>, vector<2048x256xf32>
    %get3A_15 = arith.constant 0 : index
    %get3A_16 = arith.constant 0 : index
    %get3A_17 = vector.load %arg3[%get3A_15, %get3A_16] : memref<256x256xf32, #tpu.memory_space<vmem>>, vector<256x256xf32>
    %dot_general3A = arith.constant dense<0.000000e+00> : vector<2048x256xf32>
    %dot_general3A_18 = tpu.matmul %get3A_14, %get3A_17, %dot_general3A {dimension_numbers = #tpu.dot_dimension_numbers<[1], [0], [0], [1], [0, 0, 1, 1], [], []>, transpose_lhs_hint = false} : vector<2048x256xf32>, vector<256x256xf32>, vector<2048x256xf32> -> vector<2048x256xf32>
    %broadcast_in_dim3A_19 = vector.shape_cast %select_n3A : vector<2048xf32> to vector<2048x1xf32>
    %swap3A = arith.constant 0 : index
    %swap3A_20 = arith.constant 0 : index
    %swap3A_21 = vector.load %arg4[%swap3A, %swap3A_20] : memref<2048x1xf32, #tpu.memory_space<vmem>>, vector<2048x1xf32>
    tpu.vector_store %arg4[%swap3A, %swap3A_20], %broadcast_in_dim3A_19 {strides = array<i32>} : memref<2048x1xf32, #tpu.memory_space<vmem>>, vector<2048x1xf32>,
    %broadcast_in_dim3A_22 = vector.shape_cast %select_n3A : vector<2048xf32> to vector<2048x1xf32>
    %mul3A = vector.broadcast %broadcast_in_dim3A_22 : vector<2048x1xf32> to vector<2048x256xf32>
    %mul3A_23 = arith.mulf %dot_general3A_18, %mul3A : vector<2048x256xf32>
    %swap3A_24 = arith.constant 0 : index
    %swap3A_25 = arith.constant 0 : index
    %swap3A_26 = vector.load %arg5[%swap3A_24, %swap3A_25] : memref<2048x256xf32, #tpu.memory_space<vmem>>, vector<2048x256xf32>
    tpu.vector_store %arg5[%swap3A_24, %swap3A_25], %mul3A_23 {strides = array<i32>} : memref<2048x256xf32, #tpu.memory_space<vmem>>, vector<2048x256xf32>,
    return
  }
  func.func @transform_0(%arg0: i32) -> (i32, i32) {
    %c0_i32 = arith.constant 0 : i32
    %c0_i32_0 = arith.constant 0 : i32
    return %c0_i32, %arg0 : i32, i32
  }
  func.func @transform_1(%arg0: i32) -> (i32, i32) {
    %c0_i32 = arith.constant 0 : i32
    %c0_i32_0 = arith.constant 0 : i32
    return %arg0, %c0_i32 : i32, i32
  }
  func.func @transform_2(%arg0: i32) -> (i32, i32) {
    %c0_i32 = arith.constant 0 : i32
    %c0_i32_0 = arith.constant 0 : i32
    %c0_i32_1 = arith.constant 0 : i32
    return %c0_i32, %c0_i32_0 : i32, i32
  }
  func.func @transform_3(%arg0: i32) -> (i32, i32) {
    %c0_i32 = arith.constant 0 : i32
    %c0_i32_0 = arith.constant 0 : i32
    return %arg0, %c0_i32 : i32, i32
  }
  func.func @transform_4(%arg0: i32) -> (i32, i32) {
    %c0_i32 = arith.constant 0 : i32
    %c0_i32_0 = arith.constant 0 : i32
    return %arg0, %c0_i32 : i32, i32
  }
}

</mosaic_0001>

<sc_bundles>
// kernel: kernel.4.cloned.1.call-start
scs
__scs_entry_jumppad:
0x0: {  	(pc) =	sbr.rel $0x88, $3  }
0x1: {  	(tag) =	ssettag $0x0;
	lr =	simm.s32 $0x1  }
0x2: {  	[smem:$0x3F93] =	sst lr;
	_ =	strace $0xD0000000  }
0x3: {  	_ = 	snop  }
0x4: {  	_ = 	snop  }
0x5: {  	_ = 	snop  }
0x6: {  	_ = 	snop  }
0x7: {  	_ = 	snop  }
__scs_overlays_trampoline_lowered:
0x8: {  	[smem:$0x3FA2] =	sst s0  }
0x9: {  	[smem:$0x3FA3] =	sst s1  }
0xa: {  	[smem:$0x3FA4] =	sst s2  }
0xb: {  	[smem:$0x3FA5] =	sst s3  }
0xc: {  	[smem:$0x3FA6] =	sst s4  }
0xd: {  	[smem:$0x3FA7] =	sst s5  }
0xe: {  	[smem:$0x3FA8] =	sst s6  }
0xf: {  	[smem:$0x3FA9] =	sst s7  }
0x10: {  	[smem:$0x3FAA] =	sst s8  }
0x11: {  	[smem:$0x3FAB] =	sst s9;
	s0 =	simm.s32 @!p0 $0x0  }
0x12: {  	s1 =	sld [smem:$0x3F91];
	s0 =	simm.s32 @p0 $0x1  }
0x13: {  	[smem:$0x3FAC] =	sst s0;
	s0 =	simm.s32 @!p1 $0x0  }
0x14: {  	s2 =	sld [smem:$0x3F90];
	s0 =	simm.s32 @p1 $0x1  }
0x15: {  	[smem:$0x3FAD] =	sst s0;
	s0 =	simm.s32 @!p2 $0x0  }
0x16: {  	s3 =	sld [smem:$0x3FDB];
	s0 =	simm.s32 @p2 $0x1  }
0x17: {  	s4 =	simm.s32 $0x1BF5;
	[smem:$0x3FAF] =	sst s0  }
0x18: {  	s0 =	sld [smem:$0x3F92];
	_ =	swait.ge [sflag:s4], $0x0  }
0x19: {  	s7 =	sld [smem:$0x3F93]  }
0x1a: {  	s8 =	sadd.s32 $0xFFFFE003, lr  }
0x1b: {  	s9 =	sadd.s32 $0xFFFFFEF7, lr;
	s5 =	simm.s32 $0xFFFFFFFF;
	p2 =	slt.u32 s8, $0xFFFFF086  }
0x1c: {  	p1 =	slt.u32 s9, $0xF7A;
	s5 =	simm.s32 @!p2 $0x0  }
0x1d: {  	s5 =	simm.s32 @p1 $0x1;
	p0 =	seq.s32 s7, s2  }
0x1e: {  	s7 =	smul.u32 @!p0 $0xF7A, s2;
	p2 =	seq.s32 @!p0 s5, $0x0  }
0x1f: {  	s9 =	smul.u32 $0xF7A, s1;
	s8 =	simm.s32 @!p0 $0x1BF5;
	p2 =	por !p2, p0  }
0x20: {  	[sflag:s8] =	ssyncset.s32 @!p0 $0xFFFFF086;
	s6 =	sadd.s32 @!p0 s3, s7;
	s7 =	simm.s32 @!p0 $0x108  }
0x21: {  	s3 =	sadd.s32 s3, s9;
	s6 =	sadd.s32 @!p0 $0x88, s6;
	s7 =	simm.s32 @p2 $0x1082  }
0x22: {  	[simem:s7], [sflag:s8] =	dma.local @!p0 [hbm:s6], $0xF7A  }
0x23: {  	s9 =	sor.u32 $0xD0000000, s2;
	s6 =	simm.s32 $0x108;
	_ =	swait.ge @!p0 [sflag:s8], $0x0  }
0x24: {  	s3 =	sadd.s32 $0x88, s3;
	s6 =	simm.s32 @!p1 $0x1082;
	[sflag:s4] =	ssyncset.s32 $0xFFFFF086  }
0x25: {  	[simem:s6], [sflag:s4] =	dma.local [hbm:s3], $0xF7A  }
0x26: {  	[smem:$0x3F93] =	sst s1;
	(tag) =	ssettag s2;
	_ =	strace s9  }
0x27: {  	s1 =	sld [smem:$0x3FA3]  }
0x28: {  	s2 =	sld [smem:$0x3FA4]  }
0x29: {  	s4 =	sld [smem:$0x3FA6]  }
0x2a: {  	p0 =	seq.s32 s5, $0x0;
	s5 =	sld [smem:$0x3FA7]  }
0x2b: {  	s6 =	sld [smem:$0x3FA8]  }
0x2c: {  	s7 =	sld [smem:$0x3FA9]  }
0x2d: {  	s3 =	simm.s32 $0x108;
	s8 =	sld [smem:$0x3FAA]  }
0x2e: {  	s3 =	simm.s32 @!p0 $0x1082;
	s9 =	sld [smem:$0x3FAB]  }
0x2f: {  	lr =	sadd.s32 s0, s3;
	s0 =	sld [smem:$0x3FA2]  }
0x30: {  	s3 =	sld [smem:$0x3FA5]  }
0x31: {  	[smem:$0x3FAE] =	sst s10  }
0x32: {  	s10 =	sld [smem:$0x3FAC];
	_ =	sdelay $0x3  }
0x33: {  	p0 =	seq.s32 s10, $0x1;
	s10 =	sld [smem:$0x3FAE];
	_ =	sdelay $0x3  }
0x34: {  	[smem:$0x3FAE] =	sst s10  }
0x35: {  	s10 =	sld [smem:$0x3FAD];
	_ =	sdelay $0x3  }
0x36: {  	p1 =	seq.s32 s10, $0x1;
	s10 =	sld [smem:$0x3FAE];
	_ =	sdelay $0x3  }
0x37: {  	[smem:$0x3FAE] =	sst s10  }
0x38: {  	s10 =	sld [smem:$0x3FAF]  }
0x39: {  	_ = 	snop;
	(pc) =	sbr.ind lr, $3  }
0x3a: {  	_ = 	snop  }
0x3b: {  	_ = 	snop  }
0x3c: {  	p2 =	seq.s32 s10, $0x1;
	s10 =	sld [smem:$0x3FAE]  }
0x3d: {  	_ =	shalt  }
0x3e: {  	_ =	shalt  }
0x3f: {  	_ =	shalt  }
0x40: {  	_ =	shalt  }
0x41: {  	_ =	shalt  }
0x42: {  	_ =	shalt  }
0x43: {  	_ =	shalt  }
0x44: {  	_ =	shalt  }
0x45: {  	_ =	shalt  }
0x46: {  	_ =	shalt  }
0x47: {  	_ =	shalt  }
0x48: {  	_ =	shalt  }
0x49: {  	_ =	shalt  }
0x4a: {  	_ =	shalt  }
0x4b: {  	_ =	shalt  }
0x4c: {  	_ =	shalt  }
0x4d: {  	_ =	shalt  }
0x4e: {  	_ =	shalt  }
0x4f: {  	_ =	shalt  }
0x50: {  	_ =	shalt  }
0x51: {  	_ =	shalt  }
0x52: {  	_ =	shalt  }
0x53: {  	_ =	shalt  }
0x54: {  	_ =	shalt  }
0x55: {  	_ =	shalt  }
0x56: {  	_ =	shalt  }
0x57: {  	_ =	shalt  }
0x58: {  	_ =	shalt  }
0x59: {  	_ =	shalt  }
0x5a: {  	_ =	shalt  }
0x5b: {  	_ =	shalt  }
0x5c: {  	_ =	shalt  }
0x5d: {  	_ =	shalt  }
0x5e: {  	_ =	shalt  }
0x5f: {  	_ =	shalt  }
0x60: {  	_ =	shalt  }
0x61: {  	_ =	shalt  }
0x62: {  	_ =	shalt  }
0x63: {  	_ =	shalt  }
0x64: {  	_ =	shalt  }
0x65: {  	_ =	shalt  }
0x66: {  	_ =	shalt  }
0x67: {  	_ =	shalt  }
0x68: {  	_ =	shalt  }
0x69: {  	_ =	shalt  }
0x6a: {  	_ =	shalt  }
0x6b: {  	_ =	shalt  }
0x6c: {  	_ =	shalt  }
0x6d: {  	_ =	shalt  }
0x6e: {  	_ =	shalt  }
0x6f: {  	_ =	shalt  }
0x70: {  	_ =	shalt  }
0x71: {  	_ =	shalt  }
0x72: {  	_ =	shalt  }
0x73: {  	_ =	shalt  }
0x74: {  	_ =	shalt  }
0x75: {  	_ =	shalt  }
0x76: {  	_ =	shalt  }
0x77: {  	_ =	shalt  }
0x78: {  	_ =	shalt  }
0x79: {  	_ =	shalt  }
0x7a: {  	_ =	shalt  }
0x7b: {  	_ =	shalt  }
0x7c: {  	_ =	shalt  }
0x7d: {  	_ =	shalt  }
0x7e: {  	_ =	shalt  }
0x7f: {  	_ =	shalt  }
0x80: {  	_ =	shalt  }
0x81: {  	_ =	shalt  }
0x82: {  	_ =	shalt  }
0x83: {  	_ =	shalt  }
0x84: {  	_ =	shalt  }
0x85: {  	_ =	shalt  }
0x86: {  	_ =	shalt  }
0x87: {  	_ =	shalt  }
.Lfunc_end0:
.L_simem_size_0:
called_computation.4_lowered:
.L_overlay_start_0:
0x88: {  	s2 =	sld [smem:$0x3FD9]  }
0x89: {  	s3 =	sld [smem:$0x3FFE];
	_ =	sdelay $0x1  }
0x8a: {  	s1 =	srdreg.scid  }
0x8b: {  	s0 =	sand.u32 $0x1, s1  }
0x8c: {  	s17 =	sshll.u32 s0, $0xA;
	s2 =	sadd.s32 s3, s2  }
0x8d: {  	s2 =	sadd.s32 s2, s17  }
0x8e: {  	[smem:$0x3FBA] =	sst s2  }
0x8f: {  	_ = 	snop  }
0x90: {  	s2 =	sld [smem:$0x3FC9]  }
0x91: {  	s18 =	sld [smem:$0x3FC7]  }
0x92: {  	s4 =	sld [smem:$0x3FC6]  }
0x93: {  	s5 =	sld [smem:$0x3FC4];
	(tm) =	ssettm $0x1  }
0x94: {  	s6 =	sld [smem:$0x3FFB];
	_ =	sdelay $0x3  }
0x95: {  	_ =	strace s6  }
0x96: {  	s6 =	sld [smem:$0x3FFC];
	_ =	sdelay $0x3  }
0x97: {  	_ =	strace s6  }
0x98: {  	s6 =	sld [smem:$0x3FFD];
	_ =	sdelay $0x3  }
0x99: {  	_ =	strace s6  }
0x9a: {  	_ =	strace $0x8FFFFFFF  }
0x9b: {  	s19 =	sld [smem:$0x3FDB];
	_ =	sdelay $0x1  }
0x9c: {  	s7 =	simm.s32 $_scs_section_size  }
0x9d: {  	s8 =	simm.s32 $_size__tile_overlayer_lowered;
	s9 =	simm.s32 $_tile_overlayer_lowered  }
0x9e: {  	s22 =	simm.s32 $0x1BFF;
	s21 =	sshll.u32 s9, $0x1;
	s6 =	sadd.s32 s7, s19  }
0x9f: {  	s10 =	simm.s32 $0x0;
	s20 =	sshll.u32 s8, $0x1;
	s8 =	sadd.s32 s21, s6  }
0xa0: {  	[timem:s10], [sflag:s22] =	dma.local [hbm:s8], s20  }
0xa1: {  	_ =	swait.ge [sflag:s22], s20  }
0xa2: {  	s7 =	ssub.s32 $0x0, s20;
	[sflag:s22] =	ssyncset.done $0x0  }
0xa3: {  	[sflag:s22] =	ssyncadd.s32 s7;
	_ =	sdelay $0x1  }
0xa4: {  	s23 =	simm.s32 $0x1B8B  }
0xa5: {  	_ =	swait.ge [sflag:s23], $0x1  }
0xa6: {  	[sflag:s23] =	ssyncset.done $0x0  }
0xa7: {  	s25 =	simm.s32 $0x1B8E;
	s24 =	sld [smem:$0x3FFE];
	[sflag:s23] =	ssyncadd.s32 $0xFFFFFFFF  }
0xa8: {  	s26 =	simm.s32 $execute0_lowered;
	[smem:$0x3FD2] =	sst s25  }
0xa9: {  	s8 =	sshll.u32 s26, $0x1;
	_ =	strace $0x80000046;
	[dreg:$0x1] =	wrdreg $0xFFFFFFFF  }
0xaa: {  	s28 =	simm.s32 $_size_execute0_lowered;
	s6 =	sadd.s32 s6, s8;
	[dreg:$0x0] =	wrdreg $0x0  }
0xab: {  	s8 =	sshll.u32 s28, $0x1;
	[dreg:$0x2] =	wrdreg s6  }
0xac: {  	[dreg:$0x3] =	wrdreg s8  }
0xad: {  	[dreg:$0x4] =	wrdreg $0xC0  }
0xae: {  	_ =	task [dreg:s10], $0x5FFFF  }
0xaf: {  	[dreg:$0x1] =	wrdreg $0xFFFFFFFF  }
0xb0: {  	[dreg:$0x0] =	wrdreg $0x60  }
0xb1: {  	[dreg:$0x2] =	wrdreg s5  }
0xb2: {  	[dreg:$0x3] =	wrdreg s2  }
0xb3: {  	[dreg:$0x4] =	wrdreg s4  }
0xb4: {  	[dreg:$0x5] =	wrdreg s24  }
0xb5: {  	[dreg:$0x6] =	wrdreg s18  }
0xb6: {  	[dreg:$0x7] =	wrdreg $0x54800  }
0xb7: {  	[dreg:$0x8] =	wrdreg $0x9  }
0xb8: {  	_ =	task.clear_ibuf [dreg:s10], $0x9FFFF;
	_ =	strace $0x90000046  }
0xb9: {  	s29 =	simm.s32 $0x9;
	_ =	strace $0x80000048  }
0xba: {  	_ =	swait.ge [sflag:s29], $0x1  }
0xbb: {  	[sflag:s29] =	ssyncadd.s32 $0xFFFFFFFF  }
0xbc: {  	_ =	strace $0x90000048  }
0xbd: {  	_ =	sfence  }
0xbe: {  	s30 =	sld [smem:$0x0];
	_ =	sdelay $0x2  }
0xbf: {  	s31 =	sshll.u32 s1, $0xD;
	s1 =	sshrl.u32 s1, $0x2  }
0xc0: {  	s3 =	sand.u32 $0x4000, s31;
	s1 =	sadd.s32 s1, s30  }
0xc1: {  	s0 =	sor.u32 s3, s0;
	s1 =	sshll.u32 s1, $0x11  }
0xc2: {  	s0 =	sor.u32 s1, s0  }
0xc3: {  	s0 =	sadd.s32 $0x8F2B, s0  }
0xc4: {  	[sflag:s0] =	ssyncadd.remote.s32 $0x1  }
0xc5: {  	_ =	sfence.sel $0xFFFF  }
0xc6: {  	[dreg:$0x0] =	wrdreg $0xFFFFFFFF;
	(pc) =	sbr.abs _section_cstart, $3  }
0xc7: {  	[dreg:$0x1] =	wrdreg $0xFFFFFFFF  }
0xc8: {  	_ =	task.clear_ibuf [dreg:s10], $0x2FFFF;
	_ =	strace $0x9FFFFFFF  }
0xc9: {  	(tm) =	ssettm $0x7FFFFFFF  }
tec
execute0_lowered:
.L_overlay_start_1:
0x0: {  	(tag) =	ssettag $0x1  }
0x1: {  	s0 =	rddreg [dreg:$0x0]  }
0x2: {  	s1 =	rddreg [dreg:$0x3];
	s2 =	srdreg.scid  }
0x3: {  	s6 =	stileid.u32;
	s3 =	rddreg [dreg:$0x4]  }
0x4: {  	s5 =	rddreg [dreg:$0x5];
	s15 =	simm.s32 $0x0;
	s16 =	simm.s32 $0x2  }
0x5: {  	s17 =	simm.s32 $0x5100;
	s18 =	simm.s32 $0x5180;
	s19 =	simm.s32 $0x28  }
0x6: {  	s21 =	simm.s32 $0x100;
	s28 =	simm.s32 $0x3100;
	s4 =	smul.u32 $0x280, s6  }
0x7: {  	s29 =	simm.s32 $0x3900;
	s2 =	sand.u32 $0x1, s2;
	s8 =	smul.u32 $0xFFFFFEC0, s6  }
0x8: {  	s30 =	simm.s32 $0x4100;
	[smem:$0x7FF] =	sst s15;
	s7 =	smul.u32 $0x2800, s2  }
0x9: {  	s31 =	simm.s32 $0x4900;
	s10 =	smul.u32 $0xFFFFEC00, s2;
	_ =	strace $0x80000047  }
0xa: {  	v0 =	vimm.f32 $1.000000000e+03;
	s22 =	ssub.s32 $0x2, s2;
	s12 =	smul.u32 $0x13880, s2;
	s2 =	sshll.u32 s2, $0x4  }
0xb: {  	s13 =	smul.u32 $0x1388, s6;
	s23 =	sshrl.u32 s22, $0x1;
	s2 =	sor.u32 s6, s2;
	(erf) = vrcp.f32 v0  }
0xc: {  	s6 =	sadd.s32 s4, s5;
	s9 =	sadd.s32 s4, s7;
	s7 =	sadd.s32 $0x5A00, s1  }
0xd: {  	s8 =	sadd.s32 s10, s8;
	s10 =	ssub.s32 s22, s23;
	s24 =	sadd.s32 s13, s12  }
0xe: {  	s4 =	simm.s32 $0x1;
	[dreg:$0x7] =	wrdreg s6;
	s9 =	sshrl.u32 s9, $0x3  }
0xf: {  	s8 =	sadd.s32 $0x2710, s8;
	s26 =	smax.u32 s10, $0x1;
	s10 =	simm.s32 $0x0  }
0x10: {  	s11 =	sadd.s32 s9, s1;
	s8 =	smin.u32 s8, $0x140;
	s9 =	smul.u32 $0x140, s2  }
0x11: {  	s2 =	sshrl.u32 s24, $0x3;
	[dreg:$0x9] =	wrdreg s26;
	s26 =	simm.s32 $0x2900  }
0x12: {  	v4 =	vlaneseq.u32;
	s8 =	smul.u32 $0x334, s8;
	s25 =	sadd.s32 $0x5000, s11;
	s13 =	sadd.s32 s2, s3  }
0x13: {  	vm0 =	vmmov $0xffff;
	v1 =	vand.u32 $0x7, v4;
	v3 =	vshrl.u32 v4, $0x3;
	s14 =	sadd.s32 s2, s1;
	s2 =	simm.s32 $0x5200;
	s3 =	simm.s32 $0x0  }
0x14: {  	v4 =	vor.u32 $0x8, v4;
	v3 =	vmul.u32 $0x8, v3;
	v0 =	vimm.f32 $0.0e+00;
	[dreg:$0x8] =	wrdreg s25;
	s25 =	simm.s32 $0x2100;
	s11 =	sshrl.u32 s8, $0x10;
	v2 =	vpop (erf)  }
.LBB2_1:
0x15: {  	[tilespmem:$0x5200] =	vst v0  }
0x16: {  	[tilespmem:$0x5210] =	vst v0  }
0x17: {  	[tilespmem:$0x5220] =	vst v0  }
0x18: {  	[tilespmem:$0x5230] =	vst v0  }
0x19: {  	[tilespmem:$0x5240] =	vst v0  }
0x1a: {  	[tilespmem:$0x5250] =	vst v0  }
0x1b: {  	[tilespmem:$0x5260] =	vst v0  }
0x1c: {  	[tilespmem:$0x5270] =	vst v0  }
0x1d: {  	[tilespmem:$0x5280] =	vst v0  }
0x1e: {  	[tilespmem:$0x5290] =	vst v0  }
0x1f: {  	[tilespmem:$0x52A0] =	vst v0  }
0x20: {  	[tilespmem:$0x52B0] =	vst v0  }
0x21: {  	[tilespmem:$0x52C0] =	vst v0  }
0x22: {  	[tilespmem:$0x52D0] =	vst v0  }
0x23: {  	[tilespmem:$0x52E0] =	vst v0  }
0x24: {  	[tilespmem:$0x52F0] =	vst v0  }
0x25: {  	[tilespmem:$0x5300] =	vst v0  }
0x26: {  	[tilespmem:$0x5310] =	vst v0  }
0x27: {  	[tilespmem:$0x5320] =	vst v0  }
0x28: {  	[tilespmem:$0x5330] =	vst v0  }
0x29: {  	[tilespmem:$0x5340] =	vst v0  }
0x2a: {  	[tilespmem:$0x5350] =	vst v0  }
0x2b: {  	[tilespmem:$0x5360] =	vst v0  }
0x2c: {  	[tilespmem:$0x5370] =	vst v0  }
0x2d: {  	[tilespmem:$0x5380] =	vst v0  }
0x2e: {  	[tilespmem:$0x5390] =	vst v0  }
0x2f: {  	[tilespmem:$0x53A0] =	vst v0  }
0x30: {  	[tilespmem:$0x53B0] =	vst v0  }
0x31: {  	[tilespmem:$0x53C0] =	vst v0  }
0x32: {  	[tilespmem:$0x53D0] =	vst v0  }
0x33: {  	[tilespmem:$0x53E0] =	vst v0  }
0x34: {  	[tilespmem:$0x53F0] =	vst v0  }
0x35: {  	[tilespmem:$0x5400] =	vst v0  }
0x36: {  	[tilespmem:$0x5410] =	vst v0  }
0x37: {  	[tilespmem:$0x5420] =	vst v0  }
0x38: {  	[tilespmem:$0x5430] =	vst v0  }
0x39: {  	[tilespmem:$0x5440] =	vst v0  }
0x3a: {  	[tilespmem:$0x5450] =	vst v0  }
0x3b: {  	[tilespmem:$0x5460] =	vst v0  }
0x3c: {  	[dreg:$0xa] =	wrdreg s3;
	[tilespmem:$0x5470] =	vst v0  }
0x3d: {  	[spmem:s6] =	stream.linear.scatter [tilespmem:s2], [sflag:$0x2], $0x280, $0x38;
	[tilespmem:$0x5700] =	vst v63  }
0x3e: {  	_ =	swait.ge [sflag:s16], $0x280  }
0x3f: {  	[sflag:s16] =	ssyncset.done $0x0  }
0x40: {  	[sflag:s16] =	ssyncadd.s32 $0xFFFFFD80  }
0x41: {  	s1 =	sadd.s32 $0x0, s14;
	[bflag:$0x0] =	sbarrier.arrive $0xFFFF  }
0x42: {  	[tilespmem:s17], [sflag:$0x2] =	stream.linear.gather [hbm4b:s1+s15], $0x28, $0x38;
	[tilespmem:$0x5700] =	vst v63  }
0x43: {  	_ =	swait.ge [sflag:s16], $0x28  }
0x44: {  	[sflag:s16] =	ssyncset.done $0x0  }
0x45: {  	s24 =	sadd.s32 $0x0, s13;
	[sflag:s16] =	ssyncadd.s32 $0xFFFFFFD8  }
0x46: {  	[tilespmem:s18], [sflag:$0x2] =	stream.linear.gather [hbm4b:s24+s15], $0x28, $0x38;
	[tilespmem:$0x5700] =	vst v63  }
0x47: {  	_ =	swait.ge [sflag:s16], $0x28  }
0x48: {  	[sflag:s16] =	ssyncset.done $0x0  }
0x49: {  	[sflag:s16] =	ssyncadd.s32 $0xFFFFFFD8  }
0x4a: {  	[spmem:s5] =	stream.indirect.scatter.add.f32 [tilespmem:s18], [sflag:$0x2], $0x1, s17, s19, $0xb8;
	[tilespmem:$0x5700] =	vst v63  }
0x4b: {  	s3 =	sadd.s32 $0x5, s14;
	_ =	swait.ge [sflag:s16], $0x28  }
0x4c: {  	s2 =	simm.s32 $0xA;
	s1 =	simm.s32 $0x5;
	[sflag:s16] =	ssyncset.done $0x0  }
.LBB2_2:
0x4d: {  	s8 =	sadd.s32 s2, s14;
	[sflag:s16] =	ssyncadd.s32 $0xFFFFFFD8;
	s12 =	smov.u32 s2  }
0x4e: {  	[tilespmem:s17], [sflag:$0x2] =	stream.linear.gather [hbm4b:s3+s10], $0x28, $0x38;
	[tilespmem:$0x5700] =	vst v63  }
0x4f: {  	p0 =	sne.s32 s2, $0x26C;
	s2 =	sadd.s32 $0x5, s2;
	_ =	swait.ge [sflag:s16], $0x28  }
0x50: {  	s3 =	smov.u32 s8;
	[sflag:s16] =	ssyncset.done $0x0  }
0x51: {  	s8 =	sadd.s32 s1, s13;
	s1 =	smov.u32 s12;
	[sflag:s16] =	ssyncadd.s32 $0xFFFFFFD8  }
0x52: {  	[tilespmem:s18], [sflag:$0x2] =	stream.linear.gather [hbm4b:s8+s10], $0x28, $0x38;
	[tilespmem:$0x5700] =	vst v63  }
0x53: {  	_ =	swait.ge [sflag:s16], $0x28  }
.Ltmp0:
0x54: {  	[sflag:s16] =	ssyncset.done $0x0;
	(pc) =	sbr.rel @p0 .LBB2_2-.Ltmp0, $4  }
0x55: {  	[sflag:s16] =	ssyncadd.s32 $0xFFFFFFD8  }
0x56: {  	[spmem:s5] =	stream.indirect.scatter.add.f32 [tilespmem:s18], [sflag:$0x2], $0x1, s17, s19, $0xb8;
	[tilespmem:$0x5700] =	vst v63  }
0x57: {  	_ =	swait.ge [sflag:s16], $0x28  }
0x58: {  	[sflag:s16] =	ssyncset.done $0x0  }
0x59: {  	[sflag:s16] =	ssyncadd.s32 $0xFFFFFFD8  }
0x5a: {  	[tilespmem:s17], [sflag:$0x2] =	stream.linear.gather [hbm4b:s3+s10], $0x28, $0x38;
	[tilespmem:$0x5700] =	vst v63  }
0x5b: {  	_ =	swait.ge [sflag:s16], $0x28  }
0x5c: {  	[sflag:s16] =	ssyncset.done $0x0  }
0x5d: {  	s1 =	sadd.s32 s1, s13;
	[sflag:s16] =	ssyncadd.s32 $0xFFFFFFD8  }
0x5e: {  	[tilespmem:s18], [sflag:$0x2] =	stream.linear.gather [hbm4b:s1+s10], $0x28, $0x38;
	[tilespmem:$0x5700] =	vst v63  }
0x5f: {  	_ =	swait.ge [sflag:s16], $0x28  }
0x60: {  	[sflag:s16] =	ssyncset.done $0x0  }
0x61: {  	[sflag:s16] =	ssyncadd.s32 $0xFFFFFFD8  }
0x62: {  	[spmem:s5] =	stream.indirect.scatter.add.f32 [tilespmem:s18], [sflag:$0x2], $0x1, s17, s19, $0xb8;
	[tilespmem:$0x5700] =	vst v63  }
0x63: {  	_ =	swait.ge [sflag:s16], $0x28  }
0x64: {  	[sflag:s16] =	ssyncset.done $0x0  }
0x65: {  	s12 =	simm.s32 $0x0;
	[sflag:s16] =	ssyncadd.s32 $0xFFFFFFD8  }
.LBB2_4:
0x66: {  	s1 =	smul.u32 $0x50, s12;
	_ =	sdelay $0x1  }
0x67: {  	s15 =	sadd.s32 s9, s1  }
0x68: {  	s2 =	rddreg [dreg:$0x1];
	s1 =	sshrl.u32 s15, $0x3  }
0x69: {  	s2 =	sadd.s32 s2, s1  }
0x6a: {  	[tilespmem:s10], [sflag:$0x2] =	stream.linear.gather [hbm4b:s2+s10], $0x50, $0x38;
	[tilespmem:$0x5700] =	vst v63  }
0x6b: {  	_ =	swait.ge [sflag:s16], $0x50  }
0x6c: {  	[sflag:s16] =	ssyncset.done $0x0  }
0x6d: {  	[sflag:s16] =	ssyncadd.s32 $0xFFFFFFB0  }
0x6e: {  	s24 =	rddreg [dreg:$0x2]  }
0x6f: {  	s3 =	simm.s32 $0x80;
	s1 =	sadd.s32 s24, s1  }
0x70: {  	[tilespmem:s3], [sflag:$0x2] =	stream.linear.gather [hbm4b:s1+s10], $0x50, $0x38;
	[tilespmem:$0x5700] =	vst v63  }
0x71: {  	_ =	swait.ge [sflag:s16], $0x50  }
0x72: {  	[sflag:s16] =	ssyncset.done $0x0  }
0x73: {  	[sflag:s16] =	ssyncadd.s32 $0xFFFFFFB0  }
0x74: {  	v5 =	vld [tilespmem:$0x0];
	_ =	sdelay $0x4  }
0x75: {  	v6 =	vshll.u32 v5, $0x1  }
0x76: {  	v5 =	vand.u32 $0x7, v5;
	v6 =	vand.u32 $0xFFFFFFF0, v6  }
0x77: {  	v5 =	vor.u32 v5, v6  }
0x78: {  	v6 =	vperm.xlane v5, v1;
	_ =	sdelay $0x1  }
0x79: {  	v5 =	vperm.xlane v5, v4;
	v6 =	vadd.s32 v3, v6;
	_ =	sdelay $0x1  }
0x7a: {  	v5 =	vadd.s32 v3, v5;
	_ =	sdelay $0x2  }
0x7b: {  	[tilespmem:s21], [sflag:$0x1] =	stream.indirect_vreg.gather [hbm4b:s0+s10], $0x80, v6, vm0, $0xb8;
	[tilespmem:$0x5700] =	vst v63  }
0x7c: {  	s6 =	simm.s32 $0x900  }
0x7d: {  	[tilespmem:s6], [sflag:$0x1] =	stream.indirect_vreg.gather [hbm4b:s0+s10], $0x80, v5, vm0, $0xb8;
	[tilespmem:$0x5700] =	vst v63  }
0x7e: {  	v5 =	vld [tilespmem:$0x10];
	_ =	sdelay $0x4  }
0x7f: {  	v6 =	vshll.u32 v5, $0x1  }
0x80: {  	v5 =	vand.u32 $0x7, v5;
	v6 =	vand.u32 $0xFFFFFFF0, v6  }
0x81: {  	v5 =	vor.u32 v5, v6  }
0x82: {  	v6 =	vperm.xlane v5, v1;
	_ =	sdelay $0x1  }
0x83: {  	v5 =	vperm.xlane v5, v4;
	v6 =	vadd.s32 v3, v6;
	_ =	sdelay $0x1  }
0x84: {  	v5 =	vadd.s32 v3, v5;
	_ =	sdelay $0x1  }
0x85: {  	s8 =	simm.s32 $0x1100  }
0x86: {  	[tilespmem:s8], [sflag:$0x1] =	stream.indirect_vreg.gather [hbm4b:s0+s10], $0x80, v6, vm0, $0xb8;
	[tilespmem:$0x5700] =	vst v63  }
0x87: {  	s20 =	simm.s32 $0x1900  }
0x88: {  	[tilespmem:s20], [sflag:$0x1] =	stream.indirect_vreg.gather [hbm4b:s0+s10], $0x80, v5, vm0, $0xb8;
	[tilespmem:$0x5700] =	vst v63  }
0x89: {  	v5 =	vld [tilespmem:$0x20];
	_ =	sdelay $0x4  }
0x8a: {  	v6 =	vshll.u32 v5, $0x1  }
0x8b: {  	v5 =	vand.u32 $0x7, v5;
	v6 =	vand.u32 $0xFFFFFFF0, v6  }
0x8c: {  	v5 =	vor.u32 v5, v6  }
0x8d: {  	v6 =	vperm.xlane v5, v1;
	_ =	sdelay $0x1  }
0x8e: {  	v5 =	vperm.xlane v5, v4;
	v6 =	vadd.s32 v3, v6;
	_ =	sdelay $0x1  }
0x8f: {  	v5 =	vadd.s32 v3, v5;
	_ =	sdelay $0x2  }
0x90: {  	[tilespmem:s25], [sflag:$0x1] =	stream.indirect_vreg.gather [hbm4b:s0+s10], $0x80, v6, vm0, $0xb8;
	[tilespmem:$0x5700] =	vst v63  }
0x91: {  	_ = 	snop  }
0x92: {  	[tilespmem:s26], [sflag:$0x1] =	stream.indirect_vreg.gather [hbm4b:s0+s10], $0x80, v5, vm0, $0xb8;
	[tilespmem:$0x5700] =	vst v63  }
0x93: {  	v5 =	vld [tilespmem:$0x30];
	_ =	sdelay $0x4  }
0x94: {  	v6 =	vshll.u32 v5, $0x1  }
0x95: {  	v5 =	vand.u32 $0x7, v5;
	v6 =	vand.u32 $0xFFFFFFF0, v6  }
0x96: {  	v5 =	vor.u32 v5, v6  }
0x97: {  	v6 =	vperm.xlane v5, v1;
	_ =	sdelay $0x1  }
0x98: {  	v5 =	vperm.xlane v5, v4;
	v6 =	vadd.s32 v3, v6;
	_ =	sdelay $0x1  }
0x99: {  	v5 =	vadd.s32 v3, v5;
	_ =	sdelay $0x2  }
0x9a: {  	[tilespmem:s28], [sflag:$0x1] =	stream.indirect_vreg.gather [hbm4b:s0+s10], $0x80, v6, vm0, $0xb8;
	[tilespmem:$0x5700] =	vst v63  }
0x9b: {  	_ = 	snop  }
0x9c: {  	[tilespmem:s29], [sflag:$0x1] =	stream.indirect_vreg.gather [hbm4b:s0+s10], $0x80, v5, vm0, $0xb8;
	[tilespmem:$0x5700] =	vst v63  }
0x9d: {  	v5 =	vld [tilespmem:$0x40];
	_ =	sdelay $0x4  }
0x9e: {  	v6 =	vshll.u32 v5, $0x1  }
0x9f: {  	v5 =	vand.u32 $0x7, v5;
	v6 =	vand.u32 $0xFFFFFFF0, v6  }
0xa0: {  	v5 =	vor.u32 v5, v6  }
0xa1: {  	v6 =	vperm.xlane v5, v1;
	_ =	sdelay $0x1  }
0xa2: {  	v5 =	vperm.xlane v5, v4;
	v6 =	vadd.s32 v3, v6;
	_ =	sdelay $0x1  }
0xa3: {  	v5 =	vadd.s32 v3, v5;
	_ =	sdelay $0x2  }
0xa4: {  	[tilespmem:s30], [sflag:$0x1] =	stream.indirect_vreg.gather [hbm4b:s0+s10], $0x80, v6, vm0, $0xb8;
	[tilespmem:$0x5700] =	vst v63  }
0xa5: {  	_ = 	snop  }
0xa6: {  	[tilespmem:s31], [sflag:$0x1] =	stream.indirect_vreg.gather [hbm4b:s0+s10], $0x80, v5, vm0, $0xb8;
	[tilespmem:$0x5700] =	vst v63  }
0xa7: {  	_ =	swait.ge [sflag:s4], $0x5000  }
0xa8: {  	s22 =	sand.u32 $0x7800, s10;
	s23 =	sand.u32 $0x380, s10;
	[sflag:s4] =	ssyncset.done $0x0  }
0xa9: {  	s8 =	sor.u32 s23, s22;
	[sflag:s4] =	ssyncadd.s32 $0xFFFFB000  }
0xaa: {  	v6 =	vld [tilespmem:s8+$0x540]  }
0xab: {  	v5 =	vld [tilespmem:s8+$0x560]  }
0xac: {  	p0 =	por $0x1, $0x1;
	v7 =	vld [tilespmem:s8+$0x170]  }
.Ltmp1:
0xad: {  	s24 =	sand.u32 $0x1C0, s10;
	v9 =	vld [tilespmem:s8+$0x570];
	(pc) =	sbr.rel @!p0 .LBB2_6-.Ltmp1, $4  }
0xae: {  	s1 =	sshrl.u32 s24, $0x2;
	v8 =	vld [tilespmem:s8+$0x150]  }
0xaf: {  	v12 =	vld [tilespmem:s1+$0x80]  }
0xb0: {  	s2 =	simm.s32 $0x0;
	s3 =	simm.s32 $0x0;
	v11 =	vld [tilespmem:s8+$0x110]  }
0xb1: {  	s22 =	simm.s32 $0x0;
	s20 =	simm.s32 $0x0;
	s1 =	simm.s32 $0x1;
	v10 =	vld [tilespmem:s8+$0x120]  }
.LBB2_5:
0xb2: {  	v13 =	vld [tilespmem:s8+$0x500];
	s2 =	sadd.s32 $0x80, s2;
	s3 =	sadd.s32 $0x100, s3;
	s20 =	sadd.s32 $0x4, s20  }
0xb3: {  	p0 =	sne.s32 s1, $0x4F;
	v14 =	vmov s22;
	s22 =	smov.u32 s1;
	s1 =	sadd.s32 $0x1, s1;
	v15 =	vld [tilespmem:s8+$0x510]  }
0xb4: {  	v12 =	vperm.xlane v12, v14;
	v14 =	vld [tilespmem:s8+$0x530]  }
0xb5: {  	v16 =	vld [tilespmem:s8+$0x100]  }
0xb6: {  	v12 =	vmul.f32 v12, v2;
	v17 =	vld [tilespmem:s8+$0x130]  }
0xb7: {  	v18 =	vld [tilespmem:s8+$0x140]  }
0xb8: {  	v19 =	vld [tilespmem:s8+$0x160];
	v13 =	vmul.f32 v13, v12;
	v15 =	vmul.f32 v15, v12  }
0xb9: {  	v11 =	vmul.f32 v11, v12;
	v20 =	vld [tilespmem:s8+$0x520];
	v14 =	vmul.f32 v14, v12  }
0xba: {  	v9 =	vmul.f32 v9, v12;
	v16 =	vmul.f32 v12, v16;
	[tilespmem:s8+$0x500] =	vst v13;
	v13 =	vld [tilespmem:s8+$0x550]  }
0xbb: {  	v10 =	vmul.f32 v10, v12;
	v17 =	vmul.f32 v17, v12;
	[tilespmem:s8+$0x530] =	vst v14  }
0xbc: {  	v8 =	vmul.f32 v8, v12;
	[tilespmem:s8+$0x110] =	vst v11;
	v11 =	vmul.f32 v18, v12  }
0xbd: {  	v7 =	vmul.f32 v7, v12;
	[tilespmem:s8+$0x120] =	vst v10;
	v10 =	vmul.f32 v19, v12  }
0xbe: {  	v6 =	vmul.f32 v6, v12;
	v14 =	vmul.f32 v20, v12;
	[tilespmem:s8+$0x570] =	vst v9  }
0xbf: {  	v5 =	vmul.f32 v5, v12;
	[tilespmem:s8+$0x150] =	vst v8;
	v8 =	vmul.f32 v13, v12  }
0xc0: {  	s23 =	sand.u32 $0x1C0, s20;
	[tilespmem:s8+$0x170] =	vst v7  }
0xc1: {  	s6 =	sand.u32 $0x7800, s3;
	s24 =	sand.u32 $0x380, s2;
	s23 =	sshrl.u32 s23, $0x2;
	[tilespmem:s8+$0x510] =	vst v15  }
0xc2: {  	s6 =	sor.u32 s24, s6;
	[tilespmem:s8+$0x540] =	vst v6  }
0xc3: {  	[tilespmem:s8+$0x130] =	vst v17  }
0xc4: {  	[tilespmem:s8+$0x560] =	vst v5  }
0xc5: {  	v6 =	vld [tilespmem:s6+$0x540];
	[tilespmem:s8+$0x550] =	vst v8  }
0xc6: {  	v5 =	vld [tilespmem:s6+$0x560];
	[tilespmem:s8+$0x100] =	vst v16  }
0xc7: {  	v7 =	vld [tilespmem:s6+$0x170];
	[tilespmem:s8+$0x140] =	vst v11  }
.Ltmp2:
0xc8: {  	v9 =	vld [tilespmem:s6+$0x570];
	[tilespmem:s8+$0x160] =	vst v10;
	(pc) =	sbr.rel @p0 .LBB2_5-.Ltmp2, $4  }
0xc9: {  	v8 =	vld [tilespmem:s6+$0x150];
	[tilespmem:s8+$0x520] =	vst v14;
	s8 =	smov.u32 s6  }
0xca: {  	v12 =	vld [tilespmem:s23+$0x80]  }
0xcb: {  	v11 =	vld [tilespmem:s8+$0x110]  }
0xcc: {  	v10 =	vld [tilespmem:s8+$0x120]  }
.LBB2_6:
0xcd: {  	_ = 	snop  }
0xce: {  	v13 =	vld [tilespmem:s8+$0x500];
	v14 =	vmov s22  }
0xcf: {  	v60 =	vld [tilespmem:s8+$0x530];
	v12 =	vperm.xlane v12, v14;
	_ =	sdelay $0x1  }
0xd0: {  	v12 =	vmul.f32 v12, v2;
	_ =	sdelay $0x1  }
0xd1: {  	v13 =	vmul.f32 v13, v12  }
0xd2: {  	v14 =	vmul.f32 v60, v12  }
0xd3: {  	v15 =	vld [tilespmem:s8+$0x510];
	v11 =	vmul.f32 v11, v12;
	[tilespmem:s8+$0x500] =	vst v13  }
0xd4: {  	v10 =	vmul.f32 v10, v12;
	[tilespmem:s8+$0x530] =	vst v14  }
0xd5: {  	v9 =	vmul.f32 v9, v12;
	[tilespmem:s8+$0x110] =	vst v11  }
0xd6: {  	v17 =	vld [tilespmem:s8+$0x130];
	v8 =	vmul.f32 v8, v12;
	[tilespmem:s8+$0x120] =	vst v10  }
0xd7: {  	v61 =	vld [tilespmem:s8+$0x550];
	v7 =	vmul.f32 v7, v12;
	[tilespmem:s8+$0x570] =	vst v9  }
0xd8: {  	v19 =	vld [tilespmem:s8+$0x140];
	v63 =	vmul.f32 v15, v12;
	[tilespmem:s8+$0x150] =	vst v8  }
0xd9: {  	v16 =	vld [tilespmem:s8+$0x100];
	v6 =	vmul.f32 v6, v12;
	[tilespmem:s8+$0x170] =	vst v7  }
0xda: {  	v62 =	vld [tilespmem:s8+$0x160];
	v5 =	vmul.f32 v5, v12;
	[tilespmem:s8+$0x510] =	vst v63  }
0xdb: {  	v18 =	vld [tilespmem:s8+$0x520];
	v7 =	vmul.f32 v17, v12;
	[tilespmem:s8+$0x540] =	vst v6  }
0xdc: {  	v6 =	vmul.f32 v61, v12;
	[tilespmem:s8+$0x560] =	vst v5  }
0xdd: {  	v5 =	vmul.f32 v19, v12;
	[tilespmem:s8+$0x130] =	vst v7  }
0xde: {  	v7 =	vmul.f32 v12, v16;
	[tilespmem:s8+$0x550] =	vst v6  }
0xdf: {  	v6 =	vmul.f32 v62, v12;
	[tilespmem:s8+$0x140] =	vst v5  }
0xe0: {  	s12 =	sadd.s32 $0x1, s12;
	[tilespmem:s8+$0x100] =	vst v7;
	v7 =	vmul.f32 v18, v12  }
0xe1: {  	s1 =	sshll.u32 s15, $0x5;
	p0 =	sne.s32 s12, s11;
	[tilespmem:s8+$0x160] =	vst v6  }
.Ltmp3:
0xe2: {  	s15 =	simm.s32 $0x0;
	s1 =	sadd.s32 s7, s1;
	[tilespmem:s8+$0x520] =	vst v7;
	(pc) =	sbr.rel @p0 .LBB2_4-.Ltmp3, $4  }
0xe3: {  	[hbm4b:s1+s15] =	stream.linear.scatter [tilespmem:s21], [sflag:$0x2], $0x5000, $0x38;
	[tilespmem:$0x5700] =	vst v63  }
0xe4: {  	_ =	swait.ge [sflag:s16], $0x5000  }
0xe5: {  	[sflag:s16] =	ssyncset.done $0x0  }
0xe6: {  	[sflag:s16] =	ssyncadd.s32 $0xFFFFB000  }
0xe7: {  	[bflag:$0x0] =	sbarrier.arrive $0xFFFF  }
0xe8: {  	s2 =	simm.s32 $0x5200;
	s6 =	rddreg [dreg:$0x7]  }
0xe9: {  	[tilespmem:s2], [sflag:$0x2] =	stream.linear.gather [spmem:s6], $0x280, $0x38;
	[tilespmem:$0x5700] =	vst v63  }
0xea: {  	_ =	swait.ge [sflag:s16], $0x280  }
0xeb: {  	[sflag:s16] =	ssyncset.done $0x0  }
0xec: {  	s1 =	rddreg [dreg:$0x8];
	[sflag:s16] =	ssyncadd.s32 $0xFFFFFD80  }
0xed: {  	[hbm4b:s1+s15] =	stream.linear.scatter [tilespmem:s2], [sflag:$0x2], $0x280, $0x38;
	[tilespmem:$0x5700] =	vst v63  }
0xee: {  	_ =	swait.ge [sflag:s16], $0x280  }
0xef: {  	s3 =	rddreg [dreg:$0xa]  }
0xf0: {  	s24 =	rddreg [dreg:$0x9];
	s3 =	sadd.s32 $0x1, s3  }
0xf1: {  	p0 =	sne.s32 s3, s24  }
.Ltmp4:
0xf2: {  	_ = 	snop;
	(pc) =	sbr.rel @p0 .LBB2_1-.Ltmp4, $3  }
0xf3: {  	_ =	sdelay $0x1  }
0xf4: {  	[sflag:s16] =	ssyncset.done $0x0  }
0xf5: {  	[sflag:s16] =	ssyncadd.s32 $0xFFFFFD80  }
0xf6: {  	_ =	sfence.sel $0x180000  }
0xf7: {  	[bflag:$0x0] =	sbarrier.arrive $0xFFFF  }
0xf8: {  	_ =	strace $0x90000047  }
0xf9: {  	s0 =	stileid.u32;
	[bflag:$0x2] =	sbarrier.arrive $0xFFFF  }
0xfa: {  	p0 =	sne.s32 s0, $0x0;
	s0 =	rddreg [dreg:$0x6]  }
0xfb: {  	s0 =	sadd.s32 @!p0 $0x100000, s0  }
0xfc: {  	[sflag:s0] =	ssyncadd.tile.s32 @!p0 $0x1;
	_ =	shalt  }
.Lfunc_end2:
_tile_overlayer_lowered:
.L_overlay_start_2:
0xfd: {  	(tag) =	ssettag $0x2  }
0xfe: {  	s0 =	rddreg [dreg:$0x0];
	s2 =	stileid.u32  }
0xff: {  	s1 =	rddreg [dreg:$0x1];
	p0 =	sne.s32 s2, $0x0  }
0x100: {  	s3 =	rddreg [dreg:$0x2];
	[bflag:$0x3] =	sbarrier.arrive $0xFFFF;
	s2 =	simm.s32 @!p0 $0x1C02  }
0x101: {  	[timem:s3], [sflag:s2] =	dma.local @!p0 [hbm:s0], s1  }
0x102: {  	s0 =	simm.s32 @!p0 $0x2  }
0x103: {  	_ =	swait.ge @!p0 [sflag:s0], s1  }
0x104: {  	s1 =	ssub.s32 @!p0 $0x0, s1;
	[sflag:s0] =	ssyncset.done @!p0 $0x0  }
0x105: {  	[sflag:s0] =	ssyncadd.s32 @!p0 s1  }
0x106: {  	[bflag:$0x3] =	sbarrier.arrive $0xFFFF  }
0x107: {  	_ =	shalt  }

// kernel: scatter_offload_async_start.1
scs
__scs_entry_jumppad:
0x0: {  	(pc) =	sbr.rel $0x88, $3  }
0x1: {  	(tag) =	ssettag $0x0;
	lr =	simm.s32 $0x1  }
0x2: {  	[smem:$0x3F93] =	sst lr;
	_ =	strace $0xD0000000  }
0x3: {  	_ = 	snop  }
0x4: {  	_ = 	snop  }
0x5: {  	_ = 	snop  }
0x6: {  	_ = 	snop  }
0x7: {  	_ = 	snop  }
__scs_overlays_trampoline_lowered:
0x8: {  	[smem:$0x3FA2] =	sst s0  }
0x9: {  	[smem:$0x3FA3] =	sst s1  }
0xa: {  	[smem:$0x3FA4] =	sst s2  }
0xb: {  	[smem:$0x3FA5] =	sst s3  }
0xc: {  	[smem:$0x3FA6] =	sst s4  }
0xd: {  	[smem:$0x3FA7] =	sst s5  }
0xe: {  	[smem:$0x3FA8] =	sst s6  }
0xf: {  	[smem:$0x3FA9] =	sst s7  }
0x10: {  	[smem:$0x3FAA] =	sst s8  }
0x11: {  	[smem:$0x3FAB] =	sst s9;
	s0 =	simm.s32 @!p0 $0x0  }
0x12: {  	s1 =	sld [smem:$0x3F91];
	s0 =	simm.s32 @p0 $0x1  }
0x13: {  	[smem:$0x3FAC] =	sst s0;
	s0 =	simm.s32 @!p1 $0x0  }
0x14: {  	s2 =	sld [smem:$0x3F90];
	s0 =	simm.s32 @p1 $0x1  }
0x15: {  	[smem:$0x3FAD] =	sst s0;
	s0 =	simm.s32 @!p2 $0x0  }
0x16: {  	s3 =	sld [smem:$0x3FDB];
	s0 =	simm.s32 @p2 $0x1  }
0x17: {  	s4 =	simm.s32 $0x1BF5;
	[smem:$0x3FAF] =	sst s0  }
0x18: {  	s0 =	sld [smem:$0x3F92];
	_ =	swait.ge [sflag:s4], $0x0  }
0x19: {  	s7 =	sld [smem:$0x3F93]  }
0x1a: {  	s8 =	sadd.s32 $0xFFFFE003, lr  }
0x1b: {  	s9 =	sadd.s32 $0xFFFFFEF7, lr;
	s5 =	simm.s32 $0xFFFFFFFF;
	p2 =	slt.u32 s8, $0xFFFFF086  }
0x1c: {  	p1 =	slt.u32 s9, $0xF7A;
	s5 =	simm.s32 @!p2 $0x0  }
0x1d: {  	s5 =	simm.s32 @p1 $0x1;
	p0 =	seq.s32 s7, s2  }
0x1e: {  	s7 =	smul.u32 @!p0 $0xF7A, s2;
	p2 =	seq.s32 @!p0 s5, $0x0  }
0x1f: {  	s9 =	smul.u32 $0xF7A, s1;
	s8 =	simm.s32 @!p0 $0x1BF5;
	p2 =	por !p2, p0  }
0x20: {  	[sflag:s8] =	ssyncset.s32 @!p0 $0xFFFFF086;
	s6 =	sadd.s32 @!p0 s3, s7;
	s7 =	simm.s32 @!p0 $0x108  }
0x21: {  	s3 =	sadd.s32 s3, s9;
	s6 =	sadd.s32 @!p0 $0x88, s6;
	s7 =	simm.s32 @p2 $0x1082  }
0x22: {  	[simem:s7], [sflag:s8] =	dma.local @!p0 [hbm:s6], $0xF7A  }
0x23: {  	s9 =	sor.u32 $0xD0000000, s2;
	s6 =	simm.s32 $0x108;
	_ =	swait.ge @!p0 [sflag:s8], $0x0  }
0x24: {  	s3 =	sadd.s32 $0x88, s3;
	s6 =	simm.s32 @!p1 $0x1082;
	[sflag:s4] =	ssyncset.s32 $0xFFFFF086  }
0x25: {  	[simem:s6], [sflag:s4] =	dma.local [hbm:s3], $0xF7A  }
0x26: {  	[smem:$0x3F93] =	sst s1;
	(tag) =	ssettag s2;
	_ =	strace s9  }
0x27: {  	s1 =	sld [smem:$0x3FA3]  }
0x28: {  	s2 =	sld [smem:$0x3FA4]  }
0x29: {  	s4 =	sld [smem:$0x3FA6]  }
0x2a: {  	p0 =	seq.s32 s5, $0x0;
	s5 =	sld [smem:$0x3FA7]  }
0x2b: {  	s6 =	sld [smem:$0x3FA8]  }
0x2c: {  	s7 =	sld [smem:$0x3FA9]  }
0x2d: {  	s3 =	simm.s32 $0x108;
	s8 =	sld [smem:$0x3FAA]  }
0x2e: {  	s3 =	simm.s32 @!p0 $0x1082;
	s9 =	sld [smem:$0x3FAB]  }
0x2f: {  	lr =	sadd.s32 s0, s3;
	s0 =	sld [smem:$0x3FA2]  }
0x30: {  	s3 =	sld [smem:$0x3FA5]  }
0x31: {  	[smem:$0x3FAE] =	sst s10  }
0x32: {  	s10 =	sld [smem:$0x3FAC];
	_ =	sdelay $0x3  }
0x33: {  	p0 =	seq.s32 s10, $0x1;
	s10 =	sld [smem:$0x3FAE];
	_ =	sdelay $0x3  }
0x34: {  	[smem:$0x3FAE] =	sst s10  }
0x35: {  	s10 =	sld [smem:$0x3FAD];
	_ =	sdelay $0x3  }
0x36: {  	p1 =	seq.s32 s10, $0x1;
	s10 =	sld [smem:$0x3FAE];
	_ =	sdelay $0x3  }
0x37: {  	[smem:$0x3FAE] =	sst s10  }
0x38: {  	s10 =	sld [smem:$0x3FAF]  }
0x39: {  	_ = 	snop;
	(pc) =	sbr.ind lr, $3  }
0x3a: {  	_ = 	snop  }
0x3b: {  	_ = 	snop  }
0x3c: {  	p2 =	seq.s32 s10, $0x1;
	s10 =	sld [smem:$0x3FAE]  }
0x3d: {  	_ =	shalt  }
0x3e: {  	_ =	shalt  }
0x3f: {  	_ =	shalt  }
0x40: {  	_ =	shalt  }
0x41: {  	_ =	shalt  }
0x42: {  	_ =	shalt  }
0x43: {  	_ =	shalt  }
0x44: {  	_ =	shalt  }
0x45: {  	_ =	shalt  }
0x46: {  	_ =	shalt  }
0x47: {  	_ =	shalt  }
0x48: {  	_ =	shalt  }
0x49: {  	_ =	shalt  }
0x4a: {  	_ =	shalt  }
0x4b: {  	_ =	shalt  }
0x4c: {  	_ =	shalt  }
0x4d: {  	_ =	shalt  }
0x4e: {  	_ =	shalt  }
0x4f: {  	_ =	shalt  }
0x50: {  	_ =	shalt  }
0x51: {  	_ =	shalt  }
0x52: {  	_ =	shalt  }
0x53: {  	_ =	shalt  }
0x54: {  	_ =	shalt  }
0x55: {  	_ =	shalt  }
0x56: {  	_ =	shalt  }
0x57: {  	_ =	shalt  }
0x58: {  	_ =	shalt  }
0x59: {  	_ =	shalt  }
0x5a: {  	_ =	shalt  }
0x5b: {  	_ =	shalt  }
0x5c: {  	_ =	shalt  }
0x5d: {  	_ =	shalt  }
0x5e: {  	_ =	shalt  }
0x5f: {  	_ =	shalt  }
0x60: {  	_ =	shalt  }
0x61: {  	_ =	shalt  }
0x62: {  	_ =	shalt  }
0x63: {  	_ =	shalt  }
0x64: {  	_ =	shalt  }
0x65: {  	_ =	shalt  }
0x66: {  	_ =	shalt  }
0x67: {  	_ =	shalt  }
0x68: {  	_ =	shalt  }
0x69: {  	_ =	shalt  }
0x6a: {  	_ =	shalt  }
0x6b: {  	_ =	shalt  }
0x6c: {  	_ =	shalt  }
0x6d: {  	_ =	shalt  }
0x6e: {  	_ =	shalt  }
0x6f: {  	_ =	shalt  }
0x70: {  	_ =	shalt  }
0x71: {  	_ =	shalt  }
0x72: {  	_ =	shalt  }
0x73: {  	_ =	shalt  }
0x74: {  	_ =	shalt  }
0x75: {  	_ =	shalt  }
0x76: {  	_ =	shalt  }
0x77: {  	_ =	shalt  }
0x78: {  	_ =	shalt  }
0x79: {  	_ =	shalt  }
0x7a: {  	_ =	shalt  }
0x7b: {  	_ =	shalt  }
0x7c: {  	_ =	shalt  }
0x7d: {  	_ =	shalt  }
0x7e: {  	_ =	shalt  }
0x7f: {  	_ =	shalt  }
0x80: {  	_ =	shalt  }
0x81: {  	_ =	shalt  }
0x82: {  	_ =	shalt  }
0x83: {  	_ =	shalt  }
0x84: {  	_ =	shalt  }
0x85: {  	_ =	shalt  }
0x86: {  	_ =	shalt  }
0x87: {  	_ =	shalt  }
.Lfunc_end0:
.L_simem_size_0:
called_computation.1_lowered:
.L_overlay_start_0:
0x88: {  	s2 =	sld [smem:$0x3FD9]  }
0x89: {  	s3 =	sld [smem:$0x3FFE];
	_ =	sdelay $0x1  }
0x8a: {  	s1 =	srdreg.scid  }
0x8b: {  	s0 =	sand.u32 $0x1, s1  }
0x8c: {  	s15 =	sshll.u32 s0, $0xA;
	s2 =	sadd.s32 s3, s2  }
0x8d: {  	s2 =	sadd.s32 s2, s15  }
0x8e: {  	[smem:$0x3FBA] =	sst s2  }
0x8f: {  	_ = 	snop  }
0x90: {  	(tm) =	ssettm $0x1  }
0x91: {  	s16 =	sld [smem:$0x3FFB];
	_ =	sdelay $0x3  }
0x92: {  	_ =	strace s16  }
0x93: {  	s2 =	sld [smem:$0x3FFC];
	_ =	sdelay $0x3  }
0x94: {  	_ =	strace s2  }
0x95: {  	s2 =	sld [smem:$0x3FFD];
	_ =	sdelay $0x3  }
0x96: {  	_ =	strace s2  }
0x97: {  	_ =	strace $0x8FFFFFFF  }
0x98: {  	s17 =	sld [smem:$0x3FDB];
	_ =	sdelay $0x1  }
0x99: {  	s18 =	simm.s32 $_scs_section_size  }
0x9a: {  	s4 =	simm.s32 $_size__tile_overlayer_lowered;
	s5 =	simm.s32 $_tile_overlayer_lowered  }
0x9b: {  	s21 =	simm.s32 $0x1BFF;
	s20 =	sshll.u32 s5, $0x1;
	s2 =	sadd.s32 s18, s17  }
0x9c: {  	s6 =	simm.s32 $0x0;
	s19 =	sshll.u32 s4, $0x1;
	s4 =	sadd.s32 s20, s2  }
0x9d: {  	[timem:s6], [sflag:s21] =	dma.local [hbm:s4], s19  }
0x9e: {  	_ =	swait.ge [sflag:s21], s19  }
0x9f: {  	s3 =	ssub.s32 $0x0, s19;
	[sflag:s21] =	ssyncset.done $0x0  }
0xa0: {  	[sflag:s21] =	ssyncadd.s32 s3;
	_ =	sdelay $0x1  }
0xa1: {  	s22 =	simm.s32 $0x1B8B  }
0xa2: {  	_ =	swait.ge [sflag:s22], $0x1  }
0xa3: {  	[sflag:s22] =	ssyncset.done $0x0  }
0xa4: {  	s23 =	sld [smem:$0x3FFE];
	[sflag:s22] =	ssyncadd.s32 $0xFFFFFFFF  }
0xa5: {  	s25 =	simm.s32 $0x1B8E;
	s24 =	sld [smem:$0x0]  }
0xa6: {  	s26 =	simm.s32 $execute0_lowered;
	[smem:$0x3FD2] =	sst s25  }
0xa7: {  	s5 =	sshll.u32 s26, $0x1;
	_ =	strace $0x8000004C;
	[dreg:$0x1] =	wrdreg $0xFFFFFFFF  }
0xa8: {  	s28 =	simm.s32 $_size_execute0_lowered;
	s2 =	sadd.s32 s2, s5;
	[dreg:$0x0] =	wrdreg $0x0  }
0xa9: {  	s5 =	sshll.u32 s28, $0x1;
	[dreg:$0x2] =	wrdreg s2  }
0xaa: {  	[dreg:$0x3] =	wrdreg s5  }
0xab: {  	[dreg:$0x4] =	wrdreg $0xC0  }
0xac: {  	_ =	task [dreg:s6], $0x5FFFF  }
0xad: {  	[dreg:$0x1] =	wrdreg $0xFFFFFFFF  }
0xae: {  	[dreg:$0x0] =	wrdreg $0x60  }
0xaf: {  	[dreg:$0x2] =	wrdreg s23  }
0xb0: {  	[dreg:$0x3] =	wrdreg s1  }
0xb1: {  	[dreg:$0x4] =	wrdreg s24  }
0xb2: {  	[dreg:$0x5] =	wrdreg $0x9  }
0xb3: {  	_ =	task.clear_ibuf [dreg:s6], $0x6FFFF;
	_ =	strace $0x9000004C  }
0xb4: {  	s29 =	simm.s32 $0x9;
	_ =	strace $0x8000004E  }
0xb5: {  	_ =	swait.ge [sflag:s29], $0x1  }
0xb6: {  	[sflag:s29] =	ssyncadd.s32 $0xFFFFFFFF  }
0xb7: {  	_ =	strace $0x9000004E  }
0xb8: {  	_ =	sfence  }
0xb9: {  	s30 =	sld [smem:$0x0];
	_ =	sdelay $0x2  }
0xba: {  	s31 =	sshll.u32 s1, $0xD;
	s1 =	sshrl.u32 s1, $0x2  }
0xbb: {  	s3 =	sand.u32 $0x4000, s31;
	s1 =	sadd.s32 s1, s30  }
0xbc: {  	s0 =	sor.u32 s3, s0;
	s1 =	sshll.u32 s1, $0x11  }
0xbd: {  	s0 =	sor.u32 s1, s0  }
0xbe: {  	s0 =	sadd.s32 $0x8F2B, s0  }
0xbf: {  	[sflag:s0] =	ssyncadd.remote.s32 $0x1  }
0xc0: {  	_ =	sfence.sel $0xFFFF  }
0xc1: {  	[dreg:$0x0] =	wrdreg $0xFFFFFFFF;
	(pc) =	sbr.abs _section_cstart, $3  }
0xc2: {  	[dreg:$0x1] =	wrdreg $0xFFFFFFFF  }
0xc3: {  	_ =	task.clear_ibuf [dreg:s6], $0x2FFFF;
	_ =	strace $0x9FFFFFFF  }
0xc4: {  	(tm) =	ssettm $0x7FFFFFFF  }
0xc5: {  	_ =	shalt  }
tec
execute0_lowered:
.L_overlay_start_1:
0x0: {  	(tag) =	ssettag $0x1  }
0x1: {  	s2 =	rddreg [dreg:$0x0]  }
0x2: {  	s3 =	rddreg [dreg:$0x1];
	_ =	strace $0x8000004D;
	s0 =	simm.s32 $0x1  }
0x3: {  	s5 =	simm.s32 $0x208;
	v0 =	vimm.s32 $0x0;
	[sflag:s0] =	ssyncpa.u1 $0x0  }
0x4: {  	[tilespmem:s5+$0x70] =	vst v0  }
0x5: {  	[tilespmem:s5+$0x60] =	vst v0  }
0x6: {  	[tilespmem:s5+$0x50] =	vst v0  }
0x7: {  	[tilespmem:s5+$0x40] =	vst v0  }
0x8: {  	[tilespmem:s5+$0x30] =	vst v0  }
0x9: {  	s1 =	sadd.s32 $0x600, s2;
	s0 =	sadd.s32 $0x55A00, s2;
	s6 =	sadd.s32 $0x5FA00, s2;
	[tilespmem:s5+$0x20] =	vst v0  }
0xa: {  	s4 =	sadd.s32 $0x5AA00, s2;
	s10 =	sand.u32 $0x1, s3;
	s2 =	simm.s32 $0x40;
	[tilespmem:s5+$0x10] =	vst v0  }
.LBB2_1:
0xb: {  	s2 =	sadd.s32 $0x40, s2;
	[tilespmem:s5+$0x0] =	vst v0;
	s5 =	sadd.s32 $0x80, s5  }
0xc: {  	p0 =	slt.u32 s2, $0x3880;
	[tilespmem:s5+$0x70] =	vst v0  }
0xd: {  	[tilespmem:s5+$0x60] =	vst v0  }
.Ltmp0:
0xe: {  	[tilespmem:s5+$0x50] =	vst v0;
	(pc) =	sbr.rel @p0 .LBB2_1-.Ltmp0, $4  }
0xf: {  	[tilespmem:s5+$0x40] =	vst v0  }
0x10: {  	[tilespmem:s5+$0x30] =	vst v0  }
0x11: {  	[tilespmem:s5+$0x20] =	vst v0  }
0x12: {  	[tilespmem:s5+$0x10] =	vst v0  }
0x13: {  	s11 =	stileid.u32  }
0x14: {  	s2 =	smul.u32 $0x2C, s11  }
0x15: {  	s3 =	smin.u32 s11, $0xB  }
0x16: {  	s2 =	sadd.s32 s3, s2  }
0x17: {  	p0 =	slt.u32 s11, $0xB;
	s20 =	smul.u32 $0x70, s2;
	s2 =	simm.s32 $0x13B0  }
0x18: {  	s2 =	simm.s32 @!p0 $0x1340  }
0x19: {  	s2 =	sadd.s32 s2, s20  }
0x1a: {  	s8 =	smin.u32 s2, $0x13880  }
0x1b: {  	s26 =	simm.s32 $0x2;
	s2 =	ssub.s32 s8, s20  }
0x1c: {  	s9 =	simm.s32 $0x9;
	s29 =	simm.s32 $0xA;
	p0 =	sgt.s32 s2, $0x0  }
0x1d: {  	s30 =	simm.s32 $0xB;
	s31 =	smul.u32 $0x2710, s10;
	s2 =	simm.s32 @!p0 $0x0  }
0x1e: {  	[dreg:$0x4] =	wrdreg s10;
	s12 =	simm.s32 $0x1;
	s25 =	smulhi.u32 $0x92492493, s2  }
0x1f: {  	s24 =	simm.s32 $0x0;
	p1 =	por $0x0, $0x0;
	s18 =	simm.s32 $0x80  }
0x20: {  	s19 =	simm.s32 $0x400;
	s17 =	simm.s32 $0xC;
	s3 =	sshrl.u32 s25, $0x6  }
0x21: {  	s21 =	simm.s32 $0x0;
	s23 =	simm.s32 $0x0;
	s28 =	smul.u32 $0x70, s3  }
.Ltmp1:
0x22: {  	[tilespmem:s5+$0x0] =	vst v0;
	v0 =	vimm.s32 $0xFFFFFFFF;
	[sflag:s26] =	ssyncpa.u1 $0x0;
	s16 =	sshll.u32 s11, $0x9;
	(pc) =	sbr.rel .LBB2_3-.Ltmp1, $4  }
0x23: {  	[tilespmem:$0xE408] =	vst v0;
	[sflag:s9] =	ssyncpa.u1 $0x0;
	p0 =	sne.s32 s2, s28;
	s2 =	simm.s32 $0x1  }
0x24: {  	s14 =	sadd.s32 s31, s4;
	[sflag:s29] =	ssyncpa.u1 $0x0;
	s2 =	simm.s32 @!p0 $0x0  }
0x25: {  	s15 =	sadd.s32 s31, s0;
	[sflag:s30] =	ssyncpa.u1 $0x0;
	s13 =	sadd.s32 s2, s3  }
0x26: {  	v0 =	vlaneseq.u32;
	s22 =	smov.u32 s20;
	p0 =	por $0x1, $0x1;
	s11 =	sadd.s32 $0x1, s13  }
.LBB2_24:
0x27: {  	s2 =	sshrl.u32 s4, $0x2  }
.LBB2_26:
0x28: {  	_ =	swait.ge [sflag:s17], s2  }
0x29: {  	s31 =	ssub.s32 $0x0, s2;
	v1 =	vmov s26;
	vm0 =	veq.s32 v0, $0x0;
	[sflag:s17] =	ssyncset.done $0x0  }
0x2a: {  	vm15 =	veq.s32 v0, $0x2;
	v1 =	vsel vm0, s0, v1;
	[sflag:s17] =	ssyncadd.s32 s31  }
0x2b: {  	v1 =	vsel vm15, s24, v1;
	[sflag:s17] =	ssyncpa.u1 $0x1  }
0x2c: {  	[tilespmem:$0xE408] =	vst v1  }
.LBB2_27:
0x2d: {  	s0 =	sadd.s32 $0x70, s22  }
0x2e: {  	s2 =	smov.u32 s20;
	p2 =	slt.s32 s0, s8  }
0x2f: {  	s2 =	smov.u32 @p2 s0;
	p2 =	sne.s32 s23, s11  }
.Ltmp2:
0x30: {  	_ = 	snop;
	(pc) =	sbr.rel @!p2 .LBB2_28-.Ltmp2, $4  }
0x31: {  	_ = 	snop  }
0x32: {  	s24 =	smov.u32 s21  }
0x33: {  	s31 =	sadd.s32 $0x1, s23;
	s21 =	smov.u32 s22;
	p0 =	por !p0, !p0  }
0x34: {  	p1 =	por !p1, !p1;
	s23 =	smov.u32 s31;
	s22 =	smov.u32 s2  }
.LBB2_3:
0x35: {  	p2 =	sge.u32 s23, s13  }
0x36: {  	s0 =	smulhi.u32 @!p2 $0xAAAAAAAB, s23  }
0x37: {  	s2 =	smov.u32 s22;
	p3 =	sgt.s32 @!p2 s22, $0x13810  }
0x38: {  	s3 =	sshra.s32 @!p2 s22, $0x1F;
	p3 =	por !p3, p2;
	s0 =	sshrl.u32 @!p2 s0, $0x1  }
0x39: {  	s3 =	sand.u32 @!p2 s3, s22;
	s2 =	simm.s32 @p3 $0x13810;
	s0 =	smul.u32 @!p2 $0x3, s0  }
0x3a: {  	s2 =	ssub.s32 @!p2 s2, s3  }
0x3b: {  	s2 =	sadd.s32 @!p2 $0xFFFEC7F0, s2;
	s0 =	ssub.s32 @!p2 s23, s0  }
0x3c: {  	s3 =	sshll.u32 @!p2 s2, $0x2;
	p3 =	sgt.s32 @!p2 s2, $0x6F;
	s0 =	smul.u32 @!p2 $0x1C0, s0  }
0x3d: {  	s4 =	sand.u32 @!p2 $0x7, s22;
	s2 =	ssub.s32 @!p2 $0x1C0, s3;
	p3 =	por !p3, p2  }
0x3e: {  	s3 =	sshrl.u32 @!p2 s22, $0x3;
	s2 =	sshrl.u32 @!p2 s2, $0x2;
	s0 =	sshrl.u32 @!p2 s0, $0x2  }
0x3f: {  	s3 =	sadd.s32 @!p2 s3, s14;
	s2 =	simm.s32 @!p3 $0x0;
	s0 =	sadd.s32 @!p2 $0x10448, s0  }
0x40: {  	[tilespmem:s0], [sflag:$0xA] =	stream.linear.gather @!p2 [hbm4b:s3+s4], s2, $0x38;
	[tilespmem:$0x1E678] =	vst v63  }
0x41: {  	s2 =	sadd.s32 $0xFFFFFFFF, s23  }
0x42: {  	p2 =	sge.u32 s2, s13  }
0x43: {  	p3 =	sgt.s32 @!p2 s21, $0x13810  }
0x44: {  	s0 =	smov.u32 s21;
	s3 =	sshra.s32 @!p2 s21, $0x1F;
	p3 =	por !p3, p2  }
0x45: {  	s3 =	sand.u32 @!p2 s3, s21;
	s0 =	simm.s32 @p3 $0x13810  }
0x46: {  	s0 =	ssub.s32 @!p2 s0, s3  }
0x47: {  	s0 =	sadd.s32 @!p2 $0xFFFEC7F0, s0  }
0x48: {  	s3 =	sshll.u32 @!p2 s0, $0x2  }
0x49: {  	p3 =	sgt.s32 @!p2 s0, $0x6F;
	s0 =	ssub.s32 @!p2 $0x1C0, s3  }
0x4a: {  	p3 =	por !p3, p2;
	s0 =	sshrl.u32 @!p2 s0, $0x2  }
0x4b: {  	s4 =	simm.s32 @!p2 $0xA;
	s3 =	sand.u32 @!p2 $0x1, s2;
	s0 =	simm.s32 @!p3 $0x0  }
0x4c: {  	s3 =	smul.u32 @!p2 $0x1C0, s3;
	_ =	swait.ge @!p2 [sflag:s4], s0  }
0x4d: {  	s5 =	ssub.s32 @!p2 $0x0, s0;
	[sflag:s4] =	ssyncset.done @!p2 $0x0  }
0x4e: {  	s3 =	sshrl.u32 @!p2 s3, $0x2;
	[sflag:s4] =	ssyncadd.s32 @!p2 s5;
	s4 =	sshrl.u32 @!p2 s21, $0x3  }
0x4f: {  	s3 =	sadd.s32 @!p2 $0x10598, s3;
	s5 =	sand.u32 @!p2 $0x7, s21;
	s4 =	sadd.s32 @!p2 s4, s15  }
0x50: {  	[tilespmem:s3], [sflag:$0xB] =	stream.linear.gather @!p2 [hbm4b:s4+s5], s0, $0x38;
	[tilespmem:$0x1E678] =	vst v63  }
0x51: {  	s0 =	ssub.s32 @!p2 $0x13880, s21  }
0x52: {  	p3 =	slt.s32 @!p2 s0, $0x1  }
0x53: {  	p3 =	por p2, p3  }
.Ltmp3:
0x54: {  	_ = 	snop;
	(pc) =	sbr.rel @p3 .LBB2_9-.Ltmp3, $1  }
0x55: {  	_ =	sdelay $0x3  }
0x56: {  	s3 =	smulhi.u32 $0xAAAAAAAB, s2;
	_ =	sdelay $0x1  }
0x57: {  	s3 =	sshrl.u32 s3, $0x1  }
0x58: {  	s3 =	smul.u32 $0x3, s3;
	_ =	sdelay $0x1  }
0x59: {  	s30 =	ssub.s32 s2, s3  }
0x5a: {  	s4 =	simm.s32 $0x1;
	s2 =	smul.u32 $0x1C0, s30  }
.Ltmp4:
0x5b: {  	s4 =	simm.s32 @!p0 $0x0;
	(pc) =	sbr.rel .LBB2_6-.Ltmp4, $4  }
0x5c: {  	s31 =	smul.u32 $0x1C000, s4  }
0x5d: {  	p3 =	slt.s32 @!p2 s0, $0x70;
	s2 =	sshrl.u32 s2, $0x2  }
0x5e: {  	p2 =	por !p3, p2;
	s3 =	sshrl.u32 s31, $0x2;
	s5 =	sadd.s32 $0x10448, s2  }
0x5f: {  	s0 =	simm.s32 @p2 $0x70;
	s4 =	sor.u32 $0x10678, s3;
	s2 =	simm.s32 $0x0;
	v1 =	vmov s5  }
.LBB2_5:
0x60: {  	p2 =	sge.s32 s2, s0  }
.Ltmp5:
0x61: {  	_ = 	snop;
	(pc) =	sbr.rel @p2 .LBB2_9-.Ltmp5, $2  }
0x62: {  	_ =	sdelay $0x2  }
0x63: {  	s4 =	sadd.s32 $0x1000, s4  }
.LBB2_6:
0x64: {  	p2 =	sle.s32 s0, s2  }
.Ltmp6:
0x65: {  	_ = 	snop;
	(pc) =	sbr.rel @p2 .LBB2_5-.Ltmp6, $2  }
0x66: {  	_ =	sdelay $0x2  }
0x67: {  	s5 =	smov.u32 s2;
	s2 =	sadd.s32 $0x10, s2  }
0x68: {  	s3 =	ssub.s32 s0, s5  }
0x69: {  	p2 =	slt.s32 s3, $0x10  }
0x6a: {  	s3 =	simm.s32 @!p2 $0x10  }
0x6b: {  	v2 =	vmov s3  }
0x6c: {  	vm0 =	vgt.s32 v2, v0;
	_ =	sdelay $0x5  }
0x6d: {  	v2 =	vld.idx.msk [tilespmem:v1+s5+$0x0 ss:$0x1], vm0;
	_ =	sdelay $0x2  }
0x6e: {  	p2 =	slt.s32 s2, s0;
	s3 =	smov.u32 s0  }
0x6f: {  	s9 =	smov.u32 s4;
	s25 =	simm.s32 $0x0;
	s3 =	smov.u32 @p2 s2  }
.LBB2_8:
0x70: {  	(v2sf) =	vpush v2, s25;
	_ =	sdelay $0xe  }
0x71: {  	s25 =	sadd.s32 $0x1, s25;
	s10 =	spop (v2sf)  }
0x72: {  	s31 =	sadd.s32 s25, s5;
	s26 =	sshll.u32 s10, $0x8;
	s10 =	sshll.u32 s10, $0x7  }
0x73: {  	p2 =	slt.s32 s31, s3;
	s26 =	sand.u32 $0xFFFFF800, s26;
	s10 =	sand.u32 $0x380, s10  }
.Ltmp7:
0x74: {  	s10 =	sor.u32 s10, s26;
	(pc) =	sbr.rel @p2 .LBB2_8-.Ltmp7, $4  }
0x75: {  	s10 =	sshrl.u32 s10, $0x3  }
0x76: {  	s10 =	sadd.s32 s6, s10  }
0x77: {  	[tilespmem:s9], [sflag:$0x9] =	stream.strided.gather [hbm4b:s10+s18], $0x100, s19, s18, $0x38;
	[tilespmem:$0x1E678] =	vst v63  }
0x78: {  	s9 =	sadd.s32 $0x100, s9  }
.Ltmp8:
0x79: {  	_ = 	snop;
	(pc) =	sbr.rel .LBB2_5-.Ltmp8, $1  }
0x7a: {  	_ =	sdelay $0x3  }
.LBB2_9:
0x7b: {  	p2 =	slt.u32 s23, $0x2  }
.Ltmp9:
0x7c: {  	_ = 	snop;
	(pc) =	sbr.rel @p2 .LBB2_27-.Ltmp9, $1  }
0x7d: {  	_ =	sdelay $0x3  }
0x7e: {  	p2 =	sgt.s32 s24, $0x13810  }
0x7f: {  	s0 =	smov.u32 s24;
	s2 =	sshra.s32 s24, $0x1F;
	s3 =	ssub.s32 $0x13880, s24  }
0x80: {  	s0 =	simm.s32 @!p2 $0x13810;
	s2 =	sand.u32 s2, s24;
	p2 =	slt.s32 s3, $0x70  }
0x81: {  	s0 =	ssub.s32 s0, s2;
	s3 =	simm.s32 @!p2 $0x70  }
0x82: {  	s0 =	sadd.s32 $0xFFFEC7F0, s0;
	s9 =	sshll.u32 s3, $0x8  }
0x83: {  	s26 =	simm.s32 $0x9;
	s10 =	sshll.u32 s0, $0x2;
	s2 =	sand.u32 $0x3FFFFF00, s9  }
0x84: {  	p2 =	sgt.s32 s0, $0x6F;
	s25 =	ssub.s32 $0x1C0, s10;
	_ =	swait.ge [sflag:s26], s2  }
0x85: {  	s2 =	ssub.s32 $0x0, s2;
	[sflag:s26] =	ssyncset.done $0x0;
	s0 =	sshrl.u32 s25, $0x2  }
0x86: {  	s29 =	simm.s32 $0xB;
	[sflag:s26] =	ssyncadd.s32 s2;
	s0 =	simm.s32 @p2 $0x0  }
0x87: {  	_ =	swait.ge [sflag:s29], s0  }
0x88: {  	s0 =	ssub.s32 $0x0, s0;
	[sflag:s29] =	ssyncset.done $0x0  }
0x89: {  	[sflag:s29] =	ssyncadd.s32 s0  }
0x8a: {  	v1 =	vld [tilespmem:$0xE408];
	_ =	sdelay $0x4  }
0x8b: {  	(v2sf) =	vpush v1, $0x0  }
0x8c: {  	(v2sf) =	vpush v1, $0x1  }
0x8d: {  	(v2sf) =	vpush v1, $0x2;
	_ =	sdelay $0x3  }
0x8e: {  	s0 =	sadd.s32 $0x70, s24  }
0x8f: {  	s2 =	ssub.s32 $0x27100, s24;
	p2 =	slt.s32 s8, s0  }
0x90: {  	s0 =	smov.u32 @p2 s8;
	p2 =	sgt.s32 s2, $0x0  }
0x91: {  	s0 =	ssub.s32 s0, s24;
	s2 =	simm.s32 @!p2 $0x0  }
0x92: {  	p2 =	slt.s32 s2, s0  }
0x93: {  	s0 =	smov.u32 @p2 s2  }
0x94: {  	s4 =	simm.s32 $0x1;
	p2 =	slt.s32 s0, $0x1  }
.Ltmp10:
0x95: {  	s4 =	simm.s32 @!p1 $0x0;
	(pc) =	sbr.rel @p2 .LBB2_14-.Ltmp10, $4  }
0x96: {  	s30 =	smul.u32 $0x1C0, s4  }
0x97: {  	s5 =	spop (v2sf)  }
0x98: {  	s31 =	sshrl.u32 s30, $0x2;
	s28 =	spop (v2sf)  }
0x99: {  	s25 =	sadd.s32 $0x10598, s31;
	s24 =	spop (v2sf)  }
0x9a: {  	s2 =	smin.u32 s0, $0x10  }
0x9b: {  	v1 =	vmov s2  }
0x9c: {  	vm1 =	vgt.u32 v1, v0  }
0x9d: {  	p3 =	sgt.s32 s0, $0x10  }
.Ltmp11:
0x9e: {  	_ = 	snop;
	(pc) =	sbr.rel @!p3 .LBB2_13-.Ltmp11, $2  }
0x9f: {  	_ =	sdelay $0x2  }
0xa0: {  	s26 =	simm.s32 $0x10;
	s29 =	sadd.s32 $0xFFFFFFF0, s0;
	s2 =	smov.u32 s25;
	vm0 =	vmmov vm1;
	v1 =	vld.msk [tilespmem:s25+$0x0 ss:$0x1], vm1  }
.LBB2_12:
0xa1: {  	s3 =	smin.u32 s29, $0x10;
	s26 =	sadd.s32 $0x10, s26  }
0xa2: {  	v2 =	vmov s3;
	p3 =	slt.s32 s26, s0  }
0xa3: {  	vm1 =	vgt.u32 v2, v0;
	_ =	sdelay $0x1  }
0xa4: {  	v2 =	vshll.u32 v1, $0x5;
	v1 =	vshll.u32 v1, $0x4  }
.Ltmp12:
0xa5: {  	v2 =	vand.u32 $0xFFFFFF00, v2;
	v1 =	vand.u32 $0x70, v1;
	(pc) =	sbr.rel @p3 .LBB2_12-.Ltmp12, $4  }
0xa6: {  	v1 =	vor.u32 v1, v2  }
0xa7: {  	[tilespmem:s2+$0x0] =	vst.msk vm0, v1;
	s2 =	sadd.s32 $0x10, s2;
	vm0 =	vmmov vm1  }
0xa8: {  	v1 =	vld.msk [tilespmem:s2+$0x0 ss:$0x1], vm1  }
0xa9: {  	s29 =	sadd.s32 $0xFFFFFFF0, s29  }
.LBB2_13:
0xaa: {  	_ =	sdelay $0x3  }
0xab: {  	v2 =	vshll.u32 v1, $0x5;
	v1 =	vshll.u32 v1, $0x4  }
0xac: {  	v2 =	vand.u32 $0xFFFFFF00, v2;
	v1 =	vand.u32 $0x70, v1  }
0xad: {  	v1 =	vor.u32 v1, v2  }
0xae: {  	[tilespmem:s2+$0x0] =	vst.msk vm0, v1  }
.LBB2_14:
0xaf: {  	s2 =	sand.u32 $0x1, s23  }
0xb0: {  	s2 =	smul.u32 $0x70, s2  }
0xb1: {  	p3 =	sne.s32 s28, $0xFFFFFFFF  }
0xb2: {  	v1 =	vld.msk @!p3 [tilespmem:s2+$0x10598], $0x1;
	_ =	sdelay $0x4  }
0xb3: {  	(v2sf) =	vpush @!p3 v1, $0x0;
	_ =	sdelay $0xc  }
.Ltmp13:
0xb4: {  	_ = 	snop;
	(pc) =	sbr.rel @p2 .LBB2_25-.Ltmp13, $4  }
0xb5: {  	_ = 	snop  }
0xb6: {  	s31 =	spop @!p3 (v2sf)  }
0xb7: {  	s24 =	simm.s32 @!p3 $0x0;
	s26 =	smov.u32 s31  }
0xb8: {  	[sflag:s17] =	ssyncpa.u1 $0x0;
	s31 =	smov.u32 @p3 s5;
	s26 =	smov.u32 @p3 s28  }
0xb9: {  	v1 =	vld.msk [tilespmem:s25+$0x0], $0x1;
	_ =	sdelay $0x4  }
0xba: {  	(v2sf) =	vpush v1, $0x0;
	_ =	sdelay $0xe  }
0xbb: {  	s7 =	smov.u32 s11;
	s5 =	spop (v2sf)  }
0xbc: {  	s17 =	smov.u32 s15;
	s2 =	smul.u32 $0x1C000, s4;
	p2 =	seq.s32 s31, s5  }
0xbd: {  	s3 =	smov.u32 s31;
	s29 =	ssub.s32 $0x0, s0;
	p3 =	sgt.s32 @!p2 s31, $0x0  }
0xbe: {  	s30 =	simm.s32 $0x0;
	s2 =	sshrl.u32 s2, $0x2;
	p3 =	por !p3, p2  }
0xbf: {  	s0 =	sadd.s32 $0x1, s29;
	s28 =	sor.u32 $0x106F8, s2;
	s3 =	simm.s32 @p3 $0x0  }
0xc0: {  	s2 =	simm.s32 @!p2 $0x1;
	p3 =	seq.s32 s0, $0x0;
	s3 =	smin.u32 @!p2 s3, $0x4E170  }
.Ltmp14:
0xc1: {  	s4 =	simm.s32 @!p2 $0x7308;
	s9 =	sand.u32 @!p2 $0x7FFF8, s3;
	(pc) =	sbr.rel @p3 .LBB2_17-.Ltmp14, $4  }
0xc2: {  	s10 =	sadd.s32 @!p2 $0x80, s3;
	s11 =	sadd.s32 @!p2 s1, s9;
	s9 =	sand.u32 @!p2 $0x7, s3  }
0xc3: {  	[tilespmem:s4], [sflag:$0x2] =	stream.linear.gather @!p2 [hbm4b:s11+s9], $0x80, $0x38;
	[tilespmem:$0x1E678] =	vst v63  }
0xc4: {  	s15 =	smov.u32 s14;
	s2 =	smov.u32 @p2 s30;
	s4 =	sand.u32 @!p2 $0xFFFF8, s10  }
0xc5: {  	s3 =	simm.s32 @!p2 $0x7388;
	s10 =	sadd.s32 @!p2 s1, s4;
	s4 =	sadd.s32 $0x1, s25  }
.LBB2_16:
0xc6: {  	s11 =	smov.u32 s2  }
0xc7: {  	[tilespmem:s3], [sflag:$0x2] =	stream.linear.gather @!p2 [hbm4b:s10+s9], $0x80, $0x38;
	[tilespmem:$0x1E678] =	vst v63  }
0xc8: {  	s0 =	sadd.s32 $0x1, s0;
	s9 =	smov.u32 s5;
	v1 =	vld.msk [tilespmem:s4+$0x0], $0x1  }
0xc9: {  	p3 =	seq.s32 s0, $0x0;
	_ =	sdelay $0x3  }
0xca: {  	(v2sf) =	vpush v1, $0x0;
	_ =	sdelay $0xe  }
0xcb: {  	s5 =	spop (v2sf)  }
0xcc: {  	p2 =	seq.s32 s9, s5  }
0xcd: {  	p4 =	sgt.s32 @!p2 s9, $0x0;
	s3 =	sshll.u32 @!p2 s2, $0xA;
	s2 =	sadd.s32 @!p2 $0x1, s2  }
0xce: {  	p4 =	por !p4, p2;
	s3 =	sshra.s32 @!p2 s3, $0x2;
	s2 =	smov.u32 @p2 s11  }
0xcf: {  	s9 =	simm.s32 @p4 $0x0;
	s10 =	sadd.s32 @!p2 $0x7308, s3;
	s3 =	sadd.s32 @!p2 $0x7388, s3  }
.Ltmp15:
0xd0: {  	s9 =	smin.u32 @!p2 s9, $0x4E170;
	(pc) =	sbr.rel @!p3 .LBB2_16-.Ltmp15, $4  }
0xd1: {  	s11 =	sand.u32 @!p2 $0x7FFF8, s9;
	s14 =	sadd.s32 @!p2 $0x80, s9  }
0xd2: {  	s9 =	sand.u32 @!p2 $0x7, s9;
	s11 =	sadd.s32 @!p2 s1, s11;
	s14 =	sand.u32 @!p2 $0xFFFF8, s14  }
0xd3: {  	[tilespmem:s10], [sflag:$0x2] =	stream.linear.gather @!p2 [hbm4b:s11+s9], $0x80, $0x38;
	[tilespmem:$0x1E678] =	vst v63  }
0xd4: {  	s4 =	sadd.s32 $0x1, s4;
	s10 =	sadd.s32 @!p2 s1, s14  }
.LBB2_17:
0xd5: {  	[tilespmem:s3], [sflag:$0x2] =	stream.linear.gather @!p2 [hbm4b:s10+s9], $0x80, $0x38;
	[tilespmem:$0x1E678] =	vst v63  }
0xd6: {  	s0 =	sshll.u32 s2, $0x8  }
.Ltmp16:
0xd7: {  	s14 =	simm.s32 $0x2;
	s0 =	sand.u32 $0x3FFFFF00, s0;
	(pc) =	sbr.rel .LBB2_18-.Ltmp16, $4  }
0xd8: {  	_ =	swait.ge [sflag:s14], s0  }
0xd9: {  	s0 =	ssub.s32 $0x0, s0;
	[sflag:s14] =	ssyncset.done $0x0  }
0xda: {  	s4 =	simm.s32 $0x0;
	s11 =	smov.u32 s7;
	[sflag:s14] =	ssyncadd.s32 s0  }
0xdb: {  	s14 =	smov.u32 s15;
	s15 =	smov.u32 s17;
	s17 =	simm.s32 $0xC  }
.LBB2_19:
0xdc: {  	v1 =	vld [tilespmem:s28+$0xFFFFFF80];
	_ =	sdelay $0x4  }
0xdd: {  	[tilespmem:s5+$0x208] =	vst.add.f32.msk $0xffff, v1  }
0xde: {  	v1 =	vld [tilespmem:s28+$0xFFFFFF90];
	_ =	sdelay $0x4  }
0xdf: {  	[tilespmem:s5+$0x218] =	vst.add.f32.msk $0xffff, v1  }
0xe0: {  	v1 =	vld [tilespmem:s28+$0xFFFFFFA0];
	_ =	sdelay $0x4  }
0xe1: {  	[tilespmem:s5+$0x228] =	vst.add.f32.msk $0xffff, v1  }
0xe2: {  	v1 =	vld [tilespmem:s28+$0xFFFFFFB0];
	_ =	sdelay $0x4  }
0xe3: {  	[tilespmem:s5+$0x238] =	vst.add.f32.msk $0xffff, v1  }
0xe4: {  	v1 =	vld [tilespmem:s28+$0xFFFFFFC0];
	_ =	sdelay $0x4  }
0xe5: {  	[tilespmem:s5+$0x248] =	vst.add.f32.msk $0xffff, v1  }
0xe6: {  	v1 =	vld [tilespmem:s28+$0xFFFFFFD0];
	_ =	sdelay $0x4  }
0xe7: {  	[tilespmem:s5+$0x258] =	vst.add.f32.msk $0xffff, v1  }
0xe8: {  	v1 =	vld [tilespmem:s28+$0xFFFFFFE0];
	_ =	sdelay $0x4  }
0xe9: {  	[tilespmem:s5+$0x268] =	vst.add.f32.msk $0xffff, v1  }
0xea: {  	v1 =	vld [tilespmem:s28+$0xFFFFFFF0];
	_ =	sdelay $0x4  }
0xeb: {  	[tilespmem:s5+$0x278] =	vst.add.f32.msk $0xffff, v1  }
0xec: {  	v1 =	vld [tilespmem:s28+$0x0];
	_ =	sdelay $0x4  }
0xed: {  	[tilespmem:s5+$0x288] =	vst.add.f32.msk $0xffff, v1  }
0xee: {  	v1 =	vld [tilespmem:s28+$0x10];
	_ =	sdelay $0x4  }
0xef: {  	[tilespmem:s5+$0x298] =	vst.add.f32.msk $0xffff, v1  }
0xf0: {  	v1 =	vld [tilespmem:s28+$0x20];
	_ =	sdelay $0x4  }
0xf1: {  	[tilespmem:s5+$0x2A8] =	vst.add.f32.msk $0xffff, v1  }
0xf2: {  	v1 =	vld [tilespmem:s28+$0x30];
	_ =	sdelay $0x4  }
0xf3: {  	[tilespmem:s5+$0x2B8] =	vst.add.f32.msk $0xffff, v1  }
0xf4: {  	v1 =	vld [tilespmem:s28+$0x40];
	_ =	sdelay $0x4  }
0xf5: {  	[tilespmem:s5+$0x2C8] =	vst.add.f32.msk $0xffff, v1  }
0xf6: {  	v1 =	vld [tilespmem:s28+$0x50];
	_ =	sdelay $0x4  }
0xf7: {  	[tilespmem:s5+$0x2D8] =	vst.add.f32.msk $0xffff, v1  }
0xf8: {  	v1 =	vld [tilespmem:s28+$0x60];
	_ =	sdelay $0x4  }
0xf9: {  	[tilespmem:s5+$0x2E8] =	vst.add.f32.msk $0xffff, v1  }
0xfa: {  	v1 =	vld [tilespmem:s28+$0x70];
	_ =	sdelay $0x4  }
0xfb: {  	[tilespmem:s5+$0x2F8] =	vst.add.f32.msk $0xffff, v1  }
.LBB2_23:
0xfc: {  	s29 =	sadd.s32 $0x1, s29  }
0xfd: {  	p2 =	seq.s32 s29, $0x0  }
.Ltmp17:
0xfe: {  	_ = 	snop;
	(pc) =	sbr.rel @p2 .LBB2_24-.Ltmp17, $2  }
0xff: {  	_ =	sdelay $0x2  }
0x100: {  	s25 =	sadd.s32 $0x1, s25;
	s28 =	sadd.s32 $0x100, s28;
	s31 =	smov.u32 s0  }
.LBB2_18:
0x101: {  	v1 =	vld.msk [tilespmem:s25+$0x0], $0x1;
	_ =	sdelay $0x4  }
0x102: {  	(v2sf) =	vpush v1, $0x0;
	_ =	sdelay $0xe  }
0x103: {  	s0 =	spop (v2sf)  }
0x104: {  	p2 =	sne.s32 s31, s0  }
.Ltmp18:
0x105: {  	_ = 	snop;
	(pc) =	sbr.rel @!p2 .LBB2_19-.Ltmp18, $3  }
0x106: {  	_ =	sdelay $0x1  }
0x107: {  	s2 =	sshll.u32 s24, $0xA  }
0x108: {  	s5 =	sshra.s32 s2, $0x2  }
0x109: {  	p2 =	seq.s32 s31, s26  }
.Ltmp19:
0x10a: {  	_ = 	snop;
	(pc) =	sbr.rel @!p2 .LBB2_21-.Ltmp19, $1  }
0x10b: {  	_ =	sdelay $0x3  }
.Ltmp20:
0x10c: {  	s2 =	sadd.s32 $0x208, s5;
	(pc) =	sbr.rel .LBB2_22-.Ltmp20, $4  }
0x10d: {  	[spmem:s16] =	stream.linear.scatter [tilespmem:s2], [sflag:$0x1], $0x100, $0x38;
	[tilespmem:$0x1E678] =	vst v63  }
0x10e: {  	_ =	swait.ge [sflag:s12], $0x100  }
0x10f: {  	[sflag:s12] =	ssyncset.done $0x0  }
0x110: {  	[sflag:s12] =	ssyncadd.s32 $0xFFFFFF00  }
.LBB2_21:
0x111: {  	s2 =	sshll.u32 s30, $0xA  }
0x112: {  	s2 =	sshra.s32 s2, $0x2  }
0x113: {  	v1 =	vld [tilespmem:s2+$0x7308];
	_ =	sdelay $0x4  }
0x114: {  	[tilespmem:s5+$0x208] =	vst.add.f32.msk $0xffff, v1  }
0x115: {  	v1 =	vld [tilespmem:s2+$0x7318];
	_ =	sdelay $0x4  }
0x116: {  	[tilespmem:s5+$0x218] =	vst.add.f32.msk $0xffff, v1  }
0x117: {  	v1 =	vld [tilespmem:s2+$0x7328];
	_ =	sdelay $0x4  }
0x118: {  	[tilespmem:s5+$0x228] =	vst.add.f32.msk $0xffff, v1  }
0x119: {  	v1 =	vld [tilespmem:s2+$0x7338];
	_ =	sdelay $0x4  }
0x11a: {  	[tilespmem:s5+$0x238] =	vst.add.f32.msk $0xffff, v1  }
0x11b: {  	v1 =	vld [tilespmem:s2+$0x7348];
	_ =	sdelay $0x4  }
0x11c: {  	[tilespmem:s5+$0x248] =	vst.add.f32.msk $0xffff, v1  }
0x11d: {  	v1 =	vld [tilespmem:s2+$0x7358];
	_ =	sdelay $0x4  }
0x11e: {  	[tilespmem:s5+$0x258] =	vst.add.f32.msk $0xffff, v1  }
0x11f: {  	v1 =	vld [tilespmem:s2+$0x7368];
	_ =	sdelay $0x4  }
0x120: {  	[tilespmem:s5+$0x268] =	vst.add.f32.msk $0xffff, v1  }
0x121: {  	v1 =	vld [tilespmem:s2+$0x7378];
	_ =	sdelay $0x4  }
0x122: {  	[tilespmem:s5+$0x278] =	vst.add.f32.msk $0xffff, v1  }
0x123: {  	v1 =	vld [tilespmem:s2+$0x7388];
	_ =	sdelay $0x4  }
0x124: {  	[tilespmem:s5+$0x288] =	vst.add.f32.msk $0xffff, v1  }
0x125: {  	v1 =	vld [tilespmem:s2+$0x7398];
	_ =	sdelay $0x4  }
0x126: {  	[tilespmem:s5+$0x298] =	vst.add.f32.msk $0xffff, v1  }
0x127: {  	v1 =	vld [tilespmem:s2+$0x73A8];
	_ =	sdelay $0x4  }
0x128: {  	[tilespmem:s5+$0x2A8] =	vst.add.f32.msk $0xffff, v1  }
0x129: {  	v1 =	vld [tilespmem:s2+$0x73B8];
	_ =	sdelay $0x4  }
0x12a: {  	[tilespmem:s5+$0x2B8] =	vst.add.f32.msk $0xffff, v1  }
0x12b: {  	v1 =	vld [tilespmem:s2+$0x73C8];
	_ =	sdelay $0x4  }
0x12c: {  	[tilespmem:s5+$0x2C8] =	vst.add.f32.msk $0xffff, v1  }
0x12d: {  	v1 =	vld [tilespmem:s2+$0x73D8];
	_ =	sdelay $0x4  }
0x12e: {  	[tilespmem:s5+$0x2D8] =	vst.add.f32.msk $0xffff, v1  }
0x12f: {  	v1 =	vld [tilespmem:s2+$0x73E8];
	_ =	sdelay $0x4  }
0x130: {  	[tilespmem:s5+$0x2E8] =	vst.add.f32.msk $0xffff, v1  }
0x131: {  	v1 =	vld [tilespmem:s2+$0x73F8];
	_ =	sdelay $0x2  }
0x132: {  	p2 =	sgt.u32 s31, $0x4E170  }
0x133: {  	s2 =	sand.u32 @!p2 $0x7FFF8, s31  }
0x134: {  	s3 =	sadd.s32 $0x208, s5;
	s9 =	sand.u32 @!p2 $0x7, s31;
	s2 =	sadd.s32 @!p2 s1, s2;
	[tilespmem:s5+$0x2F8] =	vst.add.f32.msk $0xffff, v1  }
0x135: {  	[hbm4b:s2+s9] =	stream.linear.scatter @!p2 [tilespmem:s3], [sflag:$0xC], $0x80, $0x38;
	[tilespmem:$0x1E678] =	vst v63  }
0x136: {  	s2 =	sadd.s32 @!p2 $0x80, s31  }
0x137: {  	s2 =	sand.u32 @!p2 $0xFFFF8, s2  }
0x138: {  	s3 =	sadd.s32 $0x288, s5;
	s2 =	sadd.s32 @!p2 s1, s2  }
0x139: {  	[hbm4b:s2+s9] =	stream.linear.scatter @!p2 [tilespmem:s3], [sflag:$0xC], $0x80, $0x38;
	[tilespmem:$0x1E678] =	vst v63  }
0x13a: {  	s2 =	simm.s32 $0x0  }
0x13b: {  	s2 =	simm.s32 @!p2 $0x400  }
0x13c: {  	s4 =	sadd.s32 s2, s4  }
.LBB2_22:
0x13d: {  	s2 =	sadd.s32 $0x1, s24  }
0x13e: {  	s3 =	sshrl.u32 s2, $0x4  }
0x13f: {  	s3 =	smulhi.u32 $0x24924925, s3  }
0x140: {  	v1 =	vld [tilespmem:s28+$0xFFFFFF80]  }
0x141: {  	s3 =	smul.u32 $0x70, s3;
	_ =	sdelay $0x1  }
0x142: {  	s24 =	ssub.s32 s2, s3  }
0x143: {  	s2 =	sshll.u32 s24, $0x8  }
0x144: {  	[tilespmem:s2+$0x208] =	vst v1  }
0x145: {  	v1 =	vld [tilespmem:s28+$0xFFFFFF90];
	_ =	sdelay $0x4  }
0x146: {  	[tilespmem:s2+$0x218] =	vst v1  }
0x147: {  	v1 =	vld [tilespmem:s28+$0xFFFFFFA0];
	_ =	sdelay $0x4  }
0x148: {  	[tilespmem:s2+$0x228] =	vst v1  }
0x149: {  	v1 =	vld [tilespmem:s28+$0xFFFFFFB0];
	_ =	sdelay $0x4  }
0x14a: {  	[tilespmem:s2+$0x238] =	vst v1  }
0x14b: {  	v1 =	vld [tilespmem:s28+$0xFFFFFFC0];
	_ =	sdelay $0x4  }
0x14c: {  	[tilespmem:s2+$0x248] =	vst v1  }
0x14d: {  	v1 =	vld [tilespmem:s28+$0xFFFFFFD0];
	_ =	sdelay $0x4  }
0x14e: {  	[tilespmem:s2+$0x258] =	vst v1  }
0x14f: {  	v1 =	vld [tilespmem:s28+$0xFFFFFFE0];
	_ =	sdelay $0x4  }
0x150: {  	[tilespmem:s2+$0x268] =	vst v1  }
0x151: {  	v1 =	vld [tilespmem:s28+$0xFFFFFFF0];
	_ =	sdelay $0x4  }
0x152: {  	[tilespmem:s2+$0x278] =	vst v1  }
0x153: {  	v1 =	vld [tilespmem:s28+$0x0];
	_ =	sdelay $0x4  }
0x154: {  	[tilespmem:s2+$0x288] =	vst v1  }
0x155: {  	v1 =	vld [tilespmem:s28+$0x10];
	_ =	sdelay $0x4  }
0x156: {  	[tilespmem:s2+$0x298] =	vst v1  }
0x157: {  	v1 =	vld [tilespmem:s28+$0x20];
	_ =	sdelay $0x4  }
0x158: {  	[tilespmem:s2+$0x2A8] =	vst v1  }
0x159: {  	v1 =	vld [tilespmem:s28+$0x30];
	_ =	sdelay $0x4  }
0x15a: {  	[tilespmem:s2+$0x2B8] =	vst v1  }
0x15b: {  	v1 =	vld [tilespmem:s28+$0x40];
	_ =	sdelay $0x4  }
0x15c: {  	[tilespmem:s2+$0x2C8] =	vst v1  }
0x15d: {  	v1 =	vld [tilespmem:s28+$0x50];
	_ =	sdelay $0x4  }
0x15e: {  	[tilespmem:s2+$0x2D8] =	vst v1  }
0x15f: {  	v1 =	vld [tilespmem:s28+$0x60];
	_ =	sdelay $0x4  }
0x160: {  	[tilespmem:s2+$0x2E8] =	vst v1  }
0x161: {  	v1 =	vld [tilespmem:s28+$0x70]  }
.Ltmp21:
0x162: {  	_ = 	snop;
	(pc) =	sbr.rel .LBB2_23-.Ltmp21, $2  }
0x163: {  	_ =	sdelay $0x2  }
0x164: {  	s30 =	sadd.s32 $0x1, s30;
	[tilespmem:s2+$0x2F8] =	vst v1  }
.LBB2_25:
.Ltmp22:
0x165: {  	(pc) =	sbr.rel .LBB2_26-.Ltmp22, $4  }
0x166: {  	_ = 	snop  }
0x167: {  	s0 =	simm.s32 $0x2  }
0x168: {  	_ =	swait.ge [sflag:s0], $0x0  }
0x169: {  	s2 =	simm.s32 $0x0;
	[sflag:s0] =	ssyncset.done $0x0;
	s0 =	smov.u32 s31  }
.LBB2_28:
0x16a: {  	_ =	sfence.sel $0x180000  }
0x16b: {  	s0 =	simm.s32 $0x9;
	[bflag:$0x0] =	sbarrier.arrive $0xFFFF  }
0x16c: {  	s24 =	simm.s32 $0xA;
	[sflag:s0] =	ssyncpa.u1 $0x1  }
0x16d: {  	s25 =	simm.s32 $0xB;
	[sflag:s24] =	ssyncpa.u1 $0x1  }
0x16e: {  	s26 =	simm.s32 $0x2;
	[sflag:s25] =	ssyncpa.u1 $0x1  }
0x16f: {  	[sflag:s26] =	ssyncpa.u1 $0x1  }
0x170: {  	v0 =	vld [tilespmem:$0xE408];
	_ =	sdelay $0x4  }
0x171: {  	(v2sf) =	vpush v0, $0x0  }
0x172: {  	(v2sf) =	vpush v0, $0x1;
	_ =	sdelay $0x1  }
0x173: {  	(v2sf) =	vpush v0, $0x2;
	_ =	sdelay $0xb  }
0x174: {  	s0 =	spop (v2sf)  }
0x175: {  	s2 =	spop (v2sf)  }
0x176: {  	s3 =	smov.u32 s0;
	p0 =	sne.s32 s0, s2  }
0x177: {  	s4 =	spop (v2sf);
	s3 =	simm.s32 @!p0 $0xFFFFFFFF  }
0x178: {  	v2 =	vimm.s32 $0x1;
	v3 =	vlaneseq.u32;
	p0 =	seq.s32 s4, $0xFFFFFFFF;
	v1 =	vmov s3  }
0x179: {  	s15 =	stileid.u32;
	v0 =	vperm.xlane v0, v2;
	p1 =	sne.s32 @!p0 s0, s2;
	v1 =	vperm.xlane v1, v3  }
0x17a: {  	vm0 =	vcmask $0x3F04;
	s6 =	simm.s32 $0xE408;
	s0 =	simm.s32 @!p0 $0x1;
	p1 =	por !p1, p0  }
0x17b: {  	s3 =	sshll.u32 s15, $0x1;
	s2 =	sshll.u32 @!p0 s4, $0xA;
	s0 =	simm.s32 @p1 $0x0;
	v0 =	vsel vm0, v1, v0  }
0x17c: {  	s5 =	sor.u32 $0x2000, s3;
	s2 =	sshra.s32 @!p0 s2, $0x2;
	s0 =	sor.u32 @!p0 s0, s3;
	[tilespmem:$0xE408] =	vst v0  }
0x17d: {  	[spmem:s5] =	stream.linear.scatter [tilespmem:s6], [sflag:$0x1], $0x2, $0x38;
	[tilespmem:$0x1E678] =	vst v63  }
0x17e: {  	s2 =	sadd.s32 @!p0 $0x208, s2;
	s0 =	sshll.u32 @!p0 s0, $0x8  }
0x17f: {  	[spmem:s0] =	stream.linear.scatter @!p0 [tilespmem:s2], [sflag:$0x1], $0x100, $0x38;
	[tilespmem:$0x1E678] =	vst v63  }
0x180: {  	s0 =	simm.s32 @!p0 $0x102  }
0x181: {  	s28 =	simm.s32 $0x1;
	s0 =	simm.s32 @p0 $0x2  }
0x182: {  	_ =	swait.ge [sflag:s28], s0  }
0x183: {  	s0 =	ssub.s32 $0x0, s0;
	[sflag:s28] =	ssyncset.done $0x0  }
0x184: {  	p0 =	sne.s32 s15, $0x0;
	[sflag:s28] =	ssyncadd.s32 s0  }
.Ltmp23:
0x185: {  	_ =	sfence.stream.spmem;
	(pc) =	sbr.rel @p0 .LBB2_45-.Ltmp23, $4  }
0x186: {  	s29 =	simm.s32 $0x3;
	[bflag:$0x0] =	sbarrier.arrive $0xFFFF  }
0x187: {  	s30 =	simm.s32 $0x4;
	[sflag:s29] =	ssyncpa.u1 $0x1  }
0x188: {  	s31 =	simm.s32 $0x3C;
	[sflag:s30] =	ssyncpa.u1 $0x1  }
0x189: {  	s14 =	rddreg [dreg:$0x4];
	[sflag:s31] =	ssyncpa.u1 $0x1  }
0x18a: {  	_ =	sfence.stream.spmem;
	s0 =	simm.s32 $0x5  }
0x18b: {  	s2 =	simm.s32 $0x2000;
	s3 =	simm.s32 $0xE418;
	[sflag:s0] =	ssyncpa.u1 $0x0  }
0x18c: {  	[tilespmem:s3], [sflag:$0x5] =	stream.linear.gather [spmem:s2], $0x20, $0x38;
	[tilespmem:$0x1E678] =	vst v63  }
0x18d: {  	s26 =	simm.s32 $0x0;
	s28 =	simm.s32 $0xE438  }
0x18e: {  	[tilespmem:s28], [sflag:$0x5] =	stream.linear.gather [spmem:s26], $0x2000, $0x38;
	[tilespmem:$0x1E678] =	vst v63  }
0x18f: {  	_ =	swait.ge [sflag:s0], $0x2020  }
0x190: {  	[sflag:s0] =	ssyncset.done $0x0  }
0x191: {  	s29 =	simm.s32 $0x0;
	[sflag:s0] =	ssyncadd.s32 $0xFFFFDFE0  }
0x192: {  	v0 =	vld.msk [tilespmem:s29+$0xE418], $0x1;
	_ =	sdelay $0x1  }
0x193: {  	s30 =	simm.s32 $0x1  }
0x194: {  	v1 =	vld.msk [tilespmem:s30+$0xE418], $0x1;
	_ =	sdelay $0x1  }
0x195: {  	(v2sf) =	vpush v0, $0x0;
	_ =	sdelay $0x2  }
0x196: {  	(v2sf) =	vpush v1, $0x0;
	_ =	sdelay $0x2  }
0x197: {  	s31 =	simm.s32 $0x2  }
0x198: {  	v0 =	vld.msk [tilespmem:s31+$0xE418], $0x1;
	_ =	sdelay $0x2  }
0x199: {  	s2 =	simm.s32 $0xFFFFFFFF;
	s3 =	simm.s32 $0xFFFFFFFF;
	s0 =	simm.s32 $0xC  }
.LBB2_30:
0x19a: {  	s4 =	smov.u32 s3;
	s5 =	smov.u32 s2  }
0x19b: {  	s2 =	sshra.s32 s0, $0x2;
	p1 =	sne.s32 s0, $0x7C;
	s0 =	sadd.s32 $0x4, s0;
	(v2sf) =	vpush v0, $0x0  }
0x19c: {  	v0 =	vld.msk [tilespmem:s2+$0xE418], $0x1  }
.Ltmp24:
0x19d: {  	(pc) =	sbr.rel @p1 .LBB2_30-.Ltmp24, $4  }
0x19e: {  	s3 =	spop (v2sf)  }
0x19f: {  	p2 =	sne.s32 s5, $0xFFFFFFFF;
	s2 =	smov.u32 s3  }
0x1a0: {  	p3 =	seq.s32 s3, $0xFFFFFFFF;
	s2 =	smov.u32 @p2 s5  }
0x1a1: {  	s3 =	smov.u32 @p3 s4;
	s2 =	smov.u32 @p3 s5  }
0x1a2: {  	(v2sf) =	vpush v0, $0x0;
	_ =	sdelay $0x8  }
0x1a3: {  	s0 =	spop (v2sf)  }
0x1a4: {  	p1 =	sne.s32 s2, $0xFFFFFFFF;
	s9 =	simm.s32 $0x6;
	s4 =	smov.u32 s0  }
0x1a5: {  	s6 =	simm.s32 $0x0;
	p2 =	seq.s32 s0, $0xFFFFFFFF;
	s4 =	smov.u32 @p1 s2  }
0x1a6: {  	s10 =	simm.s32 $0xE308;
	s4 =	smov.u32 @p2 s2;
	s2 =	spop (v2sf)  }
0x1a7: {  	s0 =	smov.u32 @p2 s3;
	p1 =	sne.s32 s4, $0xFFFFFFFF;
	s5 =	smov.u32 s2  }
.Ltmp25:
0x1a8: {  	p2 =	seq.s32 s2, $0xFFFFFFFF;
	s5 =	smov.u32 @p1 s4;
	(pc) =	sbr.rel .LBB2_32-.Ltmp25, $4  }
0x1a9: {  	s11 =	simm.s32 $0xE388;
	s5 =	smov.u32 @p2 s4;
	s7 =	spop (v2sf)  }
0x1aa: {  	s12 =	simm.s32 $0x0;
	p1 =	sne.s32 s5, $0xFFFFFFFF;
	s8 =	smov.u32 s7  }
0x1ab: {  	s2 =	smov.u32 @p2 s0;
	p2 =	seq.s32 s7, $0xFFFFFFFF;
	s8 =	smov.u32 @p1 s5  }
0x1ac: {  	[sflag:s9] =	ssyncpa.u1 $0x0;
	s7 =	smov.u32 @p2 s2;
	s8 =	smov.u32 @p2 s5  }
.LBB2_38:
0x1ad: {  	p1 =	sgt.u32 s0, $0x4E170  }
0x1ae: {  	p2 =	seq.s32 @!p1 s0, s8  }
0x1af: {  	p1 =	por p1, p2  }
0x1b0: {  	p2 =	sne.s32 @!p1 s0, s7  }
0x1b1: {  	p1 =	por p1, !p2  }
0x1b2: {  	s0 =	sshll.u32 @p1 s12, $0xA  }
0x1b3: {  	s2 =	sand.u32 @!p1 $0x7FFF8, s0;
	s3 =	sand.u32 @!p1 $0x7, s0;
	s0 =	sadd.s32 @!p1 $0x80, s0  }
0x1b4: {  	s2 =	sadd.s32 @!p1 s1, s2;
	s0 =	sand.u32 @!p1 $0xFFFF8, s0  }
0x1b5: {  	[tilespmem:s10], [sflag:$0x6] =	stream.linear.gather @!p1 [hbm4b:s2+s3], $0x80, $0x38;
	[tilespmem:$0x1E678] =	vst v63  }
0x1b6: {  	s0 =	sadd.s32 @!p1 s1, s0  }
0x1b7: {  	[tilespmem:s11], [sflag:$0x6] =	stream.linear.gather @!p1 [hbm4b:s0+s3], $0x80, $0x38;
	[tilespmem:$0x1E678] =	vst v63  }
0x1b8: {  	_ =	swait.ge @!p1 [sflag:s9], $0x100  }
0x1b9: {  	[sflag:s9] =	ssyncset.done @!p1 $0x0  }
0x1ba: {  	[sflag:s9] =	ssyncadd.s32 @!p1 $0xFFFFFF00  }
0x1bb: {  	v1 =	vld @!p1 [tilespmem:$0xE308];
	_ =	sdelay $0x2  }
0x1bc: {  	s0 =	sshll.u32 @!p1 s12, $0xA  }
0x1bd: {  	s2 =	sshrl.u32 @!p1 s0, $0x2  }
0x1be: {  	[tilespmem:s2+$0xE438] =	vst.add.f32.msk @!p1 $0xffff, v1  }
0x1bf: {  	v1 =	vld @!p1 [tilespmem:$0xE318];
	_ =	sdelay $0x4  }
0x1c0: {  	[tilespmem:s2+$0xE448] =	vst.add.f32.msk @!p1 $0xffff, v1  }
0x1c1: {  	v1 =	vld @!p1 [tilespmem:$0xE328];
	_ =	sdelay $0x4  }
0x1c2: {  	[tilespmem:s2+$0xE458] =	vst.add.f32.msk @!p1 $0xffff, v1  }
0x1c3: {  	v1 =	vld @!p1 [tilespmem:$0xE338];
	_ =	sdelay $0x4  }
0x1c4: {  	[tilespmem:s2+$0xE468] =	vst.add.f32.msk @!p1 $0xffff, v1  }
0x1c5: {  	v1 =	vld @!p1 [tilespmem:$0xE348];
	_ =	sdelay $0x4  }
0x1c6: {  	[tilespmem:s2+$0xE478] =	vst.add.f32.msk @!p1 $0xffff, v1  }
0x1c7: {  	v1 =	vld @!p1 [tilespmem:$0xE358];
	_ =	sdelay $0x4  }
0x1c8: {  	[tilespmem:s2+$0xE488] =	vst.add.f32.msk @!p1 $0xffff, v1  }
0x1c9: {  	v1 =	vld @!p1 [tilespmem:$0xE368];
	_ =	sdelay $0x4  }
0x1ca: {  	[tilespmem:s2+$0xE498] =	vst.add.f32.msk @!p1 $0xffff, v1  }
0x1cb: {  	v1 =	vld @!p1 [tilespmem:$0xE378];
	_ =	sdelay $0x4  }
0x1cc: {  	[tilespmem:s2+$0xE4A8] =	vst.add.f32.msk @!p1 $0xffff, v1  }
0x1cd: {  	v1 =	vld @!p1 [tilespmem:$0xE388];
	_ =	sdelay $0x4  }
0x1ce: {  	[tilespmem:s2+$0xE4B8] =	vst.add.f32.msk @!p1 $0xffff, v1  }
0x1cf: {  	v1 =	vld @!p1 [tilespmem:$0xE398];
	_ =	sdelay $0x4  }
0x1d0: {  	[tilespmem:s2+$0xE4C8] =	vst.add.f32.msk @!p1 $0xffff, v1  }
0x1d1: {  	v1 =	vld @!p1 [tilespmem:$0xE3A8];
	_ =	sdelay $0x4  }
0x1d2: {  	[tilespmem:s2+$0xE4D8] =	vst.add.f32.msk @!p1 $0xffff, v1  }
0x1d3: {  	v1 =	vld @!p1 [tilespmem:$0xE3B8];
	_ =	sdelay $0x4  }
0x1d4: {  	[tilespmem:s2+$0xE4E8] =	vst.add.f32.msk @!p1 $0xffff, v1  }
0x1d5: {  	v1 =	vld @!p1 [tilespmem:$0xE3C8];
	_ =	sdelay $0x4  }
0x1d6: {  	[tilespmem:s2+$0xE4F8] =	vst.add.f32.msk @!p1 $0xffff, v1  }
0x1d7: {  	v1 =	vld @!p1 [tilespmem:$0xE3D8];
	_ =	sdelay $0x4  }
0x1d8: {  	[tilespmem:s2+$0xE508] =	vst.add.f32.msk @!p1 $0xffff, v1  }
0x1d9: {  	v1 =	vld @!p1 [tilespmem:$0xE3E8];
	_ =	sdelay $0x4  }
0x1da: {  	[tilespmem:s2+$0xE518] =	vst.add.f32.msk @!p1 $0xffff, v1  }
0x1db: {  	v1 =	vld @!p1 [tilespmem:$0xE3F8];
	_ =	sdelay $0x4  }
0x1dc: {  	[tilespmem:s2+$0xE528] =	vst.add.f32.msk @!p1 $0xffff, v1  }
0x1dd: {  	s0 =	sshrl.u32 s0, $0x2;
	[tilespmem:s6+$0xE418] =	vst.msk $0x1, v0  }
0x1de: {  	v0 =	vld [tilespmem:s0+$0xE438];
	_ =	sdelay $0x2  }
0x1df: {  	s31 =	sshll.u32 s6, $0xA  }
0x1e0: {  	s2 =	sshra.s32 s31, $0x2  }
0x1e1: {  	[tilespmem:s2+$0xE438] =	vst v0  }
0x1e2: {  	v0 =	vld [tilespmem:s0+$0xE448];
	_ =	sdelay $0x4  }
0x1e3: {  	[tilespmem:s2+$0xE448] =	vst v0  }
0x1e4: {  	v0 =	vld [tilespmem:s0+$0xE458];
	_ =	sdelay $0x4  }
0x1e5: {  	[tilespmem:s2+$0xE458] =	vst v0  }
0x1e6: {  	v0 =	vld [tilespmem:s0+$0xE468];
	_ =	sdelay $0x4  }
0x1e7: {  	[tilespmem:s2+$0xE468] =	vst v0  }
0x1e8: {  	v0 =	vld [tilespmem:s0+$0xE478];
	_ =	sdelay $0x4  }
0x1e9: {  	[tilespmem:s2+$0xE478] =	vst v0  }
0x1ea: {  	v0 =	vld [tilespmem:s0+$0xE488];
	_ =	sdelay $0x4  }
0x1eb: {  	[tilespmem:s2+$0xE488] =	vst v0  }
0x1ec: {  	v0 =	vld [tilespmem:s0+$0xE498];
	_ =	sdelay $0x4  }
0x1ed: {  	[tilespmem:s2+$0xE498] =	vst v0  }
0x1ee: {  	v0 =	vld [tilespmem:s0+$0xE4A8];
	_ =	sdelay $0x4  }
0x1ef: {  	[tilespmem:s2+$0xE4A8] =	vst v0  }
0x1f0: {  	v0 =	vld [tilespmem:s0+$0xE4B8];
	_ =	sdelay $0x4  }
0x1f1: {  	[tilespmem:s2+$0xE4B8] =	vst v0  }
0x1f2: {  	v0 =	vld [tilespmem:s0+$0xE4C8];
	_ =	sdelay $0x4  }
0x1f3: {  	[tilespmem:s2+$0xE4C8] =	vst v0  }
0x1f4: {  	v0 =	vld [tilespmem:s0+$0xE4D8];
	_ =	sdelay $0x4  }
0x1f5: {  	[tilespmem:s2+$0xE4D8] =	vst v0  }
0x1f6: {  	v0 =	vld [tilespmem:s0+$0xE4E8];
	_ =	sdelay $0x4  }
0x1f7: {  	[tilespmem:s2+$0xE4E8] =	vst v0  }
0x1f8: {  	v0 =	vld [tilespmem:s0+$0xE4F8];
	_ =	sdelay $0x4  }
0x1f9: {  	[tilespmem:s2+$0xE4F8] =	vst v0  }
0x1fa: {  	v0 =	vld [tilespmem:s0+$0xE508];
	_ =	sdelay $0x4  }
0x1fb: {  	[tilespmem:s2+$0xE508] =	vst v0  }
0x1fc: {  	v0 =	vld [tilespmem:s0+$0xE518];
	_ =	sdelay $0x4  }
0x1fd: {  	[tilespmem:s2+$0xE518] =	vst v0  }
0x1fe: {  	v0 =	vld [tilespmem:s0+$0xE528];
	_ =	sdelay $0x4  }
0x1ff: {  	s6 =	sadd.s32 $0x1, s6;
	[tilespmem:s2+$0xE528] =	vst v0  }
.LBB2_39:
0x200: {  	s12 =	sadd.s32 $0x1, s12  }
0x201: {  	p1 =	sne.s32 s12, $0x20  }
.Ltmp26:
0x202: {  	_ = 	snop;
	(pc) =	sbr.rel @!p1 .LBB2_40-.Ltmp26, $1  }
0x203: {  	_ =	sdelay $0x3  }
.LBB2_32:
0x204: {  	v0 =	vld.msk [tilespmem:s12+$0xE418], $0x1;
	_ =	sdelay $0x4  }
0x205: {  	(v2sf) =	vpush v0, $0x0;
	_ =	sdelay $0xe  }
0x206: {  	s0 =	spop (v2sf)  }
0x207: {  	p1 =	seq.s32 s0, $0xFFFFFFFF  }
.Ltmp27:
0x208: {  	_ = 	snop;
	(pc) =	sbr.rel @p1 .LBB2_39-.Ltmp27, $1  }
0x209: {  	_ =	sdelay $0x3  }
0x20a: {  	p1 =	slt.s32 s6, $0x1  }
.Ltmp28:
0x20b: {  	_ = 	snop;
	(pc) =	sbr.rel @p1 .LBB2_38-.Ltmp28, $1  }
0x20c: {  	_ =	sdelay $0x3  }
0x20d: {  	s4 =	simm.s32 $0xE418;
	p1 =	por $0x0, $0x0  }
0x20e: {  	v1 =	vld.msk @!p1 [tilespmem:s4+$0x0], $0x1;
	_ =	sdelay $0x4  }
0x20f: {  	(v2sf) =	vpush @!p1 v1, $0x0;
	_ =	sdelay $0xd  }
0x210: {  	p3 =	sne.s32 s6, $0x1  }
.Ltmp29:
0x211: {  	s2 =	spop @!p1 (v2sf);
	(pc) =	sbr.rel @!p3 .LBB2_36-.Ltmp29, $4  }
0x212: {  	p2 =	seq.s32 @!p1 s0, s2  }
0x213: {  	s5 =	simm.s32 $0x0;
	p2 =	por !p2, p1  }
0x214: {  	s2 =	simm.s32 $0xFFFFFFFF;
	s5 =	simm.s32 @p2 $0xFFFFFFFF  }
0x215: {  	s13 =	simm.s32 $0x1;
	s5 =	smov.u32 @p1 s2  }
.LBB2_35:
0x216: {  	s2 =	smov.u32 s5;
	p1 =	sne.s32 s5, $0xFFFFFFFF  }
0x217: {  	s4 =	sadd.s32 $0x1, s4;
	s5 =	smov.u32 s13;
	s13 =	sadd.s32 $0x1, s13  }
0x218: {  	p2 =	sne.s32 s6, s13;
	v1 =	vld.msk @!p1 [tilespmem:s4+$0x0], $0x1;
	_ =	sdelay $0x4  }
0x219: {  	(v2sf) =	vpush @!p1 v1, $0x0;
	_ =	sdelay $0xe  }
.Ltmp30:
0x21a: {  	s3 =	spop @!p1 (v2sf);
	(pc) =	sbr.rel @p2 .LBB2_35-.Ltmp30, $4  }
0x21b: {  	p3 =	seq.s32 @!p1 s0, s3  }
0x21c: {  	p3 =	por !p3, p1  }
0x21d: {  	s5 =	simm.s32 @p3 $0xFFFFFFFF  }
0x21e: {  	s5 =	smov.u32 @p1 s2  }
.LBB2_36:
0x21f: {  	p1 =	seq.s32 s5, $0xFFFFFFFF  }
.Ltmp31:
0x220: {  	_ = 	snop;
	(pc) =	sbr.rel @p1 .LBB2_38-.Ltmp31, $1  }
0x221: {  	_ =	sdelay $0x3  }
0x222: {  	s0 =	sshll.u32 s12, $0x8  }
0x223: {  	s0 =	sand.u32 $0x3FFFFF00, s0  }
0x224: {  	v0 =	vld [tilespmem:s0+$0xE438];
	_ =	sdelay $0x2  }
0x225: {  	s2 =	sshll.u32 s5, $0xA  }
0x226: {  	s2 =	sshra.s32 s2, $0x2  }
0x227: {  	[tilespmem:s2+$0xE438] =	vst.add.f32.msk $0xffff, v0  }
0x228: {  	v0 =	vld [tilespmem:s0+$0xE448];
	_ =	sdelay $0x4  }
0x229: {  	[tilespmem:s2+$0xE448] =	vst.add.f32.msk $0xffff, v0  }
0x22a: {  	v0 =	vld [tilespmem:s0+$0xE458];
	_ =	sdelay $0x4  }
0x22b: {  	[tilespmem:s2+$0xE458] =	vst.add.f32.msk $0xffff, v0  }
0x22c: {  	v0 =	vld [tilespmem:s0+$0xE468];
	_ =	sdelay $0x4  }
0x22d: {  	[tilespmem:s2+$0xE468] =	vst.add.f32.msk $0xffff, v0  }
0x22e: {  	v0 =	vld [tilespmem:s0+$0xE478];
	_ =	sdelay $0x4  }
0x22f: {  	[tilespmem:s2+$0xE478] =	vst.add.f32.msk $0xffff, v0  }
0x230: {  	v0 =	vld [tilespmem:s0+$0xE488];
	_ =	sdelay $0x4  }
0x231: {  	[tilespmem:s2+$0xE488] =	vst.add.f32.msk $0xffff, v0  }
0x232: {  	v0 =	vld [tilespmem:s0+$0xE498];
	_ =	sdelay $0x4  }
0x233: {  	[tilespmem:s2+$0xE498] =	vst.add.f32.msk $0xffff, v0  }
0x234: {  	v0 =	vld [tilespmem:s0+$0xE4A8];
	_ =	sdelay $0x4  }
0x235: {  	[tilespmem:s2+$0xE4A8] =	vst.add.f32.msk $0xffff, v0  }
0x236: {  	v0 =	vld [tilespmem:s0+$0xE4B8];
	_ =	sdelay $0x4  }
0x237: {  	[tilespmem:s2+$0xE4B8] =	vst.add.f32.msk $0xffff, v0  }
0x238: {  	v0 =	vld [tilespmem:s0+$0xE4C8];
	_ =	sdelay $0x4  }
0x239: {  	[tilespmem:s2+$0xE4C8] =	vst.add.f32.msk $0xffff, v0  }
0x23a: {  	v0 =	vld [tilespmem:s0+$0xE4D8];
	_ =	sdelay $0x4  }
0x23b: {  	[tilespmem:s2+$0xE4D8] =	vst.add.f32.msk $0xffff, v0  }
0x23c: {  	v0 =	vld [tilespmem:s0+$0xE4E8];
	_ =	sdelay $0x4  }
0x23d: {  	[tilespmem:s2+$0xE4E8] =	vst.add.f32.msk $0xffff, v0  }
0x23e: {  	v0 =	vld [tilespmem:s0+$0xE4F8];
	_ =	sdelay $0x4  }
0x23f: {  	[tilespmem:s2+$0xE4F8] =	vst.add.f32.msk $0xffff, v0  }
0x240: {  	v0 =	vld [tilespmem:s0+$0xE508];
	_ =	sdelay $0x4  }
0x241: {  	[tilespmem:s2+$0xE508] =	vst.add.f32.msk $0xffff, v0  }
0x242: {  	v0 =	vld [tilespmem:s0+$0xE518];
	_ =	sdelay $0x4  }
0x243: {  	[tilespmem:s2+$0xE518] =	vst.add.f32.msk $0xffff, v0  }
0x244: {  	v0 =	vld [tilespmem:s0+$0xE528]  }
.Ltmp32:
0x245: {  	_ = 	snop;
	(pc) =	sbr.rel .LBB2_39-.Ltmp32, $2  }
0x246: {  	_ =	sdelay $0x2  }
0x247: {  	[tilespmem:s2+$0xE528] =	vst.add.f32.msk $0xffff, v0  }
.LBB2_40:
0x248: {  	s0 =	simm.s32 $0x6;
	p1 =	seq.s32 s6, $0x0  }
0x249: {  	[sflag:s0] =	ssyncpa.u1 $0x1;
	v0 =	vimm.s32 @p1 $0xFFFFFFFF  }
0x24a: {  	s0 =	sadd.s32 $0xFFFFFFFF, s6;
	[tilespmem:$0x10438] =	vst @p1 v0  }
0x24b: {  	v0 =	vld.msk @!p1 [tilespmem:s0+$0xE418], $0x1;
	_ =	sdelay $0x1  }
0x24c: {  	v1 =	vld.msk @!p1 [tilespmem:$0xE418], $0x1;
	_ =	sdelay $0x2  }
0x24d: {  	p2 =	seq.s32 @!p1 s0, $0x0;
	v0 =	vbroadcast @!p1 v0, $0x0  }
0x24e: {  	vm0 =	vmmov @!p1 $0x1;
	p2 =	por !p2, p1  }
0x24f: {  	v1 =	vnsel @!p1 vm0, $0xFFFFFFFF, v1;
	vm0 =	vcmask @!p1 $0x308;
	v0 =	vpsel !p2, $0xFFFFFFFF, v0  }
0x250: {  	p2 =	sne.s32 @!p1 s8, s7;
	v0 =	vsel @!p1 vm0, v1, v0  }
0x251: {  	s2 =	simm.s32 @!p1 $0xE438;
	s3 =	simm.s32 @!p1 $0x0;
	p3 =	por !p2, p1;
	[tilespmem:$0x10438] =	vst @!p1 v0  }
0x252: {  	[spmem:s3] =	stream.linear.scatter @!p1 [tilespmem:s2], [sflag:$0x1], $0x100, $0x38;
	[tilespmem:$0x1E678] =	vst v63  }
0x253: {  	s2 =	sshll.u32 @!p3 s0, $0xA  }
0x254: {  	s2 =	sshra.s32 @!p3 s2, $0x2  }
0x255: {  	s3 =	simm.s32 @!p3 $0x100;
	s2 =	sadd.s32 @!p3 $0xE438, s2  }
0x256: {  	[spmem:s3] =	stream.linear.scatter @!p3 [tilespmem:s2], [sflag:$0x1], $0x100, $0x38;
	[tilespmem:$0x1E678] =	vst v63  }
0x257: {  	s2 =	simm.s32 @!p3 $0x1  }
0x258: {  	_ =	swait.ge @!p3 [sflag:s2], $0x200  }
0x259: {  	p1 =	por p2, p1;
	[sflag:s2] =	ssyncset.done @!p3 $0x0  }
0x25a: {  	[sflag:s2] =	ssyncadd.s32 @!p3 $0xFFFFFE00;
	s2 =	simm.s32 @!p1 $0x1  }
0x25b: {  	_ =	swait.ge @!p1 [sflag:s2], $0x100  }
0x25c: {  	s29 =	simm.s32 $0x10438;
	[sflag:s2] =	ssyncset.done @!p1 $0x0  }
0x25d: {  	s30 =	simm.s32 $0x2000;
	s31 =	simm.s32 $0x1;
	[sflag:s2] =	ssyncadd.s32 @!p1 $0xFFFFFF00  }
0x25e: {  	[spmem:s30] =	stream.linear.scatter [tilespmem:s29], [sflag:$0x1], $0x10, $0x38;
	[tilespmem:$0x1E678] =	vst v63  }
0x25f: {  	_ =	swait.ge [sflag:s31], $0x10  }
0x260: {  	[sflag:s31] =	ssyncset.done $0x0  }
0x261: {  	p1 =	seq.s32 s14, $0x0;
	s9 =	rddreg [dreg:$0x1];
	[sflag:s31] =	ssyncadd.s32 $0xFFFFFFF0  }
0x262: {  	s3 =	sshll.u32 @p1 s9, $0xE;
	s8 =	rddreg [dreg:$0x2]  }
0x263: {  	s2 =	sadd.s32 @p1 $0x15C3C, s3;
	s3 =	sshll.u32 @p1 s8, $0x11  }
0x264: {  	_ =	sfence.stream.spmem;
	s2 =	sor.u32 @p1 s3, s2  }
0x265: {  	[sflag:s2] =	ssyncadd.remote.s32 @p1 $0x1;
	s2 =	simm.s32 @p1 $0x4  }
0x266: {  	s4 =	simm.s32 @!p1 $0x3C;
	s3 =	sand.u32 $0xFFFFFFFE, s9;
	_ =	swait.ge @p1 [sflag:s2], $0x42  }
0x267: {  	s5 =	simm.s32 @!p1 $0x0;
	s3 =	sadd.s32 @!p1 $0x4, s3;
	[sflag:s2] =	ssyncset.done @p1 $0x0  }
0x268: {  	s7 =	simm.s32 @!p1 $0x200;
	[sflag:s2] =	ssyncadd.s32 @p1 $0xFFFFFFBE;
	s2 =	sshll.u32 @!p1 s3, $0x1A  }
0x269: {  	s3 =	sshll.u32 @!p1 s3, $0xD;
	s2 =	sor.u32 @!p1 s2, s8;
	_ =	swait.eq @!p1 [sflag:s4], $0x1  }
0x26a: {  	s3 =	sor.u32 @!p1 $0x1C04, s3;
	s4 =	simm.s32 @!p1 $0x1C03;
	s2 =	sor.u32 @!p1 $0x80004000, s2  }
0x26b: {  	[spmem:s7], [sflag:s3] =	dma.general @!p1 [spmem:s5], [sflag:s4], length:$0x40, [dreg:$0x0], stride_count:$0x0, ici_dest:s2, dma_misc:DstOpCode:WRITE  }
0x26c: {  	p2 =	slt.s32 s0, $0x2;
	s5 =	simm.s32 @!p1 $0x400;
	s7 =	simm.s32 @!p1 $0x402  }
0x26d: {  	[spmem:s7], [sflag:s3] =	dma.general @!p1 [spmem:s5], [sflag:s4], length:$0x2, [dreg:$0x0], stride_count:$0x0, ici_dest:s2, dma_misc:DstOpCode:WRITE  }
.Ltmp33:
0x26e: {  	s2 =	simm.s32 @!p1 $0x3;
	(pc) =	sbr.rel @p2 .LBB2_44-.Ltmp33, $4  }
0x26f: {  	s3 =	sshll.u32 @!p1 s9, $0xE;
	_ =	swait.ge @!p1 [sflag:s2], $0x42  }
0x270: {  	s4 =	sshll.u32 @!p1 s8, $0x11;
	s3 =	sadd.s32 @!p1 $0x11C3C, s3;
	[sflag:s2] =	ssyncset.done @!p1 $0x0  }
0x271: {  	[sflag:s2] =	ssyncadd.s32 @!p1 $0xFFFFFFBE;
	s2 =	sor.u32 @!p1 s4, s3  }
0x272: {  	s0 =	simm.s32 $0x0;
	[sflag:s2] =	ssyncadd.remote.s32 @!p1 $0xFFFFFFFF  }
0x273: {  	s0 =	simm.s32 $0xE419  }
0x274: {  	v0 =	vld.msk [tilespmem:s0+$0x0], $0x1;
	_ =	sdelay $0x4  }
0x275: {  	(v2sf) =	vpush v0, $0x0;
	_ =	sdelay $0xd  }
0x276: {  	s31 =	sadd.s32 $0xFFFFFFFE, s6  }
0x277: {  	s6 =	simm.s32 $0x0;
	s0 =	sadd.s32 $0xFFFFFFFF, s31;
	s2 =	spop (v2sf)  }
0x278: {  	s3 =	simm.s32 $0xE538;
	p1 =	sne.s32 s0, $0x0;
	p2 =	sgt.u32 s2, $0x4E170  }
.Ltmp34:
0x279: {  	s4 =	simm.s32 $0xE638;
	s5 =	sand.u32 @!p2 $0x7FFF8, s2;
	(pc) =	sbr.rel @!p1 .LBB2_43-.Ltmp34, $4  }
0x27a: {  	s7 =	sadd.s32 @!p2 $0x80, s2;
	s2 =	sand.u32 @!p2 $0x7, s2;
	s6 =	simm.s32 @!p2 $0x400  }
0x27b: {  	s5 =	sadd.s32 @!p2 s1, s5;
	s7 =	sand.u32 @!p2 $0xFFFF8, s7;
	s6 =	sadd.s32 $0x0, s6  }
0x27c: {  	[hbm4b:s5+s2] =	stream.linear.scatter @!p2 [tilespmem:s3], [sflag:$0x5], $0x80, $0x38;
	[tilespmem:$0x1E678] =	vst v63  }
0x27d: {  	s5 =	simm.s32 $0xE41A;
	s3 =	simm.s32 @!p2 $0xE5B8;
	s7 =	sadd.s32 @!p2 s1, s7  }
.LBB2_42:
0x27e: {  	[hbm4b:s7+s2] =	stream.linear.scatter @!p2 [tilespmem:s3], [sflag:$0x5], $0x80, $0x38;
	[tilespmem:$0x1E678] =	vst v63  }
0x27f: {  	s0 =	sadd.s32 $0xFFFFFFFF, s0;
	s3 =	smov.u32 s4;
	v0 =	vld.msk [tilespmem:s5+$0x0], $0x1  }
0x280: {  	p1 =	sne.s32 s0, $0x0;
	_ =	sdelay $0x3  }
0x281: {  	(v2sf) =	vpush v0, $0x0;
	_ =	sdelay $0xe  }
0x282: {  	s4 =	sadd.s32 $0x100, s4;
	s8 =	simm.s32 $0x0;
	s2 =	spop (v2sf)  }
.Ltmp35:
0x283: {  	s5 =	sadd.s32 $0x1, s5;
	p2 =	sgt.u32 s2, $0x4E170;
	(pc) =	sbr.rel @p1 .LBB2_42-.Ltmp35, $4  }
0x284: {  	s8 =	simm.s32 @!p2 $0x400;
	s7 =	sand.u32 @!p2 $0x7FFF8, s2;
	s9 =	sadd.s32 @!p2 $0x80, s2  }
0x285: {  	s2 =	sand.u32 @!p2 $0x7, s2;
	s7 =	sadd.s32 @!p2 s1, s7;
	s9 =	sand.u32 @!p2 $0xFFFF8, s9  }
0x286: {  	[hbm4b:s7+s2] =	stream.linear.scatter @!p2 [tilespmem:s3], [sflag:$0x5], $0x80, $0x38;
	[tilespmem:$0x1E678] =	vst v63  }
0x287: {  	s6 =	sadd.s32 s6, s8;
	s3 =	sadd.s32 @!p2 $0x80, s3;
	s7 =	sadd.s32 @!p2 s1, s9  }
.LBB2_43:
0x288: {  	[hbm4b:s7+s2] =	stream.linear.scatter @!p2 [tilespmem:s3], [sflag:$0x5], $0x80, $0x38;
	[tilespmem:$0x1E678] =	vst v63  }
0x289: {  	s0 =	sshrl.u32 s6, $0x2  }
.LBB2_44:
0x28a: {  	s2 =	simm.s32 $0x5  }
0x28b: {  	_ =	swait.ge [sflag:s2], s0  }
0x28c: {  	s31 =	ssub.s32 $0x0, s0;
	[sflag:s2] =	ssyncset.done $0x0  }
0x28d: {  	[sflag:s2] =	ssyncadd.s32 s31  }
0x28e: {  	[sflag:s2] =	ssyncpa.u1 $0x1  }
.LBB2_45:
0x28f: {  	s0 =	sor.u32 s14, s15  }
0x290: {  	p1 =	sne.s32 s0, $0x0  }
.Ltmp36:
0x291: {  	_ = 	snop;
	(pc) =	sbr.rel @p1 .LBB2_60-.Ltmp36, $3  }
0x292: {  	_ =	sdelay $0x1  }
0x293: {  	[bflag:$0x0] =	sbarrier.arrive $0xFFFF  }
0x294: {  	_ =	sfence  }
0x295: {  	s0 =	simm.s32 $0x7  }
0x296: {  	s2 =	simm.s32 $0x2000;
	s3 =	simm.s32 $0xE418;
	[sflag:s0] =	ssyncpa.u1 $0x0  }
0x297: {  	[tilespmem:s3], [sflag:$0x7] =	stream.linear.gather [spmem:s2], $0x20, $0x38;
	[tilespmem:$0x1E678] =	vst v63  }
0x298: {  	s30 =	simm.s32 $0xE438;
	s2 =	simm.s32 $0x0  }
0x299: {  	[tilespmem:s30], [sflag:$0x7] =	stream.linear.gather [spmem:s2], $0x2000, $0x38;
	[tilespmem:$0x1E678] =	vst v63  }
.Ltmp37:
0x29a: {  	_ = 	snop;
	(pc) =	sbr.rel .LBB2_47-.Ltmp37, $4  }
0x29b: {  	_ =	swait.ge [sflag:s0], $0x2020  }
0x29c: {  	[sflag:s0] =	ssyncset.done $0x0  }
0x29d: {  	s31 =	simm.s32 $0x8;
	[sflag:s0] =	ssyncadd.s32 $0xFFFFDFE0  }
0x29e: {  	s3 =	simm.s32 $0x0;
	[sflag:s31] =	ssyncpa.u1 $0x0  }
.LBB2_53:
0x29f: {  	p1 =	slt.u32 s0, $0x4E171  }
0x2a0: {  	s4 =	sand.u32 @p1 $0x7FFF8, s0;
	s5 =	sand.u32 @p1 $0x7, s0;
	s0 =	sadd.s32 @p1 $0x80, s0  }
0x2a1: {  	s6 =	simm.s32 @p1 $0xE308;
	s4 =	sadd.s32 @p1 s1, s4;
	s0 =	sand.u32 @p1 $0xFFFF8, s0  }
0x2a2: {  	[tilespmem:s6], [sflag:$0x8] =	stream.linear.gather @p1 [hbm4b:s4+s5], $0x80, $0x38;
	[tilespmem:$0x1E678] =	vst v63  }
0x2a3: {  	s0 =	sadd.s32 @p1 s1, s0;
	s4 =	simm.s32 @p1 $0xE388  }
0x2a4: {  	[tilespmem:s4], [sflag:$0x8] =	stream.linear.gather @p1 [hbm4b:s0+s5], $0x80, $0x38;
	[tilespmem:$0x1E678] =	vst v63  }
0x2a5: {  	s0 =	simm.s32 @p1 $0x8  }
0x2a6: {  	_ =	swait.ge @p1 [sflag:s0], $0x100  }
0x2a7: {  	[sflag:s0] =	ssyncset.done @p1 $0x0  }
0x2a8: {  	[sflag:s0] =	ssyncadd.s32 @p1 $0xFFFFFF00  }
0x2a9: {  	v1 =	vld @p1 [tilespmem:$0xE308];
	_ =	sdelay $0x2  }
0x2aa: {  	s0 =	sshll.u32 @p1 s3, $0xA  }
0x2ab: {  	s4 =	sshrl.u32 @p1 s0, $0x2  }
0x2ac: {  	[tilespmem:s4+$0xE438] =	vst.add.f32.msk @p1 $0xffff, v1  }
0x2ad: {  	v1 =	vld @p1 [tilespmem:$0xE318];
	_ =	sdelay $0x4  }
0x2ae: {  	[tilespmem:s4+$0xE448] =	vst.add.f32.msk @p1 $0xffff, v1  }
0x2af: {  	v1 =	vld @p1 [tilespmem:$0xE328];
	_ =	sdelay $0x4  }
0x2b0: {  	[tilespmem:s4+$0xE458] =	vst.add.f32.msk @p1 $0xffff, v1  }
0x2b1: {  	v1 =	vld @p1 [tilespmem:$0xE338];
	_ =	sdelay $0x4  }
0x2b2: {  	[tilespmem:s4+$0xE468] =	vst.add.f32.msk @p1 $0xffff, v1  }
0x2b3: {  	v1 =	vld @p1 [tilespmem:$0xE348];
	_ =	sdelay $0x4  }
0x2b4: {  	[tilespmem:s4+$0xE478] =	vst.add.f32.msk @p1 $0xffff, v1  }
0x2b5: {  	v1 =	vld @p1 [tilespmem:$0xE358];
	_ =	sdelay $0x4  }
0x2b6: {  	[tilespmem:s4+$0xE488] =	vst.add.f32.msk @p1 $0xffff, v1  }
0x2b7: {  	v1 =	vld @p1 [tilespmem:$0xE368];
	_ =	sdelay $0x4  }
0x2b8: {  	[tilespmem:s4+$0xE498] =	vst.add.f32.msk @p1 $0xffff, v1  }
0x2b9: {  	v1 =	vld @p1 [tilespmem:$0xE378];
	_ =	sdelay $0x4  }
0x2ba: {  	[tilespmem:s4+$0xE4A8] =	vst.add.f32.msk @p1 $0xffff, v1  }
0x2bb: {  	v1 =	vld @p1 [tilespmem:$0xE388];
	_ =	sdelay $0x4  }
0x2bc: {  	[tilespmem:s4+$0xE4B8] =	vst.add.f32.msk @p1 $0xffff, v1  }
0x2bd: {  	v1 =	vld @p1 [tilespmem:$0xE398];
	_ =	sdelay $0x4  }
0x2be: {  	[tilespmem:s4+$0xE4C8] =	vst.add.f32.msk @p1 $0xffff, v1  }
0x2bf: {  	v1 =	vld @p1 [tilespmem:$0xE3A8];
	_ =	sdelay $0x4  }
0x2c0: {  	[tilespmem:s4+$0xE4D8] =	vst.add.f32.msk @p1 $0xffff, v1  }
0x2c1: {  	v1 =	vld @p1 [tilespmem:$0xE3B8];
	_ =	sdelay $0x4  }
0x2c2: {  	[tilespmem:s4+$0xE4E8] =	vst.add.f32.msk @p1 $0xffff, v1  }
0x2c3: {  	v1 =	vld @p1 [tilespmem:$0xE3C8];
	_ =	sdelay $0x4  }
0x2c4: {  	[tilespmem:s4+$0xE4F8] =	vst.add.f32.msk @p1 $0xffff, v1  }
0x2c5: {  	v1 =	vld @p1 [tilespmem:$0xE3D8];
	_ =	sdelay $0x4  }
0x2c6: {  	[tilespmem:s4+$0xE508] =	vst.add.f32.msk @p1 $0xffff, v1  }
0x2c7: {  	v1 =	vld @p1 [tilespmem:$0xE3E8];
	_ =	sdelay $0x4  }
0x2c8: {  	[tilespmem:s4+$0xE518] =	vst.add.f32.msk @p1 $0xffff, v1  }
0x2c9: {  	v1 =	vld @p1 [tilespmem:$0xE3F8];
	_ =	sdelay $0x3  }
0x2ca: {  	s5 =	sshll.u32 @!p1 s3, $0xA  }
0x2cb: {  	s5 =	smov.u32 @p1 s0;
	[tilespmem:s4+$0xE528] =	vst.add.f32.msk @p1 $0xffff, v1  }
0x2cc: {  	s0 =	sshrl.u32 s5, $0x2;
	[tilespmem:s2+$0xE418] =	vst.msk $0x1, v0  }
0x2cd: {  	v0 =	vld [tilespmem:s0+$0xE438];
	_ =	sdelay $0x2  }
0x2ce: {  	s31 =	sshll.u32 s2, $0xA  }
0x2cf: {  	s4 =	sshra.s32 s31, $0x2  }
0x2d0: {  	[tilespmem:s4+$0xE438] =	vst v0  }
0x2d1: {  	v0 =	vld [tilespmem:s0+$0xE448];
	_ =	sdelay $0x4  }
0x2d2: {  	[tilespmem:s4+$0xE448] =	vst v0  }
0x2d3: {  	v0 =	vld [tilespmem:s0+$0xE458];
	_ =	sdelay $0x4  }
0x2d4: {  	[tilespmem:s4+$0xE458] =	vst v0  }
0x2d5: {  	v0 =	vld [tilespmem:s0+$0xE468];
	_ =	sdelay $0x4  }
0x2d6: {  	[tilespmem:s4+$0xE468] =	vst v0  }
0x2d7: {  	v0 =	vld [tilespmem:s0+$0xE478];
	_ =	sdelay $0x4  }
0x2d8: {  	[tilespmem:s4+$0xE478] =	vst v0  }
0x2d9: {  	v0 =	vld [tilespmem:s0+$0xE488];
	_ =	sdelay $0x4  }
0x2da: {  	[tilespmem:s4+$0xE488] =	vst v0  }
0x2db: {  	v0 =	vld [tilespmem:s0+$0xE498];
	_ =	sdelay $0x4  }
0x2dc: {  	[tilespmem:s4+$0xE498] =	vst v0  }
0x2dd: {  	v0 =	vld [tilespmem:s0+$0xE4A8];
	_ =	sdelay $0x4  }
0x2de: {  	[tilespmem:s4+$0xE4A8] =	vst v0  }
0x2df: {  	v0 =	vld [tilespmem:s0+$0xE4B8];
	_ =	sdelay $0x4  }
0x2e0: {  	[tilespmem:s4+$0xE4B8] =	vst v0  }
0x2e1: {  	v0 =	vld [tilespmem:s0+$0xE4C8];
	_ =	sdelay $0x4  }
0x2e2: {  	[tilespmem:s4+$0xE4C8] =	vst v0  }
0x2e3: {  	v0 =	vld [tilespmem:s0+$0xE4D8];
	_ =	sdelay $0x4  }
0x2e4: {  	[tilespmem:s4+$0xE4D8] =	vst v0  }
0x2e5: {  	v0 =	vld [tilespmem:s0+$0xE4E8];
	_ =	sdelay $0x4  }
0x2e6: {  	[tilespmem:s4+$0xE4E8] =	vst v0  }
0x2e7: {  	v0 =	vld [tilespmem:s0+$0xE4F8];
	_ =	sdelay $0x4  }
0x2e8: {  	[tilespmem:s4+$0xE4F8] =	vst v0  }
0x2e9: {  	v0 =	vld [tilespmem:s0+$0xE508];
	_ =	sdelay $0x4  }
0x2ea: {  	[tilespmem:s4+$0xE508] =	vst v0  }
0x2eb: {  	v0 =	vld [tilespmem:s0+$0xE518];
	_ =	sdelay $0x4  }
0x2ec: {  	[tilespmem:s4+$0xE518] =	vst v0  }
0x2ed: {  	v0 =	vld [tilespmem:s0+$0xE528];
	_ =	sdelay $0x4  }
0x2ee: {  	s2 =	sadd.s32 $0x1, s2;
	[tilespmem:s4+$0xE528] =	vst v0  }
.LBB2_54:
0x2ef: {  	s3 =	sadd.s32 $0x1, s3  }
0x2f0: {  	p1 =	sne.s32 s3, $0x20  }
.Ltmp38:
0x2f1: {  	_ = 	snop;
	(pc) =	sbr.rel @!p1 .LBB2_55-.Ltmp38, $1  }
0x2f2: {  	_ =	sdelay $0x3  }
.LBB2_47:
0x2f3: {  	v0 =	vld.msk [tilespmem:s3+$0xE418], $0x1;
	_ =	sdelay $0x4  }
0x2f4: {  	(v2sf) =	vpush v0, $0x0;
	_ =	sdelay $0xe  }
0x2f5: {  	s0 =	spop (v2sf)  }
0x2f6: {  	p1 =	seq.s32 s0, $0xFFFFFFFF  }
.Ltmp39:
0x2f7: {  	_ = 	snop;
	(pc) =	sbr.rel @p1 .LBB2_54-.Ltmp39, $1  }
0x2f8: {  	_ =	sdelay $0x3  }
0x2f9: {  	p1 =	slt.s32 s2, $0x1  }
.Ltmp40:
0x2fa: {  	_ = 	snop;
	(pc) =	sbr.rel @p1 .LBB2_53-.Ltmp40, $1  }
0x2fb: {  	_ =	sdelay $0x3  }
0x2fc: {  	s4 =	simm.s32 $0xE418;
	p1 =	por $0x0, $0x0  }
0x2fd: {  	v1 =	vld.msk @!p1 [tilespmem:s4+$0x0], $0x1;
	_ =	sdelay $0x4  }
0x2fe: {  	(v2sf) =	vpush @!p1 v1, $0x0;
	_ =	sdelay $0xd  }
0x2ff: {  	p3 =	sne.s32 s2, $0x1  }
.Ltmp41:
0x300: {  	s5 =	spop @!p1 (v2sf);
	(pc) =	sbr.rel @!p3 .LBB2_51-.Ltmp41, $4  }
0x301: {  	p2 =	seq.s32 @!p1 s0, s5  }
0x302: {  	s5 =	simm.s32 $0x0;
	p2 =	por !p2, p1  }
0x303: {  	s7 =	simm.s32 $0xFFFFFFFF;
	s5 =	simm.s32 @p2 $0xFFFFFFFF  }
0x304: {  	s6 =	simm.s32 $0x1;
	s5 =	smov.u32 @p1 s7  }
.LBB2_50:
0x305: {  	s7 =	smov.u32 s5;
	p1 =	sne.s32 s5, $0xFFFFFFFF  }
0x306: {  	s4 =	sadd.s32 $0x1, s4;
	s5 =	smov.u32 s6;
	s6 =	sadd.s32 $0x1, s6  }
0x307: {  	p2 =	sne.s32 s2, s6;
	v1 =	vld.msk @!p1 [tilespmem:s4+$0x0], $0x1;
	_ =	sdelay $0x4  }
0x308: {  	(v2sf) =	vpush @!p1 v1, $0x0;
	_ =	sdelay $0xe  }
.Ltmp42:
0x309: {  	s8 =	spop @!p1 (v2sf);
	(pc) =	sbr.rel @p2 .LBB2_50-.Ltmp42, $4  }
0x30a: {  	p3 =	seq.s32 @!p1 s0, s8  }
0x30b: {  	p3 =	por !p3, p1  }
0x30c: {  	s5 =	simm.s32 @p3 $0xFFFFFFFF  }
0x30d: {  	s5 =	smov.u32 @p1 s7  }
.LBB2_51:
0x30e: {  	p1 =	seq.s32 s5, $0xFFFFFFFF  }
.Ltmp43:
0x30f: {  	_ = 	snop;
	(pc) =	sbr.rel @p1 .LBB2_53-.Ltmp43, $1  }
0x310: {  	_ =	sdelay $0x3  }
0x311: {  	s0 =	sshll.u32 s3, $0x8  }
0x312: {  	s0 =	sand.u32 $0x3FFFFF00, s0  }
0x313: {  	v0 =	vld [tilespmem:s0+$0xE438];
	_ =	sdelay $0x2  }
0x314: {  	s4 =	sshll.u32 s5, $0xA  }
0x315: {  	s4 =	sshra.s32 s4, $0x2  }
0x316: {  	[tilespmem:s4+$0xE438] =	vst.add.f32.msk $0xffff, v0  }
0x317: {  	v0 =	vld [tilespmem:s0+$0xE448];
	_ =	sdelay $0x4  }
0x318: {  	[tilespmem:s4+$0xE448] =	vst.add.f32.msk $0xffff, v0  }
0x319: {  	v0 =	vld [tilespmem:s0+$0xE458];
	_ =	sdelay $0x4  }
0x31a: {  	[tilespmem:s4+$0xE458] =	vst.add.f32.msk $0xffff, v0  }
0x31b: {  	v0 =	vld [tilespmem:s0+$0xE468];
	_ =	sdelay $0x4  }
0x31c: {  	[tilespmem:s4+$0xE468] =	vst.add.f32.msk $0xffff, v0  }
0x31d: {  	v0 =	vld [tilespmem:s0+$0xE478];
	_ =	sdelay $0x4  }
0x31e: {  	[tilespmem:s4+$0xE478] =	vst.add.f32.msk $0xffff, v0  }
0x31f: {  	v0 =	vld [tilespmem:s0+$0xE488];
	_ =	sdelay $0x4  }
0x320: {  	[tilespmem:s4+$0xE488] =	vst.add.f32.msk $0xffff, v0  }
0x321: {  	v0 =	vld [tilespmem:s0+$0xE498];
	_ =	sdelay $0x4  }
0x322: {  	[tilespmem:s4+$0xE498] =	vst.add.f32.msk $0xffff, v0  }
0x323: {  	v0 =	vld [tilespmem:s0+$0xE4A8];
	_ =	sdelay $0x4  }
0x324: {  	[tilespmem:s4+$0xE4A8] =	vst.add.f32.msk $0xffff, v0  }
0x325: {  	v0 =	vld [tilespmem:s0+$0xE4B8];
	_ =	sdelay $0x4  }
0x326: {  	[tilespmem:s4+$0xE4B8] =	vst.add.f32.msk $0xffff, v0  }
0x327: {  	v0 =	vld [tilespmem:s0+$0xE4C8];
	_ =	sdelay $0x4  }
0x328: {  	[tilespmem:s4+$0xE4C8] =	vst.add.f32.msk $0xffff, v0  }
0x329: {  	v0 =	vld [tilespmem:s0+$0xE4D8];
	_ =	sdelay $0x4  }
0x32a: {  	[tilespmem:s4+$0xE4D8] =	vst.add.f32.msk $0xffff, v0  }
0x32b: {  	v0 =	vld [tilespmem:s0+$0xE4E8];
	_ =	sdelay $0x4  }
0x32c: {  	[tilespmem:s4+$0xE4E8] =	vst.add.f32.msk $0xffff, v0  }
0x32d: {  	v0 =	vld [tilespmem:s0+$0xE4F8];
	_ =	sdelay $0x4  }
0x32e: {  	[tilespmem:s4+$0xE4F8] =	vst.add.f32.msk $0xffff, v0  }
0x32f: {  	v0 =	vld [tilespmem:s0+$0xE508];
	_ =	sdelay $0x4  }
0x330: {  	[tilespmem:s4+$0xE508] =	vst.add.f32.msk $0xffff, v0  }
0x331: {  	v0 =	vld [tilespmem:s0+$0xE518];
	_ =	sdelay $0x4  }
0x332: {  	[tilespmem:s4+$0xE518] =	vst.add.f32.msk $0xffff, v0  }
0x333: {  	v0 =	vld [tilespmem:s0+$0xE528]  }
.Ltmp44:
0x334: {  	_ = 	snop;
	(pc) =	sbr.rel .LBB2_54-.Ltmp44, $2  }
0x335: {  	_ =	sdelay $0x2  }
0x336: {  	[tilespmem:s4+$0xE528] =	vst.add.f32.msk $0xffff, v0  }
.LBB2_55:
0x337: {  	p1 =	slt.s32 s2, $0x1  }
.Ltmp45:
0x338: {  	_ = 	snop;
	(pc) =	sbr.rel @p1 .LBB2_59-.Ltmp45, $3  }
0x339: {  	_ =	sdelay $0x1  }
0x33a: {  	s0 =	simm.s32 $0x8  }
0x33b: {  	s4 =	simm.s32 $0x0;
	[sflag:s0] =	ssyncpa.u1 $0x1  }
0x33c: {  	s0 =	simm.s32 $0xE418  }
0x33d: {  	v0 =	vld.msk [tilespmem:s0+$0x0], $0x1;
	_ =	sdelay $0x4  }
0x33e: {  	(v2sf) =	vpush v0, $0x0;
	_ =	sdelay $0xe  }
0x33f: {  	s0 =	sadd.s32 $0xFFFFFFFF, s2;
	s3 =	spop (v2sf)  }
0x340: {  	s6 =	simm.s32 $0xE438;
	p1 =	sne.s32 s0, $0x0;
	p2 =	sgt.u32 s3, $0x4E170  }
.Ltmp46:
0x341: {  	s2 =	simm.s32 $0xE538;
	s5 =	sand.u32 @!p2 $0x7FFF8, s3;
	(pc) =	sbr.rel @!p1 .LBB2_58-.Ltmp46, $4  }
0x342: {  	s7 =	sadd.s32 @!p2 $0x80, s3;
	s4 =	simm.s32 @!p2 $0x400;
	s8 =	sadd.s32 @!p2 s1, s5  }
0x343: {  	s5 =	sand.u32 @!p2 $0x7, s3;
	s3 =	simm.s32 $0xE419;
	s7 =	sand.u32 @!p2 $0xFFFF8, s7  }
0x344: {  	[hbm4b:s8+s5] =	stream.linear.scatter @!p2 [tilespmem:s6], [sflag:$0x7], $0x80, $0x38;
	[tilespmem:$0x1E678] =	vst v63  }
0x345: {  	s4 =	sadd.s32 $0x0, s4;
	s6 =	simm.s32 @!p2 $0xE4B8;
	s7 =	sadd.s32 @!p2 s1, s7  }
.LBB2_57:
0x346: {  	[hbm4b:s7+s5] =	stream.linear.scatter @!p2 [tilespmem:s6], [sflag:$0x7], $0x80, $0x38;
	[tilespmem:$0x1E678] =	vst v63  }
0x347: {  	s0 =	sadd.s32 $0xFFFFFFFF, s0;
	s6 =	smov.u32 s2;
	v0 =	vld.msk [tilespmem:s3+$0x0], $0x1  }
0x348: {  	p1 =	sne.s32 s0, $0x0;
	_ =	sdelay $0x3  }
0x349: {  	(v2sf) =	vpush v0, $0x0;
	_ =	sdelay $0xe  }
0x34a: {  	s2 =	sadd.s32 $0x100, s2;
	s8 =	simm.s32 $0x0;
	s5 =	spop (v2sf)  }
.Ltmp47:
0x34b: {  	s3 =	sadd.s32 $0x1, s3;
	p2 =	sgt.u32 s5, $0x4E170;
	(pc) =	sbr.rel @p1 .LBB2_57-.Ltmp47, $4  }
0x34c: {  	s8 =	simm.s32 @!p2 $0x400;
	s7 =	sand.u32 @!p2 $0x7FFF8, s5;
	s9 =	sadd.s32 @!p2 $0x80, s5  }
0x34d: {  	s5 =	sand.u32 @!p2 $0x7, s5;
	s7 =	sadd.s32 @!p2 s1, s7;
	s9 =	sand.u32 @!p2 $0xFFFF8, s9  }
0x34e: {  	[hbm4b:s7+s5] =	stream.linear.scatter @!p2 [tilespmem:s6], [sflag:$0x7], $0x80, $0x38;
	[tilespmem:$0x1E678] =	vst v63  }
0x34f: {  	s4 =	sadd.s32 s4, s8;
	s6 =	sadd.s32 @!p2 $0x80, s6;
	s7 =	sadd.s32 @!p2 s1, s9  }
.LBB2_58:
0x350: {  	[hbm4b:s7+s5] =	stream.linear.scatter @!p2 [tilespmem:s6], [sflag:$0x7], $0x80, $0x38;
	[tilespmem:$0x1E678] =	vst v63  }
0x351: {  	s4 =	sshrl.u32 s4, $0x2  }
.LBB2_59:
0x352: {  	s0 =	simm.s32 $0x7  }
0x353: {  	_ =	swait.ge [sflag:s0], s4  }
0x354: {  	s1 =	ssub.s32 $0x0, s4;
	[sflag:s0] =	ssyncset.done $0x0  }
0x355: {  	[sflag:s0] =	ssyncadd.s32 s1  }
0x356: {  	[sflag:s0] =	ssyncpa.u1 $0x1  }
.LBB2_60:
0x357: {  	_ =	sfence;
	s0 =	simm.s32 $0x1  }
0x358: {  	[sflag:s0] =	ssyncpa.u1 $0x1  }
0x359: {  	_ =	strace $0x9000004D  }
0x35a: {  	[bflag:$0x2] =	sbarrier.arrive $0xFFFF  }
0x35b: {  	s0 =	rddreg [dreg:$0x3]  }
0x35c: {  	s0 =	sadd.s32 @!p0 $0x100000, s0  }
0x35d: {  	[sflag:s0] =	ssyncadd.tile.s32 @!p0 $0x1;
	_ =	shalt  }
.Lfunc_end2:
_tile_overlayer_lowered:
.L_overlay_start_2:
0x35e: {  	(tag) =	ssettag $0x2  }
0x35f: {  	s0 =	rddreg [dreg:$0x0];
	s2 =	stileid.u32  }
0x360: {  	s1 =	rddreg [dreg:$0x1];
	p0 =	sne.s32 s2, $0x0  }
0x361: {  	s3 =	rddreg [dreg:$0x2];
	[bflag:$0x3] =	sbarrier.arrive $0xFFFF;
	s2 =	simm.s32 @!p0 $0x1C01  }
0x362: {  	[timem:s3], [sflag:s2] =	dma.local @!p0 [hbm:s0], s1  }
0x363: {  	s0 =	simm.s32 @!p0 $0x1  }
0x364: {  	_ =	swait.ge @!p0 [sflag:s0], s1  }
0x365: {  	s1 =	ssub.s32 @!p0 $0x0, s1;
	[sflag:s0] =	ssyncset.done @!p0 $0x0  }
0x366: {  	[sflag:s0] =	ssyncadd.s32 @!p0 s1  }
0x367: {  	[bflag:$0x3] =	sbarrier.arrive $0xFFFF  }
0x368: {  	_ =	shalt  }

// kernel: scatter_offload_async_start.2
scs
__scs_entry_jumppad:
0x0: {  	(pc) =	sbr.rel $0x88, $3  }
0x1: {  	(tag) =	ssettag $0x0;
	lr =	simm.s32 $0x1  }
0x2: {  	[smem:$0x3F93] =	sst lr;
	_ =	strace $0xD0000000  }
0x3: {  	_ = 	snop  }
0x4: {  	_ = 	snop  }
0x5: {  	_ = 	snop  }
0x6: {  	_ = 	snop  }
0x7: {  	_ = 	snop  }
__scs_overlays_trampoline_lowered:
0x8: {  	[smem:$0x3FA2] =	sst s0  }
0x9: {  	[smem:$0x3FA3] =	sst s1  }
0xa: {  	[smem:$0x3FA4] =	sst s2  }
0xb: {  	[smem:$0x3FA5] =	sst s3  }
0xc: {  	[smem:$0x3FA6] =	sst s4  }
0xd: {  	[smem:$0x3FA7] =	sst s5  }
0xe: {  	[smem:$0x3FA8] =	sst s6  }
0xf: {  	[smem:$0x3FA9] =	sst s7  }
0x10: {  	[smem:$0x3FAA] =	sst s8  }
0x11: {  	[smem:$0x3FAB] =	sst s9;
	s0 =	simm.s32 @!p0 $0x0  }
0x12: {  	s1 =	sld [smem:$0x3F91];
	s0 =	simm.s32 @p0 $0x1  }
0x13: {  	[smem:$0x3FAC] =	sst s0;
	s0 =	simm.s32 @!p1 $0x0  }
0x14: {  	s2 =	sld [smem:$0x3F90];
	s0 =	simm.s32 @p1 $0x1  }
0x15: {  	[smem:$0x3FAD] =	sst s0;
	s0 =	simm.s32 @!p2 $0x0  }
0x16: {  	s3 =	sld [smem:$0x3FDB];
	s0 =	simm.s32 @p2 $0x1  }
0x17: {  	s4 =	simm.s32 $0x1BF5;
	[smem:$0x3FAF] =	sst s0  }
0x18: {  	s0 =	sld [smem:$0x3F92];
	_ =	swait.ge [sflag:s4], $0x0  }
0x19: {  	s7 =	sld [smem:$0x3F93]  }
0x1a: {  	s8 =	sadd.s32 $0xFFFFE003, lr  }
0x1b: {  	s9 =	sadd.s32 $0xFFFFFEF7, lr;
	s5 =	simm.s32 $0xFFFFFFFF;
	p2 =	slt.u32 s8, $0xFFFFF086  }
0x1c: {  	p1 =	slt.u32 s9, $0xF7A;
	s5 =	simm.s32 @!p2 $0x0  }
0x1d: {  	s5 =	simm.s32 @p1 $0x1;
	p0 =	seq.s32 s7, s2  }
0x1e: {  	s7 =	smul.u32 @!p0 $0xF7A, s2;
	p2 =	seq.s32 @!p0 s5, $0x0  }
0x1f: {  	s9 =	smul.u32 $0xF7A, s1;
	s8 =	simm.s32 @!p0 $0x1BF5;
	p2 =	por !p2, p0  }
0x20: {  	[sflag:s8] =	ssyncset.s32 @!p0 $0xFFFFF086;
	s6 =	sadd.s32 @!p0 s3, s7;
	s7 =	simm.s32 @!p0 $0x108  }
0x21: {  	s3 =	sadd.s32 s3, s9;
	s6 =	sadd.s32 @!p0 $0x88, s6;
	s7 =	simm.s32 @p2 $0x1082  }
0x22: {  	[simem:s7], [sflag:s8] =	dma.local @!p0 [hbm:s6], $0xF7A  }
0x23: {  	s9 =	sor.u32 $0xD0000000, s2;
	s6 =	simm.s32 $0x108;
	_ =	swait.ge @!p0 [sflag:s8], $0x0  }
0x24: {  	s3 =	sadd.s32 $0x88, s3;
	s6 =	simm.s32 @!p1 $0x1082;
	[sflag:s4] =	ssyncset.s32 $0xFFFFF086  }
0x25: {  	[simem:s6], [sflag:s4] =	dma.local [hbm:s3], $0xF7A  }
0x26: {  	[smem:$0x3F93] =	sst s1;
	(tag) =	ssettag s2;
	_ =	strace s9  }
0x27: {  	s1 =	sld [smem:$0x3FA3]  }
0x28: {  	s2 =	sld [smem:$0x3FA4]  }
0x29: {  	s4 =	sld [smem:$0x3FA6]  }
0x2a: {  	p0 =	seq.s32 s5, $0x0;
	s5 =	sld [smem:$0x3FA7]  }
0x2b: {  	s6 =	sld [smem:$0x3FA8]  }
0x2c: {  	s7 =	sld [smem:$0x3FA9]  }
0x2d: {  	s3 =	simm.s32 $0x108;
	s8 =	sld [smem:$0x3FAA]  }
0x2e: {  	s3 =	simm.s32 @!p0 $0x1082;
	s9 =	sld [smem:$0x3FAB]  }
0x2f: {  	lr =	sadd.s32 s0, s3;
	s0 =	sld [smem:$0x3FA2]  }
0x30: {  	s3 =	sld [smem:$0x3FA5]  }
0x31: {  	[smem:$0x3FAE] =	sst s10  }
0x32: {  	s10 =	sld [smem:$0x3FAC];
	_ =	sdelay $0x3  }
0x33: {  	p0 =	seq.s32 s10, $0x1;
	s10 =	sld [smem:$0x3FAE];
	_ =	sdelay $0x3  }
0x34: {  	[smem:$0x3FAE] =	sst s10  }
0x35: {  	s10 =	sld [smem:$0x3FAD];
	_ =	sdelay $0x3  }
0x36: {  	p1 =	seq.s32 s10, $0x1;
	s10 =	sld [smem:$0x3FAE];
	_ =	sdelay $0x3  }
0x37: {  	[smem:$0x3FAE] =	sst s10  }
0x38: {  	s10 =	sld [smem:$0x3FAF]  }
0x39: {  	_ = 	snop;
	(pc) =	sbr.ind lr, $3  }
0x3a: {  	_ = 	snop  }
0x3b: {  	_ = 	snop  }
0x3c: {  	p2 =	seq.s32 s10, $0x1;
	s10 =	sld [smem:$0x3FAE]  }
0x3d: {  	_ =	shalt  }
0x3e: {  	_ =	shalt  }
0x3f: {  	_ =	shalt  }
0x40: {  	_ =	shalt  }
0x41: {  	_ =	shalt  }
0x42: {  	_ =	shalt  }
0x43: {  	_ =	shalt  }
0x44: {  	_ =	shalt  }
0x45: {  	_ =	shalt  }
0x46: {  	_ =	shalt  }
0x47: {  	_ =	shalt  }
0x48: {  	_ =	shalt  }
0x49: {  	_ =	shalt  }
0x4a: {  	_ =	shalt  }
0x4b: {  	_ =	shalt  }
0x4c: {  	_ =	shalt  }
0x4d: {  	_ =	shalt  }
0x4e: {  	_ =	shalt  }
0x4f: {  	_ =	shalt  }
0x50: {  	_ =	shalt  }
0x51: {  	_ =	shalt  }
0x52: {  	_ =	shalt  }
0x53: {  	_ =	shalt  }
0x54: {  	_ =	shalt  }
0x55: {  	_ =	shalt  }
0x56: {  	_ =	shalt  }
0x57: {  	_ =	shalt  }
0x58: {  	_ =	shalt  }
0x59: {  	_ =	shalt  }
0x5a: {  	_ =	shalt  }
0x5b: {  	_ =	shalt  }
0x5c: {  	_ =	shalt  }
0x5d: {  	_ =	shalt  }
0x5e: {  	_ =	shalt  }
0x5f: {  	_ =	shalt  }
0x60: {  	_ =	shalt  }
0x61: {  	_ =	shalt  }
0x62: {  	_ =	shalt  }
0x63: {  	_ =	shalt  }
0x64: {  	_ =	shalt  }
0x65: {  	_ =	shalt  }
0x66: {  	_ =	shalt  }
0x67: {  	_ =	shalt  }
0x68: {  	_ =	shalt  }
0x69: {  	_ =	shalt  }
0x6a: {  	_ =	shalt  }
0x6b: {  	_ =	shalt  }
0x6c: {  	_ =	shalt  }
0x6d: {  	_ =	shalt  }
0x6e: {  	_ =	shalt  }
0x6f: {  	_ =	shalt  }
0x70: {  	_ =	shalt  }
0x71: {  	_ =	shalt  }
0x72: {  	_ =	shalt  }
0x73: {  	_ =	shalt  }
0x74: {  	_ =	shalt  }
0x75: {  	_ =	shalt  }
0x76: {  	_ =	shalt  }
0x77: {  	_ =	shalt  }
0x78: {  	_ =	shalt  }
0x79: {  	_ =	shalt  }
0x7a: {  	_ =	shalt  }
0x7b: {  	_ =	shalt  }
0x7c: {  	_ =	shalt  }
0x7d: {  	_ =	shalt  }
0x7e: {  	_ =	shalt  }
0x7f: {  	_ =	shalt  }
0x80: {  	_ =	shalt  }
0x81: {  	_ =	shalt  }
0x82: {  	_ =	shalt  }
0x83: {  	_ =	shalt  }
0x84: {  	_ =	shalt  }
0x85: {  	_ =	shalt  }
0x86: {  	_ =	shalt  }
0x87: {  	_ =	shalt  }
.Lfunc_end0:
.L_simem_size_0:
called_computation.2_lowered:
.L_overlay_start_0:
0x88: {  	s0 =	sld [smem:$0x3FD9]  }
0x89: {  	s1 =	sld [smem:$0x3FFE];
	_ =	sdelay $0x3  }
0x8a: {  	s0 =	sadd.s32 s1, s0  }
0x8b: {  	[smem:$0x3FBA] =	sst s0  }
0x8c: {  	_ = 	snop  }
0x8d: {  	(tm) =	ssettm $0x1  }
0x8e: {  	s15 =	sld [smem:$0x3FFB];
	_ =	sdelay $0x3  }
0x8f: {  	_ =	strace s15  }
0x90: {  	s0 =	sld [smem:$0x3FFC];
	_ =	sdelay $0x3  }
0x91: {  	_ =	strace s0  }
0x92: {  	s0 =	sld [smem:$0x3FFD];
	_ =	sdelay $0x3  }
0x93: {  	_ =	strace s0  }
0x94: {  	_ =	strace $0x8FFFFFFF  }
0x95: {  	s16 =	sld [smem:$0x3FDB];
	_ =	sdelay $0x1  }
0x96: {  	s17 =	simm.s32 $_scs_section_size  }
0x97: {  	s2 =	simm.s32 $_size__tile_overlayer_lowered;
	s3 =	simm.s32 $_tile_overlayer_lowered  }
0x98: {  	s20 =	simm.s32 $0x1BFF;
	s19 =	sshll.u32 s3, $0x1;
	s0 =	sadd.s32 s17, s16  }
0x99: {  	s4 =	simm.s32 $0x0;
	s18 =	sshll.u32 s2, $0x1;
	s2 =	sadd.s32 s19, s0  }
0x9a: {  	[timem:s4], [sflag:s20] =	dma.local [hbm:s2], s18  }
0x9b: {  	_ =	swait.ge [sflag:s20], s18  }
0x9c: {  	s1 =	ssub.s32 $0x0, s18;
	[sflag:s20] =	ssyncset.done $0x0  }
0x9d: {  	[sflag:s20] =	ssyncadd.s32 s1;
	_ =	sdelay $0x1  }
0x9e: {  	s21 =	simm.s32 $0x1B8B  }
0x9f: {  	_ =	swait.ge [sflag:s21], $0x1  }
0xa0: {  	[sflag:s21] =	ssyncset.done $0x0  }
0xa1: {  	s23 =	simm.s32 $0x1B8E;
	s22 =	sld [smem:$0x3FFE];
	[sflag:s21] =	ssyncadd.s32 $0xFFFFFFFF  }
0xa2: {  	s24 =	simm.s32 $execute0_lowered;
	[smem:$0x3FD2] =	sst s23  }
0xa3: {  	s2 =	sshll.u32 s24, $0x1;
	_ =	strace $0x80000052;
	[dreg:$0x1] =	wrdreg $0xFFFFFFFF  }
0xa4: {  	s25 =	simm.s32 $_size_execute0_lowered;
	s0 =	sadd.s32 s0, s2;
	[dreg:$0x0] =	wrdreg $0x0  }
0xa5: {  	s2 =	sshll.u32 s25, $0x1;
	[dreg:$0x2] =	wrdreg s0  }
0xa6: {  	[dreg:$0x3] =	wrdreg s2  }
0xa7: {  	[dreg:$0x4] =	wrdreg $0xC0  }
0xa8: {  	_ =	task [dreg:s4], $0x5FFFF  }
0xa9: {  	[dreg:$0x1] =	wrdreg $0xFFFFFFFF  }
0xaa: {  	[dreg:$0x0] =	wrdreg $0x60  }
0xab: {  	[dreg:$0x2] =	wrdreg s22  }
0xac: {  	[dreg:$0x3] =	wrdreg $0x9  }
0xad: {  	_ =	task.clear_ibuf [dreg:s4], $0x4FFFF;
	_ =	strace $0x90000052  }
0xae: {  	s26 =	simm.s32 $0x9;
	_ =	strace $0x80000054  }
0xaf: {  	_ =	swait.ge [sflag:s26], $0x1  }
0xb0: {  	[sflag:s26] =	ssyncadd.s32 $0xFFFFFFFF  }
0xb1: {  	_ =	strace $0x90000054  }
0xb2: {  	_ =	sfence  }
0xb3: {  	s28 =	sld [smem:$0x0];
	_ =	sdelay $0x1  }
0xb4: {  	s29 =	srdreg.scid  }
0xb5: {  	s30 =	sshll.u32 s29, $0xD;
	s31 =	sshrl.u32 s29, $0x2  }
0xb6: {  	s1 =	sand.u32 $0x1, s29;
	s2 =	sand.u32 $0x4000, s30;
	s0 =	sadd.s32 s31, s28  }
0xb7: {  	s1 =	sor.u32 s2, s1;
	s0 =	sshll.u32 s0, $0x11  }
0xb8: {  	s0 =	sor.u32 s0, s1  }
0xb9: {  	s0 =	sadd.s32 $0x8F2B, s0  }
0xba: {  	[sflag:s0] =	ssyncadd.remote.s32 $0x1  }
0xbb: {  	_ =	sfence.sel $0xFFFF  }
0xbc: {  	[dreg:$0x0] =	wrdreg $0xFFFFFFFF;
	(pc) =	sbr.abs _section_cstart, $3  }
0xbd: {  	[dreg:$0x1] =	wrdreg $0xFFFFFFFF  }
0xbe: {  	_ =	task.clear_ibuf [dreg:s4], $0x2FFFF;
	_ =	strace $0x9FFFFFFF  }
0xbf: {  	(tm) =	ssettm $0x7FFFFFFF  }
tec
execute0_lowered:
.L_overlay_start_1:
0x0: {  	(tag) =	ssettag $0x1  }
0x1: {  	s1 =	rddreg [dreg:$0x0];
	_ =	strace $0x80000053;
	s0 =	simm.s32 $0x1  }
0x2: {  	s8 =	simm.s32 $0x208;
	v0 =	vimm.s32 $0x0;
	[sflag:s0] =	ssyncpa.u1 $0x0  }
0x3: {  	[tilespmem:s8+$0x70] =	vst v0  }
0x4: {  	[tilespmem:s8+$0x60] =	vst v0  }
0x5: {  	[tilespmem:s8+$0x50] =	vst v0  }
0x6: {  	[tilespmem:s8+$0x40] =	vst v0  }
0x7: {  	[tilespmem:s8+$0x30] =	vst v0  }
0x8: {  	s10 =	sadd.s32 $0x4E800, s1;
	[tilespmem:s8+$0x20] =	vst v0  }
0x9: {  	s4 =	sadd.s32 $0x50000, s1;
	s5 =	sadd.s32 $0x4EE00, s1;
	s0 =	simm.s32 $0x40;
	[tilespmem:s8+$0x10] =	vst v0  }
.LBB2_1:
0xa: {  	s0 =	sadd.s32 $0x40, s0;
	[tilespmem:s8+$0x0] =	vst v0;
	s8 =	sadd.s32 $0x80, s8  }
0xb: {  	p0 =	slt.u32 s0, $0x3880;
	[tilespmem:s8+$0x70] =	vst v0  }
0xc: {  	[tilespmem:s8+$0x60] =	vst v0  }
.Ltmp0:
0xd: {  	[tilespmem:s8+$0x50] =	vst v0;
	(pc) =	sbr.rel @p0 .LBB2_1-.Ltmp0, $4  }
0xe: {  	[tilespmem:s8+$0x40] =	vst v0  }
0xf: {  	[tilespmem:s8+$0x30] =	vst v0  }
0x10: {  	[tilespmem:s8+$0x20] =	vst v0  }
0x11: {  	[tilespmem:s8+$0x10] =	vst v0  }
0x12: {  	s3 =	stileid.u32  }
0x13: {  	s0 =	smul.u32 $0x5, s3  }
0x14: {  	s2 =	smin.u32 s3, $0xA  }
0x15: {  	s0 =	sadd.s32 s2, s0  }
0x16: {  	p0 =	slt.u32 s3, $0xA;
	s6 =	smul.u32 $0x70, s0;
	s0 =	simm.s32 $0x2A0  }
0x17: {  	s0 =	simm.s32 @!p0 $0x230  }
0x18: {  	s0 =	sadd.s32 s0, s6  }
0x19: {  	s7 =	smin.u32 s0, $0x2710  }
0x1a: {  	s0 =	ssub.s32 s7, s6  }
0x1b: {  	p0 =	sgt.s32 s0, $0x0  }
0x1c: {  	s0 =	simm.s32 @!p0 $0x0  }
0x1d: {  	s26 =	sand.u32 $0xFFF0, s0  }
0x1e: {  	s28 =	simm.s32 $0x2;
	s2 =	sshrl.u32 s26, $0x4  }
0x1f: {  	s29 =	simm.s32 $0x7;
	s30 =	simm.s32 $0x8;
	s2 =	smul.u32 $0x2493, s2  }
0x20: {  	s31 =	simm.s32 $0x9;
	s11 =	simm.s32 $0x1;
	s21 =	simm.s32 $0x0  }
0x21: {  	p1 =	por $0x0, $0x0;
	s15 =	simm.s32 $0x80;
	s2 =	sshrl.u32 s2, $0x10  }
0x22: {  	s16 =	simm.s32 $0x400;
	s17 =	simm.s32 $0xA;
	s9 =	smul.u32 $0x70, s2  }
.Ltmp1:
0x23: {  	[tilespmem:s8+$0x0] =	vst v0;
	v0 =	vimm.s32 $0xFFFFFFFF;
	s18 =	simm.s32 $0x0;
	[sflag:s28] =	ssyncpa.u1 $0x0;
	(pc) =	sbr.rel .LBB2_3-.Ltmp1, $4  }
0x24: {  	[tilespmem:$0xE408] =	vst v0;
	[sflag:s29] =	ssyncpa.u1 $0x0;
	p0 =	sne.s32 s0, s9;
	s0 =	simm.s32 $0x1  }
0x25: {  	s20 =	simm.s32 $0x0;
	[sflag:s30] =	ssyncpa.u1 $0x0;
	s0 =	simm.s32 @!p0 $0x0  }
0x26: {  	s13 =	sshll.u32 s3, $0x9;
	[sflag:s31] =	ssyncpa.u1 $0x0;
	s12 =	sadd.s32 s2, s0  }
0x27: {  	v0 =	vlaneseq.u32;
	s19 =	smov.u32 s6;
	p0 =	por $0x1, $0x1;
	s14 =	sadd.s32 $0x1, s12  }
.LBB2_24:
0x28: {  	s0 =	sshrl.u32 s30, $0x2  }
.LBB2_26:
0x29: {  	_ =	swait.ge [sflag:s17], s0  }
0x2a: {  	s31 =	ssub.s32 $0x0, s0;
	v1 =	vmov s23;
	vm0 =	veq.s32 v0, $0x0;
	[sflag:s17] =	ssyncset.done $0x0  }
0x2b: {  	vm15 =	veq.s32 v0, $0x2;
	v1 =	vsel vm0, s29, v1;
	[sflag:s17] =	ssyncadd.s32 s31  }
0x2c: {  	v1 =	vsel vm15, s21, v1;
	[sflag:s17] =	ssyncpa.u1 $0x1  }
0x2d: {  	[tilespmem:$0xE408] =	vst v1  }
.LBB2_27:
0x2e: {  	s0 =	sadd.s32 $0x70, s19  }
0x2f: {  	s2 =	smov.u32 s6;
	p2 =	slt.s32 s0, s7  }
0x30: {  	s2 =	smov.u32 @p2 s0;
	p2 =	sne.s32 s20, s14  }
.Ltmp2:
0x31: {  	_ = 	snop;
	(pc) =	sbr.rel @!p2 .LBB2_28-.Ltmp2, $4  }
0x32: {  	_ = 	snop  }
0x33: {  	s21 =	smov.u32 s18  }
0x34: {  	s31 =	sadd.s32 $0x1, s20;
	s18 =	smov.u32 s19;
	p0 =	por !p0, !p0  }
0x35: {  	p1 =	por !p1, !p1;
	s20 =	smov.u32 s31;
	s19 =	smov.u32 s2  }
.LBB2_3:
0x36: {  	p2 =	sge.u32 s20, s12  }
0x37: {  	s0 =	smulhi.u32 @!p2 $0xAAAAAAAB, s20  }
0x38: {  	s2 =	smov.u32 s19;
	p3 =	sgt.s32 @!p2 s19, $0x26A0  }
0x39: {  	s8 =	sshra.s32 @!p2 s19, $0x1F;
	p3 =	por !p3, p2;
	s0 =	sshrl.u32 @!p2 s0, $0x1  }
0x3a: {  	s8 =	sand.u32 @!p2 s8, s19;
	s2 =	simm.s32 @p3 $0x26A0;
	s0 =	smul.u32 @!p2 $0x3, s0  }
0x3b: {  	s2 =	ssub.s32 @!p2 s2, s8  }
0x3c: {  	s2 =	sadd.s32 @!p2 $0xFFFFD960, s2;
	s0 =	ssub.s32 @!p2 s20, s0  }
0x3d: {  	s8 =	sshll.u32 @!p2 s2, $0x2;
	p3 =	sgt.s32 @!p2 s2, $0x6F;
	s0 =	smul.u32 @!p2 $0x1C0, s0  }
0x3e: {  	s9 =	sand.u32 @!p2 $0x7, s19;
	s2 =	ssub.s32 @!p2 $0x1C0, s8;
	p3 =	por !p3, p2  }
0x3f: {  	s8 =	sshrl.u32 @!p2 s19, $0x3;
	s2 =	sshrl.u32 @!p2 s2, $0x2;
	s0 =	sshrl.u32 @!p2 s0, $0x2  }
0x40: {  	s8 =	sadd.s32 @!p2 s5, s8;
	s2 =	simm.s32 @!p3 $0x0;
	s0 =	sadd.s32 @!p2 $0x10438, s0  }
0x41: {  	[tilespmem:s0], [sflag:$0x8] =	stream.linear.gather @!p2 [hbm4b:s8+s9], s2, $0x38;
	[tilespmem:$0x1E668] =	vst v63  }
0x42: {  	s0 =	sadd.s32 $0xFFFFFFFF, s20  }
0x43: {  	p2 =	sge.u32 s0, s12  }
0x44: {  	p3 =	sgt.s32 @!p2 s18, $0x26A0  }
0x45: {  	s2 =	smov.u32 s18;
	s8 =	sshra.s32 @!p2 s18, $0x1F;
	p3 =	por !p3, p2  }
0x46: {  	s8 =	sand.u32 @!p2 s8, s18;
	s2 =	simm.s32 @p3 $0x26A0  }
0x47: {  	s2 =	ssub.s32 @!p2 s2, s8  }
0x48: {  	s2 =	sadd.s32 @!p2 $0xFFFFD960, s2  }
0x49: {  	s8 =	sshll.u32 @!p2 s2, $0x2  }
0x4a: {  	p3 =	sgt.s32 @!p2 s2, $0x6F;
	s2 =	ssub.s32 @!p2 $0x1C0, s8  }
0x4b: {  	p3 =	por !p3, p2;
	s2 =	sshrl.u32 @!p2 s2, $0x2  }
0x4c: {  	s9 =	simm.s32 @!p2 $0x8;
	s8 =	sand.u32 @!p2 $0x1, s0;
	s2 =	simm.s32 @!p3 $0x0  }
0x4d: {  	s8 =	smul.u32 @!p2 $0x1C0, s8;
	_ =	swait.ge @!p2 [sflag:s9], s2  }
0x4e: {  	s22 =	ssub.s32 @!p2 $0x0, s2;
	[sflag:s9] =	ssyncset.done @!p2 $0x0  }
0x4f: {  	s8 =	sshrl.u32 @!p2 s8, $0x2;
	[sflag:s9] =	ssyncadd.s32 @!p2 s22;
	s9 =	sshrl.u32 @!p2 s18, $0x3  }
0x50: {  	s8 =	sor.u32 @!p2 $0x10588, s8;
	s22 =	sand.u32 @!p2 $0x7, s18;
	s9 =	sadd.s32 @!p2 s10, s9  }
0x51: {  	[tilespmem:s8], [sflag:$0x9] =	stream.linear.gather @!p2 [hbm4b:s9+s22], s2, $0x38;
	[tilespmem:$0x1E668] =	vst v63  }
0x52: {  	s22 =	ssub.s32 @!p2 $0x2710, s18  }
0x53: {  	p3 =	slt.s32 @!p2 s22, $0x1  }
0x54: {  	p3 =	por p2, p3  }
.Ltmp3:
0x55: {  	_ = 	snop;
	(pc) =	sbr.rel @p3 .LBB2_9-.Ltmp3, $1  }
0x56: {  	_ =	sdelay $0x3  }
0x57: {  	s2 =	smulhi.u32 $0xAAAAAAAB, s0;
	_ =	sdelay $0x1  }
0x58: {  	s2 =	sshrl.u32 s2, $0x1  }
0x59: {  	s2 =	smul.u32 $0x3, s2;
	_ =	sdelay $0x1  }
0x5a: {  	s29 =	ssub.s32 s0, s2  }
0x5b: {  	s8 =	simm.s32 $0x1;
	s0 =	smul.u32 $0x1C0, s29  }
.Ltmp4:
0x5c: {  	s8 =	simm.s32 @!p0 $0x0;
	(pc) =	sbr.rel .LBB2_6-.Ltmp4, $4  }
0x5d: {  	s30 =	smul.u32 $0x1C000, s8  }
0x5e: {  	p3 =	slt.s32 @!p2 s22, $0x70;
	s0 =	sshrl.u32 s0, $0x2  }
0x5f: {  	p2 =	por !p3, p2;
	s2 =	sshrl.u32 s30, $0x2;
	s31 =	sadd.s32 $0x10438, s0  }
0x60: {  	s22 =	simm.s32 @p2 $0x70;
	s23 =	sor.u32 $0x10668, s2;
	s0 =	simm.s32 $0x0;
	v1 =	vmov s31  }
.LBB2_5:
0x61: {  	p2 =	sge.s32 s0, s22  }
.Ltmp5:
0x62: {  	_ = 	snop;
	(pc) =	sbr.rel @p2 .LBB2_9-.Ltmp5, $2  }
0x63: {  	_ =	sdelay $0x2  }
0x64: {  	s23 =	sadd.s32 $0x1000, s23  }
.LBB2_6:
0x65: {  	p2 =	sle.s32 s22, s0  }
.Ltmp6:
0x66: {  	_ = 	snop;
	(pc) =	sbr.rel @p2 .LBB2_5-.Ltmp6, $2  }
0x67: {  	_ =	sdelay $0x2  }
0x68: {  	s24 =	smov.u32 s0;
	s0 =	sadd.s32 $0x10, s0  }
0x69: {  	s2 =	ssub.s32 s22, s24  }
0x6a: {  	p2 =	slt.s32 s2, $0x10  }
0x6b: {  	s2 =	simm.s32 @!p2 $0x10  }
0x6c: {  	v2 =	vmov s2  }
0x6d: {  	vm0 =	vgt.s32 v2, v0;
	_ =	sdelay $0x5  }
0x6e: {  	v2 =	vld.idx.msk [tilespmem:v1+s24+$0x0 ss:$0x1], vm0;
	_ =	sdelay $0x2  }
0x6f: {  	p2 =	slt.s32 s0, s22;
	s2 =	smov.u32 s22  }
0x70: {  	s8 =	smov.u32 s23;
	s25 =	simm.s32 $0x0;
	s2 =	smov.u32 @p2 s0  }
.LBB2_8:
0x71: {  	(v2sf) =	vpush v2, s25;
	_ =	sdelay $0xe  }
0x72: {  	s25 =	sadd.s32 $0x1, s25;
	s9 =	spop (v2sf)  }
0x73: {  	s31 =	sadd.s32 s25, s24;
	s26 =	sshll.u32 s9, $0x8;
	s9 =	sshll.u32 s9, $0x7  }
0x74: {  	p2 =	slt.s32 s31, s2;
	s26 =	sand.u32 $0xFFFFF800, s26;
	s9 =	sand.u32 $0x380, s9  }
.Ltmp7:
0x75: {  	s9 =	sor.u32 s9, s26;
	(pc) =	sbr.rel @p2 .LBB2_8-.Ltmp7, $4  }
0x76: {  	s9 =	sshrl.u32 s9, $0x3  }
0x77: {  	s9 =	sadd.s32 s4, s9  }
0x78: {  	[tilespmem:s8], [sflag:$0x7] =	stream.strided.gather [hbm4b:s9+s15], $0x100, s16, s15, $0x38;
	[tilespmem:$0x1E668] =	vst v63  }
0x79: {  	s8 =	sadd.s32 $0x100, s8  }
.Ltmp8:
0x7a: {  	_ = 	snop;
	(pc) =	sbr.rel .LBB2_5-.Ltmp8, $1  }
0x7b: {  	_ =	sdelay $0x3  }
.LBB2_9:
0x7c: {  	p2 =	slt.u32 s20, $0x2  }
.Ltmp9:
0x7d: {  	_ = 	snop;
	(pc) =	sbr.rel @p2 .LBB2_27-.Ltmp9, $1  }
0x7e: {  	_ =	sdelay $0x3  }
0x7f: {  	p2 =	sgt.s32 s21, $0x26A0;
	s0 =	smov.u32 s21  }
0x80: {  	s2 =	sshra.s32 s21, $0x1F;
	s8 =	ssub.s32 $0x2710, s21;
	s0 =	simm.s32 @!p2 $0x26A0  }
0x81: {  	s2 =	sand.u32 s2, s21;
	p2 =	slt.s32 s8, $0x70;
	s9 =	smov.u32 s8  }
0x82: {  	s0 =	ssub.s32 s0, s2;
	s9 =	simm.s32 @!p2 $0x70  }
0x83: {  	s0 =	sadd.s32 $0xFFFFD960, s0;
	s25 =	sshll.u32 s9, $0x8  }
0x84: {  	s3 =	simm.s32 $0x7;
	s26 =	sshll.u32 s0, $0x2;
	s2 =	sand.u32 $0x3FFFFF00, s25  }
0x85: {  	p2 =	sgt.s32 s0, $0x6F;
	s28 =	ssub.s32 $0x1C0, s26;
	_ =	swait.ge [sflag:s3], s2  }
0x86: {  	s2 =	ssub.s32 $0x0, s2;
	[sflag:s3] =	ssyncset.done $0x0;
	s0 =	sshrl.u32 s28, $0x2  }
0x87: {  	s30 =	simm.s32 $0x9;
	[sflag:s3] =	ssyncadd.s32 s2;
	s0 =	simm.s32 @p2 $0x0  }
0x88: {  	_ =	swait.ge [sflag:s30], s0  }
0x89: {  	s0 =	ssub.s32 $0x0, s0;
	[sflag:s30] =	ssyncset.done $0x0  }
0x8a: {  	[sflag:s30] =	ssyncadd.s32 s0  }
0x8b: {  	v1 =	vld [tilespmem:$0xE408];
	_ =	sdelay $0x4  }
0x8c: {  	(v2sf) =	vpush v1, $0x0  }
0x8d: {  	(v2sf) =	vpush v1, $0x1  }
0x8e: {  	(v2sf) =	vpush v1, $0x2;
	_ =	sdelay $0x3  }
0x8f: {  	s0 =	sadd.s32 $0x70, s21  }
0x90: {  	p2 =	slt.s32 s7, s0  }
0x91: {  	s0 =	smov.u32 @p2 s7;
	p2 =	sgt.s32 s8, $0x0  }
0x92: {  	s25 =	ssub.s32 s0, s21;
	s8 =	simm.s32 @!p2 $0x0  }
0x93: {  	p2 =	slt.s32 s8, s25  }
0x94: {  	s25 =	smov.u32 @p2 s8  }
0x95: {  	s24 =	simm.s32 $0x1;
	p2 =	slt.s32 s25, $0x1  }
.Ltmp10:
0x96: {  	s24 =	simm.s32 @!p1 $0x0;
	(pc) =	sbr.rel @p2 .LBB2_14-.Ltmp10, $4  }
0x97: {  	s31 =	smul.u32 $0x1C0, s24  }
0x98: {  	s26 =	spop (v2sf)  }
0x99: {  	s0 =	sshrl.u32 s31, $0x2;
	s29 =	spop (v2sf)  }
0x9a: {  	s22 =	sor.u32 $0x10588, s0;
	s21 =	spop (v2sf)  }
0x9b: {  	s0 =	smin.u32 s25, $0x10  }
0x9c: {  	v1 =	vmov s0  }
0x9d: {  	vm1 =	vgt.u32 v1, v0  }
0x9e: {  	p3 =	sgt.s32 s25, $0x10  }
.Ltmp11:
0x9f: {  	_ = 	snop;
	(pc) =	sbr.rel @!p3 .LBB2_13-.Ltmp11, $2  }
0xa0: {  	_ =	sdelay $0x2  }
0xa1: {  	s23 =	simm.s32 $0x10;
	s28 =	sadd.s32 $0xFFFFFFF0, s25;
	s0 =	smov.u32 s22;
	vm0 =	vmmov vm1;
	v1 =	vld.msk [tilespmem:s22+$0x0 ss:$0x1], vm1  }
.LBB2_12:
0xa2: {  	s2 =	smin.u32 s28, $0x10;
	s23 =	sadd.s32 $0x10, s23  }
0xa3: {  	v2 =	vmov s2;
	p3 =	slt.s32 s23, s25  }
0xa4: {  	vm1 =	vgt.u32 v2, v0;
	_ =	sdelay $0x1  }
0xa5: {  	v2 =	vshll.u32 v1, $0x5;
	v1 =	vshll.u32 v1, $0x4  }
.Ltmp12:
0xa6: {  	v2 =	vand.u32 $0xFFFFFF00, v2;
	v1 =	vand.u32 $0x70, v1;
	(pc) =	sbr.rel @p3 .LBB2_12-.Ltmp12, $4  }
0xa7: {  	v1 =	vor.u32 v1, v2  }
0xa8: {  	[tilespmem:s0+$0x0] =	vst.msk vm0, v1;
	s0 =	sadd.s32 $0x10, s0;
	vm0 =	vmmov vm1  }
0xa9: {  	v1 =	vld.msk [tilespmem:s0+$0x0 ss:$0x1], vm1  }
0xaa: {  	s28 =	sadd.s32 $0xFFFFFFF0, s28  }
.LBB2_13:
0xab: {  	_ =	sdelay $0x3  }
0xac: {  	v2 =	vshll.u32 v1, $0x5;
	v1 =	vshll.u32 v1, $0x4  }
0xad: {  	v2 =	vand.u32 $0xFFFFFF00, v2;
	v1 =	vand.u32 $0x70, v1  }
0xae: {  	v1 =	vor.u32 v1, v2  }
0xaf: {  	[tilespmem:s0+$0x0] =	vst.msk vm0, v1  }
.LBB2_14:
0xb0: {  	s0 =	sand.u32 $0x1, s20  }
0xb1: {  	s0 =	smul.u32 $0x70, s0  }
0xb2: {  	p3 =	sne.s32 s29, $0xFFFFFFFF  }
0xb3: {  	v1 =	vld.msk @!p3 [tilespmem:s0+$0x10588], $0x1;
	_ =	sdelay $0x4  }
0xb4: {  	(v2sf) =	vpush @!p3 v1, $0x0;
	_ =	sdelay $0xc  }
.Ltmp13:
0xb5: {  	_ = 	snop;
	(pc) =	sbr.rel @p2 .LBB2_25-.Ltmp13, $4  }
0xb6: {  	_ = 	snop  }
0xb7: {  	s28 =	spop @!p3 (v2sf)  }
0xb8: {  	s21 =	simm.s32 @!p3 $0x0;
	s23 =	smov.u32 s28  }
0xb9: {  	[sflag:s17] =	ssyncpa.u1 $0x0;
	s28 =	smov.u32 @p3 s26;
	s23 =	smov.u32 @p3 s29  }
0xba: {  	v1 =	vld.msk [tilespmem:s22+$0x0], $0x1;
	_ =	sdelay $0x4  }
0xbb: {  	(v2sf) =	vpush v1, $0x0;
	_ =	sdelay $0xd  }
0xbc: {  	s17 =	smov.u32 s6  }
0xbd: {  	s6 =	smov.u32 s14;
	s14 =	smov.u32 s5;
	s30 =	spop (v2sf)  }
0xbe: {  	s5 =	smov.u32 s10;
	s0 =	smul.u32 $0x1C000, s24;
	p2 =	seq.s32 s28, s30  }
0xbf: {  	s2 =	smov.u32 s28;
	s25 =	ssub.s32 $0x0, s25;
	p3 =	sgt.s32 @!p2 s28, $0x0  }
0xc0: {  	s26 =	simm.s32 $0x0;
	s0 =	sshrl.u32 s0, $0x2;
	p3 =	por !p3, p2  }
0xc1: {  	s29 =	sadd.s32 $0x1, s25;
	s24 =	sor.u32 $0x106E8, s0;
	s2 =	simm.s32 @p3 $0x0  }
0xc2: {  	s0 =	simm.s32 @!p2 $0x1;
	p3 =	seq.s32 s29, $0x0;
	s2 =	smin.u32 @!p2 s2, $0x770  }
.Ltmp14:
0xc3: {  	s9 =	simm.s32 @!p2 $0x7308;
	s8 =	sand.u32 @!p2 $0x7F8, s2;
	(pc) =	sbr.rel @p3 .LBB2_17-.Ltmp14, $4  }
0xc4: {  	s31 =	sadd.s32 @!p2 $0x80, s2;
	s10 =	sadd.s32 @!p2 s1, s8;
	s8 =	sand.u32 @!p2 $0x7, s2  }
0xc5: {  	[tilespmem:s9], [sflag:$0x2] =	stream.linear.gather @!p2 [hbm4b:s10+s8], $0x80, $0x38;
	[tilespmem:$0x1E668] =	vst v63  }
0xc6: {  	s0 =	smov.u32 @p2 s26;
	s9 =	sand.u32 @!p2 $0xFF8, s31  }
0xc7: {  	s2 =	simm.s32 @!p2 $0x7388;
	s31 =	sadd.s32 $0x1, s22;
	s9 =	sadd.s32 @!p2 s1, s9  }
.LBB2_16:
0xc8: {  	s10 =	smov.u32 s0  }
0xc9: {  	[tilespmem:s2], [sflag:$0x2] =	stream.linear.gather @!p2 [hbm4b:s9+s8], $0x80, $0x38;
	[tilespmem:$0x1E668] =	vst v63  }
0xca: {  	s29 =	sadd.s32 $0x1, s29;
	s8 =	smov.u32 s30;
	v1 =	vld.msk [tilespmem:s31+$0x0], $0x1  }
0xcb: {  	p3 =	seq.s32 s29, $0x0;
	_ =	sdelay $0x3  }
0xcc: {  	(v2sf) =	vpush v1, $0x0;
	_ =	sdelay $0xe  }
0xcd: {  	s30 =	spop (v2sf)  }
0xce: {  	p2 =	seq.s32 s8, s30  }
0xcf: {  	p4 =	sgt.s32 @!p2 s8, $0x0;
	s2 =	sshll.u32 @!p2 s0, $0xA;
	s0 =	sadd.s32 @!p2 $0x1, s0  }
0xd0: {  	p4 =	por !p4, p2;
	s2 =	sshra.s32 @!p2 s2, $0x2;
	s0 =	smov.u32 @p2 s10  }
0xd1: {  	s8 =	simm.s32 @p4 $0x0;
	s9 =	sadd.s32 @!p2 $0x7308, s2;
	s2 =	sadd.s32 @!p2 $0x7388, s2  }
.Ltmp15:
0xd2: {  	s8 =	smin.u32 @!p2 s8, $0x770;
	(pc) =	sbr.rel @!p3 .LBB2_16-.Ltmp15, $4  }
0xd3: {  	s10 =	sand.u32 @!p2 $0x7F8, s8;
	s3 =	sadd.s32 @!p2 $0x80, s8  }
0xd4: {  	s8 =	sand.u32 @!p2 $0x7, s8;
	s10 =	sadd.s32 @!p2 s1, s10;
	s3 =	sand.u32 @!p2 $0xFF8, s3  }
0xd5: {  	[tilespmem:s9], [sflag:$0x2] =	stream.linear.gather @!p2 [hbm4b:s10+s8], $0x80, $0x38;
	[tilespmem:$0x1E668] =	vst v63  }
0xd6: {  	s31 =	sadd.s32 $0x1, s31;
	s9 =	sadd.s32 @!p2 s1, s3  }
.LBB2_17:
0xd7: {  	[tilespmem:s2], [sflag:$0x2] =	stream.linear.gather @!p2 [hbm4b:s9+s8], $0x80, $0x38;
	[tilespmem:$0x1E668] =	vst v63  }
.Ltmp16:
0xd8: {  	s0 =	sshll.u32 s0, $0x8;
	(pc) =	sbr.rel .LBB2_18-.Ltmp16, $4  }
0xd9: {  	s31 =	simm.s32 $0x2;
	s30 =	simm.s32 $0x0;
	s0 =	sand.u32 $0x3FFFFF00, s0  }
0xda: {  	s10 =	smov.u32 s5;
	s5 =	smov.u32 s14;
	_ =	swait.ge [sflag:s31], s0  }
0xdb: {  	s14 =	smov.u32 s6;
	s0 =	ssub.s32 $0x0, s0;
	[sflag:s31] =	ssyncset.done $0x0  }
0xdc: {  	s6 =	smov.u32 s17;
	s17 =	simm.s32 $0xA;
	[sflag:s31] =	ssyncadd.s32 s0  }
.LBB2_19:
0xdd: {  	v1 =	vld [tilespmem:s24+$0xFFFFFF80];
	_ =	sdelay $0x4  }
0xde: {  	[tilespmem:s31+$0x208] =	vst.add.f32.msk $0xffff, v1  }
0xdf: {  	v1 =	vld [tilespmem:s24+$0xFFFFFF90];
	_ =	sdelay $0x4  }
0xe0: {  	[tilespmem:s31+$0x218] =	vst.add.f32.msk $0xffff, v1  }
0xe1: {  	v1 =	vld [tilespmem:s24+$0xFFFFFFA0];
	_ =	sdelay $0x4  }
0xe2: {  	[tilespmem:s31+$0x228] =	vst.add.f32.msk $0xffff, v1  }
0xe3: {  	v1 =	vld [tilespmem:s24+$0xFFFFFFB0];
	_ =	sdelay $0x4  }
0xe4: {  	[tilespmem:s31+$0x238] =	vst.add.f32.msk $0xffff, v1  }
0xe5: {  	v1 =	vld [tilespmem:s24+$0xFFFFFFC0];
	_ =	sdelay $0x4  }
0xe6: {  	[tilespmem:s31+$0x248] =	vst.add.f32.msk $0xffff, v1  }
0xe7: {  	v1 =	vld [tilespmem:s24+$0xFFFFFFD0];
	_ =	sdelay $0x4  }
0xe8: {  	[tilespmem:s31+$0x258] =	vst.add.f32.msk $0xffff, v1  }
0xe9: {  	v1 =	vld [tilespmem:s24+$0xFFFFFFE0];
	_ =	sdelay $0x4  }
0xea: {  	[tilespmem:s31+$0x268] =	vst.add.f32.msk $0xffff, v1  }
0xeb: {  	v1 =	vld [tilespmem:s24+$0xFFFFFFF0];
	_ =	sdelay $0x4  }
0xec: {  	[tilespmem:s31+$0x278] =	vst.add.f32.msk $0xffff, v1  }
0xed: {  	v1 =	vld [tilespmem:s24+$0x0];
	_ =	sdelay $0x4  }
0xee: {  	[tilespmem:s31+$0x288] =	vst.add.f32.msk $0xffff, v1  }
0xef: {  	v1 =	vld [tilespmem:s24+$0x10];
	_ =	sdelay $0x4  }
0xf0: {  	[tilespmem:s31+$0x298] =	vst.add.f32.msk $0xffff, v1  }
0xf1: {  	v1 =	vld [tilespmem:s24+$0x20];
	_ =	sdelay $0x4  }
0xf2: {  	[tilespmem:s31+$0x2A8] =	vst.add.f32.msk $0xffff, v1  }
0xf3: {  	v1 =	vld [tilespmem:s24+$0x30];
	_ =	sdelay $0x4  }
0xf4: {  	[tilespmem:s31+$0x2B8] =	vst.add.f32.msk $0xffff, v1  }
0xf5: {  	v1 =	vld [tilespmem:s24+$0x40];
	_ =	sdelay $0x4  }
0xf6: {  	[tilespmem:s31+$0x2C8] =	vst.add.f32.msk $0xffff, v1  }
0xf7: {  	v1 =	vld [tilespmem:s24+$0x50];
	_ =	sdelay $0x4  }
0xf8: {  	[tilespmem:s31+$0x2D8] =	vst.add.f32.msk $0xffff, v1  }
0xf9: {  	v1 =	vld [tilespmem:s24+$0x60];
	_ =	sdelay $0x4  }
0xfa: {  	[tilespmem:s31+$0x2E8] =	vst.add.f32.msk $0xffff, v1  }
0xfb: {  	v1 =	vld [tilespmem:s24+$0x70];
	_ =	sdelay $0x4  }
0xfc: {  	[tilespmem:s31+$0x2F8] =	vst.add.f32.msk $0xffff, v1  }
.LBB2_23:
0xfd: {  	s25 =	sadd.s32 $0x1, s25  }
0xfe: {  	p2 =	seq.s32 s25, $0x0  }
.Ltmp17:
0xff: {  	_ = 	snop;
	(pc) =	sbr.rel @p2 .LBB2_24-.Ltmp17, $2  }
0x100: {  	_ =	sdelay $0x2  }
0x101: {  	s22 =	sadd.s32 $0x1, s22;
	s24 =	sadd.s32 $0x100, s24;
	s28 =	smov.u32 s29  }
.LBB2_18:
0x102: {  	v1 =	vld.msk [tilespmem:s22+$0x0], $0x1;
	_ =	sdelay $0x4  }
0x103: {  	(v2sf) =	vpush v1, $0x0;
	_ =	sdelay $0xe  }
0x104: {  	s29 =	spop (v2sf)  }
0x105: {  	p2 =	sne.s32 s28, s29  }
.Ltmp18:
0x106: {  	_ = 	snop;
	(pc) =	sbr.rel @!p2 .LBB2_19-.Ltmp18, $3  }
0x107: {  	_ =	sdelay $0x1  }
0x108: {  	s0 =	sshll.u32 s21, $0xA  }
0x109: {  	s31 =	sshra.s32 s0, $0x2  }
0x10a: {  	p2 =	seq.s32 s28, s23  }
.Ltmp19:
0x10b: {  	_ = 	snop;
	(pc) =	sbr.rel @!p2 .LBB2_21-.Ltmp19, $1  }
0x10c: {  	_ =	sdelay $0x3  }
.Ltmp20:
0x10d: {  	s0 =	sadd.s32 $0x208, s31;
	(pc) =	sbr.rel .LBB2_22-.Ltmp20, $4  }
0x10e: {  	[spmem:s13] =	stream.linear.scatter [tilespmem:s0], [sflag:$0x1], $0x100, $0x38;
	[tilespmem:$0x1E668] =	vst v63  }
0x10f: {  	_ =	swait.ge [sflag:s11], $0x100  }
0x110: {  	[sflag:s11] =	ssyncset.done $0x0  }
0x111: {  	[sflag:s11] =	ssyncadd.s32 $0xFFFFFF00  }
.LBB2_21:
0x112: {  	s0 =	sshll.u32 s26, $0xA  }
0x113: {  	s0 =	sshra.s32 s0, $0x2  }
0x114: {  	v1 =	vld [tilespmem:s0+$0x7308];
	_ =	sdelay $0x4  }
0x115: {  	[tilespmem:s31+$0x208] =	vst.add.f32.msk $0xffff, v1  }
0x116: {  	v1 =	vld [tilespmem:s0+$0x7318];
	_ =	sdelay $0x4  }
0x117: {  	[tilespmem:s31+$0x218] =	vst.add.f32.msk $0xffff, v1  }
0x118: {  	v1 =	vld [tilespmem:s0+$0x7328];
	_ =	sdelay $0x4  }
0x119: {  	[tilespmem:s31+$0x228] =	vst.add.f32.msk $0xffff, v1  }
0x11a: {  	v1 =	vld [tilespmem:s0+$0x7338];
	_ =	sdelay $0x4  }
0x11b: {  	[tilespmem:s31+$0x238] =	vst.add.f32.msk $0xffff, v1  }
0x11c: {  	v1 =	vld [tilespmem:s0+$0x7348];
	_ =	sdelay $0x4  }
0x11d: {  	[tilespmem:s31+$0x248] =	vst.add.f32.msk $0xffff, v1  }
0x11e: {  	v1 =	vld [tilespmem:s0+$0x7358];
	_ =	sdelay $0x4  }
0x11f: {  	[tilespmem:s31+$0x258] =	vst.add.f32.msk $0xffff, v1  }
0x120: {  	v1 =	vld [tilespmem:s0+$0x7368];
	_ =	sdelay $0x4  }
0x121: {  	[tilespmem:s31+$0x268] =	vst.add.f32.msk $0xffff, v1  }
0x122: {  	v1 =	vld [tilespmem:s0+$0x7378];
	_ =	sdelay $0x4  }
0x123: {  	[tilespmem:s31+$0x278] =	vst.add.f32.msk $0xffff, v1  }
0x124: {  	v1 =	vld [tilespmem:s0+$0x7388];
	_ =	sdelay $0x4  }
0x125: {  	[tilespmem:s31+$0x288] =	vst.add.f32.msk $0xffff, v1  }
0x126: {  	v1 =	vld [tilespmem:s0+$0x7398];
	_ =	sdelay $0x4  }
0x127: {  	[tilespmem:s31+$0x298] =	vst.add.f32.msk $0xffff, v1  }
0x128: {  	v1 =	vld [tilespmem:s0+$0x73A8];
	_ =	sdelay $0x4  }
0x129: {  	[tilespmem:s31+$0x2A8] =	vst.add.f32.msk $0xffff, v1  }
0x12a: {  	v1 =	vld [tilespmem:s0+$0x73B8];
	_ =	sdelay $0x4  }
0x12b: {  	[tilespmem:s31+$0x2B8] =	vst.add.f32.msk $0xffff, v1  }
0x12c: {  	v1 =	vld [tilespmem:s0+$0x73C8];
	_ =	sdelay $0x4  }
0x12d: {  	[tilespmem:s31+$0x2C8] =	vst.add.f32.msk $0xffff, v1  }
0x12e: {  	v1 =	vld [tilespmem:s0+$0x73D8];
	_ =	sdelay $0x4  }
0x12f: {  	[tilespmem:s31+$0x2D8] =	vst.add.f32.msk $0xffff, v1  }
0x130: {  	v1 =	vld [tilespmem:s0+$0x73E8];
	_ =	sdelay $0x4  }
0x131: {  	[tilespmem:s31+$0x2E8] =	vst.add.f32.msk $0xffff, v1  }
0x132: {  	v1 =	vld [tilespmem:s0+$0x73F8];
	_ =	sdelay $0x2  }
0x133: {  	p2 =	sgt.u32 s28, $0x770  }
0x134: {  	s0 =	sand.u32 @!p2 $0x7F8, s28  }
0x135: {  	s2 =	sadd.s32 $0x208, s31;
	s3 =	sand.u32 @!p2 $0x7, s28;
	s0 =	sadd.s32 @!p2 s1, s0;
	[tilespmem:s31+$0x2F8] =	vst.add.f32.msk $0xffff, v1  }
0x136: {  	[hbm4b:s0+s3] =	stream.linear.scatter @!p2 [tilespmem:s2], [sflag:$0xA], $0x80, $0x38;
	[tilespmem:$0x1E668] =	vst v63  }
0x137: {  	s0 =	sadd.s32 @!p2 $0x80, s28  }
0x138: {  	s0 =	sand.u32 @!p2 $0xFF8, s0  }
0x139: {  	s2 =	sadd.s32 $0x288, s31;
	s0 =	sadd.s32 @!p2 s1, s0  }
0x13a: {  	[hbm4b:s0+s3] =	stream.linear.scatter @!p2 [tilespmem:s2], [sflag:$0xA], $0x80, $0x38;
	[tilespmem:$0x1E668] =	vst v63  }
0x13b: {  	s0 =	simm.s32 $0x0  }
0x13c: {  	s0 =	simm.s32 @!p2 $0x400  }
0x13d: {  	s30 =	sadd.s32 s0, s30  }
.LBB2_22:
0x13e: {  	s0 =	sadd.s32 $0x1, s21  }
0x13f: {  	s2 =	sshrl.u32 s0, $0x4  }
0x140: {  	s2 =	smulhi.u32 $0x24924925, s2  }
0x141: {  	v1 =	vld [tilespmem:s24+$0xFFFFFF80]  }
0x142: {  	s2 =	smul.u32 $0x70, s2;
	_ =	sdelay $0x1  }
0x143: {  	s21 =	ssub.s32 s0, s2  }
0x144: {  	s0 =	sshll.u32 s21, $0x8  }
0x145: {  	[tilespmem:s0+$0x208] =	vst v1  }
0x146: {  	v1 =	vld [tilespmem:s24+$0xFFFFFF90];
	_ =	sdelay $0x4  }
0x147: {  	[tilespmem:s0+$0x218] =	vst v1  }
0x148: {  	v1 =	vld [tilespmem:s24+$0xFFFFFFA0];
	_ =	sdelay $0x4  }
0x149: {  	[tilespmem:s0+$0x228] =	vst v1  }
0x14a: {  	v1 =	vld [tilespmem:s24+$0xFFFFFFB0];
	_ =	sdelay $0x4  }
0x14b: {  	[tilespmem:s0+$0x238] =	vst v1  }
0x14c: {  	v1 =	vld [tilespmem:s24+$0xFFFFFFC0];
	_ =	sdelay $0x4  }
0x14d: {  	[tilespmem:s0+$0x248] =	vst v1  }
0x14e: {  	v1 =	vld [tilespmem:s24+$0xFFFFFFD0];
	_ =	sdelay $0x4  }
0x14f: {  	[tilespmem:s0+$0x258] =	vst v1  }
0x150: {  	v1 =	vld [tilespmem:s24+$0xFFFFFFE0];
	_ =	sdelay $0x4  }
0x151: {  	[tilespmem:s0+$0x268] =	vst v1  }
0x152: {  	v1 =	vld [tilespmem:s24+$0xFFFFFFF0];
	_ =	sdelay $0x4  }
0x153: {  	[tilespmem:s0+$0x278] =	vst v1  }
0x154: {  	v1 =	vld [tilespmem:s24+$0x0];
	_ =	sdelay $0x4  }
0x155: {  	[tilespmem:s0+$0x288] =	vst v1  }
0x156: {  	v1 =	vld [tilespmem:s24+$0x10];
	_ =	sdelay $0x4  }
0x157: {  	[tilespmem:s0+$0x298] =	vst v1  }
0x158: {  	v1 =	vld [tilespmem:s24+$0x20];
	_ =	sdelay $0x4  }
0x159: {  	[tilespmem:s0+$0x2A8] =	vst v1  }
0x15a: {  	v1 =	vld [tilespmem:s24+$0x30];
	_ =	sdelay $0x4  }
0x15b: {  	[tilespmem:s0+$0x2B8] =	vst v1  }
0x15c: {  	v1 =	vld [tilespmem:s24+$0x40];
	_ =	sdelay $0x4  }
0x15d: {  	[tilespmem:s0+$0x2C8] =	vst v1  }
0x15e: {  	v1 =	vld [tilespmem:s24+$0x50];
	_ =	sdelay $0x4  }
0x15f: {  	[tilespmem:s0+$0x2D8] =	vst v1  }
0x160: {  	v1 =	vld [tilespmem:s24+$0x60];
	_ =	sdelay $0x4  }
0x161: {  	[tilespmem:s0+$0x2E8] =	vst v1  }
0x162: {  	v1 =	vld [tilespmem:s24+$0x70]  }
.Ltmp21:
0x163: {  	_ = 	snop;
	(pc) =	sbr.rel .LBB2_23-.Ltmp21, $2  }
0x164: {  	_ =	sdelay $0x2  }
0x165: {  	s26 =	sadd.s32 $0x1, s26;
	[tilespmem:s0+$0x2F8] =	vst v1  }
.LBB2_25:
.Ltmp22:
0x166: {  	(pc) =	sbr.rel .LBB2_26-.Ltmp22, $4  }
0x167: {  	_ = 	snop  }
0x168: {  	s0 =	simm.s32 $0x2  }
0x169: {  	_ =	swait.ge [sflag:s0], $0x0  }
0x16a: {  	s29 =	smov.u32 s28;
	[sflag:s0] =	ssyncset.done $0x0;
	s0 =	simm.s32 $0x0  }
.LBB2_28:
0x16b: {  	_ =	sfence.sel $0x180000  }
0x16c: {  	s0 =	simm.s32 $0x7;
	[bflag:$0x0] =	sbarrier.arrive $0xFFFF  }
0x16d: {  	s25 =	simm.s32 $0x8;
	[sflag:s0] =	ssyncpa.u1 $0x1  }
0x16e: {  	s26 =	simm.s32 $0x9;
	[sflag:s25] =	ssyncpa.u1 $0x1  }
0x16f: {  	s28 =	simm.s32 $0x2;
	[sflag:s26] =	ssyncpa.u1 $0x1  }
0x170: {  	[sflag:s28] =	ssyncpa.u1 $0x1  }
0x171: {  	v0 =	vld [tilespmem:$0xE408];
	_ =	sdelay $0x4  }
0x172: {  	(v2sf) =	vpush v0, $0x0  }
0x173: {  	(v2sf) =	vpush v0, $0x1;
	_ =	sdelay $0x1  }
0x174: {  	(v2sf) =	vpush v0, $0x2;
	_ =	sdelay $0xb  }
0x175: {  	s0 =	spop (v2sf)  }
0x176: {  	s2 =	spop (v2sf)  }
0x177: {  	s3 =	smov.u32 s0;
	p0 =	sne.s32 s0, s2  }
0x178: {  	s4 =	spop (v2sf);
	s3 =	simm.s32 @!p0 $0xFFFFFFFF  }
0x179: {  	v2 =	vimm.s32 $0x1;
	v3 =	vlaneseq.u32;
	p0 =	seq.s32 s4, $0xFFFFFFFF;
	v1 =	vmov s3  }
0x17a: {  	s7 =	stileid.u32;
	v0 =	vperm.xlane v0, v2;
	p1 =	sne.s32 @!p0 s0, s2;
	v1 =	vperm.xlane v1, v3  }
0x17b: {  	vm0 =	vcmask $0x3F04;
	s6 =	simm.s32 $0xE408;
	s0 =	simm.s32 @!p0 $0x1;
	p1 =	por !p1, p0  }
0x17c: {  	s3 =	sshll.u32 s7, $0x1;
	s2 =	sshll.u32 @!p0 s4, $0xA;
	s0 =	simm.s32 @p1 $0x0;
	v0 =	vsel vm0, v1, v0  }
0x17d: {  	s5 =	sor.u32 $0x2000, s3;
	s2 =	sshra.s32 @!p0 s2, $0x2;
	s0 =	sor.u32 @!p0 s0, s3;
	[tilespmem:$0xE408] =	vst v0  }
0x17e: {  	[spmem:s5] =	stream.linear.scatter [tilespmem:s6], [sflag:$0x1], $0x2, $0x38;
	[tilespmem:$0x1E668] =	vst v63  }
0x17f: {  	s2 =	sadd.s32 @!p0 $0x208, s2;
	s0 =	sshll.u32 @!p0 s0, $0x8  }
0x180: {  	[spmem:s0] =	stream.linear.scatter @!p0 [tilespmem:s2], [sflag:$0x1], $0x100, $0x38;
	[tilespmem:$0x1E668] =	vst v63  }
0x181: {  	s2 =	simm.s32 @!p0 $0x102  }
0x182: {  	s0 =	simm.s32 $0x1;
	s2 =	simm.s32 @p0 $0x2  }
0x183: {  	_ =	swait.ge [sflag:s0], s2  }
0x184: {  	s2 =	ssub.s32 $0x0, s2;
	[sflag:s0] =	ssyncset.done $0x0  }
0x185: {  	[sflag:s0] =	ssyncadd.s32 s2  }
0x186: {  	_ =	sfence.stream.spmem  }
0x187: {  	s29 =	simm.s32 $0x3;
	[bflag:$0x0] =	sbarrier.arrive $0xFFFF  }
0x188: {  	s30 =	simm.s32 $0x4;
	[sflag:s29] =	ssyncpa.u1 $0x1  }
0x189: {  	s31 =	simm.s32 $0x3C;
	[sflag:s30] =	ssyncpa.u1 $0x1  }
0x18a: {  	p0 =	sne.s32 s7, $0x0;
	[sflag:s31] =	ssyncpa.u1 $0x1  }
0x18b: {  	_ =	sfence @p0  }
0x18c: {  	[sflag:s0] =	ssyncpa.u1 @p0 $0x1  }
0x18d: {  	_ =	strace @p0 $0x90000053  }
0x18e: {  	[bflag:$0x2] =	sbarrier.arrive @p0 $0xFFFF  }
0x18f: {  	_ =	shalt @p0  }
.LBB2_29:
0x190: {  	_ =	sfence.stream.spmem;
	s0 =	simm.s32 $0x5  }
0x191: {  	s2 =	simm.s32 $0x2000;
	s3 =	simm.s32 $0xE418;
	[sflag:s0] =	ssyncpa.u1 $0x0  }
0x192: {  	[tilespmem:s3], [sflag:$0x5] =	stream.linear.gather [spmem:s2], $0x20, $0x38;
	[tilespmem:$0x1E668] =	vst v63  }
0x193: {  	s30 =	simm.s32 $0xE438;
	s2 =	simm.s32 $0x0  }
0x194: {  	[tilespmem:s30], [sflag:$0x5] =	stream.linear.gather [spmem:s2], $0x2000, $0x38;
	[tilespmem:$0x1E668] =	vst v63  }
.Ltmp23:
0x195: {  	_ = 	snop;
	(pc) =	sbr.rel .LBB2_30-.Ltmp23, $4  }
0x196: {  	_ =	swait.ge [sflag:s0], $0x2020  }
0x197: {  	[sflag:s0] =	ssyncset.done $0x0  }
0x198: {  	s31 =	simm.s32 $0x6;
	[sflag:s0] =	ssyncadd.s32 $0xFFFFDFE0  }
0x199: {  	s3 =	simm.s32 $0x0;
	[sflag:s31] =	ssyncpa.u1 $0x0  }
.LBB2_36:
0x19a: {  	p0 =	slt.u32 s4, $0x771  }
0x19b: {  	s0 =	sand.u32 @p0 $0x7F8, s4  }
0x19c: {  	s5 =	sand.u32 @p0 $0x7, s4;
	s6 =	simm.s32 @p0 $0xE308;
	s0 =	sadd.s32 @p0 s1, s0  }
0x19d: {  	[tilespmem:s6], [sflag:$0x6] =	stream.linear.gather @p0 [hbm4b:s0+s5], $0x80, $0x38;
	[tilespmem:$0x1E668] =	vst v63  }
0x19e: {  	s0 =	sadd.s32 @p0 $0x80, s4  }
0x19f: {  	s0 =	sand.u32 @p0 $0xFF8, s0  }
0x1a0: {  	s4 =	simm.s32 @p0 $0xE388;
	s0 =	sadd.s32 @p0 s1, s0  }
0x1a1: {  	[tilespmem:s4], [sflag:$0x6] =	stream.linear.gather @p0 [hbm4b:s0+s5], $0x80, $0x38;
	[tilespmem:$0x1E668] =	vst v63  }
0x1a2: {  	s0 =	simm.s32 @p0 $0x6  }
0x1a3: {  	_ =	swait.ge @p0 [sflag:s0], $0x100  }
0x1a4: {  	[sflag:s0] =	ssyncset.done @p0 $0x0  }
0x1a5: {  	[sflag:s0] =	ssyncadd.s32 @p0 $0xFFFFFF00  }
0x1a6: {  	v1 =	vld @p0 [tilespmem:$0xE308];
	_ =	sdelay $0x2  }
0x1a7: {  	s0 =	sshll.u32 @p0 s3, $0xA  }
0x1a8: {  	s4 =	sshrl.u32 @p0 s0, $0x2  }
0x1a9: {  	[tilespmem:s4+$0xE438] =	vst.add.f32.msk @p0 $0xffff, v1  }
0x1aa: {  	v1 =	vld @p0 [tilespmem:$0xE318];
	_ =	sdelay $0x4  }
0x1ab: {  	[tilespmem:s4+$0xE448] =	vst.add.f32.msk @p0 $0xffff, v1  }
0x1ac: {  	v1 =	vld @p0 [tilespmem:$0xE328];
	_ =	sdelay $0x4  }
0x1ad: {  	[tilespmem:s4+$0xE458] =	vst.add.f32.msk @p0 $0xffff, v1  }
0x1ae: {  	v1 =	vld @p0 [tilespmem:$0xE338];
	_ =	sdelay $0x4  }
0x1af: {  	[tilespmem:s4+$0xE468] =	vst.add.f32.msk @p0 $0xffff, v1  }
0x1b0: {  	v1 =	vld @p0 [tilespmem:$0xE348];
	_ =	sdelay $0x4  }
0x1b1: {  	[tilespmem:s4+$0xE478] =	vst.add.f32.msk @p0 $0xffff, v1  }
0x1b2: {  	v1 =	vld @p0 [tilespmem:$0xE358];
	_ =	sdelay $0x4  }
0x1b3: {  	[tilespmem:s4+$0xE488] =	vst.add.f32.msk @p0 $0xffff, v1  }
0x1b4: {  	v1 =	vld @p0 [tilespmem:$0xE368];
	_ =	sdelay $0x4  }
0x1b5: {  	[tilespmem:s4+$0xE498] =	vst.add.f32.msk @p0 $0xffff, v1  }
0x1b6: {  	v1 =	vld @p0 [tilespmem:$0xE378];
	_ =	sdelay $0x4  }
0x1b7: {  	[tilespmem:s4+$0xE4A8] =	vst.add.f32.msk @p0 $0xffff, v1  }
0x1b8: {  	v1 =	vld @p0 [tilespmem:$0xE388];
	_ =	sdelay $0x4  }
0x1b9: {  	[tilespmem:s4+$0xE4B8] =	vst.add.f32.msk @p0 $0xffff, v1  }
0x1ba: {  	v1 =	vld @p0 [tilespmem:$0xE398];
	_ =	sdelay $0x4  }
0x1bb: {  	[tilespmem:s4+$0xE4C8] =	vst.add.f32.msk @p0 $0xffff, v1  }
0x1bc: {  	v1 =	vld @p0 [tilespmem:$0xE3A8];
	_ =	sdelay $0x4  }
0x1bd: {  	[tilespmem:s4+$0xE4D8] =	vst.add.f32.msk @p0 $0xffff, v1  }
0x1be: {  	v1 =	vld @p0 [tilespmem:$0xE3B8];
	_ =	sdelay $0x4  }
0x1bf: {  	[tilespmem:s4+$0xE4E8] =	vst.add.f32.msk @p0 $0xffff, v1  }
0x1c0: {  	v1 =	vld @p0 [tilespmem:$0xE3C8];
	_ =	sdelay $0x4  }
0x1c1: {  	[tilespmem:s4+$0xE4F8] =	vst.add.f32.msk @p0 $0xffff, v1  }
0x1c2: {  	v1 =	vld @p0 [tilespmem:$0xE3D8];
	_ =	sdelay $0x4  }
0x1c3: {  	[tilespmem:s4+$0xE508] =	vst.add.f32.msk @p0 $0xffff, v1  }
0x1c4: {  	v1 =	vld @p0 [tilespmem:$0xE3E8];
	_ =	sdelay $0x4  }
0x1c5: {  	[tilespmem:s4+$0xE518] =	vst.add.f32.msk @p0 $0xffff, v1  }
0x1c6: {  	v1 =	vld @p0 [tilespmem:$0xE3F8];
	_ =	sdelay $0x3  }
0x1c7: {  	s5 =	sshll.u32 @!p0 s3, $0xA  }
0x1c8: {  	s5 =	smov.u32 @p0 s0;
	[tilespmem:s4+$0xE528] =	vst.add.f32.msk @p0 $0xffff, v1  }
0x1c9: {  	s0 =	sshrl.u32 s5, $0x2;
	[tilespmem:s2+$0xE418] =	vst.msk $0x1, v0  }
0x1ca: {  	v0 =	vld [tilespmem:s0+$0xE438];
	_ =	sdelay $0x2  }
0x1cb: {  	s31 =	sshll.u32 s2, $0xA  }
0x1cc: {  	s4 =	sshra.s32 s31, $0x2  }
0x1cd: {  	[tilespmem:s4+$0xE438] =	vst v0  }
0x1ce: {  	v0 =	vld [tilespmem:s0+$0xE448];
	_ =	sdelay $0x4  }
0x1cf: {  	[tilespmem:s4+$0xE448] =	vst v0  }
0x1d0: {  	v0 =	vld [tilespmem:s0+$0xE458];
	_ =	sdelay $0x4  }
0x1d1: {  	[tilespmem:s4+$0xE458] =	vst v0  }
0x1d2: {  	v0 =	vld [tilespmem:s0+$0xE468];
	_ =	sdelay $0x4  }
0x1d3: {  	[tilespmem:s4+$0xE468] =	vst v0  }
0x1d4: {  	v0 =	vld [tilespmem:s0+$0xE478];
	_ =	sdelay $0x4  }
0x1d5: {  	[tilespmem:s4+$0xE478] =	vst v0  }
0x1d6: {  	v0 =	vld [tilespmem:s0+$0xE488];
	_ =	sdelay $0x4  }
0x1d7: {  	[tilespmem:s4+$0xE488] =	vst v0  }
0x1d8: {  	v0 =	vld [tilespmem:s0+$0xE498];
	_ =	sdelay $0x4  }
0x1d9: {  	[tilespmem:s4+$0xE498] =	vst v0  }
0x1da: {  	v0 =	vld [tilespmem:s0+$0xE4A8];
	_ =	sdelay $0x4  }
0x1db: {  	[tilespmem:s4+$0xE4A8] =	vst v0  }
0x1dc: {  	v0 =	vld [tilespmem:s0+$0xE4B8];
	_ =	sdelay $0x4  }
0x1dd: {  	[tilespmem:s4+$0xE4B8] =	vst v0  }
0x1de: {  	v0 =	vld [tilespmem:s0+$0xE4C8];
	_ =	sdelay $0x4  }
0x1df: {  	[tilespmem:s4+$0xE4C8] =	vst v0  }
0x1e0: {  	v0 =	vld [tilespmem:s0+$0xE4D8];
	_ =	sdelay $0x4  }
0x1e1: {  	[tilespmem:s4+$0xE4D8] =	vst v0  }
0x1e2: {  	v0 =	vld [tilespmem:s0+$0xE4E8];
	_ =	sdelay $0x4  }
0x1e3: {  	[tilespmem:s4+$0xE4E8] =	vst v0  }
0x1e4: {  	v0 =	vld [tilespmem:s0+$0xE4F8];
	_ =	sdelay $0x4  }
0x1e5: {  	[tilespmem:s4+$0xE4F8] =	vst v0  }
0x1e6: {  	v0 =	vld [tilespmem:s0+$0xE508];
	_ =	sdelay $0x4  }
0x1e7: {  	[tilespmem:s4+$0xE508] =	vst v0  }
0x1e8: {  	v0 =	vld [tilespmem:s0+$0xE518];
	_ =	sdelay $0x4  }
0x1e9: {  	[tilespmem:s4+$0xE518] =	vst v0  }
0x1ea: {  	v0 =	vld [tilespmem:s0+$0xE528];
	_ =	sdelay $0x4  }
0x1eb: {  	s2 =	sadd.s32 $0x1, s2;
	[tilespmem:s4+$0xE528] =	vst v0  }
.LBB2_37:
0x1ec: {  	s3 =	sadd.s32 $0x1, s3  }
0x1ed: {  	p0 =	sne.s32 s3, $0x20  }
.Ltmp24:
0x1ee: {  	_ = 	snop;
	(pc) =	sbr.rel @!p0 .LBB2_38-.Ltmp24, $1  }
0x1ef: {  	_ =	sdelay $0x3  }
.LBB2_30:
0x1f0: {  	v0 =	vld.msk [tilespmem:s3+$0xE418], $0x1;
	_ =	sdelay $0x4  }
0x1f1: {  	(v2sf) =	vpush v0, $0x0;
	_ =	sdelay $0xe  }
0x1f2: {  	s4 =	spop (v2sf)  }
0x1f3: {  	p0 =	seq.s32 s4, $0xFFFFFFFF  }
.Ltmp25:
0x1f4: {  	_ = 	snop;
	(pc) =	sbr.rel @p0 .LBB2_37-.Ltmp25, $1  }
0x1f5: {  	_ =	sdelay $0x3  }
0x1f6: {  	p0 =	slt.s32 s2, $0x1  }
.Ltmp26:
0x1f7: {  	_ = 	snop;
	(pc) =	sbr.rel @p0 .LBB2_36-.Ltmp26, $1  }
0x1f8: {  	_ =	sdelay $0x3  }
0x1f9: {  	s5 =	simm.s32 $0xE418;
	p0 =	por $0x0, $0x0  }
0x1fa: {  	v1 =	vld.msk @!p0 [tilespmem:s5+$0x0], $0x1;
	_ =	sdelay $0x4  }
0x1fb: {  	(v2sf) =	vpush @!p0 v1, $0x0;
	_ =	sdelay $0xd  }
0x1fc: {  	p2 =	sne.s32 s2, $0x1  }
.Ltmp27:
0x1fd: {  	s0 =	spop @!p0 (v2sf);
	(pc) =	sbr.rel @!p2 .LBB2_34-.Ltmp27, $4  }
0x1fe: {  	p1 =	seq.s32 @!p0 s4, s0  }
0x1ff: {  	s6 =	simm.s32 $0x0;
	p1 =	por !p1, p0  }
0x200: {  	s0 =	simm.s32 $0xFFFFFFFF;
	s6 =	simm.s32 @p1 $0xFFFFFFFF  }
0x201: {  	s7 =	simm.s32 $0x1;
	s6 =	smov.u32 @p0 s0  }
.LBB2_33:
0x202: {  	s0 =	smov.u32 s6;
	p0 =	sne.s32 s6, $0xFFFFFFFF  }
0x203: {  	s5 =	sadd.s32 $0x1, s5;
	s6 =	smov.u32 s7;
	s7 =	sadd.s32 $0x1, s7  }
0x204: {  	p1 =	sne.s32 s2, s7;
	v1 =	vld.msk @!p0 [tilespmem:s5+$0x0], $0x1;
	_ =	sdelay $0x4  }
0x205: {  	(v2sf) =	vpush @!p0 v1, $0x0;
	_ =	sdelay $0xe  }
.Ltmp28:
0x206: {  	s8 =	spop @!p0 (v2sf);
	(pc) =	sbr.rel @p1 .LBB2_33-.Ltmp28, $4  }
0x207: {  	p2 =	seq.s32 @!p0 s4, s8  }
0x208: {  	p2 =	por !p2, p0  }
0x209: {  	s6 =	simm.s32 @p2 $0xFFFFFFFF  }
0x20a: {  	s6 =	smov.u32 @p0 s0  }
.LBB2_34:
0x20b: {  	p0 =	seq.s32 s6, $0xFFFFFFFF  }
.Ltmp29:
0x20c: {  	_ = 	snop;
	(pc) =	sbr.rel @p0 .LBB2_36-.Ltmp29, $1  }
0x20d: {  	_ =	sdelay $0x3  }
0x20e: {  	s0 =	sshll.u32 s3, $0x8  }
0x20f: {  	s0 =	sand.u32 $0x3FFFFF00, s0  }
0x210: {  	v0 =	vld [tilespmem:s0+$0xE438];
	_ =	sdelay $0x2  }
0x211: {  	s4 =	sshll.u32 s6, $0xA  }
0x212: {  	s4 =	sshra.s32 s4, $0x2  }
0x213: {  	[tilespmem:s4+$0xE438] =	vst.add.f32.msk $0xffff, v0  }
0x214: {  	v0 =	vld [tilespmem:s0+$0xE448];
	_ =	sdelay $0x4  }
0x215: {  	[tilespmem:s4+$0xE448] =	vst.add.f32.msk $0xffff, v0  }
0x216: {  	v0 =	vld [tilespmem:s0+$0xE458];
	_ =	sdelay $0x4  }
0x217: {  	[tilespmem:s4+$0xE458] =	vst.add.f32.msk $0xffff, v0  }
0x218: {  	v0 =	vld [tilespmem:s0+$0xE468];
	_ =	sdelay $0x4  }
0x219: {  	[tilespmem:s4+$0xE468] =	vst.add.f32.msk $0xffff, v0  }
0x21a: {  	v0 =	vld [tilespmem:s0+$0xE478];
	_ =	sdelay $0x4  }
0x21b: {  	[tilespmem:s4+$0xE478] =	vst.add.f32.msk $0xffff, v0  }
0x21c: {  	v0 =	vld [tilespmem:s0+$0xE488];
	_ =	sdelay $0x4  }
0x21d: {  	[tilespmem:s4+$0xE488] =	vst.add.f32.msk $0xffff, v0  }
0x21e: {  	v0 =	vld [tilespmem:s0+$0xE498];
	_ =	sdelay $0x4  }
0x21f: {  	[tilespmem:s4+$0xE498] =	vst.add.f32.msk $0xffff, v0  }
0x220: {  	v0 =	vld [tilespmem:s0+$0xE4A8];
	_ =	sdelay $0x4  }
0x221: {  	[tilespmem:s4+$0xE4A8] =	vst.add.f32.msk $0xffff, v0  }
0x222: {  	v0 =	vld [tilespmem:s0+$0xE4B8];
	_ =	sdelay $0x4  }
0x223: {  	[tilespmem:s4+$0xE4B8] =	vst.add.f32.msk $0xffff, v0  }
0x224: {  	v0 =	vld [tilespmem:s0+$0xE4C8];
	_ =	sdelay $0x4  }
0x225: {  	[tilespmem:s4+$0xE4C8] =	vst.add.f32.msk $0xffff, v0  }
0x226: {  	v0 =	vld [tilespmem:s0+$0xE4D8];
	_ =	sdelay $0x4  }
0x227: {  	[tilespmem:s4+$0xE4D8] =	vst.add.f32.msk $0xffff, v0  }
0x228: {  	v0 =	vld [tilespmem:s0+$0xE4E8];
	_ =	sdelay $0x4  }
0x229: {  	[tilespmem:s4+$0xE4E8] =	vst.add.f32.msk $0xffff, v0  }
0x22a: {  	v0 =	vld [tilespmem:s0+$0xE4F8];
	_ =	sdelay $0x4  }
0x22b: {  	[tilespmem:s4+$0xE4F8] =	vst.add.f32.msk $0xffff, v0  }
0x22c: {  	v0 =	vld [tilespmem:s0+$0xE508];
	_ =	sdelay $0x4  }
0x22d: {  	[tilespmem:s4+$0xE508] =	vst.add.f32.msk $0xffff, v0  }
0x22e: {  	v0 =	vld [tilespmem:s0+$0xE518];
	_ =	sdelay $0x4  }
0x22f: {  	[tilespmem:s4+$0xE518] =	vst.add.f32.msk $0xffff, v0  }
0x230: {  	v0 =	vld [tilespmem:s0+$0xE528]  }
.Ltmp30:
0x231: {  	_ = 	snop;
	(pc) =	sbr.rel .LBB2_37-.Ltmp30, $2  }
0x232: {  	_ =	sdelay $0x2  }
0x233: {  	[tilespmem:s4+$0xE528] =	vst.add.f32.msk $0xffff, v0  }
.LBB2_38:
0x234: {  	p0 =	slt.s32 s2, $0x1  }
.Ltmp31:
0x235: {  	_ = 	snop;
	(pc) =	sbr.rel @p0 .LBB2_42-.Ltmp31, $3  }
0x236: {  	_ =	sdelay $0x1  }
0x237: {  	s0 =	simm.s32 $0x6  }
0x238: {  	[sflag:s0] =	ssyncpa.u1 $0x1;
	s0 =	simm.s32 $0x0  }
0x239: {  	s3 =	simm.s32 $0xE418  }
0x23a: {  	v0 =	vld.msk [tilespmem:s3+$0x0], $0x1;
	_ =	sdelay $0x4  }
0x23b: {  	(v2sf) =	vpush v0, $0x0;
	_ =	sdelay $0xe  }
0x23c: {  	s2 =	sadd.s32 $0xFFFFFFFF, s2;
	s4 =	spop (v2sf)  }
0x23d: {  	s5 =	simm.s32 $0xE438;
	p0 =	sne.s32 s2, $0x0;
	p1 =	sgt.u32 s4, $0x770  }
.Ltmp32:
0x23e: {  	s3 =	simm.s32 $0xE538;
	s6 =	sand.u32 @!p1 $0x7F8, s4;
	(pc) =	sbr.rel @!p0 .LBB2_41-.Ltmp32, $4  }
0x23f: {  	s7 =	sadd.s32 @!p1 $0x80, s4;
	s8 =	sadd.s32 @!p1 s1, s6;
	s6 =	sand.u32 @!p1 $0x7, s4  }
0x240: {  	[hbm4b:s8+s6] =	stream.linear.scatter @!p1 [tilespmem:s5], [sflag:$0x5], $0x80, $0x38;
	[tilespmem:$0x1E668] =	vst v63  }
0x241: {  	s0 =	simm.s32 @!p1 $0x400;
	s4 =	simm.s32 $0xE419;
	s5 =	sand.u32 @!p1 $0xFF8, s7  }
0x242: {  	s7 =	simm.s32 @!p1 $0xE4B8;
	s8 =	sadd.s32 @!p1 s1, s5;
	s5 =	sadd.s32 $0x0, s0  }
.LBB2_40:
0x243: {  	[hbm4b:s8+s6] =	stream.linear.scatter @!p1 [tilespmem:s7], [sflag:$0x5], $0x80, $0x38;
	[tilespmem:$0x1E668] =	vst v63  }
0x244: {  	s2 =	sadd.s32 $0xFFFFFFFF, s2;
	s0 =	smov.u32 s3;
	v0 =	vld.msk [tilespmem:s4+$0x0], $0x1  }
0x245: {  	p0 =	sne.s32 s2, $0x0;
	_ =	sdelay $0x3  }
0x246: {  	(v2sf) =	vpush v0, $0x0;
	_ =	sdelay $0xe  }
0x247: {  	s3 =	sadd.s32 $0x100, s3;
	s9 =	simm.s32 $0x0;
	s6 =	spop (v2sf)  }
.Ltmp33:
0x248: {  	s4 =	sadd.s32 $0x1, s4;
	p1 =	sgt.u32 s6, $0x770;
	(pc) =	sbr.rel @p0 .LBB2_40-.Ltmp33, $4  }
0x249: {  	s9 =	simm.s32 @!p1 $0x400;
	s7 =	sand.u32 @!p1 $0x7F8, s6;
	s8 =	sadd.s32 @!p1 $0x80, s6  }
0x24a: {  	s6 =	sand.u32 @!p1 $0x7, s6;
	s7 =	sadd.s32 @!p1 s1, s7;
	s8 =	sand.u32 @!p1 $0xFF8, s8  }
0x24b: {  	[hbm4b:s7+s6] =	stream.linear.scatter @!p1 [tilespmem:s0], [sflag:$0x5], $0x80, $0x38;
	[tilespmem:$0x1E668] =	vst v63  }
0x24c: {  	s5 =	sadd.s32 s5, s9;
	s7 =	sadd.s32 @!p1 $0x80, s0;
	s8 =	sadd.s32 @!p1 s1, s8  }
.LBB2_41:
0x24d: {  	[hbm4b:s8+s6] =	stream.linear.scatter @!p1 [tilespmem:s7], [sflag:$0x5], $0x80, $0x38;
	[tilespmem:$0x1E668] =	vst v63  }
0x24e: {  	s0 =	sshrl.u32 s5, $0x2  }
.LBB2_42:
0x24f: {  	s1 =	simm.s32 $0x5  }
0x250: {  	_ =	swait.ge [sflag:s1], s0  }
0x251: {  	s29 =	ssub.s32 $0x0, s0;
	[sflag:s1] =	ssyncset.done $0x0  }
0x252: {  	[sflag:s1] =	ssyncadd.s32 s29  }
0x253: {  	[sflag:s1] =	ssyncpa.u1 $0x1  }
0x254: {  	s30 =	simm.s32 $0x1;
	_ =	sfence  }
0x255: {  	[sflag:s30] =	ssyncpa.u1 $0x1  }
0x256: {  	_ =	strace $0x90000053  }
0x257: {  	[bflag:$0x2] =	sbarrier.arrive $0xFFFF  }
0x258: {  	s31 =	rddreg [dreg:$0x1]  }
0x259: {  	s0 =	sadd.s32 $0x100000, s31  }
0x25a: {  	[sflag:s0] =	ssyncadd.tile.s32 $0x1;
	_ =	shalt  }
.Lfunc_end2:
_tile_overlayer_lowered:
.L_overlay_start_2:
0x25b: {  	(tag) =	ssettag $0x2  }
0x25c: {  	s0 =	rddreg [dreg:$0x0];
	s2 =	stileid.u32  }
0x25d: {  	s1 =	rddreg [dreg:$0x1];
	p0 =	sne.s32 s2, $0x0  }
0x25e: {  	s3 =	rddreg [dreg:$0x2];
	[bflag:$0x3] =	sbarrier.arrive $0xFFFF;
	s2 =	simm.s32 @!p0 $0x1C01  }
0x25f: {  	[timem:s3], [sflag:s2] =	dma.local @!p0 [hbm:s0], s1  }
0x260: {  	s0 =	simm.s32 @!p0 $0x1  }
0x261: {  	_ =	swait.ge @!p0 [sflag:s0], s1  }
0x262: {  	s1 =	ssub.s32 @!p0 $0x0, s1;
	[sflag:s0] =	ssyncset.done @!p0 $0x0  }
0x263: {  	[sflag:s0] =	ssyncadd.s32 @!p0 s1  }
0x264: {  	[bflag:$0x3] =	sbarrier.arrive $0xFFFF  }
0x265: {  	_ =	shalt  }

// kernel: scatter_offload_async_start.3
scs
__scs_entry_jumppad:
0x0: {  	(pc) =	sbr.rel $0x88, $3  }
0x1: {  	(tag) =	ssettag $0x0;
	lr =	simm.s32 $0x1  }
0x2: {  	[smem:$0x3F93] =	sst lr;
	_ =	strace $0xD0000000  }
0x3: {  	_ = 	snop  }
0x4: {  	_ = 	snop  }
0x5: {  	_ = 	snop  }
0x6: {  	_ = 	snop  }
0x7: {  	_ = 	snop  }
__scs_overlays_trampoline_lowered:
0x8: {  	[smem:$0x3FA2] =	sst s0  }
0x9: {  	[smem:$0x3FA3] =	sst s1  }
0xa: {  	[smem:$0x3FA4] =	sst s2  }
0xb: {  	[smem:$0x3FA5] =	sst s3  }
0xc: {  	[smem:$0x3FA6] =	sst s4  }
0xd: {  	[smem:$0x3FA7] =	sst s5  }
0xe: {  	[smem:$0x3FA8] =	sst s6  }
0xf: {  	[smem:$0x3FA9] =	sst s7  }
0x10: {  	[smem:$0x3FAA] =	sst s8  }
0x11: {  	[smem:$0x3FAB] =	sst s9;
	s0 =	simm.s32 @!p0 $0x0  }
0x12: {  	s1 =	sld [smem:$0x3F91];
	s0 =	simm.s32 @p0 $0x1  }
0x13: {  	[smem:$0x3FAC] =	sst s0;
	s0 =	simm.s32 @!p1 $0x0  }
0x14: {  	s2 =	sld [smem:$0x3F90];
	s0 =	simm.s32 @p1 $0x1  }
0x15: {  	[smem:$0x3FAD] =	sst s0;
	s0 =	simm.s32 @!p2 $0x0  }
0x16: {  	s3 =	sld [smem:$0x3FDB];
	s0 =	simm.s32 @p2 $0x1  }
0x17: {  	s4 =	simm.s32 $0x1BF5;
	[smem:$0x3FAF] =	sst s0  }
0x18: {  	s0 =	sld [smem:$0x3F92];
	_ =	swait.ge [sflag:s4], $0x0  }
0x19: {  	s7 =	sld [smem:$0x3F93]  }
0x1a: {  	s8 =	sadd.s32 $0xFFFFE003, lr  }
0x1b: {  	s9 =	sadd.s32 $0xFFFFFEF7, lr;
	s5 =	simm.s32 $0xFFFFFFFF;
	p2 =	slt.u32 s8, $0xFFFFF086  }
0x1c: {  	p1 =	slt.u32 s9, $0xF7A;
	s5 =	simm.s32 @!p2 $0x0  }
0x1d: {  	s5 =	simm.s32 @p1 $0x1;
	p0 =	seq.s32 s7, s2  }
0x1e: {  	s7 =	smul.u32 @!p0 $0xF7A, s2;
	p2 =	seq.s32 @!p0 s5, $0x0  }
0x1f: {  	s9 =	smul.u32 $0xF7A, s1;
	s8 =	simm.s32 @!p0 $0x1BF5;
	p2 =	por !p2, p0  }
0x20: {  	[sflag:s8] =	ssyncset.s32 @!p0 $0xFFFFF086;
	s6 =	sadd.s32 @!p0 s3, s7;
	s7 =	simm.s32 @!p0 $0x108  }
0x21: {  	s3 =	sadd.s32 s3, s9;
	s6 =	sadd.s32 @!p0 $0x88, s6;
	s7 =	simm.s32 @p2 $0x1082  }
0x22: {  	[simem:s7], [sflag:s8] =	dma.local @!p0 [hbm:s6], $0xF7A  }
0x23: {  	s9 =	sor.u32 $0xD0000000, s2;
	s6 =	simm.s32 $0x108;
	_ =	swait.ge @!p0 [sflag:s8], $0x0  }
0x24: {  	s3 =	sadd.s32 $0x88, s3;
	s6 =	simm.s32 @!p1 $0x1082;
	[sflag:s4] =	ssyncset.s32 $0xFFFFF086  }
0x25: {  	[simem:s6], [sflag:s4] =	dma.local [hbm:s3], $0xF7A  }
0x26: {  	[smem:$0x3F93] =	sst s1;
	(tag) =	ssettag s2;
	_ =	strace s9  }
0x27: {  	s1 =	sld [smem:$0x3FA3]  }
0x28: {  	s2 =	sld [smem:$0x3FA4]  }
0x29: {  	s4 =	sld [smem:$0x3FA6]  }
0x2a: {  	p0 =	seq.s32 s5, $0x0;
	s5 =	sld [smem:$0x3FA7]  }
0x2b: {  	s6 =	sld [smem:$0x3FA8]  }
0x2c: {  	s7 =	sld [smem:$0x3FA9]  }
0x2d: {  	s3 =	simm.s32 $0x108;
	s8 =	sld [smem:$0x3FAA]  }
0x2e: {  	s3 =	simm.s32 @!p0 $0x1082;
	s9 =	sld [smem:$0x3FAB]  }
0x2f: {  	lr =	sadd.s32 s0, s3;
	s0 =	sld [smem:$0x3FA2]  }
0x30: {  	s3 =	sld [smem:$0x3FA5]  }
0x31: {  	[smem:$0x3FAE] =	sst s10  }
0x32: {  	s10 =	sld [smem:$0x3FAC];
	_ =	sdelay $0x3  }
0x33: {  	p0 =	seq.s32 s10, $0x1;
	s10 =	sld [smem:$0x3FAE];
	_ =	sdelay $0x3  }
0x34: {  	[smem:$0x3FAE] =	sst s10  }
0x35: {  	s10 =	sld [smem:$0x3FAD];
	_ =	sdelay $0x3  }
0x36: {  	p1 =	seq.s32 s10, $0x1;
	s10 =	sld [smem:$0x3FAE];
	_ =	sdelay $0x3  }
0x37: {  	[smem:$0x3FAE] =	sst s10  }
0x38: {  	s10 =	sld [smem:$0x3FAF]  }
0x39: {  	_ = 	snop;
	(pc) =	sbr.ind lr, $3  }
0x3a: {  	_ = 	snop  }
0x3b: {  	_ = 	snop  }
0x3c: {  	p2 =	seq.s32 s10, $0x1;
	s10 =	sld [smem:$0x3FAE]  }
0x3d: {  	_ =	shalt  }
0x3e: {  	_ =	shalt  }
0x3f: {  	_ =	shalt  }
0x40: {  	_ =	shalt  }
0x41: {  	_ =	shalt  }
0x42: {  	_ =	shalt  }
0x43: {  	_ =	shalt  }
0x44: {  	_ =	shalt  }
0x45: {  	_ =	shalt  }
0x46: {  	_ =	shalt  }
0x47: {  	_ =	shalt  }
0x48: {  	_ =	shalt  }
0x49: {  	_ =	shalt  }
0x4a: {  	_ =	shalt  }
0x4b: {  	_ =	shalt  }
0x4c: {  	_ =	shalt  }
0x4d: {  	_ =	shalt  }
0x4e: {  	_ =	shalt  }
0x4f: {  	_ =	shalt  }
0x50: {  	_ =	shalt  }
0x51: {  	_ =	shalt  }
0x52: {  	_ =	shalt  }
0x53: {  	_ =	shalt  }
0x54: {  	_ =	shalt  }
0x55: {  	_ =	shalt  }
0x56: {  	_ =	shalt  }
0x57: {  	_ =	shalt  }
0x58: {  	_ =	shalt  }
0x59: {  	_ =	shalt  }
0x5a: {  	_ =	shalt  }
0x5b: {  	_ =	shalt  }
0x5c: {  	_ =	shalt  }
0x5d: {  	_ =	shalt  }
0x5e: {  	_ =	shalt  }
0x5f: {  	_ =	shalt  }
0x60: {  	_ =	shalt  }
0x61: {  	_ =	shalt  }
0x62: {  	_ =	shalt  }
0x63: {  	_ =	shalt  }
0x64: {  	_ =	shalt  }
0x65: {  	_ =	shalt  }
0x66: {  	_ =	shalt  }
0x67: {  	_ =	shalt  }
0x68: {  	_ =	shalt  }
0x69: {  	_ =	shalt  }
0x6a: {  	_ =	shalt  }
0x6b: {  	_ =	shalt  }
0x6c: {  	_ =	shalt  }
0x6d: {  	_ =	shalt  }
0x6e: {  	_ =	shalt  }
0x6f: {  	_ =	shalt  }
0x70: {  	_ =	shalt  }
0x71: {  	_ =	shalt  }
0x72: {  	_ =	shalt  }
0x73: {  	_ =	shalt  }
0x74: {  	_ =	shalt  }
0x75: {  	_ =	shalt  }
0x76: {  	_ =	shalt  }
0x77: {  	_ =	shalt  }
0x78: {  	_ =	shalt  }
0x79: {  	_ =	shalt  }
0x7a: {  	_ =	shalt  }
0x7b: {  	_ =	shalt  }
0x7c: {  	_ =	shalt  }
0x7d: {  	_ =	shalt  }
0x7e: {  	_ =	shalt  }
0x7f: {  	_ =	shalt  }
0x80: {  	_ =	shalt  }
0x81: {  	_ =	shalt  }
0x82: {  	_ =	shalt  }
0x83: {  	_ =	shalt  }
0x84: {  	_ =	shalt  }
0x85: {  	_ =	shalt  }
0x86: {  	_ =	shalt  }
0x87: {  	_ =	shalt  }
.Lfunc_end0:
.L_simem_size_0:
called_computation.3_lowered:
.L_overlay_start_0:
0x88: {  	s0 =	sld [smem:$0x3FD9]  }
0x89: {  	s1 =	sld [smem:$0x3FFE];
	_ =	sdelay $0x3  }
0x8a: {  	s0 =	sadd.s32 s1, s0  }
0x8b: {  	[smem:$0x3FBA] =	sst s0  }
0x8c: {  	_ = 	snop  }
0x8d: {  	s0 =	sld [smem:$0x3FD0];
	(tm) =	ssettm $0x1  }
0x8e: {  	s16 =	sld [smem:$0x3FFB];
	_ =	sdelay $0x3  }
0x8f: {  	_ =	strace s16  }
0x90: {  	s1 =	sld [smem:$0x3FFC];
	_ =	sdelay $0x3  }
0x91: {  	_ =	strace s1  }
0x92: {  	s1 =	sld [smem:$0x3FFD];
	_ =	sdelay $0x3  }
0x93: {  	_ =	strace s1  }
0x94: {  	_ =	strace $0x8FFFFFFF  }
0x95: {  	s17 =	sld [smem:$0x3FDB];
	_ =	sdelay $0x1  }
0x96: {  	s2 =	simm.s32 $_scs_section_size  }
0x97: {  	s3 =	simm.s32 $_size__tile_overlayer_lowered;
	s4 =	simm.s32 $_tile_overlayer_lowered  }
0x98: {  	s20 =	simm.s32 $0x1BFF;
	s19 =	sshll.u32 s4, $0x1;
	s1 =	sadd.s32 s2, s17  }
0x99: {  	s5 =	simm.s32 $0x0;
	s18 =	sshll.u32 s3, $0x1;
	s3 =	sadd.s32 s19, s1  }
0x9a: {  	[timem:s5], [sflag:s20] =	dma.local [hbm:s3], s18  }
0x9b: {  	_ =	swait.ge [sflag:s20], s18  }
0x9c: {  	s2 =	ssub.s32 $0x0, s18;
	[sflag:s20] =	ssyncset.done $0x0  }
0x9d: {  	[sflag:s20] =	ssyncadd.s32 s2;
	_ =	sdelay $0x1  }
0x9e: {  	s21 =	simm.s32 $0x1B8B  }
0x9f: {  	_ =	swait.ge [sflag:s21], $0x1  }
0xa0: {  	[sflag:s21] =	ssyncset.done $0x0  }
0xa1: {  	s23 =	simm.s32 $0x1B8E;
	s22 =	sld [smem:$0x3FFE];
	[sflag:s21] =	ssyncadd.s32 $0xFFFFFFFF  }
0xa2: {  	s24 =	simm.s32 $execute0_lowered;
	[smem:$0x3FD2] =	sst s23  }
0xa3: {  	s3 =	sshll.u32 s24, $0x1;
	_ =	strace $0x8000004F;
	[dreg:$0x1] =	wrdreg $0xFFFFFFFF  }
0xa4: {  	s25 =	simm.s32 $_size_execute0_lowered;
	s1 =	sadd.s32 s1, s3;
	[dreg:$0x0] =	wrdreg $0x0  }
0xa5: {  	s3 =	sshll.u32 s25, $0x1;
	[dreg:$0x2] =	wrdreg s1  }
0xa6: {  	[dreg:$0x3] =	wrdreg s3  }
0xa7: {  	[dreg:$0x4] =	wrdreg $0xC0  }
0xa8: {  	_ =	task [dreg:s5], $0x5FFFF  }
0xa9: {  	[dreg:$0x1] =	wrdreg $0xFFFFFFFF  }
0xaa: {  	[dreg:$0x0] =	wrdreg $0x60  }
0xab: {  	[dreg:$0x2] =	wrdreg s0  }
0xac: {  	[dreg:$0x3] =	wrdreg s22  }
0xad: {  	[dreg:$0x4] =	wrdreg $0xA  }
0xae: {  	_ =	task.clear_ibuf [dreg:s5], $0x5FFFF;
	_ =	strace $0x9000004F  }
0xaf: {  	s26 =	simm.s32 $0xA;
	_ =	strace $0x80000051  }
0xb0: {  	_ =	swait.ge [sflag:s26], $0x1  }
0xb1: {  	[sflag:s26] =	ssyncadd.s32 $0xFFFFFFFF  }
0xb2: {  	_ =	strace $0x90000051  }
0xb3: {  	_ =	sfence  }
0xb4: {  	s28 =	sld [smem:$0x0];
	_ =	sdelay $0x1  }
0xb5: {  	s29 =	srdreg.scid  }
0xb6: {  	s30 =	sshll.u32 s29, $0xD;
	s31 =	sshrl.u32 s29, $0x2  }
0xb7: {  	s2 =	sand.u32 $0x4000, s30;
	s1 =	sand.u32 $0x1, s29;
	s0 =	sadd.s32 s31, s28  }
0xb8: {  	s1 =	sor.u32 s2, s1;
	s0 =	sshll.u32 s0, $0x11  }
0xb9: {  	s0 =	sor.u32 s0, s1  }
0xba: {  	s0 =	sadd.s32 $0x8F2B, s0  }
0xbb: {  	[sflag:s0] =	ssyncadd.remote.s32 $0x1  }
0xbc: {  	_ =	sfence.sel $0xFFFF  }
0xbd: {  	[dreg:$0x0] =	wrdreg $0xFFFFFFFF;
	(pc) =	sbr.abs _section_cstart, $3  }
0xbe: {  	[dreg:$0x1] =	wrdreg $0xFFFFFFFF  }
0xbf: {  	_ =	task.clear_ibuf [dreg:s5], $0x2FFFF;
	_ =	strace $0x9FFFFFFF  }
0xc0: {  	(tm) =	ssettm $0x7FFFFFFF  }
0xc1: {  	_ =	shalt  }
tec
execute0_lowered:
.L_overlay_start_1:
0x0: {  	(tag) =	ssettag $0x1  }
0x1: {  	s1 =	rddreg [dreg:$0x0];
	s6 =	stileid.u32  }
0x2: {  	s0 =	rddreg [dreg:$0x1];
	_ =	strace $0x80000050;
	s2 =	smin.u32 s6, $0x9  }
0x3: {  	s9 =	simm.s32 $0x1;
	p0 =	slt.u32 s6, $0x9;
	s2 =	sadd.s32 s6, s2  }
0x4: {  	v1 =	vimm.s32 $0xFFFFFFFF;
	[sflag:s9] =	ssyncpa.u1 $0x0;
	s3 =	smul.u32 $0x190, s2;
	s2 =	simm.s32 $0x320  }
0x5: {  	[tilespmem:$0x10] =	vst v1;
	s2 =	simm.s32 @!p0 $0x190  }
0x6: {  	v0 =	vimm.f32 $0.0e+00;
	[tilespmem:$0x20] =	vst v1;
	s2 =	sadd.s32 s2, s3  }
0x7: {  	[tilespmem:$0x30] =	vst v0;
	s4 =	smin.u32 s2, $0x2710  }
0x8: {  	[tilespmem:$0x40] =	vst v0;
	s2 =	ssub.s32 s4, s3  }
0x9: {  	[tilespmem:$0x50] =	vst v0;
	p0 =	sgt.s32 s2, $0x0  }
0xa: {  	[tilespmem:$0x60] =	vst v1;
	s2 =	simm.s32 @!p0 $0x0  }
0xb: {  	s7 =	simm.s32 $0x2;
	s8 =	simm.s32 $0x8;
	[tilespmem:$0x70] =	vst v1;
	s5 =	sand.u32 $0xFFF0, s2  }
0xc: {  	s31 =	simm.s32 $0x9;
	s16 =	simm.s32 $0x0;
	[tilespmem:$0x80] =	vst v1;
	s5 =	sshrl.u32 s5, $0x4  }
0xd: {  	s17 =	simm.s32 $0xF0;
	s18 =	simm.s32 $0xFFFFFFFF;
	v1 =	vimm.s32 $0x0;
	[tilespmem:$0xB0] =	vst v0;
	s5 =	smul.u32 $0xA3E, s5  }
0xe: {  	s19 =	simm.s32 $0xFFFFFDE0;
	s20 =	simm.s32 $0xFFFFFFFE;
	s21 =	simm.s32 $0xF;
	[tilespmem:$0x90] =	vst v1  }
0xf: {  	[tilespmem:$0xA0] =	vst v1;
	[sflag:s7] =	ssyncpa.u1 $0x0;
	s7 =	simm.s32 $0x7;
	s10 =	sshrl.u32 s5, $0x10  }
0x10: {  	s25 =	simm.s32 $0x0;
	[sflag:s7] =	ssyncpa.u1 $0x0;
	s11 =	smul.u32 $0x190, s10  }
0x11: {  	s24 =	simm.s32 $0x0;
	s14 =	sshllo.u32 s6, $0x1;
	[sflag:s8] =	ssyncpa.u1 $0x0  }
.Ltmp0:
0x12: {  	s23 =	smov.u32 s3;
	p0 =	sne.s32 s2, s11;
	(pc) =	sbr.rel .LBB2_1-.Ltmp0, $4  }
0x13: {  	s5 =	sadd.s32 $0x4F400, s0;
	s0 =	sadd.s32 $0x4FA00, s0;
	s9 =	simm.s32 @!p0 $0x0  }
0x14: {  	[sflag:s31] =	ssyncpa.u1 $0x0;
	[dreg:$0x3] =	wrdreg s0;
	s9 =	sadd.s32 s10, s9  }
0x15: {  	vm0 =	vmmov $0xffff;
	v2 =	vlaneseq.u32;
	p0 =	por $0x0, $0x0;
	s10 =	sshll.u32 s6, $0x1;
	s11 =	sadd.s32 $0x1, s9  }
0x16: {  	vm1 =	vmxor vm1, vm1;
	vm2 =	vmmov $0x1;
	vm3 =	vcmask $0x3F3C;
	s12 =	sadd.s32 $0x2, s9;
	s13 =	sor.u32 $0x81, s10;
	s15 =	sor.u32 $0x80, s10  }
.LBB2_9:
0x17: {  	p1 =	slt.u32 s24, $0x3  }
0x18: {  	s0 =	simm.s32 @!p1 $0x2  }
0x19: {  	_ =	swait.ge @!p1 [sflag:s0], $0x190  }
0x1a: {  	[sflag:s0] =	ssyncset.done @!p1 $0x0  }
0x1b: {  	[sflag:s0] =	ssyncadd.s32 @!p1 $0xFFFFFE70;
	s0 =	simm.s32 @!p1 $0x9  }
0x1c: {  	_ =	swait.ge @!p1 [sflag:s0], $0x10  }
0x1d: {  	[sflag:s0] =	ssyncset.done @!p1 $0x0  }
0x1e: {  	[sflag:s0] =	ssyncadd.s32 @!p1 $0xFFFFFFF0;
	p1 =	sne.s32 s24, s12  }
.Ltmp1:
0x1f: {  	s2 =	sadd.s32 $0x190, s23;
	(pc) =	sbr.rel @!p1 .LBB2_10-.Ltmp1, $4  }
0x20: {  	s6 =	smov.u32 s3;
	s31 =	sadd.s32 $0x1, s24;
	s17 =	sadd.s32 $0x190, s17  }
0x21: {  	s18 =	sadd.s32 $0x1, s18;
	s25 =	smov.u32 s23;
	p2 =	slt.s32 s2, s4  }
0x22: {  	p0 =	por !p0, !p0;
	s19 =	sadd.s32 $0x190, s19;
	s6 =	smov.u32 @p2 s2  }
0x23: {  	s20 =	sadd.s32 $0x1, s20;
	s23 =	smov.u32 s6;
	s24 =	smov.u32 s31  }
.LBB2_1:
0x24: {  	p1 =	sge.u32 s24, s9  }
0x25: {  	s0 =	smulhi.u32 @!p1 $0xAAAAAAAB, s24;
	_ =	sdelay $0x1  }
0x26: {  	s0 =	sshrl.u32 @!p1 s0, $0x1  }
0x27: {  	s0 =	smul.u32 @!p1 $0x3, s0;
	_ =	sdelay $0x1  }
0x28: {  	s0 =	ssub.s32 @!p1 s24, s0  }
0x29: {  	s0 =	smul.u32 @!p1 $0x640, s0;
	_ =	sdelay $0x1  }
0x2a: {  	s2 =	sshrl.u32 @!p1 s23, $0x3;
	s0 =	sshrl.u32 @!p1 s0, $0x2  }
0x2b: {  	s22 =	sand.u32 @!p1 $0x7, s23;
	s2 =	sadd.s32 @!p1 s5, s2;
	s0 =	sadd.s32 @!p1 $0x100, s0  }
0x2c: {  	[tilespmem:s0], [sflag:$0x7] =	stream.linear.gather @!p1 [hbm4b:s2+s22], $0x190, $0x38;
	[tilespmem:$0xF30] =	vst v63  }
0x2d: {  	s0 =	sadd.s32 $0xFFFFFFFF, s24  }
0x2e: {  	p1 =	sge.u32 s0, s9  }
.Ltmp2:
0x2f: {  	_ = 	snop;
	(pc) =	sbr.rel @p1 .LBB2_5-.Ltmp2, $1  }
0x30: {  	_ =	sdelay $0x3  }
0x31: {  	s2 =	smulhi.u32 $0xAAAAAAAB, s0;
	_ =	sdelay $0x1  }
0x32: {  	s2 =	sshrl.u32 s2, $0x1  }
0x33: {  	s2 =	smul.u32 $0x3, s2;
	_ =	sdelay $0x1  }
0x34: {  	s2 =	ssub.s32 s0, s2  }
0x35: {  	s2 =	smul.u32 $0x640, s2  }
0x36: {  	_ =	swait.ge [sflag:s7], $0x190  }
0x37: {  	[sflag:s7] =	ssyncset.done $0x0;
	s2 =	sshrl.u32 s2, $0x2  }
0x38: {  	[sflag:s7] =	ssyncadd.s32 $0xFFFFFE70;
	(ifvalue) =	ssetifvalue $0xFFFFFFFF;
	v3 =	vld.msk [tilespmem:s2+$0x100 ss:$0x1], $0xffff;
	_ =	sdelay $0x2  }
0x39: {  	s30 =	smulhi.u32 $0xAAAAAAAB, s18;
	p1 =	sne.s32 s24, $0x1  }
0x3a: {  	v4 =	vimm.s32 @!p1 $0x0  }
0x3b: {  	s2 =	sshrl.u32 s30, $0x1;
	v4 =	vperm.xlane @!p1 v3, v4  }
0x3c: {  	s22 =	sshll.u32 s24, $0x4;
	s2 =	smul.u32 $0xFFFFED40, s2;
	vm4 =	vlt.u32 v3, $0x80  }
0x3d: {  	s22 =	sand.u32 $0x10, s22;
	v3 =	vnsel vm4, $0xFFFFFFFE, v3;
	vm4 =	vlt.u32 @!p1 v4, $0x80  }
0x3e: {  	s2 =	sshra.s32 s2, $0x2;
	[tilespmem:s22+$0x60] =	vst v3;
	v3 =	vnsel @!p1 vm4, $0xFFFFFFFE, v4  }
0x3f: {  	s28 =	sadd.s32 s2, s17;
	[tilespmem:$0x80] =	vst @!p1 v3  }
0x40: {  	v3 =	vld.msk [tilespmem:s28+$0x0 ss:$0x1], $0xffff;
	_ =	sdelay $0x4  }
0x41: {  	(xrf1) =	vunique.msk.u32 $0xffff, v3;
	_ =	sdelay $0xd  }
0x42: {  	v4 =	vimm.s32 $0xFFFFFFFF;
	v5, _, _ =	vpop (xrf1)  }
0x43: {  	vm5 =	vne.s32 v3, v4;
	vm4 =	veq.s32 v5, v2  }
0x44: {  	vm6 =	vlt.u32 v3, $0x80;
	vm4 =	vmand vm5, vm4  }
0x45: {  	vm4 =	vmand vm6, vm4  }
0x46: {  	v4 =	vnsel vm4, $0xFFFFFFFF, v3  }
0x47: {  	s31 =	sand.u32 $0x1, s0  }
0x48: {  	s0 =	simm.s32 $0x190;
	p1 =	seq.s32 s31, $0x1  }
0x49: {  	s0 =	simm.s32 @!p1 $0x0  }
0x4a: {  	s26 =	sadd.s32 $0x730, s0;
	(ifvalue) =	ssetifvalue $0xFFFFFFFF  }
0x4b: {  	v3 =	vperm.xlane v3, v1;
	[tilespmem:s26], [sflag:$0x8] =	stream.indirect_vreg.gather [hbm4b:s1+s16], $0x1, v4, vm0, $0x4038;
	v4 =	vnsel vm6, $0xFFFFFFFE, v4;
	[tilespmem:$0xF30] =	vst v63  }
0x4c: {  	s2 =	simm.s32 $0x0;
	s22 =	sadd.s32 $0xFFFFFFF0, s28;
	[tilespmem:s28+$0x0] =	vst v4  }
.LBB2_3:
0x4d: {  	v4 =	vld.msk [tilespmem:s22+$0x0 ss:$0x1], $0xffff;
	s2 =	sadd.s32 $0x10, s2;
	v5 =	vmov v3;
	s28 =	smov.u32 s22  }
0x4e: {  	p1 =	slt.u32 s2, $0x180;
	_ =	sdelay $0x4  }
0x4f: {  	v3 =	vperm.xlane v4, v1;
	(xrf1) =	vunique.msk.u32 $0xffff, v4;
	_ =	sdelay $0xd  }
0x50: {  	v6, _, _ =	vpop (xrf1)  }
0x51: {  	vm5 =	vne.s32 v4, v5;
	vm4 =	veq.s32 v6, v2  }
0x52: {  	vm6 =	vlt.u32 v4, $0x80;
	vm4 =	vmand vm5, vm4  }
0x53: {  	vm4 =	vmand vm6, vm4  }
0x54: {  	v4 =	vnsel vm4, $0xFFFFFFFF, v4  }
.Ltmp3:
0x55: {  	v5 =	vnsel vm6, $0xFFFFFFFE, v4;
	(pc) =	sbr.rel @p1 .LBB2_3-.Ltmp3, $3  }
0x56: {  	_ =	sdelay $0x1  }
0x57: {  	s22 =	sadd.s32 $0xFFFFFFF0, s22;
	s26 =	sadd.s32 $0xFFFFFFF0, s26;
	(ifvalue) =	ssetifvalue $0xFFFFFFFF  }
0x58: {  	[tilespmem:s26], [sflag:$0x8] =	stream.indirect_vreg.gather [hbm4b:s1+s16], $0x1, v4, vm0, $0x4038;
	[tilespmem:s28+$0x0] =	vst v5  }
0x59: {  	s2 =	sshrl.u32 s25, $0x3;
	s6 =	rddreg [dreg:$0x3]  }
0x5a: {  	s0 =	sadd.s32 $0x8D0, s0;
	s2 =	sadd.s32 s6, s2  }
0x5b: {  	[tilespmem:s0], [sflag:$0x8] =	stream.linear.gather [hbm:s2], $0x190, $0x38;
	[tilespmem:$0xF30] =	vst v63  }
.LBB2_5:
0x5c: {  	p1 =	slt.u32 s24, $0x2  }
0x5d: {  	p2 =	sge.u32 @!p1 s24, s12  }
0x5e: {  	p1 =	por p1, p2  }
.Ltmp4:
0x5f: {  	_ = 	snop;
	(pc) =	sbr.rel @p1 .LBB2_9-.Ltmp4, $1  }
0x60: {  	_ =	sdelay $0x3  }
0x61: {  	s0 =	sadd.s32 $0xFFFFFFFE, s24  }
0x62: {  	s2 =	smulhi.u32 $0xAAAAAAAB, s0;
	_ =	sdelay $0x1  }
0x63: {  	s2 =	sshrl.u32 s2, $0x1  }
0x64: {  	s2 =	smul.u32 $0x3, s2;
	_ =	sdelay $0x1  }
0x65: {  	s0 =	ssub.s32 s0, s2  }
0x66: {  	_ =	swait.ge [sflag:s8], $0x320;
	s0 =	smul.u32 $0x190, s0  }
0x67: {  	p1 =	sne.s32 s24, s11;
	[sflag:s8] =	ssyncset.done $0x0  }
0x68: {  	[sflag:s8] =	ssyncadd.s32 $0xFFFFFCE0;
	s2 =	sadd.s32 @!p1 $0x28F, s0  }
0x69: {  	[spmem:s13] =	stream.linear.scatter @!p1 [tilespmem:s2], [sflag:$0x1], $0x1, $0x38;
	[tilespmem:$0xF30] =	vst v63  }
0x6a: {  	s2 =	simm.s32 @!p1 $0x1  }
0x6b: {  	_ =	swait.ge @!p1 [sflag:s2], $0x1  }
0x6c: {  	s22 =	sshll.u32 s24, $0x4;
	[sflag:s2] =	ssyncset.done @!p1 $0x0  }
0x6d: {  	s25 =	sand.u32 $0x10, s22;
	[sflag:s2] =	ssyncadd.s32 @!p1 $0xFFFFFFFF  }
0x6e: {  	s2 =	sxor.u32 $0x10, s25;
	v4 =	vld [tilespmem:s25+$0x10]  }
0x6f: {  	v5 =	vld [tilespmem:s2+$0x60]  }
0x70: {  	v3 =	vld [tilespmem:$0x80];
	_ =	sdelay $0x2  }
0x71: {  	(v2sf) =	vpush v4, $0x0  }
0x72: {  	(v2sf) =	vpush v5, $0x0  }
0x73: {  	(v2sf) =	vpush v3, $0x0;
	_ =	sdelay $0xc  }
0x74: {  	s6 =	spop (v2sf)  }
0x75: {  	s28 =	spop (v2sf)  }
0x76: {  	s26 =	spop (v2sf)  }
0x77: {  	p2 =	seq.s32 s6, s28;
	p3 =	seq.s32 s26, s6  }
0x78: {  	p3 =	por p2, p3  }
0x79: {  	s6 =	sand.u32 $0x1, s24;
	v4 =	vpsel p3, $0xFFFFFFFF, v4  }
0x7a: {  	s28 =	smul.u32 $0x190, s6;
	[tilespmem:s25+$0x10] =	vst.msk $0x1, v4  }
0x7b: {  	v4 =	vld [tilespmem:$0x30]  }
0x7c: {  	v5 =	vld [tilespmem:s28+$0x8D0]  }
0x7d: {  	v6 =	vld [tilespmem:s25+$0x40];
	_ =	sdelay $0x3  }
0x7e: {  	vm4 =	vmmov vm1;
	v5 =	vadd.f32 v5, v4  }
0x7f: {  	vm5 =	vmmov vm2;
	vm4 =	vmmov @p2 vm2;
	v4 =	vadd.f32 v6, v4  }
0x80: {  	s22 =	sshll.u32 s6, $0x4;
	vm5 =	vmmov @p3 vm1;
	[tilespmem:s28+$0x8D0] =	vst.msk vm4, v5  }
0x81: {  	[tilespmem:s22+$0xF10] =	vst.msk vm5, v4  }
0x82: {  	v4 =	vld [tilespmem:s28+$0x730];
	_ =	sdelay $0x3  }
0x83: {  	v5 =	vimm.f32 $0.0e+00  }
0x84: {  	v4 =	vshift.insert v4, v5, s21  }
0x85: {  	s29 =	sor.u32 $0x40, s2  }
0x86: {  	[tilespmem:s29+$0x0] =	vst.msk $0x1, v4  }
0x87: {  	[tilespmem:s28+$0x73F] =	vst.msk $0x1, v5  }
0x88: {  	v4 =	vld [tilespmem:s0+$0x280];
	_ =	sdelay $0x1  }
0x89: {  	s29 =	smulhi.u32 $0xAAAAAAAB, s20;
	s0 =	simm.s32 $0x1  }
0x8a: {  	s0 =	simm.s32 @!p0 $0x0  }
0x8b: {  	s29 =	sshrl.u32 s29, $0x1;
	s0 =	smul.u32 $0x640, s0  }
0x8c: {  	s29 =	smul.u32 $0xFFFFED40, s29;
	v4 =	vshift.insert v4, v1, s21  }
0x8d: {  	s0 =	sshrl.u32 s0, $0x2  }
0x8e: {  	s29 =	sshra.s32 s29, $0x2;
	s30 =	sadd.s32 $0x8D0, s0;
	[tilespmem:s2+$0x10] =	vst.msk $0x1, v4  }
0x8f: {  	s6 =	sadd.s32 s29, s19;
	v6 =	vld [tilespmem:s30+$0x0]  }
0x90: {  	v7 =	vld [tilespmem:s6+$0x0];
	_ =	sdelay $0x3  }
0x91: {  	v5 =	vadd.f32 v6, v5  }
0x92: {  	vm4 =	vne.s32 v7, $0xFFFFFFFF  }
0x93: {  	(xrf2) =	vadd.seg.scan.f32 vm4, v5;
	_ =	sdelay $0x3  }
0x94: {  	s31 =	sadd.s32 $0x5B0, s0;
	v5 =	vperm.xlane v4, v1  }
0x95: {  	v6 =	vld [tilespmem:s31+$0x0]  }
0x96: {  	vm5 =	veq.s32 v7, v3;
	vm6 =	veq.s32 v7, v5  }
0x97: {  	vm7 =	vgt.u32 v7, $0xFFFFFFFD;
	vm6 =	vmor vm6, vm5  }
0x98: {  	vm6 =	vmor vm6, vm7  }
0x99: {  	v9 =	vld [tilespmem:$0xA0];
	v7 =	vsel vm6, $0xFFFFFFFF, v7  }
0x9a: {  	v10 =	vld [tilespmem:$0x90];
	v6 =	vsel vm5, $0x0, v6;
	v8, _, _ =	vpop (xrf2)  }
0x9b: {  	v6 =	vadd.f32 v8, v6  }
0x9c: {  	s0 =	sadd.s32 $0xBF0, s0  }
0x9d: {  	vm4 =	vmand vm4, vm3;
	[tilespmem:s0+$0x0] =	vst v6;
	(ifvalue) =	ssetifvalue $0xFFFFFFFF  }
0x9e: {  	vm6 =	veq.s32 v9, $0x1;
	[hbm4b:s1+s16] =	stream.indirect_vreg.scatter [tilespmem:s0], [sflag:$0x2], $0x1, v7, vm0, $0x4038;
	v7 =	vsel vm4, $0x0, v8;
	[tilespmem:$0xF30] =	vst v63  }
0x9f: {  	s29 =	sadd.s32 $0xF10, s22;
	s22 =	sadd.s32 $0x10, s6;
	s2 =	simm.s32 $0x0;
	vm4 =	vmor vm6, vm5;
	v6 =	vsel vm5, v8, v10;
	v7 =	vshift.insert v7, v0, s21  }
.LBB2_7:
0xa0: {  	v8 =	vld [tilespmem:s22+$0x0];
	s30 =	sadd.s32 $0x10, s30  }
0xa1: {  	s31 =	sadd.s32 $0x10, s31;
	v9 =	vld [tilespmem:s30+$0x0]  }
0xa2: {  	s2 =	sadd.s32 $0x10, s2;
	v10 =	vld [tilespmem:s31+$0x0]  }
0xa3: {  	p2 =	slt.u32 s2, $0x180;
	_ =	sdelay $0x2  }
0xa4: {  	v7 =	vadd.f32 v9, v7  }
0xa5: {  	vm5 =	vne.s32 v8, $0xFFFFFFFF  }
0xa6: {  	vm6 =	vmand vm5, vm3;
	(xrf2) =	vadd.seg.scan.f32 vm5, v7;
	_ =	sdelay $0x5  }
0xa7: {  	vm7 =	veq.s32 v8, v5;
	vm5 =	veq.s32 v8, v3  }
0xa8: {  	vm8 =	vgt.u32 v8, $0xFFFFFFFD;
	vm4 =	vmor vm4, vm5;
	vm7 =	vmor vm7, vm5  }
0xa9: {  	vm7 =	vmor vm7, vm8  }
0xaa: {  	v8 =	vsel vm7, $0xFFFFFFFF, v8  }
.Ltmp5:
0xab: {  	v7 =	vsel vm5, $0x0, v10;
	v9, _, _ =	vpop (xrf2);
	(pc) =	sbr.rel @p2 .LBB2_7-.Ltmp5, $4  }
0xac: {  	v6 =	vsel vm5, v9, v6;
	v10 =	vadd.f32 v9, v7;
	v7 =	vsel vm6, $0x0, v9  }
0xad: {  	s0 =	sadd.s32 $0x10, s0;
	v7 =	vshift.insert v7, v0, s21  }
0xae: {  	s22 =	sadd.s32 $0x10, s22;
	[tilespmem:s0+$0x0] =	vst v10;
	(ifvalue) =	ssetifvalue $0xFFFFFFFF  }
0xaf: {  	[hbm4b:s1+s16] =	stream.indirect_vreg.scatter [tilespmem:s0], [sflag:$0x2], $0x1, v8, vm0, $0x4038;
	[tilespmem:$0xF30] =	vst v63  }
0xb0: {  	v3 =	vld [tilespmem:s28+$0xD70];
	_ =	sdelay $0x4  }
0xb1: {  	v3 =	vshift.insert v3, v0, s21  }
0xb2: {  	s0 =	simm.s32 $0x30  }
0xb3: {  	[tilespmem:s0+$0x0] =	vst.msk $0x1, v3  }
0xb4: {  	v3 =	vsel vm4, $0x1, v1;
	[tilespmem:$0x90] =	vst v6  }
0xb5: {  	s0 =	sadd.s32 @!p1 $0xD7F, s28;
	[tilespmem:$0xA0] =	vst v3  }
0xb6: {  	[spmem:s14] =	stream.linear.scatter @!p1 [tilespmem:s0], [sflag:$0x1], $0x1, $0x38;
	[tilespmem:$0xF30] =	vst v63  }
0xb7: {  	s0 =	simm.s32 @!p1 $0x1  }
0xb8: {  	v3 =	vmctz.xlane @!p1 vm4;
	_ =	swait.ge @!p1 [sflag:s0], $0x1  }
0xb9: {  	(v2sf) =	vpush @!p1 v4, $0x0  }
0xba: {  	(v2sf) =	vpush @!p1 v3, $0x0;
	_ =	sdelay $0xd  }
0xbb: {  	s2 =	spop @!p1 (v2sf)  }
0xbc: {  	s6 =	spop @!p1 (v2sf)  }
0xbd: {  	p2 =	sne.s32 @!p1 s26, s2;
	p3 =	slt.s32 @!p1 s6, $0xF  }
0xbe: {  	[sflag:s0] =	ssyncset.done @!p1 $0x0;
	p2 =	por p2, p1;
	p3 =	por !p3, p1  }
0xbf: {  	[sflag:s0] =	ssyncadd.s32 @!p1 $0xFFFFFFFF;
	v3 =	vimm.s32 @!p2 $0xFFFFFFFF;
	s6 =	simm.s32 @p3 $0xF  }
0xc0: {  	[tilespmem:$0x80] =	vst @!p2 v3;
	s2 =	sadd.s32 @!p1 $0x90, s6  }
0xc1: {  	[spmem:s10] =	stream.linear.scatter @!p1 [tilespmem:s2], [sflag:$0x1], $0x1, $0x38;
	[tilespmem:$0xF30] =	vst v63  }
0xc2: {  	_ =	swait.ge @!p1 [sflag:s0], $0x1  }
0xc3: {  	[sflag:s0] =	ssyncset.done @!p1 $0x0  }
0xc4: {  	s2 =	simm.s32 @!p1 $0x80;
	[sflag:s0] =	ssyncadd.s32 @!p1 $0xFFFFFFFF  }
0xc5: {  	[spmem:s15] =	stream.linear.scatter @!p1 [tilespmem:s2], [sflag:$0x1], $0x1, $0x38;
	[tilespmem:$0xF30] =	vst v63  }
0xc6: {  	_ =	swait.ge @!p1 [sflag:s0], $0x1  }
0xc7: {  	[sflag:s0] =	ssyncset.done @!p1 $0x0  }
0xc8: {  	[sflag:s0] =	ssyncadd.s32 @!p1 $0xFFFFFFFF;
	(ifvalue) =	ssetifvalue $0xFFFFFFFF;
	v3 =	vld [tilespmem:s25+$0x10];
	_ =	sdelay $0x3  }
.Ltmp6:
0xc9: {  	_ = 	snop;
	(pc) =	sbr.rel .LBB2_9-.Ltmp6, $3  }
0xca: {  	_ =	sdelay $0x1  }
0xcb: {  	(ifvalue) =	ssetifvalue $0xFFFFFFFF  }
0xcc: {  	[hbm4b:s1+s16] =	stream.indirect_vreg.scatter [tilespmem:s29], [sflag:$0x9], $0x1, v3, vm0, $0x4038;
	[tilespmem:$0xF30] =	vst v63  }
.LBB2_10:
0xcd: {  	_ =	sfence.sel $0x180000  }
0xce: {  	s0 =	simm.s32 $0x7;
	[bflag:$0x0] =	sbarrier.arrive $0xFFFF  }
0xcf: {  	s26 =	simm.s32 $0x8;
	[sflag:s0] =	ssyncpa.u1 $0x1  }
0xd0: {  	s28 =	simm.s32 $0x9;
	[sflag:s26] =	ssyncpa.u1 $0x1  }
0xd1: {  	[sflag:s28] =	ssyncpa.u1 $0x1  }
0xd2: {  	_ =	sfence.stream.spmem  }
0xd3: {  	s29 =	simm.s32 $0x3;
	[bflag:$0x0] =	sbarrier.arrive $0xFFFF  }
0xd4: {  	s30 =	simm.s32 $0x4;
	[sflag:s29] =	ssyncpa.u1 $0x1  }
0xd5: {  	s31 =	simm.s32 $0x3C;
	s2 =	stileid.u32;
	[sflag:s30] =	ssyncpa.u1 $0x1  }
0xd6: {  	p0 =	sne.s32 s2, $0x0;
	[sflag:s31] =	ssyncpa.u1 $0x1  }
0xd7: {  	s0 =	simm.s32 @p0 $0x1;
	_ =	sfence @p0  }
0xd8: {  	[sflag:s0] =	ssyncpa.u1 @p0 $0x1;
	s0 =	simm.s32 @p0 $0x2  }
0xd9: {  	[sflag:s0] =	ssyncpa.u1 @p0 $0x1  }
0xda: {  	_ =	strace @p0 $0x90000050  }
0xdb: {  	[bflag:$0x2] =	sbarrier.arrive @p0 $0xFFFF  }
0xdc: {  	_ =	shalt @p0  }
.LBB2_11:
0xdd: {  	_ =	sfence.stream.spmem;
	s0 =	simm.s32 $0x5  }
0xde: {  	s2 =	simm.s32 $0x80;
	s3 =	simm.s32 $0xC0;
	[sflag:s0] =	ssyncpa.u1 $0x0  }
0xdf: {  	[tilespmem:s3], [sflag:$0x5] =	stream.linear.gather [spmem:s2], $0x20, $0x38;
	[tilespmem:$0xF30] =	vst v63  }
0xe0: {  	s2 =	simm.s32 $0x0;
	s3 =	simm.s32 $0xE0  }
0xe1: {  	[tilespmem:s3], [sflag:$0x5] =	stream.linear.gather [spmem:s2], $0x20, $0x38;
	[tilespmem:$0xF30] =	vst v63  }
.Ltmp7:
0xe2: {  	_ = 	snop;
	(pc) =	sbr.rel .LBB2_12-.Ltmp7, $4  }
0xe3: {  	_ =	swait.ge [sflag:s0], $0x40  }
0xe4: {  	[sflag:s0] =	ssyncset.done $0x0  }
0xe5: {  	s31 =	simm.s32 $0x6;
	[sflag:s0] =	ssyncadd.s32 $0xFFFFFFC0  }
0xe6: {  	s4 =	simm.s32 $0x0;
	[sflag:s31] =	ssyncpa.u1 $0x0  }
.LBB2_17:
0xe7: {  	p0 =	sgt.u32 s5, $0x7F  }
0xe8: {  	s0 =	sshrl.u32 @!p0 s5, $0x3  }
0xe9: {  	s5 =	sand.u32 @!p0 $0x7, s5;
	s6 =	simm.s32 @!p0 $0xB0;
	s0 =	sadd.s32 @!p0 s1, s0  }
0xea: {  	[tilespmem:s6], [sflag:$0x6] =	stream.linear.gather @!p0 [hbm4b:s0+s5], $0x1, $0x38;
	[tilespmem:$0xF30] =	vst v63  }
0xeb: {  	s0 =	simm.s32 @!p0 $0x6  }
0xec: {  	_ =	swait.ge @!p0 [sflag:s0], $0x1  }
0xed: {  	[sflag:s0] =	ssyncset.done @!p0 $0x0  }
0xee: {  	[sflag:s0] =	ssyncadd.s32 @!p0 $0xFFFFFFFF  }
0xef: {  	v2 =	vmov @!p0 s4;
	v1 =	vld.msk @!p0 [tilespmem:$0xB0], $0x1;
	_ =	sdelay $0x3  }
0xf0: {  	s0 =	simm.s32 @!p0 $0xE0  }
0xf1: {  	[tilespmem:v2+s0+$0x0], v1 =	vst.idx.ret.add.f32.msk @!p0 $0x1, v1  }
0xf2: {  	[tilespmem:s2+$0xC0] =	vst.msk $0x1, v0  }
0xf3: {  	v0 =	vld.msk [tilespmem:s4+$0xE0], $0x1;
	_ =	sdelay $0x4  }
0xf4: {  	[tilespmem:s2+$0xE0] =	vst.msk $0x1, v0;
	s2 =	sadd.s32 $0x1, s2  }
.LBB2_19:
0xf5: {  	s4 =	sadd.s32 $0x1, s4  }
0xf6: {  	p0 =	sne.s32 s4, $0x20  }
.Ltmp8:
0xf7: {  	_ = 	snop;
	(pc) =	sbr.rel @!p0 .LBB2_20-.Ltmp8, $1  }
0xf8: {  	_ =	sdelay $0x3  }
.LBB2_12:
0xf9: {  	v0 =	vld.msk [tilespmem:s4+$0xC0], $0x1;
	_ =	sdelay $0x4  }
0xfa: {  	(v2sf) =	vpush v0, $0x0;
	_ =	sdelay $0xe  }
0xfb: {  	s5 =	spop (v2sf)  }
0xfc: {  	p0 =	seq.s32 s5, $0xFFFFFFFF  }
.Ltmp9:
0xfd: {  	_ = 	snop;
	(pc) =	sbr.rel @p0 .LBB2_19-.Ltmp9, $1  }
0xfe: {  	_ =	sdelay $0x3  }
0xff: {  	p0 =	slt.s32 s2, $0x1  }
.Ltmp10:
0x100: {  	_ = 	snop;
	(pc) =	sbr.rel @p0 .LBB2_17-.Ltmp10, $1  }
0x101: {  	_ =	sdelay $0x3  }
0x102: {  	s0 =	simm.s32 $0xC0;
	p0 =	por $0x0, $0x0  }
0x103: {  	v1 =	vld.msk @!p0 [tilespmem:s0+$0x0], $0x1;
	_ =	sdelay $0x4  }
0x104: {  	(v2sf) =	vpush @!p0 v1, $0x0;
	_ =	sdelay $0xd  }
0x105: {  	p2 =	sne.s32 s2, $0x1  }
.Ltmp11:
0x106: {  	s6 =	spop @!p0 (v2sf);
	(pc) =	sbr.rel @!p2 .LBB2_16-.Ltmp11, $4  }
0x107: {  	p1 =	seq.s32 @!p0 s5, s6  }
0x108: {  	s6 =	simm.s32 $0x0;
	p1 =	por !p1, p0  }
0x109: {  	s8 =	simm.s32 $0xFFFFFFFF;
	s6 =	simm.s32 @p1 $0xFFFFFFFF  }
0x10a: {  	s7 =	simm.s32 $0x1;
	s6 =	smov.u32 @p0 s8  }
.LBB2_15:
0x10b: {  	s8 =	smov.u32 s6;
	p0 =	sne.s32 s6, $0xFFFFFFFF  }
0x10c: {  	s0 =	sadd.s32 $0x1, s0;
	s6 =	smov.u32 s7;
	s7 =	sadd.s32 $0x1, s7  }
0x10d: {  	p1 =	sne.s32 s2, s7;
	v1 =	vld.msk @!p0 [tilespmem:s0+$0x0], $0x1;
	_ =	sdelay $0x4  }
0x10e: {  	(v2sf) =	vpush @!p0 v1, $0x0;
	_ =	sdelay $0xe  }
.Ltmp12:
0x10f: {  	s9 =	spop @!p0 (v2sf);
	(pc) =	sbr.rel @p1 .LBB2_15-.Ltmp12, $4  }
0x110: {  	p2 =	seq.s32 @!p0 s5, s9  }
0x111: {  	p2 =	por !p2, p0  }
0x112: {  	s6 =	simm.s32 @p2 $0xFFFFFFFF  }
0x113: {  	s6 =	smov.u32 @p0 s8  }
.LBB2_16:
0x114: {  	p0 =	sne.s32 s6, $0xFFFFFFFF  }
.Ltmp13:
0x115: {  	_ = 	snop;
	(pc) =	sbr.rel @!p0 .LBB2_17-.Ltmp13, $1  }
0x116: {  	_ =	sdelay $0x3  }
0x117: {  	v0 =	vld.msk [tilespmem:s4+$0xE0], $0x1;
	v1 =	vmov s6  }
.Ltmp14:
0x118: {  	_ = 	snop;
	(pc) =	sbr.rel .LBB2_19-.Ltmp14, $2  }
0x119: {  	_ =	sdelay $0x2  }
0x11a: {  	[tilespmem:v1+s3+$0x0], v0 =	vst.idx.ret.add.f32.msk $0x1, v0  }
.LBB2_20:
0x11b: {  	p0 =	slt.s32 s2, $0x1  }
.Ltmp15:
0x11c: {  	_ = 	snop;
	(pc) =	sbr.rel @p0 .LBB2_24-.Ltmp15, $3  }
0x11d: {  	_ =	sdelay $0x1  }
0x11e: {  	s0 =	simm.s32 $0x6  }
0x11f: {  	s3 =	simm.s32 $0x0;
	[sflag:s0] =	ssyncpa.u1 $0x1  }
0x120: {  	s0 =	simm.s32 $0xC0  }
0x121: {  	v0 =	vld.msk [tilespmem:s0+$0x0], $0x1;
	_ =	sdelay $0x4  }
0x122: {  	(v2sf) =	vpush v0, $0x0;
	_ =	sdelay $0xe  }
0x123: {  	s2 =	sadd.s32 $0xFFFFFFFF, s2;
	s4 =	spop (v2sf)  }
0x124: {  	p1 =	sne.s32 s2, $0x0;
	p0 =	sgt.u32 s4, $0x7F  }
.Ltmp16:
0x125: {  	s5 =	sshrl.u32 @!p0 s4, $0x3;
	(pc) =	sbr.rel @!p1 .LBB2_23-.Ltmp16, $4  }
0x126: {  	s0 =	simm.s32 $0xE0;
	s4 =	sand.u32 @!p0 $0x7, s4;
	s5 =	sadd.s32 @!p0 s1, s5  }
0x127: {  	[hbm4b:s5+s4] =	stream.linear.scatter @!p0 [tilespmem:s0], [sflag:$0x5], $0x1, $0x38;
	[tilespmem:$0xF30] =	vst v63  }
0x128: {  	s5 =	simm.s32 $0x0  }
0x129: {  	s4 =	simm.s32 $0xC1;
	s5 =	simm.s32 @!p0 $0x4  }
.LBB2_22:
0x12a: {  	v0 =	vld.msk [tilespmem:s4+$0x0], $0x1;
	s2 =	sadd.s32 $0xFFFFFFFF, s2;
	s3 =	sadd.s32 s3, s5  }
0x12b: {  	p0 =	sne.s32 s2, $0x0;
	_ =	sdelay $0x3  }
0x12c: {  	(v2sf) =	vpush v0, $0x0;
	_ =	sdelay $0xe  }
.Ltmp17:
0x12d: {  	s6 =	spop (v2sf);
	(pc) =	sbr.rel @p0 .LBB2_22-.Ltmp17, $4  }
0x12e: {  	s5 =	simm.s32 $0x0;
	p1 =	sgt.u32 s6, $0x7F  }
0x12f: {  	s0 =	sadd.s32 $0x1, s0;
	s5 =	simm.s32 @!p1 $0x4;
	s7 =	sshrl.u32 @!p1 s6, $0x3  }
0x130: {  	s4 =	sadd.s32 $0x1, s4;
	s6 =	sand.u32 @!p1 $0x7, s6;
	s7 =	sadd.s32 @!p1 s1, s7  }
0x131: {  	[hbm4b:s7+s6] =	stream.linear.scatter @!p1 [tilespmem:s0], [sflag:$0x5], $0x1, $0x38;
	[tilespmem:$0xF30] =	vst v63  }
.LBB2_23:
0x132: {  	s0 =	sadd.s32 s3, s5  }
0x133: {  	s3 =	sshrl.u32 s0, $0x2  }
.LBB2_24:
0x134: {  	s0 =	simm.s32 $0x5  }
0x135: {  	_ =	swait.ge [sflag:s0], s3  }
0x136: {  	s1 =	ssub.s32 $0x0, s3;
	[sflag:s0] =	ssyncset.done $0x0  }
0x137: {  	[sflag:s0] =	ssyncadd.s32 s1  }
0x138: {  	[sflag:s0] =	ssyncpa.u1 $0x1  }
0x139: {  	s29 =	simm.s32 $0x1;
	_ =	sfence  }
0x13a: {  	s30 =	simm.s32 $0x2;
	[sflag:s29] =	ssyncpa.u1 $0x1  }
0x13b: {  	[sflag:s30] =	ssyncpa.u1 $0x1  }
0x13c: {  	_ =	strace $0x90000050  }
0x13d: {  	[bflag:$0x2] =	sbarrier.arrive $0xFFFF  }
0x13e: {  	s31 =	rddreg [dreg:$0x2]  }
0x13f: {  	s0 =	sadd.s32 $0x100000, s31  }
0x140: {  	[sflag:s0] =	ssyncadd.tile.s32 $0x1;
	_ =	shalt  }
.Lfunc_end2:
_tile_overlayer_lowered:
.L_overlay_start_2:
0x141: {  	(tag) =	ssettag $0x2  }
0x142: {  	s0 =	rddreg [dreg:$0x0];
	s2 =	stileid.u32  }
0x143: {  	s1 =	rddreg [dreg:$0x1];
	p0 =	sne.s32 s2, $0x0  }
0x144: {  	s3 =	rddreg [dreg:$0x2];
	[bflag:$0x3] =	sbarrier.arrive $0xFFFF;
	s2 =	simm.s32 @!p0 $0x1C01  }
0x145: {  	[timem:s3], [sflag:s2] =	dma.local @!p0 [hbm:s0], s1  }
0x146: {  	s0 =	simm.s32 @!p0 $0x1  }
0x147: {  	_ =	swait.ge @!p0 [sflag:s0], s1  }
0x148: {  	s1 =	ssub.s32 @!p0 $0x0, s1;
	[sflag:s0] =	ssyncset.done @!p0 $0x0  }
0x149: {  	[sflag:s0] =	ssyncadd.s32 @!p0 s1  }
0x14a: {  	[bflag:$0x3] =	sbarrier.arrive $0xFFFF  }
0x14b: {  	_ =	shalt  }

// kernel: scatter_offload_async_start
scs
__scs_entry_jumppad:
0x0: {  	(pc) =	sbr.rel $0x88, $3  }
0x1: {  	(tag) =	ssettag $0x0;
	lr =	simm.s32 $0x1  }
0x2: {  	[smem:$0x3F93] =	sst lr;
	_ =	strace $0xD0000000  }
0x3: {  	_ = 	snop  }
0x4: {  	_ = 	snop  }
0x5: {  	_ = 	snop  }
0x6: {  	_ = 	snop  }
0x7: {  	_ = 	snop  }
__scs_overlays_trampoline_lowered:
0x8: {  	[smem:$0x3FA2] =	sst s0  }
0x9: {  	[smem:$0x3FA3] =	sst s1  }
0xa: {  	[smem:$0x3FA4] =	sst s2  }
0xb: {  	[smem:$0x3FA5] =	sst s3  }
0xc: {  	[smem:$0x3FA6] =	sst s4  }
0xd: {  	[smem:$0x3FA7] =	sst s5  }
0xe: {  	[smem:$0x3FA8] =	sst s6  }
0xf: {  	[smem:$0x3FA9] =	sst s7  }
0x10: {  	[smem:$0x3FAA] =	sst s8  }
0x11: {  	[smem:$0x3FAB] =	sst s9;
	s0 =	simm.s32 @!p0 $0x0  }
0x12: {  	s1 =	sld [smem:$0x3F91];
	s0 =	simm.s32 @p0 $0x1  }
0x13: {  	[smem:$0x3FAC] =	sst s0;
	s0 =	simm.s32 @!p1 $0x0  }
0x14: {  	s2 =	sld [smem:$0x3F90];
	s0 =	simm.s32 @p1 $0x1  }
0x15: {  	[smem:$0x3FAD] =	sst s0;
	s0 =	simm.s32 @!p2 $0x0  }
0x16: {  	s3 =	sld [smem:$0x3FDB];
	s0 =	simm.s32 @p2 $0x1  }
0x17: {  	s4 =	simm.s32 $0x1BF5;
	[smem:$0x3FAF] =	sst s0  }
0x18: {  	s0 =	sld [smem:$0x3F92];
	_ =	swait.ge [sflag:s4], $0x0  }
0x19: {  	s7 =	sld [smem:$0x3F93]  }
0x1a: {  	s8 =	sadd.s32 $0xFFFFE003, lr  }
0x1b: {  	s9 =	sadd.s32 $0xFFFFFEF7, lr;
	s5 =	simm.s32 $0xFFFFFFFF;
	p2 =	slt.u32 s8, $0xFFFFF086  }
0x1c: {  	p1 =	slt.u32 s9, $0xF7A;
	s5 =	simm.s32 @!p2 $0x0  }
0x1d: {  	s5 =	simm.s32 @p1 $0x1;
	p0 =	seq.s32 s7, s2  }
0x1e: {  	s7 =	smul.u32 @!p0 $0xF7A, s2;
	p2 =	seq.s32 @!p0 s5, $0x0  }
0x1f: {  	s9 =	smul.u32 $0xF7A, s1;
	s8 =	simm.s32 @!p0 $0x1BF5;
	p2 =	por !p2, p0  }
0x20: {  	[sflag:s8] =	ssyncset.s32 @!p0 $0xFFFFF086;
	s6 =	sadd.s32 @!p0 s3, s7;
	s7 =	simm.s32 @!p0 $0x108  }
0x21: {  	s3 =	sadd.s32 s3, s9;
	s6 =	sadd.s32 @!p0 $0x88, s6;
	s7 =	simm.s32 @p2 $0x1082  }
0x22: {  	[simem:s7], [sflag:s8] =	dma.local @!p0 [hbm:s6], $0xF7A  }
0x23: {  	s9 =	sor.u32 $0xD0000000, s2;
	s6 =	simm.s32 $0x108;
	_ =	swait.ge @!p0 [sflag:s8], $0x0  }
0x24: {  	s3 =	sadd.s32 $0x88, s3;
	s6 =	simm.s32 @!p1 $0x1082;
	[sflag:s4] =	ssyncset.s32 $0xFFFFF086  }
0x25: {  	[simem:s6], [sflag:s4] =	dma.local [hbm:s3], $0xF7A  }
0x26: {  	[smem:$0x3F93] =	sst s1;
	(tag) =	ssettag s2;
	_ =	strace s9  }
0x27: {  	s1 =	sld [smem:$0x3FA3]  }
0x28: {  	s2 =	sld [smem:$0x3FA4]  }
0x29: {  	s4 =	sld [smem:$0x3FA6]  }
0x2a: {  	p0 =	seq.s32 s5, $0x0;
	s5 =	sld [smem:$0x3FA7]  }
0x2b: {  	s6 =	sld [smem:$0x3FA8]  }
0x2c: {  	s7 =	sld [smem:$0x3FA9]  }
0x2d: {  	s3 =	simm.s32 $0x108;
	s8 =	sld [smem:$0x3FAA]  }
0x2e: {  	s3 =	simm.s32 @!p0 $0x1082;
	s9 =	sld [smem:$0x3FAB]  }
0x2f: {  	lr =	sadd.s32 s0, s3;
	s0 =	sld [smem:$0x3FA2]  }
0x30: {  	s3 =	sld [smem:$0x3FA5]  }
0x31: {  	[smem:$0x3FAE] =	sst s10  }
0x32: {  	s10 =	sld [smem:$0x3FAC];
	_ =	sdelay $0x3  }
0x33: {  	p0 =	seq.s32 s10, $0x1;
	s10 =	sld [smem:$0x3FAE];
	_ =	sdelay $0x3  }
0x34: {  	[smem:$0x3FAE] =	sst s10  }
0x35: {  	s10 =	sld [smem:$0x3FAD];
	_ =	sdelay $0x3  }
0x36: {  	p1 =	seq.s32 s10, $0x1;
	s10 =	sld [smem:$0x3FAE];
	_ =	sdelay $0x3  }
0x37: {  	[smem:$0x3FAE] =	sst s10  }
0x38: {  	s10 =	sld [smem:$0x3FAF]  }
0x39: {  	_ = 	snop;
	(pc) =	sbr.ind lr, $3  }
0x3a: {  	_ = 	snop  }
0x3b: {  	_ = 	snop  }
0x3c: {  	p2 =	seq.s32 s10, $0x1;
	s10 =	sld [smem:$0x3FAE]  }
0x3d: {  	_ =	shalt  }
0x3e: {  	_ =	shalt  }
0x3f: {  	_ =	shalt  }
0x40: {  	_ =	shalt  }
0x41: {  	_ =	shalt  }
0x42: {  	_ =	shalt  }
0x43: {  	_ =	shalt  }
0x44: {  	_ =	shalt  }
0x45: {  	_ =	shalt  }
0x46: {  	_ =	shalt  }
0x47: {  	_ =	shalt  }
0x48: {  	_ =	shalt  }
0x49: {  	_ =	shalt  }
0x4a: {  	_ =	shalt  }
0x4b: {  	_ =	shalt  }
0x4c: {  	_ =	shalt  }
0x4d: {  	_ =	shalt  }
0x4e: {  	_ =	shalt  }
0x4f: {  	_ =	shalt  }
0x50: {  	_ =	shalt  }
0x51: {  	_ =	shalt  }
0x52: {  	_ =	shalt  }
0x53: {  	_ =	shalt  }
0x54: {  	_ =	shalt  }
0x55: {  	_ =	shalt  }
0x56: {  	_ =	shalt  }
0x57: {  	_ =	shalt  }
0x58: {  	_ =	shalt  }
0x59: {  	_ =	shalt  }
0x5a: {  	_ =	shalt  }
0x5b: {  	_ =	shalt  }
0x5c: {  	_ =	shalt  }
0x5d: {  	_ =	shalt  }
0x5e: {  	_ =	shalt  }
0x5f: {  	_ =	shalt  }
0x60: {  	_ =	shalt  }
0x61: {  	_ =	shalt  }
0x62: {  	_ =	shalt  }
0x63: {  	_ =	shalt  }
0x64: {  	_ =	shalt  }
0x65: {  	_ =	shalt  }
0x66: {  	_ =	shalt  }
0x67: {  	_ =	shalt  }
0x68: {  	_ =	shalt  }
0x69: {  	_ =	shalt  }
0x6a: {  	_ =	shalt  }
0x6b: {  	_ =	shalt  }
0x6c: {  	_ =	shalt  }
0x6d: {  	_ =	shalt  }
0x6e: {  	_ =	shalt  }
0x6f: {  	_ =	shalt  }
0x70: {  	_ =	shalt  }
0x71: {  	_ =	shalt  }
0x72: {  	_ =	shalt  }
0x73: {  	_ =	shalt  }
0x74: {  	_ =	shalt  }
0x75: {  	_ =	shalt  }
0x76: {  	_ =	shalt  }
0x77: {  	_ =	shalt  }
0x78: {  	_ =	shalt  }
0x79: {  	_ =	shalt  }
0x7a: {  	_ =	shalt  }
0x7b: {  	_ =	shalt  }
0x7c: {  	_ =	shalt  }
0x7d: {  	_ =	shalt  }
0x7e: {  	_ =	shalt  }
0x7f: {  	_ =	shalt  }
0x80: {  	_ =	shalt  }
0x81: {  	_ =	shalt  }
0x82: {  	_ =	shalt  }
0x83: {  	_ =	shalt  }
0x84: {  	_ =	shalt  }
0x85: {  	_ =	shalt  }
0x86: {  	_ =	shalt  }
0x87: {  	_ =	shalt  }
.Lfunc_end0:
.L_simem_size_0:
called_computation_lowered:
.L_overlay_start_0:
0x88: {  	s2 =	sld [smem:$0x3FD9]  }
0x89: {  	s3 =	sld [smem:$0x3FFE];
	_ =	sdelay $0x1  }
0x8a: {  	s1 =	srdreg.scid  }
0x8b: {  	s0 =	sand.u32 $0x1, s1  }
0x8c: {  	s15 =	sshll.u32 s0, $0xA;
	s2 =	sadd.s32 s3, s2  }
0x8d: {  	s2 =	sadd.s32 s2, s15  }
0x8e: {  	[smem:$0x3FBA] =	sst s2  }
0x8f: {  	_ = 	snop  }
0x90: {  	(tm) =	ssettm $0x1  }
0x91: {  	s16 =	sld [smem:$0x3FFB];
	_ =	sdelay $0x3  }
0x92: {  	_ =	strace s16  }
0x93: {  	s2 =	sld [smem:$0x3FFC];
	_ =	sdelay $0x3  }
0x94: {  	_ =	strace s2  }
0x95: {  	s2 =	sld [smem:$0x3FFD];
	_ =	sdelay $0x3  }
0x96: {  	_ =	strace s2  }
0x97: {  	_ =	strace $0x8FFFFFFF  }
0x98: {  	s17 =	sld [smem:$0x3FDB];
	_ =	sdelay $0x1  }
0x99: {  	s18 =	simm.s32 $_scs_section_size  }
0x9a: {  	s4 =	simm.s32 $_size__tile_overlayer_lowered;
	s5 =	simm.s32 $_tile_overlayer_lowered  }
0x9b: {  	s21 =	simm.s32 $0x1BFF;
	s20 =	sshll.u32 s5, $0x1;
	s2 =	sadd.s32 s18, s17  }
0x9c: {  	s6 =	simm.s32 $0x0;
	s19 =	sshll.u32 s4, $0x1;
	s4 =	sadd.s32 s20, s2  }
0x9d: {  	[timem:s6], [sflag:s21] =	dma.local [hbm:s4], s19  }
0x9e: {  	_ =	swait.ge [sflag:s21], s19  }
0x9f: {  	s3 =	ssub.s32 $0x0, s19;
	[sflag:s21] =	ssyncset.done $0x0  }
0xa0: {  	[sflag:s21] =	ssyncadd.s32 s3;
	_ =	sdelay $0x1  }
0xa1: {  	s22 =	simm.s32 $0x1B8B  }
0xa2: {  	_ =	swait.ge [sflag:s22], $0x1  }
0xa3: {  	[sflag:s22] =	ssyncset.done $0x0  }
0xa4: {  	s23 =	sld [smem:$0x3FFE];
	[sflag:s22] =	ssyncadd.s32 $0xFFFFFFFF  }
0xa5: {  	s25 =	simm.s32 $0x1B8E;
	s24 =	sld [smem:$0x0]  }
0xa6: {  	s26 =	simm.s32 $execute0_lowered;
	[smem:$0x3FD2] =	sst s25  }
0xa7: {  	s5 =	sshll.u32 s26, $0x1;
	_ =	strace $0x80000049;
	[dreg:$0x1] =	wrdreg $0xFFFFFFFF  }
0xa8: {  	s28 =	simm.s32 $_size_execute0_lowered;
	s2 =	sadd.s32 s2, s5;
	[dreg:$0x0] =	wrdreg $0x0  }
0xa9: {  	s5 =	sshll.u32 s28, $0x1;
	[dreg:$0x2] =	wrdreg s2  }
0xaa: {  	[dreg:$0x3] =	wrdreg s5  }
0xab: {  	[dreg:$0x4] =	wrdreg $0xC0  }
0xac: {  	_ =	task [dreg:s6], $0x5FFFF  }
0xad: {  	[dreg:$0x1] =	wrdreg $0xFFFFFFFF  }
0xae: {  	[dreg:$0x0] =	wrdreg $0x60  }
0xaf: {  	[dreg:$0x2] =	wrdreg s23  }
0xb0: {  	[dreg:$0x3] =	wrdreg s1  }
0xb1: {  	[dreg:$0x4] =	wrdreg s24  }
0xb2: {  	[dreg:$0x5] =	wrdreg $0x9  }
0xb3: {  	_ =	task.clear_ibuf [dreg:s6], $0x6FFFF;
	_ =	strace $0x90000049  }
0xb4: {  	s29 =	simm.s32 $0x9;
	_ =	strace $0x8000004B  }
0xb5: {  	_ =	swait.ge [sflag:s29], $0x1  }
0xb6: {  	[sflag:s29] =	ssyncadd.s32 $0xFFFFFFFF  }
0xb7: {  	_ =	strace $0x9000004B  }
0xb8: {  	_ =	sfence  }
0xb9: {  	s30 =	sld [smem:$0x0];
	_ =	sdelay $0x2  }
0xba: {  	s31 =	sshll.u32 s1, $0xD;
	s1 =	sshrl.u32 s1, $0x2  }
0xbb: {  	s3 =	sand.u32 $0x4000, s31;
	s1 =	sadd.s32 s1, s30  }
0xbc: {  	s0 =	sor.u32 s3, s0;
	s1 =	sshll.u32 s1, $0x11  }
0xbd: {  	s0 =	sor.u32 s1, s0  }
0xbe: {  	s0 =	sadd.s32 $0x8F2B, s0  }
0xbf: {  	[sflag:s0] =	ssyncadd.remote.s32 $0x1  }
0xc0: {  	_ =	sfence.sel $0xFFFF  }
0xc1: {  	[dreg:$0x0] =	wrdreg $0xFFFFFFFF;
	(pc) =	sbr.abs _section_cstart, $3  }
0xc2: {  	[dreg:$0x1] =	wrdreg $0xFFFFFFFF  }
0xc3: {  	_ =	task.clear_ibuf [dreg:s6], $0x2FFFF;
	_ =	strace $0x9FFFFFFF  }
0xc4: {  	(tm) =	ssettm $0x7FFFFFFF  }
0xc5: {  	_ =	shalt  }
tec
execute0_lowered:
.L_overlay_start_1:
0x0: {  	(tag) =	ssettag $0x1  }
0x1: {  	s2 =	rddreg [dreg:$0x0]  }
0x2: {  	s3 =	rddreg [dreg:$0x1];
	_ =	strace $0x8000004A;
	s0 =	simm.s32 $0x1  }
0x3: {  	s5 =	simm.s32 $0x208;
	v0 =	vimm.s32 $0x0;
	[sflag:s0] =	ssyncpa.u1 $0x0  }
0x4: {  	[tilespmem:s5+$0x70] =	vst v0  }
0x5: {  	[tilespmem:s5+$0x60] =	vst v0  }
0x6: {  	[tilespmem:s5+$0x50] =	vst v0  }
0x7: {  	[tilespmem:s5+$0x40] =	vst v0  }
0x8: {  	[tilespmem:s5+$0x30] =	vst v0  }
0x9: {  	s1 =	sadd.s32 $0x64A00, s2;
	s0 =	sadd.s32 $0x55A00, s2;
	s6 =	sadd.s32 $0xB2C00, s2;
	[tilespmem:s5+$0x20] =	vst v0  }
0xa: {  	s4 =	sadd.s32 $0x5AA00, s2;
	s10 =	sand.u32 $0x1, s3;
	s2 =	simm.s32 $0x40;
	[tilespmem:s5+$0x10] =	vst v0  }
.LBB2_1:
0xb: {  	s2 =	sadd.s32 $0x40, s2;
	[tilespmem:s5+$0x0] =	vst v0;
	s5 =	sadd.s32 $0x80, s5  }
0xc: {  	p0 =	slt.u32 s2, $0x3880;
	[tilespmem:s5+$0x70] =	vst v0  }
0xd: {  	[tilespmem:s5+$0x60] =	vst v0  }
.Ltmp0:
0xe: {  	[tilespmem:s5+$0x50] =	vst v0;
	(pc) =	sbr.rel @p0 .LBB2_1-.Ltmp0, $4  }
0xf: {  	[tilespmem:s5+$0x40] =	vst v0  }
0x10: {  	[tilespmem:s5+$0x30] =	vst v0  }
0x11: {  	[tilespmem:s5+$0x20] =	vst v0  }
0x12: {  	[tilespmem:s5+$0x10] =	vst v0  }
0x13: {  	s11 =	stileid.u32  }
0x14: {  	s2 =	smul.u32 $0x2C, s11  }
0x15: {  	s3 =	smin.u32 s11, $0xB  }
0x16: {  	s2 =	sadd.s32 s3, s2  }
0x17: {  	p0 =	slt.u32 s11, $0xB;
	s20 =	smul.u32 $0x70, s2;
	s2 =	simm.s32 $0x13B0  }
0x18: {  	s2 =	simm.s32 @!p0 $0x1340  }
0x19: {  	s2 =	sadd.s32 s2, s20  }
0x1a: {  	s8 =	smin.u32 s2, $0x13880  }
0x1b: {  	s26 =	simm.s32 $0x2;
	s2 =	ssub.s32 s8, s20  }
0x1c: {  	s9 =	simm.s32 $0x9;
	s29 =	simm.s32 $0xA;
	p0 =	sgt.s32 s2, $0x0  }
0x1d: {  	s30 =	simm.s32 $0xB;
	s31 =	smul.u32 $0x2710, s10;
	s2 =	simm.s32 @!p0 $0x0  }
0x1e: {  	[dreg:$0x4] =	wrdreg s10;
	s12 =	simm.s32 $0x1;
	s25 =	smulhi.u32 $0x92492493, s2  }
0x1f: {  	s24 =	simm.s32 $0x0;
	p1 =	por $0x0, $0x0;
	s18 =	simm.s32 $0x80  }
0x20: {  	s19 =	simm.s32 $0x400;
	s17 =	simm.s32 $0xC;
	s3 =	sshrl.u32 s25, $0x6  }
0x21: {  	s21 =	simm.s32 $0x0;
	s23 =	simm.s32 $0x0;
	s28 =	smul.u32 $0x70, s3  }
.Ltmp1:
0x22: {  	[tilespmem:s5+$0x0] =	vst v0;
	v0 =	vimm.s32 $0xFFFFFFFF;
	[sflag:s26] =	ssyncpa.u1 $0x0;
	s16 =	sshll.u32 s11, $0x9;
	(pc) =	sbr.rel .LBB2_3-.Ltmp1, $4  }
0x23: {  	[tilespmem:$0xE408] =	vst v0;
	[sflag:s9] =	ssyncpa.u1 $0x0;
	p0 =	sne.s32 s2, s28;
	s2 =	simm.s32 $0x1  }
0x24: {  	s14 =	sadd.s32 s31, s4;
	[sflag:s29] =	ssyncpa.u1 $0x0;
	s2 =	simm.s32 @!p0 $0x0  }
0x25: {  	s15 =	sadd.s32 s31, s0;
	[sflag:s30] =	ssyncpa.u1 $0x0;
	s13 =	sadd.s32 s2, s3  }
0x26: {  	v0 =	vlaneseq.u32;
	s22 =	smov.u32 s20;
	p0 =	por $0x1, $0x1;
	s11 =	sadd.s32 $0x1, s13  }
.LBB2_24:
0x27: {  	s2 =	sshrl.u32 s4, $0x2  }
.LBB2_26:
0x28: {  	_ =	swait.ge [sflag:s17], s2  }
0x29: {  	s31 =	ssub.s32 $0x0, s2;
	v1 =	vmov s26;
	vm0 =	veq.s32 v0, $0x0;
	[sflag:s17] =	ssyncset.done $0x0  }
0x2a: {  	vm15 =	veq.s32 v0, $0x2;
	v1 =	vsel vm0, s0, v1;
	[sflag:s17] =	ssyncadd.s32 s31  }
0x2b: {  	v1 =	vsel vm15, s24, v1;
	[sflag:s17] =	ssyncpa.u1 $0x1  }
0x2c: {  	[tilespmem:$0xE408] =	vst v1  }
.LBB2_27:
0x2d: {  	s0 =	sadd.s32 $0x70, s22  }
0x2e: {  	s2 =	smov.u32 s20;
	p2 =	slt.s32 s0, s8  }
0x2f: {  	s2 =	smov.u32 @p2 s0;
	p2 =	sne.s32 s23, s11  }
.Ltmp2:
0x30: {  	_ = 	snop;
	(pc) =	sbr.rel @!p2 .LBB2_28-.Ltmp2, $4  }
0x31: {  	_ = 	snop  }
0x32: {  	s24 =	smov.u32 s21  }
0x33: {  	s31 =	sadd.s32 $0x1, s23;
	s21 =	smov.u32 s22;
	p0 =	por !p0, !p0  }
0x34: {  	p1 =	por !p1, !p1;
	s23 =	smov.u32 s31;
	s22 =	smov.u32 s2  }
.LBB2_3:
0x35: {  	p2 =	sge.u32 s23, s13  }
0x36: {  	s0 =	smulhi.u32 @!p2 $0xAAAAAAAB, s23  }
0x37: {  	s2 =	smov.u32 s22;
	p3 =	sgt.s32 @!p2 s22, $0x13810  }
0x38: {  	s3 =	sshra.s32 @!p2 s22, $0x1F;
	p3 =	por !p3, p2;
	s0 =	sshrl.u32 @!p2 s0, $0x1  }
0x39: {  	s3 =	sand.u32 @!p2 s3, s22;
	s2 =	simm.s32 @p3 $0x13810;
	s0 =	smul.u32 @!p2 $0x3, s0  }
0x3a: {  	s2 =	ssub.s32 @!p2 s2, s3  }
0x3b: {  	s2 =	sadd.s32 @!p2 $0xFFFEC7F0, s2;
	s0 =	ssub.s32 @!p2 s23, s0  }
0x3c: {  	s3 =	sshll.u32 @!p2 s2, $0x2;
	p3 =	sgt.s32 @!p2 s2, $0x6F;
	s0 =	smul.u32 @!p2 $0x1C0, s0  }
0x3d: {  	s4 =	sand.u32 @!p2 $0x7, s22;
	s2 =	ssub.s32 @!p2 $0x1C0, s3;
	p3 =	por !p3, p2  }
0x3e: {  	s3 =	sshrl.u32 @!p2 s22, $0x3;
	s2 =	sshrl.u32 @!p2 s2, $0x2;
	s0 =	sshrl.u32 @!p2 s0, $0x2  }
0x3f: {  	s3 =	sadd.s32 @!p2 s3, s14;
	s2 =	simm.s32 @!p3 $0x0;
	s0 =	sadd.s32 @!p2 $0x10448, s0  }
0x40: {  	[tilespmem:s0], [sflag:$0xA] =	stream.linear.gather @!p2 [hbm4b:s3+s4], s2, $0x38;
	[tilespmem:$0x1E678] =	vst v63  }
0x41: {  	s2 =	sadd.s32 $0xFFFFFFFF, s23  }
0x42: {  	p2 =	sge.u32 s2, s13  }
0x43: {  	p3 =	sgt.s32 @!p2 s21, $0x13810  }
0x44: {  	s0 =	smov.u32 s21;
	s3 =	sshra.s32 @!p2 s21, $0x1F;
	p3 =	por !p3, p2  }
0x45: {  	s3 =	sand.u32 @!p2 s3, s21;
	s0 =	simm.s32 @p3 $0x13810  }
0x46: {  	s0 =	ssub.s32 @!p2 s0, s3  }
0x47: {  	s0 =	sadd.s32 @!p2 $0xFFFEC7F0, s0  }
0x48: {  	s3 =	sshll.u32 @!p2 s0, $0x2  }
0x49: {  	p3 =	sgt.s32 @!p2 s0, $0x6F;
	s0 =	ssub.s32 @!p2 $0x1C0, s3  }
0x4a: {  	p3 =	por !p3, p2;
	s0 =	sshrl.u32 @!p2 s0, $0x2  }
0x4b: {  	s4 =	simm.s32 @!p2 $0xA;
	s3 =	sand.u32 @!p2 $0x1, s2;
	s0 =	simm.s32 @!p3 $0x0  }
0x4c: {  	s3 =	smul.u32 @!p2 $0x1C0, s3;
	_ =	swait.ge @!p2 [sflag:s4], s0  }
0x4d: {  	s5 =	ssub.s32 @!p2 $0x0, s0;
	[sflag:s4] =	ssyncset.done @!p2 $0x0  }
0x4e: {  	s3 =	sshrl.u32 @!p2 s3, $0x2;
	[sflag:s4] =	ssyncadd.s32 @!p2 s5;
	s4 =	sshrl.u32 @!p2 s21, $0x3  }
0x4f: {  	s3 =	sadd.s32 @!p2 $0x10598, s3;
	s5 =	sand.u32 @!p2 $0x7, s21;
	s4 =	sadd.s32 @!p2 s4, s15  }
0x50: {  	[tilespmem:s3], [sflag:$0xB] =	stream.linear.gather @!p2 [hbm4b:s4+s5], s0, $0x38;
	[tilespmem:$0x1E678] =	vst v63  }
0x51: {  	s0 =	ssub.s32 @!p2 $0x13880, s21  }
0x52: {  	p3 =	slt.s32 @!p2 s0, $0x1  }
0x53: {  	p3 =	por p2, p3  }
.Ltmp3:
0x54: {  	_ = 	snop;
	(pc) =	sbr.rel @p3 .LBB2_9-.Ltmp3, $1  }
0x55: {  	_ =	sdelay $0x3  }
0x56: {  	s3 =	smulhi.u32 $0xAAAAAAAB, s2;
	_ =	sdelay $0x1  }
0x57: {  	s3 =	sshrl.u32 s3, $0x1  }
0x58: {  	s3 =	smul.u32 $0x3, s3;
	_ =	sdelay $0x1  }
0x59: {  	s30 =	ssub.s32 s2, s3  }
0x5a: {  	s4 =	simm.s32 $0x1;
	s2 =	smul.u32 $0x1C0, s30  }
.Ltmp4:
0x5b: {  	s4 =	simm.s32 @!p0 $0x0;
	(pc) =	sbr.rel .LBB2_6-.Ltmp4, $4  }
0x5c: {  	s31 =	smul.u32 $0x1C000, s4  }
0x5d: {  	p3 =	slt.s32 @!p2 s0, $0x70;
	s2 =	sshrl.u32 s2, $0x2  }
0x5e: {  	p2 =	por !p3, p2;
	s3 =	sshrl.u32 s31, $0x2;
	s5 =	sadd.s32 $0x10448, s2  }
0x5f: {  	s0 =	simm.s32 @p2 $0x70;
	s4 =	sor.u32 $0x10678, s3;
	s2 =	simm.s32 $0x0;
	v1 =	vmov s5  }
.LBB2_5:
0x60: {  	p2 =	sge.s32 s2, s0  }
.Ltmp5:
0x61: {  	_ = 	snop;
	(pc) =	sbr.rel @p2 .LBB2_9-.Ltmp5, $2  }
0x62: {  	_ =	sdelay $0x2  }
0x63: {  	s4 =	sadd.s32 $0x1000, s4  }
.LBB2_6:
0x64: {  	p2 =	sle.s32 s0, s2  }
.Ltmp6:
0x65: {  	_ = 	snop;
	(pc) =	sbr.rel @p2 .LBB2_5-.Ltmp6, $2  }
0x66: {  	_ =	sdelay $0x2  }
0x67: {  	s5 =	smov.u32 s2;
	s2 =	sadd.s32 $0x10, s2  }
0x68: {  	s3 =	ssub.s32 s0, s5  }
0x69: {  	p2 =	slt.s32 s3, $0x10  }
0x6a: {  	s3 =	simm.s32 @!p2 $0x10  }
0x6b: {  	v2 =	vmov s3  }
0x6c: {  	vm0 =	vgt.s32 v2, v0;
	_ =	sdelay $0x5  }
0x6d: {  	v2 =	vld.idx.msk [tilespmem:v1+s5+$0x0 ss:$0x1], vm0;
	_ =	sdelay $0x2  }
0x6e: {  	p2 =	slt.s32 s2, s0;
	s3 =	smov.u32 s0  }
0x6f: {  	s9 =	smov.u32 s4;
	s25 =	simm.s32 $0x0;
	s3 =	smov.u32 @p2 s2  }
.LBB2_8:
0x70: {  	(v2sf) =	vpush v2, s25;
	_ =	sdelay $0xe  }
0x71: {  	s25 =	sadd.s32 $0x1, s25;
	s10 =	spop (v2sf)  }
0x72: {  	s31 =	sadd.s32 s25, s5;
	s26 =	sshll.u32 s10, $0x8;
	s10 =	sshll.u32 s10, $0x7  }
0x73: {  	p2 =	slt.s32 s31, s3;
	s26 =	sand.u32 $0xFFFFF800, s26;
	s10 =	sand.u32 $0x380, s10  }
.Ltmp7:
0x74: {  	s10 =	sor.u32 s10, s26;
	(pc) =	sbr.rel @p2 .LBB2_8-.Ltmp7, $4  }
0x75: {  	s10 =	sshrl.u32 s10, $0x3  }
0x76: {  	s10 =	sadd.s32 s6, s10  }
0x77: {  	[tilespmem:s9], [sflag:$0x9] =	stream.strided.gather [hbm4b:s10+s18], $0x100, s19, s18, $0x38;
	[tilespmem:$0x1E678] =	vst v63  }
0x78: {  	s9 =	sadd.s32 $0x100, s9  }
.Ltmp8:
0x79: {  	_ = 	snop;
	(pc) =	sbr.rel .LBB2_5-.Ltmp8, $1  }
0x7a: {  	_ =	sdelay $0x3  }
.LBB2_9:
0x7b: {  	p2 =	slt.u32 s23, $0x2  }
.Ltmp9:
0x7c: {  	_ = 	snop;
	(pc) =	sbr.rel @p2 .LBB2_27-.Ltmp9, $1  }
0x7d: {  	_ =	sdelay $0x3  }
0x7e: {  	p2 =	sgt.s32 s24, $0x13810  }
0x7f: {  	s0 =	smov.u32 s24;
	s2 =	sshra.s32 s24, $0x1F;
	s3 =	ssub.s32 $0x13880, s24  }
0x80: {  	s0 =	simm.s32 @!p2 $0x13810;
	s2 =	sand.u32 s2, s24;
	p2 =	slt.s32 s3, $0x70  }
0x81: {  	s0 =	ssub.s32 s0, s2;
	s3 =	simm.s32 @!p2 $0x70  }
0x82: {  	s0 =	sadd.s32 $0xFFFEC7F0, s0;
	s9 =	sshll.u32 s3, $0x8  }
0x83: {  	s26 =	simm.s32 $0x9;
	s10 =	sshll.u32 s0, $0x2;
	s2 =	sand.u32 $0x3FFFFF00, s9  }
0x84: {  	p2 =	sgt.s32 s0, $0x6F;
	s25 =	ssub.s32 $0x1C0, s10;
	_ =	swait.ge [sflag:s26], s2  }
0x85: {  	s2 =	ssub.s32 $0x0, s2;
	[sflag:s26] =	ssyncset.done $0x0;
	s0 =	sshrl.u32 s25, $0x2  }
0x86: {  	s29 =	simm.s32 $0xB;
	[sflag:s26] =	ssyncadd.s32 s2;
	s0 =	simm.s32 @p2 $0x0  }
0x87: {  	_ =	swait.ge [sflag:s29], s0  }
0x88: {  	s0 =	ssub.s32 $0x0, s0;
	[sflag:s29] =	ssyncset.done $0x0  }
0x89: {  	[sflag:s29] =	ssyncadd.s32 s0  }
0x8a: {  	v1 =	vld [tilespmem:$0xE408];
	_ =	sdelay $0x4  }
0x8b: {  	(v2sf) =	vpush v1, $0x0  }
0x8c: {  	(v2sf) =	vpush v1, $0x1  }
0x8d: {  	(v2sf) =	vpush v1, $0x2;
	_ =	sdelay $0x3  }
0x8e: {  	s0 =	sadd.s32 $0x70, s24  }
0x8f: {  	s2 =	ssub.s32 $0x27100, s24;
	p2 =	slt.s32 s8, s0  }
0x90: {  	s0 =	smov.u32 @p2 s8;
	p2 =	sgt.s32 s2, $0x0  }
0x91: {  	s0 =	ssub.s32 s0, s24;
	s2 =	simm.s32 @!p2 $0x0  }
0x92: {  	p2 =	slt.s32 s2, s0  }
0x93: {  	s0 =	smov.u32 @p2 s2  }
0x94: {  	s4 =	simm.s32 $0x1;
	p2 =	slt.s32 s0, $0x1  }
.Ltmp10:
0x95: {  	s4 =	simm.s32 @!p1 $0x0;
	(pc) =	sbr.rel @p2 .LBB2_14-.Ltmp10, $4  }
0x96: {  	s30 =	smul.u32 $0x1C0, s4  }
0x97: {  	s5 =	spop (v2sf)  }
0x98: {  	s31 =	sshrl.u32 s30, $0x2;
	s28 =	spop (v2sf)  }
0x99: {  	s25 =	sadd.s32 $0x10598, s31;
	s24 =	spop (v2sf)  }
0x9a: {  	s2 =	smin.u32 s0, $0x10  }
0x9b: {  	v1 =	vmov s2  }
0x9c: {  	vm1 =	vgt.u32 v1, v0  }
0x9d: {  	p3 =	sgt.s32 s0, $0x10  }
.Ltmp11:
0x9e: {  	_ = 	snop;
	(pc) =	sbr.rel @!p3 .LBB2_13-.Ltmp11, $2  }
0x9f: {  	_ =	sdelay $0x2  }
0xa0: {  	s26 =	simm.s32 $0x10;
	s29 =	sadd.s32 $0xFFFFFFF0, s0;
	s2 =	smov.u32 s25;
	vm0 =	vmmov vm1;
	v1 =	vld.msk [tilespmem:s25+$0x0 ss:$0x1], vm1  }
.LBB2_12:
0xa1: {  	s3 =	smin.u32 s29, $0x10;
	s26 =	sadd.s32 $0x10, s26  }
0xa2: {  	v2 =	vmov s3;
	p3 =	slt.s32 s26, s0  }
0xa3: {  	vm1 =	vgt.u32 v2, v0;
	_ =	sdelay $0x1  }
0xa4: {  	v2 =	vshll.u32 v1, $0x5;
	v1 =	vshll.u32 v1, $0x4  }
.Ltmp12:
0xa5: {  	v2 =	vand.u32 $0xFFFFFF00, v2;
	v1 =	vand.u32 $0x70, v1;
	(pc) =	sbr.rel @p3 .LBB2_12-.Ltmp12, $4  }
0xa6: {  	v1 =	vor.u32 v1, v2  }
0xa7: {  	[tilespmem:s2+$0x0] =	vst.msk vm0, v1;
	s2 =	sadd.s32 $0x10, s2;
	vm0 =	vmmov vm1  }
0xa8: {  	v1 =	vld.msk [tilespmem:s2+$0x0 ss:$0x1], vm1  }
0xa9: {  	s29 =	sadd.s32 $0xFFFFFFF0, s29  }
.LBB2_13:
0xaa: {  	_ =	sdelay $0x3  }
0xab: {  	v2 =	vshll.u32 v1, $0x5;
	v1 =	vshll.u32 v1, $0x4  }
0xac: {  	v2 =	vand.u32 $0xFFFFFF00, v2;
	v1 =	vand.u32 $0x70, v1  }
0xad: {  	v1 =	vor.u32 v1, v2  }
0xae: {  	[tilespmem:s2+$0x0] =	vst.msk vm0, v1  }
.LBB2_14:
0xaf: {  	s2 =	sand.u32 $0x1, s23  }
0xb0: {  	s2 =	smul.u32 $0x70, s2  }
0xb1: {  	p3 =	sne.s32 s28, $0xFFFFFFFF  }
0xb2: {  	v1 =	vld.msk @!p3 [tilespmem:s2+$0x10598], $0x1;
	_ =	sdelay $0x4  }
0xb3: {  	(v2sf) =	vpush @!p3 v1, $0x0;
	_ =	sdelay $0xc  }
.Ltmp13:
0xb4: {  	_ = 	snop;
	(pc) =	sbr.rel @p2 .LBB2_25-.Ltmp13, $4  }
0xb5: {  	_ = 	snop  }
0xb6: {  	s31 =	spop @!p3 (v2sf)  }
0xb7: {  	s24 =	simm.s32 @!p3 $0x0;
	s26 =	smov.u32 s31  }
0xb8: {  	[sflag:s17] =	ssyncpa.u1 $0x0;
	s31 =	smov.u32 @p3 s5;
	s26 =	smov.u32 @p3 s28  }
0xb9: {  	v1 =	vld.msk [tilespmem:s25+$0x0], $0x1;
	_ =	sdelay $0x4  }
0xba: {  	(v2sf) =	vpush v1, $0x0;
	_ =	sdelay $0xe  }
0xbb: {  	s7 =	smov.u32 s11;
	s5 =	spop (v2sf)  }
0xbc: {  	s17 =	smov.u32 s15;
	s2 =	smul.u32 $0x1C000, s4;
	p2 =	seq.s32 s31, s5  }
0xbd: {  	s3 =	smov.u32 s31;
	s29 =	ssub.s32 $0x0, s0;
	p3 =	sgt.s32 @!p2 s31, $0x0  }
0xbe: {  	s30 =	simm.s32 $0x0;
	s2 =	sshrl.u32 s2, $0x2;
	p3 =	por !p3, p2  }
0xbf: {  	s0 =	sadd.s32 $0x1, s29;
	s28 =	sor.u32 $0x106F8, s2;
	s3 =	simm.s32 @p3 $0x0  }
0xc0: {  	s2 =	simm.s32 @!p2 $0x1;
	p3 =	seq.s32 s0, $0x0;
	s3 =	smin.u32 @!p2 s3, $0x4E170  }
.Ltmp14:
0xc1: {  	s4 =	simm.s32 @!p2 $0x7308;
	s9 =	sand.u32 @!p2 $0x7FFF8, s3;
	(pc) =	sbr.rel @p3 .LBB2_17-.Ltmp14, $4  }
0xc2: {  	s10 =	sadd.s32 @!p2 $0x80, s3;
	s11 =	sadd.s32 @!p2 s1, s9;
	s9 =	sand.u32 @!p2 $0x7, s3  }
0xc3: {  	[tilespmem:s4], [sflag:$0x2] =	stream.linear.gather @!p2 [hbm4b:s11+s9], $0x80, $0x38;
	[tilespmem:$0x1E678] =	vst v63  }
0xc4: {  	s15 =	smov.u32 s14;
	s2 =	smov.u32 @p2 s30;
	s4 =	sand.u32 @!p2 $0xFFFF8, s10  }
0xc5: {  	s3 =	simm.s32 @!p2 $0x7388;
	s10 =	sadd.s32 @!p2 s1, s4;
	s4 =	sadd.s32 $0x1, s25  }
.LBB2_16:
0xc6: {  	s11 =	smov.u32 s2  }
0xc7: {  	[tilespmem:s3], [sflag:$0x2] =	stream.linear.gather @!p2 [hbm4b:s10+s9], $0x80, $0x38;
	[tilespmem:$0x1E678] =	vst v63  }
0xc8: {  	s0 =	sadd.s32 $0x1, s0;
	s9 =	smov.u32 s5;
	v1 =	vld.msk [tilespmem:s4+$0x0], $0x1  }
0xc9: {  	p3 =	seq.s32 s0, $0x0;
	_ =	sdelay $0x3  }
0xca: {  	(v2sf) =	vpush v1, $0x0;
	_ =	sdelay $0xe  }
0xcb: {  	s5 =	spop (v2sf)  }
0xcc: {  	p2 =	seq.s32 s9, s5  }
0xcd: {  	p4 =	sgt.s32 @!p2 s9, $0x0;
	s3 =	sshll.u32 @!p2 s2, $0xA;
	s2 =	sadd.s32 @!p2 $0x1, s2  }
0xce: {  	p4 =	por !p4, p2;
	s3 =	sshra.s32 @!p2 s3, $0x2;
	s2 =	smov.u32 @p2 s11  }
0xcf: {  	s9 =	simm.s32 @p4 $0x0;
	s10 =	sadd.s32 @!p2 $0x7308, s3;
	s3 =	sadd.s32 @!p2 $0x7388, s3  }
.Ltmp15:
0xd0: {  	s9 =	smin.u32 @!p2 s9, $0x4E170;
	(pc) =	sbr.rel @!p3 .LBB2_16-.Ltmp15, $4  }
0xd1: {  	s11 =	sand.u32 @!p2 $0x7FFF8, s9;
	s14 =	sadd.s32 @!p2 $0x80, s9  }
0xd2: {  	s9 =	sand.u32 @!p2 $0x7, s9;
	s11 =	sadd.s32 @!p2 s1, s11;
	s14 =	sand.u32 @!p2 $0xFFFF8, s14  }
0xd3: {  	[tilespmem:s10], [sflag:$0x2] =	stream.linear.gather @!p2 [hbm4b:s11+s9], $0x80, $0x38;
	[tilespmem:$0x1E678] =	vst v63  }
0xd4: {  	s4 =	sadd.s32 $0x1, s4;
	s10 =	sadd.s32 @!p2 s1, s14  }
.LBB2_17:
0xd5: {  	[tilespmem:s3], [sflag:$0x2] =	stream.linear.gather @!p2 [hbm4b:s10+s9], $0x80, $0x38;
	[tilespmem:$0x1E678] =	vst v63  }
0xd6: {  	s0 =	sshll.u32 s2, $0x8  }
.Ltmp16:
0xd7: {  	s14 =	simm.s32 $0x2;
	s0 =	sand.u32 $0x3FFFFF00, s0;
	(pc) =	sbr.rel .LBB2_18-.Ltmp16, $4  }
0xd8: {  	_ =	swait.ge [sflag:s14], s0  }
0xd9: {  	s0 =	ssub.s32 $0x0, s0;
	[sflag:s14] =	ssyncset.done $0x0  }
0xda: {  	s4 =	simm.s32 $0x0;
	s11 =	smov.u32 s7;
	[sflag:s14] =	ssyncadd.s32 s0  }
0xdb: {  	s14 =	smov.u32 s15;
	s15 =	smov.u32 s17;
	s17 =	simm.s32 $0xC  }
.LBB2_19:
0xdc: {  	v1 =	vld [tilespmem:s28+$0xFFFFFF80];
	_ =	sdelay $0x4  }
0xdd: {  	[tilespmem:s5+$0x208] =	vst.add.f32.msk $0xffff, v1  }
0xde: {  	v1 =	vld [tilespmem:s28+$0xFFFFFF90];
	_ =	sdelay $0x4  }
0xdf: {  	[tilespmem:s5+$0x218] =	vst.add.f32.msk $0xffff, v1  }
0xe0: {  	v1 =	vld [tilespmem:s28+$0xFFFFFFA0];
	_ =	sdelay $0x4  }
0xe1: {  	[tilespmem:s5+$0x228] =	vst.add.f32.msk $0xffff, v1  }
0xe2: {  	v1 =	vld [tilespmem:s28+$0xFFFFFFB0];
	_ =	sdelay $0x4  }
0xe3: {  	[tilespmem:s5+$0x238] =	vst.add.f32.msk $0xffff, v1  }
0xe4: {  	v1 =	vld [tilespmem:s28+$0xFFFFFFC0];
	_ =	sdelay $0x4  }
0xe5: {  	[tilespmem:s5+$0x248] =	vst.add.f32.msk $0xffff, v1  }
0xe6: {  	v1 =	vld [tilespmem:s28+$0xFFFFFFD0];
	_ =	sdelay $0x4  }
0xe7: {  	[tilespmem:s5+$0x258] =	vst.add.f32.msk $0xffff, v1  }
0xe8: {  	v1 =	vld [tilespmem:s28+$0xFFFFFFE0];
	_ =	sdelay $0x4  }
0xe9: {  	[tilespmem:s5+$0x268] =	vst.add.f32.msk $0xffff, v1  }
0xea: {  	v1 =	vld [tilespmem:s28+$0xFFFFFFF0];
	_ =	sdelay $0x4  }
0xeb: {  	[tilespmem:s5+$0x278] =	vst.add.f32.msk $0xffff, v1  }
0xec: {  	v1 =	vld [tilespmem:s28+$0x0];
	_ =	sdelay $0x4  }
0xed: {  	[tilespmem:s5+$0x288] =	vst.add.f32.msk $0xffff, v1  }
0xee: {  	v1 =	vld [tilespmem:s28+$0x10];
	_ =	sdelay $0x4  }
0xef: {  	[tilespmem:s5+$0x298] =	vst.add.f32.msk $0xffff, v1  }
0xf0: {  	v1 =	vld [tilespmem:s28+$0x20];
	_ =	sdelay $0x4  }
0xf1: {  	[tilespmem:s5+$0x2A8] =	vst.add.f32.msk $0xffff, v1  }
0xf2: {  	v1 =	vld [tilespmem:s28+$0x30];
	_ =	sdelay $0x4  }
0xf3: {  	[tilespmem:s5+$0x2B8] =	vst.add.f32.msk $0xffff, v1  }
0xf4: {  	v1 =	vld [tilespmem:s28+$0x40];
	_ =	sdelay $0x4  }
0xf5: {  	[tilespmem:s5+$0x2C8] =	vst.add.f32.msk $0xffff, v1  }
0xf6: {  	v1 =	vld [tilespmem:s28+$0x50];
	_ =	sdelay $0x4  }
0xf7: {  	[tilespmem:s5+$0x2D8] =	vst.add.f32.msk $0xffff, v1  }
0xf8: {  	v1 =	vld [tilespmem:s28+$0x60];
	_ =	sdelay $0x4  }
0xf9: {  	[tilespmem:s5+$0x2E8] =	vst.add.f32.msk $0xffff, v1  }
0xfa: {  	v1 =	vld [tilespmem:s28+$0x70];
	_ =	sdelay $0x4  }
0xfb: {  	[tilespmem:s5+$0x2F8] =	vst.add.f32.msk $0xffff, v1  }
.LBB2_23:
0xfc: {  	s29 =	sadd.s32 $0x1, s29  }
0xfd: {  	p2 =	seq.s32 s29, $0x0  }
.Ltmp17:
0xfe: {  	_ = 	snop;
	(pc) =	sbr.rel @p2 .LBB2_24-.Ltmp17, $2  }
0xff: {  	_ =	sdelay $0x2  }
0x100: {  	s25 =	sadd.s32 $0x1, s25;
	s28 =	sadd.s32 $0x100, s28;
	s31 =	smov.u32 s0  }
.LBB2_18:
0x101: {  	v1 =	vld.msk [tilespmem:s25+$0x0], $0x1;
	_ =	sdelay $0x4  }
0x102: {  	(v2sf) =	vpush v1, $0x0;
	_ =	sdelay $0xe  }
0x103: {  	s0 =	spop (v2sf)  }
0x104: {  	p2 =	sne.s32 s31, s0  }
.Ltmp18:
0x105: {  	_ = 	snop;
	(pc) =	sbr.rel @!p2 .LBB2_19-.Ltmp18, $3  }
0x106: {  	_ =	sdelay $0x1  }
0x107: {  	s2 =	sshll.u32 s24, $0xA  }
0x108: {  	s5 =	sshra.s32 s2, $0x2  }
0x109: {  	p2 =	seq.s32 s31, s26  }
.Ltmp19:
0x10a: {  	_ = 	snop;
	(pc) =	sbr.rel @!p2 .LBB2_21-.Ltmp19, $1  }
0x10b: {  	_ =	sdelay $0x3  }
.Ltmp20:
0x10c: {  	s2 =	sadd.s32 $0x208, s5;
	(pc) =	sbr.rel .LBB2_22-.Ltmp20, $4  }
0x10d: {  	[spmem:s16] =	stream.linear.scatter [tilespmem:s2], [sflag:$0x1], $0x100, $0x38;
	[tilespmem:$0x1E678] =	vst v63  }
0x10e: {  	_ =	swait.ge [sflag:s12], $0x100  }
0x10f: {  	[sflag:s12] =	ssyncset.done $0x0  }
0x110: {  	[sflag:s12] =	ssyncadd.s32 $0xFFFFFF00  }
.LBB2_21:
0x111: {  	s2 =	sshll.u32 s30, $0xA  }
0x112: {  	s2 =	sshra.s32 s2, $0x2  }
0x113: {  	v1 =	vld [tilespmem:s2+$0x7308];
	_ =	sdelay $0x4  }
0x114: {  	[tilespmem:s5+$0x208] =	vst.add.f32.msk $0xffff, v1  }
0x115: {  	v1 =	vld [tilespmem:s2+$0x7318];
	_ =	sdelay $0x4  }
0x116: {  	[tilespmem:s5+$0x218] =	vst.add.f32.msk $0xffff, v1  }
0x117: {  	v1 =	vld [tilespmem:s2+$0x7328];
	_ =	sdelay $0x4  }
0x118: {  	[tilespmem:s5+$0x228] =	vst.add.f32.msk $0xffff, v1  }
0x119: {  	v1 =	vld [tilespmem:s2+$0x7338];
	_ =	sdelay $0x4  }
0x11a: {  	[tilespmem:s5+$0x238] =	vst.add.f32.msk $0xffff, v1  }
0x11b: {  	v1 =	vld [tilespmem:s2+$0x7348];
	_ =	sdelay $0x4  }
0x11c: {  	[tilespmem:s5+$0x248] =	vst.add.f32.msk $0xffff, v1  }
0x11d: {  	v1 =	vld [tilespmem:s2+$0x7358];
	_ =	sdelay $0x4  }
0x11e: {  	[tilespmem:s5+$0x258] =	vst.add.f32.msk $0xffff, v1  }
0x11f: {  	v1 =	vld [tilespmem:s2+$0x7368];
	_ =	sdelay $0x4  }
0x120: {  	[tilespmem:s5+$0x268] =	vst.add.f32.msk $0xffff, v1  }
0x121: {  	v1 =	vld [tilespmem:s2+$0x7378];
	_ =	sdelay $0x4  }
0x122: {  	[tilespmem:s5+$0x278] =	vst.add.f32.msk $0xffff, v1  }
0x123: {  	v1 =	vld [tilespmem:s2+$0x7388];
	_ =	sdelay $0x4  }
0x124: {  	[tilespmem:s5+$0x288] =	vst.add.f32.msk $0xffff, v1  }
0x125: {  	v1 =	vld [tilespmem:s2+$0x7398];
	_ =	sdelay $0x4  }
0x126: {  	[tilespmem:s5+$0x298] =	vst.add.f32.msk $0xffff, v1  }
0x127: {  	v1 =	vld [tilespmem:s2+$0x73A8];
	_ =	sdelay $0x4  }
0x128: {  	[tilespmem:s5+$0x2A8] =	vst.add.f32.msk $0xffff, v1  }
0x129: {  	v1 =	vld [tilespmem:s2+$0x73B8];
	_ =	sdelay $0x4  }
0x12a: {  	[tilespmem:s5+$0x2B8] =	vst.add.f32.msk $0xffff, v1  }
0x12b: {  	v1 =	vld [tilespmem:s2+$0x73C8];
	_ =	sdelay $0x4  }
0x12c: {  	[tilespmem:s5+$0x2C8] =	vst.add.f32.msk $0xffff, v1  }
0x12d: {  	v1 =	vld [tilespmem:s2+$0x73D8];
	_ =	sdelay $0x4  }
0x12e: {  	[tilespmem:s5+$0x2D8] =	vst.add.f32.msk $0xffff, v1  }
0x12f: {  	v1 =	vld [tilespmem:s2+$0x73E8];
	_ =	sdelay $0x4  }
0x130: {  	[tilespmem:s5+$0x2E8] =	vst.add.f32.msk $0xffff, v1  }
0x131: {  	v1 =	vld [tilespmem:s2+$0x73F8];
	_ =	sdelay $0x2  }
0x132: {  	p2 =	sgt.u32 s31, $0x4E170  }
0x133: {  	s2 =	sand.u32 @!p2 $0x7FFF8, s31  }
0x134: {  	s3 =	sadd.s32 $0x208, s5;
	s9 =	sand.u32 @!p2 $0x7, s31;
	s2 =	sadd.s32 @!p2 s1, s2;
	[tilespmem:s5+$0x2F8] =	vst.add.f32.msk $0xffff, v1  }
0x135: {  	[hbm4b:s2+s9] =	stream.linear.scatter @!p2 [tilespmem:s3], [sflag:$0xC], $0x80, $0x38;
	[tilespmem:$0x1E678] =	vst v63  }
0x136: {  	s2 =	sadd.s32 @!p2 $0x80, s31  }
0x137: {  	s2 =	sand.u32 @!p2 $0xFFFF8, s2  }
0x138: {  	s3 =	sadd.s32 $0x288, s5;
	s2 =	sadd.s32 @!p2 s1, s2  }
0x139: {  	[hbm4b:s2+s9] =	stream.linear.scatter @!p2 [tilespmem:s3], [sflag:$0xC], $0x80, $0x38;
	[tilespmem:$0x1E678] =	vst v63  }
0x13a: {  	s2 =	simm.s32 $0x0  }
0x13b: {  	s2 =	simm.s32 @!p2 $0x400  }
0x13c: {  	s4 =	sadd.s32 s2, s4  }
.LBB2_22:
0x13d: {  	s2 =	sadd.s32 $0x1, s24  }
0x13e: {  	s3 =	sshrl.u32 s2, $0x4  }
0x13f: {  	s3 =	smulhi.u32 $0x24924925, s3  }
0x140: {  	v1 =	vld [tilespmem:s28+$0xFFFFFF80]  }
0x141: {  	s3 =	smul.u32 $0x70, s3;
	_ =	sdelay $0x1  }
0x142: {  	s24 =	ssub.s32 s2, s3  }
0x143: {  	s2 =	sshll.u32 s24, $0x8  }
0x144: {  	[tilespmem:s2+$0x208] =	vst v1  }
0x145: {  	v1 =	vld [tilespmem:s28+$0xFFFFFF90];
	_ =	sdelay $0x4  }
0x146: {  	[tilespmem:s2+$0x218] =	vst v1  }
0x147: {  	v1 =	vld [tilespmem:s28+$0xFFFFFFA0];
	_ =	sdelay $0x4  }
0x148: {  	[tilespmem:s2+$0x228] =	vst v1  }
0x149: {  	v1 =	vld [tilespmem:s28+$0xFFFFFFB0];
	_ =	sdelay $0x4  }
0x14a: {  	[tilespmem:s2+$0x238] =	vst v1  }
0x14b: {  	v1 =	vld [tilespmem:s28+$0xFFFFFFC0];
	_ =	sdelay $0x4  }
0x14c: {  	[tilespmem:s2+$0x248] =	vst v1  }
0x14d: {  	v1 =	vld [tilespmem:s28+$0xFFFFFFD0];
	_ =	sdelay $0x4  }
0x14e: {  	[tilespmem:s2+$0x258] =	vst v1  }
0x14f: {  	v1 =	vld [tilespmem:s28+$0xFFFFFFE0];
	_ =	sdelay $0x4  }
0x150: {  	[tilespmem:s2+$0x268] =	vst v1  }
0x151: {  	v1 =	vld [tilespmem:s28+$0xFFFFFFF0];
	_ =	sdelay $0x4  }
0x152: {  	[tilespmem:s2+$0x278] =	vst v1  }
0x153: {  	v1 =	vld [tilespmem:s28+$0x0];
	_ =	sdelay $0x4  }
0x154: {  	[tilespmem:s2+$0x288] =	vst v1  }
0x155: {  	v1 =	vld [tilespmem:s28+$0x10];
	_ =	sdelay $0x4  }
0x156: {  	[tilespmem:s2+$0x298] =	vst v1  }
0x157: {  	v1 =	vld [tilespmem:s28+$0x20];
	_ =	sdelay $0x4  }
0x158: {  	[tilespmem:s2+$0x2A8] =	vst v1  }
0x159: {  	v1 =	vld [tilespmem:s28+$0x30];
	_ =	sdelay $0x4  }
0x15a: {  	[tilespmem:s2+$0x2B8] =	vst v1  }
0x15b: {  	v1 =	vld [tilespmem:s28+$0x40];
	_ =	sdelay $0x4  }
0x15c: {  	[tilespmem:s2+$0x2C8] =	vst v1  }
0x15d: {  	v1 =	vld [tilespmem:s28+$0x50];
	_ =	sdelay $0x4  }
0x15e: {  	[tilespmem:s2+$0x2D8] =	vst v1  }
0x15f: {  	v1 =	vld [tilespmem:s28+$0x60];
	_ =	sdelay $0x4  }
0x160: {  	[tilespmem:s2+$0x2E8] =	vst v1  }
0x161: {  	v1 =	vld [tilespmem:s28+$0x70]  }
.Ltmp21:
0x162: {  	_ = 	snop;
	(pc) =	sbr.rel .LBB2_23-.Ltmp21, $2  }
0x163: {  	_ =	sdelay $0x2  }
0x164: {  	s30 =	sadd.s32 $0x1, s30;
	[tilespmem:s2+$0x2F8] =	vst v1  }
.LBB2_25:
.Ltmp22:
0x165: {  	(pc) =	sbr.rel .LBB2_26-.Ltmp22, $4  }
0x166: {  	_ = 	snop  }
0x167: {  	s0 =	simm.s32 $0x2  }
0x168: {  	_ =	swait.ge [sflag:s0], $0x0  }
0x169: {  	s2 =	simm.s32 $0x0;
	[sflag:s0] =	ssyncset.done $0x0;
	s0 =	smov.u32 s31  }
.LBB2_28:
0x16a: {  	_ =	sfence.sel $0x180000  }
0x16b: {  	s0 =	simm.s32 $0x9;
	[bflag:$0x0] =	sbarrier.arrive $0xFFFF  }
0x16c: {  	s24 =	simm.s32 $0xA;
	[sflag:s0] =	ssyncpa.u1 $0x1  }
0x16d: {  	s25 =	simm.s32 $0xB;
	[sflag:s24] =	ssyncpa.u1 $0x1  }
0x16e: {  	s26 =	simm.s32 $0x2;
	[sflag:s25] =	ssyncpa.u1 $0x1  }
0x16f: {  	[sflag:s26] =	ssyncpa.u1 $0x1  }
0x170: {  	v0 =	vld [tilespmem:$0xE408];
	_ =	sdelay $0x4  }
0x171: {  	(v2sf) =	vpush v0, $0x0  }
0x172: {  	(v2sf) =	vpush v0, $0x1;
	_ =	sdelay $0x1  }
0x173: {  	(v2sf) =	vpush v0, $0x2;
	_ =	sdelay $0xb  }
0x174: {  	s0 =	spop (v2sf)  }
0x175: {  	s2 =	spop (v2sf)  }
0x176: {  	s3 =	smov.u32 s0;
	p0 =	sne.s32 s0, s2  }
0x177: {  	s4 =	spop (v2sf);
	s3 =	simm.s32 @!p0 $0xFFFFFFFF  }
0x178: {  	v2 =	vimm.s32 $0x1;
	v3 =	vlaneseq.u32;
	p0 =	seq.s32 s4, $0xFFFFFFFF;
	v1 =	vmov s3  }
0x179: {  	s15 =	stileid.u32;
	v0 =	vperm.xlane v0, v2;
	p1 =	sne.s32 @!p0 s0, s2;
	v1 =	vperm.xlane v1, v3  }
0x17a: {  	vm0 =	vcmask $0x3F04;
	s6 =	simm.s32 $0xE408;
	s0 =	simm.s32 @!p0 $0x1;
	p1 =	por !p1, p0  }
0x17b: {  	s3 =	sshll.u32 s15, $0x1;
	s2 =	sshll.u32 @!p0 s4, $0xA;
	s0 =	simm.s32 @p1 $0x0;
	v0 =	vsel vm0, v1, v0  }
0x17c: {  	s5 =	sor.u32 $0x2000, s3;
	s2 =	sshra.s32 @!p0 s2, $0x2;
	s0 =	sor.u32 @!p0 s0, s3;
	[tilespmem:$0xE408] =	vst v0  }
0x17d: {  	[spmem:s5] =	stream.linear.scatter [tilespmem:s6], [sflag:$0x1], $0x2, $0x38;
	[tilespmem:$0x1E678] =	vst v63  }
0x17e: {  	s2 =	sadd.s32 @!p0 $0x208, s2;
	s0 =	sshll.u32 @!p0 s0, $0x8  }
0x17f: {  	[spmem:s0] =	stream.linear.scatter @!p0 [tilespmem:s2], [sflag:$0x1], $0x100, $0x38;
	[tilespmem:$0x1E678] =	vst v63  }
0x180: {  	s0 =	simm.s32 @!p0 $0x102  }
0x181: {  	s28 =	simm.s32 $0x1;
	s0 =	simm.s32 @p0 $0x2  }
0x182: {  	_ =	swait.ge [sflag:s28], s0  }
0x183: {  	s0 =	ssub.s32 $0x0, s0;
	[sflag:s28] =	ssyncset.done $0x0  }
0x184: {  	p0 =	sne.s32 s15, $0x0;
	[sflag:s28] =	ssyncadd.s32 s0  }
.Ltmp23:
0x185: {  	_ =	sfence.stream.spmem;
	(pc) =	sbr.rel @p0 .LBB2_45-.Ltmp23, $4  }
0x186: {  	s29 =	simm.s32 $0x3;
	[bflag:$0x0] =	sbarrier.arrive $0xFFFF  }
0x187: {  	s30 =	simm.s32 $0x4;
	[sflag:s29] =	ssyncpa.u1 $0x1  }
0x188: {  	s31 =	simm.s32 $0x3C;
	[sflag:s30] =	ssyncpa.u1 $0x1  }
0x189: {  	s14 =	rddreg [dreg:$0x4];
	[sflag:s31] =	ssyncpa.u1 $0x1  }
0x18a: {  	_ =	sfence.stream.spmem;
	s0 =	simm.s32 $0x5  }
0x18b: {  	s2 =	simm.s32 $0x2000;
	s3 =	simm.s32 $0xE418;
	[sflag:s0] =	ssyncpa.u1 $0x0  }
0x18c: {  	[tilespmem:s3], [sflag:$0x5] =	stream.linear.gather [spmem:s2], $0x20, $0x38;
	[tilespmem:$0x1E678] =	vst v63  }
0x18d: {  	s26 =	simm.s32 $0x0;
	s28 =	simm.s32 $0xE438  }
0x18e: {  	[tilespmem:s28], [sflag:$0x5] =	stream.linear.gather [spmem:s26], $0x2000, $0x38;
	[tilespmem:$0x1E678] =	vst v63  }
0x18f: {  	_ =	swait.ge [sflag:s0], $0x2020  }
0x190: {  	[sflag:s0] =	ssyncset.done $0x0  }
0x191: {  	s29 =	simm.s32 $0x0;
	[sflag:s0] =	ssyncadd.s32 $0xFFFFDFE0  }
0x192: {  	v0 =	vld.msk [tilespmem:s29+$0xE418], $0x1;
	_ =	sdelay $0x1  }
0x193: {  	s30 =	simm.s32 $0x1  }
0x194: {  	v1 =	vld.msk [tilespmem:s30+$0xE418], $0x1;
	_ =	sdelay $0x1  }
0x195: {  	(v2sf) =	vpush v0, $0x0;
	_ =	sdelay $0x2  }
0x196: {  	(v2sf) =	vpush v1, $0x0;
	_ =	sdelay $0x2  }
0x197: {  	s31 =	simm.s32 $0x2  }
0x198: {  	v0 =	vld.msk [tilespmem:s31+$0xE418], $0x1;
	_ =	sdelay $0x2  }
0x199: {  	s2 =	simm.s32 $0xFFFFFFFF;
	s3 =	simm.s32 $0xFFFFFFFF;
	s0 =	simm.s32 $0xC  }
.LBB2_30:
0x19a: {  	s4 =	smov.u32 s3;
	s5 =	smov.u32 s2  }
0x19b: {  	s2 =	sshra.s32 s0, $0x2;
	p1 =	sne.s32 s0, $0x7C;
	s0 =	sadd.s32 $0x4, s0;
	(v2sf) =	vpush v0, $0x0  }
0x19c: {  	v0 =	vld.msk [tilespmem:s2+$0xE418], $0x1  }
.Ltmp24:
0x19d: {  	(pc) =	sbr.rel @p1 .LBB2_30-.Ltmp24, $4  }
0x19e: {  	s3 =	spop (v2sf)  }
0x19f: {  	p2 =	sne.s32 s5, $0xFFFFFFFF;
	s2 =	smov.u32 s3  }
0x1a0: {  	p3 =	seq.s32 s3, $0xFFFFFFFF;
	s2 =	smov.u32 @p2 s5  }
0x1a1: {  	s3 =	smov.u32 @p3 s4;
	s2 =	smov.u32 @p3 s5  }
0x1a2: {  	(v2sf) =	vpush v0, $0x0;
	_ =	sdelay $0x8  }
0x1a3: {  	s0 =	spop (v2sf)  }
0x1a4: {  	p1 =	sne.s32 s2, $0xFFFFFFFF;
	s9 =	simm.s32 $0x6;
	s4 =	smov.u32 s0  }
0x1a5: {  	s6 =	simm.s32 $0x0;
	p2 =	seq.s32 s0, $0xFFFFFFFF;
	s4 =	smov.u32 @p1 s2  }
0x1a6: {  	s10 =	simm.s32 $0xE308;
	s4 =	smov.u32 @p2 s2;
	s2 =	spop (v2sf)  }
0x1a7: {  	s0 =	smov.u32 @p2 s3;
	p1 =	sne.s32 s4, $0xFFFFFFFF;
	s5 =	smov.u32 s2  }
.Ltmp25:
0x1a8: {  	p2 =	seq.s32 s2, $0xFFFFFFFF;
	s5 =	smov.u32 @p1 s4;
	(pc) =	sbr.rel .LBB2_32-.Ltmp25, $4  }
0x1a9: {  	s11 =	simm.s32 $0xE388;
	s5 =	smov.u32 @p2 s4;
	s7 =	spop (v2sf)  }
0x1aa: {  	s12 =	simm.s32 $0x0;
	p1 =	sne.s32 s5, $0xFFFFFFFF;
	s8 =	smov.u32 s7  }
0x1ab: {  	s2 =	smov.u32 @p2 s0;
	p2 =	seq.s32 s7, $0xFFFFFFFF;
	s8 =	smov.u32 @p1 s5  }
0x1ac: {  	[sflag:s9] =	ssyncpa.u1 $0x0;
	s7 =	smov.u32 @p2 s2;
	s8 =	smov.u32 @p2 s5  }
.LBB2_38:
0x1ad: {  	p1 =	sgt.u32 s0, $0x4E170  }
0x1ae: {  	p2 =	seq.s32 @!p1 s0, s8  }
0x1af: {  	p1 =	por p1, p2  }
0x1b0: {  	p2 =	sne.s32 @!p1 s0, s7  }
0x1b1: {  	p1 =	por p1, !p2  }
0x1b2: {  	s0 =	sshll.u32 @p1 s12, $0xA  }
0x1b3: {  	s2 =	sand.u32 @!p1 $0x7FFF8, s0;
	s3 =	sand.u32 @!p1 $0x7, s0;
	s0 =	sadd.s32 @!p1 $0x80, s0  }
0x1b4: {  	s2 =	sadd.s32 @!p1 s1, s2;
	s0 =	sand.u32 @!p1 $0xFFFF8, s0  }
0x1b5: {  	[tilespmem:s10], [sflag:$0x6] =	stream.linear.gather @!p1 [hbm4b:s2+s3], $0x80, $0x38;
	[tilespmem:$0x1E678] =	vst v63  }
0x1b6: {  	s0 =	sadd.s32 @!p1 s1, s0  }
0x1b7: {  	[tilespmem:s11], [sflag:$0x6] =	stream.linear.gather @!p1 [hbm4b:s0+s3], $0x80, $0x38;
	[tilespmem:$0x1E678] =	vst v63  }
0x1b8: {  	_ =	swait.ge @!p1 [sflag:s9], $0x100  }
0x1b9: {  	[sflag:s9] =	ssyncset.done @!p1 $0x0  }
0x1ba: {  	[sflag:s9] =	ssyncadd.s32 @!p1 $0xFFFFFF00  }
0x1bb: {  	v1 =	vld @!p1 [tilespmem:$0xE308];
	_ =	sdelay $0x2  }
0x1bc: {  	s0 =	sshll.u32 @!p1 s12, $0xA  }
0x1bd: {  	s2 =	sshrl.u32 @!p1 s0, $0x2  }
0x1be: {  	[tilespmem:s2+$0xE438] =	vst.add.f32.msk @!p1 $0xffff, v1  }
0x1bf: {  	v1 =	vld @!p1 [tilespmem:$0xE318];
	_ =	sdelay $0x4  }
0x1c0: {  	[tilespmem:s2+$0xE448] =	vst.add.f32.msk @!p1 $0xffff, v1  }
0x1c1: {  	v1 =	vld @!p1 [tilespmem:$0xE328];
	_ =	sdelay $0x4  }
0x1c2: {  	[tilespmem:s2+$0xE458] =	vst.add.f32.msk @!p1 $0xffff, v1  }
0x1c3: {  	v1 =	vld @!p1 [tilespmem:$0xE338];
	_ =	sdelay $0x4  }
0x1c4: {  	[tilespmem:s2+$0xE468] =	vst.add.f32.msk @!p1 $0xffff, v1  }
0x1c5: {  	v1 =	vld @!p1 [tilespmem:$0xE348];
	_ =	sdelay $0x4  }
0x1c6: {  	[tilespmem:s2+$0xE478] =	vst.add.f32.msk @!p1 $0xffff, v1  }
0x1c7: {  	v1 =	vld @!p1 [tilespmem:$0xE358];
	_ =	sdelay $0x4  }
0x1c8: {  	[tilespmem:s2+$0xE488] =	vst.add.f32.msk @!p1 $0xffff, v1  }
0x1c9: {  	v1 =	vld @!p1 [tilespmem:$0xE368];
	_ =	sdelay $0x4  }
0x1ca: {  	[tilespmem:s2+$0xE498] =	vst.add.f32.msk @!p1 $0xffff, v1  }
0x1cb: {  	v1 =	vld @!p1 [tilespmem:$0xE378];
	_ =	sdelay $0x4  }
0x1cc: {  	[tilespmem:s2+$0xE4A8] =	vst.add.f32.msk @!p1 $0xffff, v1  }
0x1cd: {  	v1 =	vld @!p1 [tilespmem:$0xE388];
	_ =	sdelay $0x4  }
0x1ce: {  	[tilespmem:s2+$0xE4B8] =	vst.add.f32.msk @!p1 $0xffff, v1  }
0x1cf: {  	v1 =	vld @!p1 [tilespmem:$0xE398];
	_ =	sdelay $0x4  }
0x1d0: {  	[tilespmem:s2+$0xE4C8] =	vst.add.f32.msk @!p1 $0xffff, v1  }
0x1d1: {  	v1 =	vld @!p1 [tilespmem:$0xE3A8];
	_ =	sdelay $0x4  }
0x1d2: {  	[tilespmem:s2+$0xE4D8] =	vst.add.f32.msk @!p1 $0xffff, v1  }
0x1d3: {  	v1 =	vld @!p1 [tilespmem:$0xE3B8];
	_ =	sdelay $0x4  }
0x1d4: {  	[tilespmem:s2+$0xE4E8] =	vst.add.f32.msk @!p1 $0xffff, v1  }
0x1d5: {  	v1 =	vld @!p1 [tilespmem:$0xE3C8];
	_ =	sdelay $0x4  }
0x1d6: {  	[tilespmem:s2+$0xE4F8] =	vst.add.f32.msk @!p1 $0xffff, v1  }
0x1d7: {  	v1 =	vld @!p1 [tilespmem:$0xE3D8];
	_ =	sdelay $0x4  }
0x1d8: {  	[tilespmem:s2+$0xE508] =	vst.add.f32.msk @!p1 $0xffff, v1  }
0x1d9: {  	v1 =	vld @!p1 [tilespmem:$0xE3E8];
	_ =	sdelay $0x4  }
0x1da: {  	[tilespmem:s2+$0xE518] =	vst.add.f32.msk @!p1 $0xffff, v1  }
0x1db: {  	v1 =	vld @!p1 [tilespmem:$0xE3F8];
	_ =	sdelay $0x4  }
0x1dc: {  	[tilespmem:s2+$0xE528] =	vst.add.f32.msk @!p1 $0xffff, v1  }
0x1dd: {  	s0 =	sshrl.u32 s0, $0x2;
	[tilespmem:s6+$0xE418] =	vst.msk $0x1, v0  }
0x1de: {  	v0 =	vld [tilespmem:s0+$0xE438];
	_ =	sdelay $0x2  }
0x1df: {  	s31 =	sshll.u32 s6, $0xA  }
0x1e0: {  	s2 =	sshra.s32 s31, $0x2  }
0x1e1: {  	[tilespmem:s2+$0xE438] =	vst v0  }
0x1e2: {  	v0 =	vld [tilespmem:s0+$0xE448];
	_ =	sdelay $0x4  }
0x1e3: {  	[tilespmem:s2+$0xE448] =	vst v0  }
0x1e4: {  	v0 =	vld [tilespmem:s0+$0xE458];
	_ =	sdelay $0x4  }
0x1e5: {  	[tilespmem:s2+$0xE458] =	vst v0  }
0x1e6: {  	v0 =	vld [tilespmem:s0+$0xE468];
	_ =	sdelay $0x4  }
0x1e7: {  	[tilespmem:s2+$0xE468] =	vst v0  }
0x1e8: {  	v0 =	vld [tilespmem:s0+$0xE478];
	_ =	sdelay $0x4  }
0x1e9: {  	[tilespmem:s2+$0xE478] =	vst v0  }
0x1ea: {  	v0 =	vld [tilespmem:s0+$0xE488];
	_ =	sdelay $0x4  }
0x1eb: {  	[tilespmem:s2+$0xE488] =	vst v0  }
0x1ec: {  	v0 =	vld [tilespmem:s0+$0xE498];
	_ =	sdelay $0x4  }
0x1ed: {  	[tilespmem:s2+$0xE498] =	vst v0  }
0x1ee: {  	v0 =	vld [tilespmem:s0+$0xE4A8];
	_ =	sdelay $0x4  }
0x1ef: {  	[tilespmem:s2+$0xE4A8] =	vst v0  }
0x1f0: {  	v0 =	vld [tilespmem:s0+$0xE4B8];
	_ =	sdelay $0x4  }
0x1f1: {  	[tilespmem:s2+$0xE4B8] =	vst v0  }
0x1f2: {  	v0 =	vld [tilespmem:s0+$0xE4C8];
	_ =	sdelay $0x4  }
0x1f3: {  	[tilespmem:s2+$0xE4C8] =	vst v0  }
0x1f4: {  	v0 =	vld [tilespmem:s0+$0xE4D8];
	_ =	sdelay $0x4  }
0x1f5: {  	[tilespmem:s2+$0xE4D8] =	vst v0  }
0x1f6: {  	v0 =	vld [tilespmem:s0+$0xE4E8];
	_ =	sdelay $0x4  }
0x1f7: {  	[tilespmem:s2+$0xE4E8] =	vst v0  }
0x1f8: {  	v0 =	vld [tilespmem:s0+$0xE4F8];
	_ =	sdelay $0x4  }
0x1f9: {  	[tilespmem:s2+$0xE4F8] =	vst v0  }
0x1fa: {  	v0 =	vld [tilespmem:s0+$0xE508];
	_ =	sdelay $0x4  }
0x1fb: {  	[tilespmem:s2+$0xE508] =	vst v0  }
0x1fc: {  	v0 =	vld [tilespmem:s0+$0xE518];
	_ =	sdelay $0x4  }
0x1fd: {  	[tilespmem:s2+$0xE518] =	vst v0  }
0x1fe: {  	v0 =	vld [tilespmem:s0+$0xE528];
	_ =	sdelay $0x4  }
0x1ff: {  	s6 =	sadd.s32 $0x1, s6;
	[tilespmem:s2+$0xE528] =	vst v0  }
.LBB2_39:
0x200: {  	s12 =	sadd.s32 $0x1, s12  }
0x201: {  	p1 =	sne.s32 s12, $0x20  }
.Ltmp26:
0x202: {  	_ = 	snop;
	(pc) =	sbr.rel @!p1 .LBB2_40-.Ltmp26, $1  }
0x203: {  	_ =	sdelay $0x3  }
.LBB2_32:
0x204: {  	v0 =	vld.msk [tilespmem:s12+$0xE418], $0x1;
	_ =	sdelay $0x4  }
0x205: {  	(v2sf) =	vpush v0, $0x0;
	_ =	sdelay $0xe  }
0x206: {  	s0 =	spop (v2sf)  }
0x207: {  	p1 =	seq.s32 s0, $0xFFFFFFFF  }
.Ltmp27:
0x208: {  	_ = 	snop;
	(pc) =	sbr.rel @p1 .LBB2_39-.Ltmp27, $1  }
0x209: {  	_ =	sdelay $0x3  }
0x20a: {  	p1 =	slt.s32 s6, $0x1  }
.Ltmp28:
0x20b: {  	_ = 	snop;
	(pc) =	sbr.rel @p1 .LBB2_38-.Ltmp28, $1  }
0x20c: {  	_ =	sdelay $0x3  }
0x20d: {  	s4 =	simm.s32 $0xE418;
	p1 =	por $0x0, $0x0  }
0x20e: {  	v1 =	vld.msk @!p1 [tilespmem:s4+$0x0], $0x1;
	_ =	sdelay $0x4  }
0x20f: {  	(v2sf) =	vpush @!p1 v1, $0x0;
	_ =	sdelay $0xd  }
0x210: {  	p3 =	sne.s32 s6, $0x1  }
.Ltmp29:
0x211: {  	s2 =	spop @!p1 (v2sf);
	(pc) =	sbr.rel @!p3 .LBB2_36-.Ltmp29, $4  }
0x212: {  	p2 =	seq.s32 @!p1 s0, s2  }
0x213: {  	s5 =	simm.s32 $0x0;
	p2 =	por !p2, p1  }
0x214: {  	s2 =	simm.s32 $0xFFFFFFFF;
	s5 =	simm.s32 @p2 $0xFFFFFFFF  }
0x215: {  	s13 =	simm.s32 $0x1;
	s5 =	smov.u32 @p1 s2  }
.LBB2_35:
0x216: {  	s2 =	smov.u32 s5;
	p1 =	sne.s32 s5, $0xFFFFFFFF  }
0x217: {  	s4 =	sadd.s32 $0x1, s4;
	s5 =	smov.u32 s13;
	s13 =	sadd.s32 $0x1, s13  }
0x218: {  	p2 =	sne.s32 s6, s13;
	v1 =	vld.msk @!p1 [tilespmem:s4+$0x0], $0x1;
	_ =	sdelay $0x4  }
0x219: {  	(v2sf) =	vpush @!p1 v1, $0x0;
	_ =	sdelay $0xe  }
.Ltmp30:
0x21a: {  	s3 =	spop @!p1 (v2sf);
	(pc) =	sbr.rel @p2 .LBB2_35-.Ltmp30, $4  }
0x21b: {  	p3 =	seq.s32 @!p1 s0, s3  }
0x21c: {  	p3 =	por !p3, p1  }
0x21d: {  	s5 =	simm.s32 @p3 $0xFFFFFFFF  }
0x21e: {  	s5 =	smov.u32 @p1 s2  }
.LBB2_36:
0x21f: {  	p1 =	seq.s32 s5, $0xFFFFFFFF  }
.Ltmp31:
0x220: {  	_ = 	snop;
	(pc) =	sbr.rel @p1 .LBB2_38-.Ltmp31, $1  }
0x221: {  	_ =	sdelay $0x3  }
0x222: {  	s0 =	sshll.u32 s12, $0x8  }
0x223: {  	s0 =	sand.u32 $0x3FFFFF00, s0  }
0x224: {  	v0 =	vld [tilespmem:s0+$0xE438];
	_ =	sdelay $0x2  }
0x225: {  	s2 =	sshll.u32 s5, $0xA  }
0x226: {  	s2 =	sshra.s32 s2, $0x2  }
0x227: {  	[tilespmem:s2+$0xE438] =	vst.add.f32.msk $0xffff, v0  }
0x228: {  	v0 =	vld [tilespmem:s0+$0xE448];
	_ =	sdelay $0x4  }
0x229: {  	[tilespmem:s2+$0xE448] =	vst.add.f32.msk $0xffff, v0  }
0x22a: {  	v0 =	vld [tilespmem:s0+$0xE458];
	_ =	sdelay $0x4  }
0x22b: {  	[tilespmem:s2+$0xE458] =	vst.add.f32.msk $0xffff, v0  }
0x22c: {  	v0 =	vld [tilespmem:s0+$0xE468];
	_ =	sdelay $0x4  }
0x22d: {  	[tilespmem:s2+$0xE468] =	vst.add.f32.msk $0xffff, v0  }
0x22e: {  	v0 =	vld [tilespmem:s0+$0xE478];
	_ =	sdelay $0x4  }
0x22f: {  	[tilespmem:s2+$0xE478] =	vst.add.f32.msk $0xffff, v0  }
0x230: {  	v0 =	vld [tilespmem:s0+$0xE488];
	_ =	sdelay $0x4  }
0x231: {  	[tilespmem:s2+$0xE488] =	vst.add.f32.msk $0xffff, v0  }
0x232: {  	v0 =	vld [tilespmem:s0+$0xE498];
	_ =	sdelay $0x4  }
0x233: {  	[tilespmem:s2+$0xE498] =	vst.add.f32.msk $0xffff, v0  }
0x234: {  	v0 =	vld [tilespmem:s0+$0xE4A8];
	_ =	sdelay $0x4  }
0x235: {  	[tilespmem:s2+$0xE4A8] =	vst.add.f32.msk $0xffff, v0  }
0x236: {  	v0 =	vld [tilespmem:s0+$0xE4B8];
	_ =	sdelay $0x4  }
0x237: {  	[tilespmem:s2+$0xE4B8] =	vst.add.f32.msk $0xffff, v0  }
0x238: {  	v0 =	vld [tilespmem:s0+$0xE4C8];
	_ =	sdelay $0x4  }
0x239: {  	[tilespmem:s2+$0xE4C8] =	vst.add.f32.msk $0xffff, v0  }
0x23a: {  	v0 =	vld [tilespmem:s0+$0xE4D8];
	_ =	sdelay $0x4  }
0x23b: {  	[tilespmem:s2+$0xE4D8] =	vst.add.f32.msk $0xffff, v0  }
0x23c: {  	v0 =	vld [tilespmem:s0+$0xE4E8];
	_ =	sdelay $0x4  }
0x23d: {  	[tilespmem:s2+$0xE4E8] =	vst.add.f32.msk $0xffff, v0  }
0x23e: {  	v0 =	vld [tilespmem:s0+$0xE4F8];
	_ =	sdelay $0x4  }
0x23f: {  	[tilespmem:s2+$0xE4F8] =	vst.add.f32.msk $0xffff, v0  }
0x240: {  	v0 =	vld [tilespmem:s0+$0xE508];
	_ =	sdelay $0x4  }
0x241: {  	[tilespmem:s2+$0xE508] =	vst.add.f32.msk $0xffff, v0  }
0x242: {  	v0 =	vld [tilespmem:s0+$0xE518];
	_ =	sdelay $0x4  }
0x243: {  	[tilespmem:s2+$0xE518] =	vst.add.f32.msk $0xffff, v0  }
0x244: {  	v0 =	vld [tilespmem:s0+$0xE528]  }
.Ltmp32:
0x245: {  	_ = 	snop;
	(pc) =	sbr.rel .LBB2_39-.Ltmp32, $2  }
0x246: {  	_ =	sdelay $0x2  }
0x247: {  	[tilespmem:s2+$0xE528] =	vst.add.f32.msk $0xffff, v0  }
.LBB2_40:
0x248: {  	s0 =	simm.s32 $0x6;
	p1 =	seq.s32 s6, $0x0  }
0x249: {  	[sflag:s0] =	ssyncpa.u1 $0x1;
	v0 =	vimm.s32 @p1 $0xFFFFFFFF  }
0x24a: {  	s0 =	sadd.s32 $0xFFFFFFFF, s6;
	[tilespmem:$0x10438] =	vst @p1 v0  }
0x24b: {  	v0 =	vld.msk @!p1 [tilespmem:s0+$0xE418], $0x1;
	_ =	sdelay $0x1  }
0x24c: {  	v1 =	vld.msk @!p1 [tilespmem:$0xE418], $0x1;
	_ =	sdelay $0x2  }
0x24d: {  	p2 =	seq.s32 @!p1 s0, $0x0;
	v0 =	vbroadcast @!p1 v0, $0x0  }
0x24e: {  	vm0 =	vmmov @!p1 $0x1;
	p2 =	por !p2, p1  }
0x24f: {  	v1 =	vnsel @!p1 vm0, $0xFFFFFFFF, v1;
	vm0 =	vcmask @!p1 $0x308;
	v0 =	vpsel !p2, $0xFFFFFFFF, v0  }
0x250: {  	p2 =	sne.s32 @!p1 s8, s7;
	v0 =	vsel @!p1 vm0, v1, v0  }
0x251: {  	s2 =	simm.s32 @!p1 $0xE438;
	s3 =	simm.s32 @!p1 $0x0;
	p3 =	por !p2, p1;
	[tilespmem:$0x10438] =	vst @!p1 v0  }
0x252: {  	[spmem:s3] =	stream.linear.scatter @!p1 [tilespmem:s2], [sflag:$0x1], $0x100, $0x38;
	[tilespmem:$0x1E678] =	vst v63  }
0x253: {  	s2 =	sshll.u32 @!p3 s0, $0xA  }
0x254: {  	s2 =	sshra.s32 @!p3 s2, $0x2  }
0x255: {  	s3 =	simm.s32 @!p3 $0x100;
	s2 =	sadd.s32 @!p3 $0xE438, s2  }
0x256: {  	[spmem:s3] =	stream.linear.scatter @!p3 [tilespmem:s2], [sflag:$0x1], $0x100, $0x38;
	[tilespmem:$0x1E678] =	vst v63  }
0x257: {  	s2 =	simm.s32 @!p3 $0x1  }
0x258: {  	_ =	swait.ge @!p3 [sflag:s2], $0x200  }
0x259: {  	p1 =	por p2, p1;
	[sflag:s2] =	ssyncset.done @!p3 $0x0  }
0x25a: {  	[sflag:s2] =	ssyncadd.s32 @!p3 $0xFFFFFE00;
	s2 =	simm.s32 @!p1 $0x1  }
0x25b: {  	_ =	swait.ge @!p1 [sflag:s2], $0x100  }
0x25c: {  	s29 =	simm.s32 $0x10438;
	[sflag:s2] =	ssyncset.done @!p1 $0x0  }
0x25d: {  	s30 =	simm.s32 $0x2000;
	s31 =	simm.s32 $0x1;
	[sflag:s2] =	ssyncadd.s32 @!p1 $0xFFFFFF00  }
0x25e: {  	[spmem:s30] =	stream.linear.scatter [tilespmem:s29], [sflag:$0x1], $0x10, $0x38;
	[tilespmem:$0x1E678] =	vst v63  }
0x25f: {  	_ =	swait.ge [sflag:s31], $0x10  }
0x260: {  	[sflag:s31] =	ssyncset.done $0x0  }
0x261: {  	p1 =	seq.s32 s14, $0x0;
	s9 =	rddreg [dreg:$0x1];
	[sflag:s31] =	ssyncadd.s32 $0xFFFFFFF0  }
0x262: {  	s3 =	sshll.u32 @p1 s9, $0xE;
	s8 =	rddreg [dreg:$0x2]  }
0x263: {  	s2 =	sadd.s32 @p1 $0x15C3C, s3;
	s3 =	sshll.u32 @p1 s8, $0x11  }
0x264: {  	_ =	sfence.stream.spmem;
	s2 =	sor.u32 @p1 s3, s2  }
0x265: {  	[sflag:s2] =	ssyncadd.remote.s32 @p1 $0x1;
	s2 =	simm.s32 @p1 $0x4  }
0x266: {  	s4 =	simm.s32 @!p1 $0x3C;
	s3 =	sand.u32 $0xFFFFFFFE, s9;
	_ =	swait.ge @p1 [sflag:s2], $0x42  }
0x267: {  	s5 =	simm.s32 @!p1 $0x0;
	s3 =	sadd.s32 @!p1 $0x4, s3;
	[sflag:s2] =	ssyncset.done @p1 $0x0  }
0x268: {  	s7 =	simm.s32 @!p1 $0x200;
	[sflag:s2] =	ssyncadd.s32 @p1 $0xFFFFFFBE;
	s2 =	sshll.u32 @!p1 s3, $0x1A  }
0x269: {  	s3 =	sshll.u32 @!p1 s3, $0xD;
	s2 =	sor.u32 @!p1 s2, s8;
	_ =	swait.eq @!p1 [sflag:s4], $0x1  }
0x26a: {  	s3 =	sor.u32 @!p1 $0x1C04, s3;
	s4 =	simm.s32 @!p1 $0x1C03;
	s2 =	sor.u32 @!p1 $0x80004000, s2  }
0x26b: {  	[spmem:s7], [sflag:s3] =	dma.general @!p1 [spmem:s5], [sflag:s4], length:$0x40, [dreg:$0x0], stride_count:$0x0, ici_dest:s2, dma_misc:DstOpCode:WRITE  }
0x26c: {  	p2 =	slt.s32 s0, $0x2;
	s5 =	simm.s32 @!p1 $0x400;
	s7 =	simm.s32 @!p1 $0x402  }
0x26d: {  	[spmem:s7], [sflag:s3] =	dma.general @!p1 [spmem:s5], [sflag:s4], length:$0x2, [dreg:$0x0], stride_count:$0x0, ici_dest:s2, dma_misc:DstOpCode:WRITE  }
.Ltmp33:
0x26e: {  	s2 =	simm.s32 @!p1 $0x3;
	(pc) =	sbr.rel @p2 .LBB2_44-.Ltmp33, $4  }
0x26f: {  	s3 =	sshll.u32 @!p1 s9, $0xE;
	_ =	swait.ge @!p1 [sflag:s2], $0x42  }
0x270: {  	s4 =	sshll.u32 @!p1 s8, $0x11;
	s3 =	sadd.s32 @!p1 $0x11C3C, s3;
	[sflag:s2] =	ssyncset.done @!p1 $0x0  }
0x271: {  	[sflag:s2] =	ssyncadd.s32 @!p1 $0xFFFFFFBE;
	s2 =	sor.u32 @!p1 s4, s3  }
0x272: {  	s0 =	simm.s32 $0x0;
	[sflag:s2] =	ssyncadd.remote.s32 @!p1 $0xFFFFFFFF  }
0x273: {  	s0 =	simm.s32 $0xE419  }
0x274: {  	v0 =	vld.msk [tilespmem:s0+$0x0], $0x1;
	_ =	sdelay $0x4  }
0x275: {  	(v2sf) =	vpush v0, $0x0;
	_ =	sdelay $0xd  }
0x276: {  	s31 =	sadd.s32 $0xFFFFFFFE, s6  }
0x277: {  	s6 =	simm.s32 $0x0;
	s0 =	sadd.s32 $0xFFFFFFFF, s31;
	s2 =	spop (v2sf)  }
0x278: {  	s3 =	simm.s32 $0xE538;
	p1 =	sne.s32 s0, $0x0;
	p2 =	sgt.u32 s2, $0x4E170  }
.Ltmp34:
0x279: {  	s4 =	simm.s32 $0xE638;
	s5 =	sand.u32 @!p2 $0x7FFF8, s2;
	(pc) =	sbr.rel @!p1 .LBB2_43-.Ltmp34, $4  }
0x27a: {  	s7 =	sadd.s32 @!p2 $0x80, s2;
	s2 =	sand.u32 @!p2 $0x7, s2;
	s6 =	simm.s32 @!p2 $0x400  }
0x27b: {  	s5 =	sadd.s32 @!p2 s1, s5;
	s7 =	sand.u32 @!p2 $0xFFFF8, s7;
	s6 =	sadd.s32 $0x0, s6  }
0x27c: {  	[hbm4b:s5+s2] =	stream.linear.scatter @!p2 [tilespmem:s3], [sflag:$0x5], $0x80, $0x38;
	[tilespmem:$0x1E678] =	vst v63  }
0x27d: {  	s5 =	simm.s32 $0xE41A;
	s3 =	simm.s32 @!p2 $0xE5B8;
	s7 =	sadd.s32 @!p2 s1, s7  }
.LBB2_42:
0x27e: {  	[hbm4b:s7+s2] =	stream.linear.scatter @!p2 [tilespmem:s3], [sflag:$0x5], $0x80, $0x38;
	[tilespmem:$0x1E678] =	vst v63  }
0x27f: {  	s0 =	sadd.s32 $0xFFFFFFFF, s0;
	s3 =	smov.u32 s4;
	v0 =	vld.msk [tilespmem:s5+$0x0], $0x1  }
0x280: {  	p1 =	sne.s32 s0, $0x0;
	_ =	sdelay $0x3  }
0x281: {  	(v2sf) =	vpush v0, $0x0;
	_ =	sdelay $0xe  }
0x282: {  	s4 =	sadd.s32 $0x100, s4;
	s8 =	simm.s32 $0x0;
	s2 =	spop (v2sf)  }
.Ltmp35:
0x283: {  	s5 =	sadd.s32 $0x1, s5;
	p2 =	sgt.u32 s2, $0x4E170;
	(pc) =	sbr.rel @p1 .LBB2_42-.Ltmp35, $4  }
0x284: {  	s8 =	simm.s32 @!p2 $0x400;
	s7 =	sand.u32 @!p2 $0x7FFF8, s2;
	s9 =	sadd.s32 @!p2 $0x80, s2  }
0x285: {  	s2 =	sand.u32 @!p2 $0x7, s2;
	s7 =	sadd.s32 @!p2 s1, s7;
	s9 =	sand.u32 @!p2 $0xFFFF8, s9  }
0x286: {  	[hbm4b:s7+s2] =	stream.linear.scatter @!p2 [tilespmem:s3], [sflag:$0x5], $0x80, $0x38;
	[tilespmem:$0x1E678] =	vst v63  }
0x287: {  	s6 =	sadd.s32 s6, s8;
	s3 =	sadd.s32 @!p2 $0x80, s3;
	s7 =	sadd.s32 @!p2 s1, s9  }
.LBB2_43:
0x288: {  	[hbm4b:s7+s2] =	stream.linear.scatter @!p2 [tilespmem:s3], [sflag:$0x5], $0x80, $0x38;
	[tilespmem:$0x1E678] =	vst v63  }
0x289: {  	s0 =	sshrl.u32 s6, $0x2  }
.LBB2_44:
0x28a: {  	s2 =	simm.s32 $0x5  }
0x28b: {  	_ =	swait.ge [sflag:s2], s0  }
0x28c: {  	s31 =	ssub.s32 $0x0, s0;
	[sflag:s2] =	ssyncset.done $0x0  }
0x28d: {  	[sflag:s2] =	ssyncadd.s32 s31  }
0x28e: {  	[sflag:s2] =	ssyncpa.u1 $0x1  }
.LBB2_45:
0x28f: {  	s0 =	sor.u32 s14, s15  }
0x290: {  	p1 =	sne.s32 s0, $0x0  }
.Ltmp36:
0x291: {  	_ = 	snop;
	(pc) =	sbr.rel @p1 .LBB2_60-.Ltmp36, $3  }
0x292: {  	_ =	sdelay $0x1  }
0x293: {  	[bflag:$0x0] =	sbarrier.arrive $0xFFFF  }
0x294: {  	_ =	sfence  }
0x295: {  	s0 =	simm.s32 $0x7  }
0x296: {  	s2 =	simm.s32 $0x2000;
	s3 =	simm.s32 $0xE418;
	[sflag:s0] =	ssyncpa.u1 $0x0  }
0x297: {  	[tilespmem:s3], [sflag:$0x7] =	stream.linear.gather [spmem:s2], $0x20, $0x38;
	[tilespmem:$0x1E678] =	vst v63  }
0x298: {  	s30 =	simm.s32 $0xE438;
	s2 =	simm.s32 $0x0  }
0x299: {  	[tilespmem:s30], [sflag:$0x7] =	stream.linear.gather [spmem:s2], $0x2000, $0x38;
	[tilespmem:$0x1E678] =	vst v63  }
.Ltmp37:
0x29a: {  	_ = 	snop;
	(pc) =	sbr.rel .LBB2_47-.Ltmp37, $4  }
0x29b: {  	_ =	swait.ge [sflag:s0], $0x2020  }
0x29c: {  	[sflag:s0] =	ssyncset.done $0x0  }
0x29d: {  	s31 =	simm.s32 $0x8;
	[sflag:s0] =	ssyncadd.s32 $0xFFFFDFE0  }
0x29e: {  	s3 =	simm.s32 $0x0;
	[sflag:s31] =	ssyncpa.u1 $0x0  }
.LBB2_53:
0x29f: {  	p1 =	slt.u32 s0, $0x4E171  }
0x2a0: {  	s4 =	sand.u32 @p1 $0x7FFF8, s0;
	s5 =	sand.u32 @p1 $0x7, s0;
	s0 =	sadd.s32 @p1 $0x80, s0  }
0x2a1: {  	s6 =	simm.s32 @p1 $0xE308;
	s4 =	sadd.s32 @p1 s1, s4;
	s0 =	sand.u32 @p1 $0xFFFF8, s0  }
0x2a2: {  	[tilespmem:s6], [sflag:$0x8] =	stream.linear.gather @p1 [hbm4b:s4+s5], $0x80, $0x38;
	[tilespmem:$0x1E678] =	vst v63  }
0x2a3: {  	s0 =	sadd.s32 @p1 s1, s0;
	s4 =	simm.s32 @p1 $0xE388  }
0x2a4: {  	[tilespmem:s4], [sflag:$0x8] =	stream.linear.gather @p1 [hbm4b:s0+s5], $0x80, $0x38;
	[tilespmem:$0x1E678] =	vst v63  }
0x2a5: {  	s0 =	simm.s32 @p1 $0x8  }
0x2a6: {  	_ =	swait.ge @p1 [sflag:s0], $0x100  }
0x2a7: {  	[sflag:s0] =	ssyncset.done @p1 $0x0  }
0x2a8: {  	[sflag:s0] =	ssyncadd.s32 @p1 $0xFFFFFF00  }
0x2a9: {  	v1 =	vld @p1 [tilespmem:$0xE308];
	_ =	sdelay $0x2  }
0x2aa: {  	s0 =	sshll.u32 @p1 s3, $0xA  }
0x2ab: {  	s4 =	sshrl.u32 @p1 s0, $0x2  }
0x2ac: {  	[tilespmem:s4+$0xE438] =	vst.add.f32.msk @p1 $0xffff, v1  }
0x2ad: {  	v1 =	vld @p1 [tilespmem:$0xE318];
	_ =	sdelay $0x4  }
0x2ae: {  	[tilespmem:s4+$0xE448] =	vst.add.f32.msk @p1 $0xffff, v1  }
0x2af: {  	v1 =	vld @p1 [tilespmem:$0xE328];
	_ =	sdelay $0x4  }
0x2b0: {  	[tilespmem:s4+$0xE458] =	vst.add.f32.msk @p1 $0xffff, v1  }
0x2b1: {  	v1 =	vld @p1 [tilespmem:$0xE338];
	_ =	sdelay $0x4  }
0x2b2: {  	[tilespmem:s4+$0xE468] =	vst.add.f32.msk @p1 $0xffff, v1  }
0x2b3: {  	v1 =	vld @p1 [tilespmem:$0xE348];
	_ =	sdelay $0x4  }
0x2b4: {  	[tilespmem:s4+$0xE478] =	vst.add.f32.msk @p1 $0xffff, v1  }
0x2b5: {  	v1 =	vld @p1 [tilespmem:$0xE358];
	_ =	sdelay $0x4  }
0x2b6: {  	[tilespmem:s4+$0xE488] =	vst.add.f32.msk @p1 $0xffff, v1  }
0x2b7: {  	v1 =	vld @p1 [tilespmem:$0xE368];
	_ =	sdelay $0x4  }
0x2b8: {  	[tilespmem:s4+$0xE498] =	vst.add.f32.msk @p1 $0xffff, v1  }
0x2b9: {  	v1 =	vld @p1 [tilespmem:$0xE378];
	_ =	sdelay $0x4  }
0x2ba: {  	[tilespmem:s4+$0xE4A8] =	vst.add.f32.msk @p1 $0xffff, v1  }
0x2bb: {  	v1 =	vld @p1 [tilespmem:$0xE388];
	_ =	sdelay $0x4  }
0x2bc: {  	[tilespmem:s4+$0xE4B8] =	vst.add.f32.msk @p1 $0xffff, v1  }
0x2bd: {  	v1 =	vld @p1 [tilespmem:$0xE398];
	_ =	sdelay $0x4  }
0x2be: {  	[tilespmem:s4+$0xE4C8] =	vst.add.f32.msk @p1 $0xffff, v1  }
0x2bf: {  	v1 =	vld @p1 [tilespmem:$0xE3A8];
	_ =	sdelay $0x4  }
0x2c0: {  	[tilespmem:s4+$0xE4D8] =	vst.add.f32.msk @p1 $0xffff, v1  }
0x2c1: {  	v1 =	vld @p1 [tilespmem:$0xE3B8];
	_ =	sdelay $0x4  }
0x2c2: {  	[tilespmem:s4+$0xE4E8] =	vst.add.f32.msk @p1 $0xffff, v1  }
0x2c3: {  	v1 =	vld @p1 [tilespmem:$0xE3C8];
	_ =	sdelay $0x4  }
0x2c4: {  	[tilespmem:s4+$0xE4F8] =	vst.add.f32.msk @p1 $0xffff, v1  }
0x2c5: {  	v1 =	vld @p1 [tilespmem:$0xE3D8];
	_ =	sdelay $0x4  }
0x2c6: {  	[tilespmem:s4+$0xE508] =	vst.add.f32.msk @p1 $0xffff, v1  }
0x2c7: {  	v1 =	vld @p1 [tilespmem:$0xE3E8];
	_ =	sdelay $0x4  }
0x2c8: {  	[tilespmem:s4+$0xE518] =	vst.add.f32.msk @p1 $0xffff, v1  }
0x2c9: {  	v1 =	vld @p1 [tilespmem:$0xE3F8];
	_ =	sdelay $0x3  }
0x2ca: {  	s5 =	sshll.u32 @!p1 s3, $0xA  }
0x2cb: {  	s5 =	smov.u32 @p1 s0;
	[tilespmem:s4+$0xE528] =	vst.add.f32.msk @p1 $0xffff, v1  }
0x2cc: {  	s0 =	sshrl.u32 s5, $0x2;
	[tilespmem:s2+$0xE418] =	vst.msk $0x1, v0  }
0x2cd: {  	v0 =	vld [tilespmem:s0+$0xE438];
	_ =	sdelay $0x2  }
0x2ce: {  	s31 =	sshll.u32 s2, $0xA  }
0x2cf: {  	s4 =	sshra.s32 s31, $0x2  }
0x2d0: {  	[tilespmem:s4+$0xE438] =	vst v0  }
0x2d1: {  	v0 =	vld [tilespmem:s0+$0xE448];
	_ =	sdelay $0x4  }
0x2d2: {  	[tilespmem:s4+$0xE448] =	vst v0  }
0x2d3: {  	v0 =	vld [tilespmem:s0+$0xE458];
	_ =	sdelay $0x4  }
0x2d4: {  	[tilespmem:s4+$0xE458] =	vst v0  }
0x2d5: {  	v0 =	vld [tilespmem:s0+$0xE468];
	_ =	sdelay $0x4  }
0x2d6: {  	[tilespmem:s4+$0xE468] =	vst v0  }
0x2d7: {  	v0 =	vld [tilespmem:s0+$0xE478];
	_ =	sdelay $0x4  }
0x2d8: {  	[tilespmem:s4+$0xE478] =	vst v0  }
0x2d9: {  	v0 =	vld [tilespmem:s0+$0xE488];
	_ =	sdelay $0x4  }
0x2da: {  	[tilespmem:s4+$0xE488] =	vst v0  }
0x2db: {  	v0 =	vld [tilespmem:s0+$0xE498];
	_ =	sdelay $0x4  }
0x2dc: {  	[tilespmem:s4+$0xE498] =	vst v0  }
0x2dd: {  	v0 =	vld [tilespmem:s0+$0xE4A8];
	_ =	sdelay $0x4  }
0x2de: {  	[tilespmem:s4+$0xE4A8] =	vst v0  }
0x2df: {  	v0 =	vld [tilespmem:s0+$0xE4B8];
	_ =	sdelay $0x4  }
0x2e0: {  	[tilespmem:s4+$0xE4B8] =	vst v0  }
0x2e1: {  	v0 =	vld [tilespmem:s0+$0xE4C8];
	_ =	sdelay $0x4  }
0x2e2: {  	[tilespmem:s4+$0xE4C8] =	vst v0  }
0x2e3: {  	v0 =	vld [tilespmem:s0+$0xE4D8];
	_ =	sdelay $0x4  }
0x2e4: {  	[tilespmem:s4+$0xE4D8] =	vst v0  }
0x2e5: {  	v0 =	vld [tilespmem:s0+$0xE4E8];
	_ =	sdelay $0x4  }
0x2e6: {  	[tilespmem:s4+$0xE4E8] =	vst v0  }
0x2e7: {  	v0 =	vld [tilespmem:s0+$0xE4F8];
	_ =	sdelay $0x4  }
0x2e8: {  	[tilespmem:s4+$0xE4F8] =	vst v0  }
0x2e9: {  	v0 =	vld [tilespmem:s0+$0xE508];
	_ =	sdelay $0x4  }
0x2ea: {  	[tilespmem:s4+$0xE508] =	vst v0  }
0x2eb: {  	v0 =	vld [tilespmem:s0+$0xE518];
	_ =	sdelay $0x4  }
0x2ec: {  	[tilespmem:s4+$0xE518] =	vst v0  }
0x2ed: {  	v0 =	vld [tilespmem:s0+$0xE528];
	_ =	sdelay $0x4  }
0x2ee: {  	s2 =	sadd.s32 $0x1, s2;
	[tilespmem:s4+$0xE528] =	vst v0  }
.LBB2_54:
0x2ef: {  	s3 =	sadd.s32 $0x1, s3  }
0x2f0: {  	p1 =	sne.s32 s3, $0x20  }
.Ltmp38:
0x2f1: {  	_ = 	snop;
	(pc) =	sbr.rel @!p1 .LBB2_55-.Ltmp38, $1  }
0x2f2: {  	_ =	sdelay $0x3  }
.LBB2_47:
0x2f3: {  	v0 =	vld.msk [tilespmem:s3+$0xE418], $0x1;
	_ =	sdelay $0x4  }
0x2f4: {  	(v2sf) =	vpush v0, $0x0;
	_ =	sdelay $0xe  }
0x2f5: {  	s0 =	spop (v2sf)  }
0x2f6: {  	p1 =	seq.s32 s0, $0xFFFFFFFF  }
.Ltmp39:
0x2f7: {  	_ = 	snop;
	(pc) =	sbr.rel @p1 .LBB2_54-.Ltmp39, $1  }
0x2f8: {  	_ =	sdelay $0x3  }
0x2f9: {  	p1 =	slt.s32 s2, $0x1  }
.Ltmp40:
0x2fa: {  	_ = 	snop;
	(pc) =	sbr.rel @p1 .LBB2_53-.Ltmp40, $1  }
0x2fb: {  	_ =	sdelay $0x3  }
0x2fc: {  	s4 =	simm.s32 $0xE418;
	p1 =	por $0x0, $0x0  }
0x2fd: {  	v1 =	vld.msk @!p1 [tilespmem:s4+$0x0], $0x1;
	_ =	sdelay $0x4  }
0x2fe: {  	(v2sf) =	vpush @!p1 v1, $0x0;
	_ =	sdelay $0xd  }
0x2ff: {  	p3 =	sne.s32 s2, $0x1  }
.Ltmp41:
0x300: {  	s5 =	spop @!p1 (v2sf);
	(pc) =	sbr.rel @!p3 .LBB2_51-.Ltmp41, $4  }
0x301: {  	p2 =	seq.s32 @!p1 s0, s5  }
0x302: {  	s5 =	simm.s32 $0x0;
	p2 =	por !p2, p1  }
0x303: {  	s7 =	simm.s32 $0xFFFFFFFF;
	s5 =	simm.s32 @p2 $0xFFFFFFFF  }
0x304: {  	s6 =	simm.s32 $0x1;
	s5 =	smov.u32 @p1 s7  }
.LBB2_50:
0x305: {  	s7 =	smov.u32 s5;
	p1 =	sne.s32 s5, $0xFFFFFFFF  }
0x306: {  	s4 =	sadd.s32 $0x1, s4;
	s5 =	smov.u32 s6;
	s6 =	sadd.s32 $0x1, s6  }
0x307: {  	p2 =	sne.s32 s2, s6;
	v1 =	vld.msk @!p1 [tilespmem:s4+$0x0], $0x1;
	_ =	sdelay $0x4  }
0x308: {  	(v2sf) =	vpush @!p1 v1, $0x0;
	_ =	sdelay $0xe  }
.Ltmp42:
0x309: {  	s8 =	spop @!p1 (v2sf);
	(pc) =	sbr.rel @p2 .LBB2_50-.Ltmp42, $4  }
0x30a: {  	p3 =	seq.s32 @!p1 s0, s8  }
0x30b: {  	p3 =	por !p3, p1  }
0x30c: {  	s5 =	simm.s32 @p3 $0xFFFFFFFF  }
0x30d: {  	s5 =	smov.u32 @p1 s7  }
.LBB2_51:
0x30e: {  	p1 =	seq.s32 s5, $0xFFFFFFFF  }
.Ltmp43:
0x30f: {  	_ = 	snop;
	(pc) =	sbr.rel @p1 .LBB2_53-.Ltmp43, $1  }
0x310: {  	_ =	sdelay $0x3  }
0x311: {  	s0 =	sshll.u32 s3, $0x8  }
0x312: {  	s0 =	sand.u32 $0x3FFFFF00, s0  }
0x313: {  	v0 =	vld [tilespmem:s0+$0xE438];
	_ =	sdelay $0x2  }
0x314: {  	s4 =	sshll.u32 s5, $0xA  }
0x315: {  	s4 =	sshra.s32 s4, $0x2  }
0x316: {  	[tilespmem:s4+$0xE438] =	vst.add.f32.msk $0xffff, v0  }
0x317: {  	v0 =	vld [tilespmem:s0+$0xE448];
	_ =	sdelay $0x4  }
0x318: {  	[tilespmem:s4+$0xE448] =	vst.add.f32.msk $0xffff, v0  }
0x319: {  	v0 =	vld [tilespmem:s0+$0xE458];
	_ =	sdelay $0x4  }
0x31a: {  	[tilespmem:s4+$0xE458] =	vst.add.f32.msk $0xffff, v0  }
0x31b: {  	v0 =	vld [tilespmem:s0+$0xE468];
	_ =	sdelay $0x4  }
0x31c: {  	[tilespmem:s4+$0xE468] =	vst.add.f32.msk $0xffff, v0  }
0x31d: {  	v0 =	vld [tilespmem:s0+$0xE478];
	_ =	sdelay $0x4  }
0x31e: {  	[tilespmem:s4+$0xE478] =	vst.add.f32.msk $0xffff, v0  }
0x31f: {  	v0 =	vld [tilespmem:s0+$0xE488];
	_ =	sdelay $0x4  }
0x320: {  	[tilespmem:s4+$0xE488] =	vst.add.f32.msk $0xffff, v0  }
0x321: {  	v0 =	vld [tilespmem:s0+$0xE498];
	_ =	sdelay $0x4  }
0x322: {  	[tilespmem:s4+$0xE498] =	vst.add.f32.msk $0xffff, v0  }
0x323: {  	v0 =	vld [tilespmem:s0+$0xE4A8];
	_ =	sdelay $0x4  }
0x324: {  	[tilespmem:s4+$0xE4A8] =	vst.add.f32.msk $0xffff, v0  }
0x325: {  	v0 =	vld [tilespmem:s0+$0xE4B8];
	_ =	sdelay $0x4  }
0x326: {  	[tilespmem:s4+$0xE4B8] =	vst.add.f32.msk $0xffff, v0  }
0x327: {  	v0 =	vld [tilespmem:s0+$0xE4C8];
	_ =	sdelay $0x4  }
0x328: {  	[tilespmem:s4+$0xE4C8] =	vst.add.f32.msk $0xffff, v0  }
0x329: {  	v0 =	vld [tilespmem:s0+$0xE4D8];
	_ =	sdelay $0x4  }
0x32a: {  	[tilespmem:s4+$0xE4D8] =	vst.add.f32.msk $0xffff, v0  }
0x32b: {  	v0 =	vld [tilespmem:s0+$0xE4E8];
	_ =	sdelay $0x4  }
0x32c: {  	[tilespmem:s4+$0xE4E8] =	vst.add.f32.msk $0xffff, v0  }
0x32d: {  	v0 =	vld [tilespmem:s0+$0xE4F8];
	_ =	sdelay $0x4  }
0x32e: {  	[tilespmem:s4+$0xE4F8] =	vst.add.f32.msk $0xffff, v0  }
0x32f: {  	v0 =	vld [tilespmem:s0+$0xE508];
	_ =	sdelay $0x4  }
0x330: {  	[tilespmem:s4+$0xE508] =	vst.add.f32.msk $0xffff, v0  }
0x331: {  	v0 =	vld [tilespmem:s0+$0xE518];
	_ =	sdelay $0x4  }
0x332: {  	[tilespmem:s4+$0xE518] =	vst.add.f32.msk $0xffff, v0  }
0x333: {  	v0 =	vld [tilespmem:s0+$0xE528]  }
.Ltmp44:
0x334: {  	_ = 	snop;
	(pc) =	sbr.rel .LBB2_54-.Ltmp44, $2  }
0x335: {  	_ =	sdelay $0x2  }
0x336: {  	[tilespmem:s4+$0xE528] =	vst.add.f32.msk $0xffff, v0  }
.LBB2_55:
0x337: {  	p1 =	slt.s32 s2, $0x1  }
.Ltmp45:
0x338: {  	_ = 	snop;
	(pc) =	sbr.rel @p1 .LBB2_59-.Ltmp45, $3  }
0x339: {  	_ =	sdelay $0x1  }
0x33a: {  	s0 =	simm.s32 $0x8  }
0x33b: {  	s4 =	simm.s32 $0x0;
	[sflag:s0] =	ssyncpa.u1 $0x1  }
0x33c: {  	s0 =	simm.s32 $0xE418  }
0x33d: {  	v0 =	vld.msk [tilespmem:s0+$0x0], $0x1;
	_ =	sdelay $0x4  }
0x33e: {  	(v2sf) =	vpush v0, $0x0;
	_ =	sdelay $0xe  }
0x33f: {  	s0 =	sadd.s32 $0xFFFFFFFF, s2;
	s3 =	spop (v2sf)  }
0x340: {  	s6 =	simm.s32 $0xE438;
	p1 =	sne.s32 s0, $0x0;
	p2 =	sgt.u32 s3, $0x4E170  }
.Ltmp46:
0x341: {  	s2 =	simm.s32 $0xE538;
	s5 =	sand.u32 @!p2 $0x7FFF8, s3;
	(pc) =	sbr.rel @!p1 .LBB2_58-.Ltmp46, $4  }
0x342: {  	s7 =	sadd.s32 @!p2 $0x80, s3;
	s4 =	simm.s32 @!p2 $0x400;
	s8 =	sadd.s32 @!p2 s1, s5  }
0x343: {  	s5 =	sand.u32 @!p2 $0x7, s3;
	s3 =	simm.s32 $0xE419;
	s7 =	sand.u32 @!p2 $0xFFFF8, s7  }
0x344: {  	[hbm4b:s8+s5] =	stream.linear.scatter @!p2 [tilespmem:s6], [sflag:$0x7], $0x80, $0x38;
	[tilespmem:$0x1E678] =	vst v63  }
0x345: {  	s4 =	sadd.s32 $0x0, s4;
	s6 =	simm.s32 @!p2 $0xE4B8;
	s7 =	sadd.s32 @!p2 s1, s7  }
.LBB2_57:
0x346: {  	[hbm4b:s7+s5] =	stream.linear.scatter @!p2 [tilespmem:s6], [sflag:$0x7], $0x80, $0x38;
	[tilespmem:$0x1E678] =	vst v63  }
0x347: {  	s0 =	sadd.s32 $0xFFFFFFFF, s0;
	s6 =	smov.u32 s2;
	v0 =	vld.msk [tilespmem:s3+$0x0], $0x1  }
0x348: {  	p1 =	sne.s32 s0, $0x0;
	_ =	sdelay $0x3  }
0x349: {  	(v2sf) =	vpush v0, $0x0;
	_ =	sdelay $0xe  }
0x34a: {  	s2 =	sadd.s32 $0x100, s2;
	s8 =	simm.s32 $0x0;
	s5 =	spop (v2sf)  }
.Ltmp47:
0x34b: {  	s3 =	sadd.s32 $0x1, s3;
	p2 =	sgt.u32 s5, $0x4E170;
	(pc) =	sbr.rel @p1 .LBB2_57-.Ltmp47, $4  }
0x34c: {  	s8 =	simm.s32 @!p2 $0x400;
	s7 =	sand.u32 @!p2 $0x7FFF8, s5;
	s9 =	sadd.s32 @!p2 $0x80, s5  }
0x34d: {  	s5 =	sand.u32 @!p2 $0x7, s5;
	s7 =	sadd.s32 @!p2 s1, s7;
	s9 =	sand.u32 @!p2 $0xFFFF8, s9  }
0x34e: {  	[hbm4b:s7+s5] =	stream.linear.scatter @!p2 [tilespmem:s6], [sflag:$0x7], $0x80, $0x38;
	[tilespmem:$0x1E678] =	vst v63  }
0x34f: {  	s4 =	sadd.s32 s4, s8;
	s6 =	sadd.s32 @!p2 $0x80, s6;
	s7 =	sadd.s32 @!p2 s1, s9  }
.LBB2_58:
0x350: {  	[hbm4b:s7+s5] =	stream.linear.scatter @!p2 [tilespmem:s6], [sflag:$0x7], $0x80, $0x38;
	[tilespmem:$0x1E678] =	vst v63  }
0x351: {  	s4 =	sshrl.u32 s4, $0x2  }
.LBB2_59:
0x352: {  	s0 =	simm.s32 $0x7  }
0x353: {  	_ =	swait.ge [sflag:s0], s4  }
0x354: {  	s1 =	ssub.s32 $0x0, s4;
	[sflag:s0] =	ssyncset.done $0x0  }
0x355: {  	[sflag:s0] =	ssyncadd.s32 s1  }
0x356: {  	[sflag:s0] =	ssyncpa.u1 $0x1  }
.LBB2_60:
0x357: {  	_ =	sfence;
	s0 =	simm.s32 $0x1  }
0x358: {  	[sflag:s0] =	ssyncpa.u1 $0x1  }
0x359: {  	_ =	strace $0x9000004A  }
0x35a: {  	[bflag:$0x2] =	sbarrier.arrive $0xFFFF  }
0x35b: {  	s0 =	rddreg [dreg:$0x3]  }
0x35c: {  	s0 =	sadd.s32 @!p0 $0x100000, s0  }
0x35d: {  	[sflag:s0] =	ssyncadd.tile.s32 @!p0 $0x1;
	_ =	shalt  }
.Lfunc_end2:
_tile_overlayer_lowered:
.L_overlay_start_2:
0x35e: {  	(tag) =	ssettag $0x2  }
0x35f: {  	s0 =	rddreg [dreg:$0x0];
	s2 =	stileid.u32  }
0x360: {  	s1 =	rddreg [dreg:$0x1];
	p0 =	sne.s32 s2, $0x0  }
0x361: {  	s3 =	rddreg [dreg:$0x2];
	[bflag:$0x3] =	sbarrier.arrive $0xFFFF;
	s2 =	simm.s32 @!p0 $0x1C01  }
0x362: {  	[timem:s3], [sflag:s2] =	dma.local @!p0 [hbm:s0], s1  }
0x363: {  	s0 =	simm.s32 @!p0 $0x1  }
0x364: {  	_ =	swait.ge @!p0 [sflag:s0], s1  }
0x365: {  	s1 =	ssub.s32 @!p0 $0x0, s1;
	[sflag:s0] =	ssyncset.done @!p0 $0x0  }
0x366: {  	[sflag:s0] =	ssyncadd.s32 @!p0 s1  }
0x367: {  	[bflag:$0x3] =	sbarrier.arrive $0xFFFF  }
0x368: {  	_ =	shalt  }

</sc_bundles>
